<compile_context>
chip_gen: v7x
topology: tpu7x:2x2x1
jax: 0.10.2.dev20260603
libtpu: 0.0.44.dev20260713+nightly
codegen_flags: <defaults>
</compile_context>

<pallas_src>
import functools

import jax
import jax.numpy as jnp
from jax import lax
from jax.experimental import pallas as pl
from jax.experimental.pallas import tpu as pltpu
from jax.experimental.pallas import tpu_sc as plsc

VOCAB = 1000000
D = 64
B = 1024
S = 200
T = 50

NC = 2
NS = 16
NW = NC * NS

BH = B // 2
CHUNK = 128
NR_H = BH * (S + T)
CPW = -(-NR_H // (NW * CHUNK))
N_PAD = NW * CPW * CHUNK
G = 4
NGRP = CPW // G
NBUFG = 3

VB = 16384
HB = VB // 2
NVB = -(-VOCAB // VB)
V_LIN = NVB * VB


def _transpose_block(in_ref, out_ref):
    x = in_ref[...]
    xt = x.T
    out_ref[...] = jnp.concatenate([xt[:HB], xt[HB:]], axis=1)


def _transpose_tc(wl_t):
    return pl.pallas_call(
        _transpose_block,
        grid=(NVB,),
        in_specs=[pl.BlockSpec((D, VB), lambda i: (0, i))],
        out_specs=pl.BlockSpec((HB, 2 * D), lambda i: (i, 0)),
        out_shape=jax.ShapeDtypeStruct((V_LIN // 2, 2 * D), jnp.float32),
    )(wl_t)


def _gather_sc(idx, table):
    mesh = plsc.VectorSubcoreMesh(core_axis_name="c", subcore_axis_name="s")
    NFLY = NBUFG - 1

    @functools.partial(
        pl.kernel,
        mesh=mesh,
        out_type=jax.ShapeDtypeStruct((NW * CPW, CHUNK, D), jnp.float32),
        scratch_types=[
            pltpu.VMEM((CPW, CHUNK), jnp.int32),
            pltpu.VMEM((NBUFG * G, CHUNK, D), jnp.float32),
            pltpu.SemaphoreType.DMA((NBUFG,)),
            pltpu.SemaphoreType.DMA((NBUFG,)),
        ],
        compiler_params=pltpu.CompilerParams(use_tc_tiling_on_sc=False),
    )
    def k(idx_hbm, table_hbm, out_hbm, idx_v, bufs, sem_g, sem_s):
        wid = lax.axis_index("s") * NC + lax.axis_index("c")
        pltpu.sync_copy(idx_hbm.at[wid], idx_v)
        base = wid * CPW

        def gather_grp(g):
            k = lax.rem(g, NBUFG)
            for i in range(G):
                pltpu.async_copy(
                    table_hbm.at[idx_v.at[g * G + i]], bufs.at[k * G + i],
                    sem_g.at[k])

        def gwait_grp(g):
            k = lax.rem(g, NBUFG)
            for _ in range(G):
                pltpu.make_async_copy(
                    table_hbm.at[pl.ds(0, CHUNK)], bufs.at[0],
                    sem_g.at[k]).wait()

        def store_grp(g):
            k = lax.rem(g, NBUFG)
            for i in range(G):
                pltpu.async_copy(
                    bufs.at[k * G + i], out_hbm.at[base + g * G + i],
                    sem_s.at[k])

        def swait_grp(g):
            k = lax.rem(g, NBUFG)
            for _ in range(G):
                pltpu.make_async_copy(
                    table_hbm.at[pl.ds(0, CHUNK)], bufs.at[0],
                    sem_s.at[k]).wait()

        for g in range(NFLY):
            gather_grp(g)
        gwait_grp(0)
        store_grp(0)
        gather_grp(NFLY)

        def body(g, carry):
            gwait_grp(g)
            swait_grp(g - 1)
            store_grp(g)
            gather_grp(g + NFLY)
            return carry

        lax.fori_loop(1, NGRP - NFLY, body, 0)

        for g in range(NGRP - NFLY, NGRP):
            gwait_grp(g)
            swait_grp(g - 1)
            store_grp(g)
        swait_grp(NGRP - 1)

    return k(idx, table)


def _dense_block(src_ref, tgt_ref, w2e_ref, v2_ref, w2d_ref, k2_ref,
                 outa_ref, outb_ref, *, bb):
    sh = bb * S // 2
    x = src_ref[...]
    h2 = jnp.tanh(jnp.dot(x, w2e_ref[...],
                          preferred_element_type=jnp.float32))
    lg = jnp.dot(h2, v2_ref[...],
                 preferred_element_type=jnp.float32)
    l3 = lg.reshape(bb, S // 2, 2)
    m = jnp.max(jnp.max(l3, axis=1, keepdims=True),
                axis=2, keepdims=True)
    e = jnp.exp(l3 - m)
    ssum = jnp.sum(jnp.sum(e, axis=1, keepdims=True),
                   axis=2, keepdims=True)
    attn2 = (e / ssum).reshape(sh, 2)
    arep = jnp.dot(attn2, k2_ref[...],
                   preferred_element_type=jnp.float32)
    c128 = jnp.sum((h2 * arep).reshape(bb, S // 2, 2 * D), axis=1)
    ctx = c128[:, :D] + c128[:, D:]

    t2 = tgt_ref[...]
    th2 = jnp.tanh(jnp.dot(t2, w2d_ref[...],
                           preferred_element_type=jnp.float32))
    cc = jnp.concatenate([ctx, ctx], axis=1)
    prod = (th2.reshape(bb, T // 2, 2 * D)
            * jnp.broadcast_to(cc.reshape(bb, 1, 2 * D),
                               (bb, T // 2, 2 * D)))
    outa_ref[...] = jnp.sum(prod[:, :, :D], axis=2)
    outb_ref[...] = jnp.sum(prod[:, :, D:], axis=2)


def _dense_tc(emb2, weights):
    w2e, v2, w2d, k2 = weights
    bb = 64
    grid = BH // bb
    sh = bb * S // 2
    th = bb * T // 2
    tgt_block0 = (BH * S // 2) // th
    outa, outb = pl.pallas_call(
        functools.partial(_dense_block, bb=bb),
        grid=(grid,),
        in_specs=[
            pl.BlockSpec((sh, 2 * D), lambda i: (i, 0)),
            pl.BlockSpec((th, 2 * D), lambda i: (tgt_block0 + i, 0)),
            pl.BlockSpec((2 * D, 2 * D), lambda i: (0, 0)),
            pl.BlockSpec((2 * D, 2), lambda i: (0, 0)),
            pl.BlockSpec((2 * D, 2 * D), lambda i: (0, 0)),
            pl.BlockSpec((2, 2 * D), lambda i: (0, 0)),
        ],
        out_specs=[
            pl.BlockSpec((bb, T // 2), lambda i: (i, 0)),
            pl.BlockSpec((bb, T // 2), lambda i: (i, 0)),
        ],
        out_shape=[
            jax.ShapeDtypeStruct((BH, T // 2), jnp.float32),
            jax.ShapeDtypeStruct((BH, T // 2), jnp.float32),
        ],
    )(emb2, emb2, w2e, v2, w2d, k2)
    return jnp.stack([outa, outb], axis=2).reshape(BH, T)


def _half_idx(src_h, tgt_h, pad_base):
    padv = pad_base + jnp.arange(N_PAD - NR_H, dtype=jnp.int32)
    idx = jnp.concatenate([src_h.reshape(-1), tgt_h.reshape(-1), padv])
    tb = idx & (VB - 1)
    idx = ((idx & ~(VB - 1)) | (((tb << 1) & (VB - 1)) | (tb >> 13)))
    return idx.reshape(NW, CPW, CHUNK)


def kernel(source, target, word_lut, W_enc, v_attn, W_dec):
    wl2 = _transpose_tc(word_lut.T)
    wl_lin = wl2.reshape(V_LIN, D)

    idx_a = _half_idx(source[:BH], target[:BH], 0)
    idx_b = _half_idx(source[BH:], target[BH:], 8192)
    emb_a = _gather_sc(idx_a, wl_lin)
    emb_b = _gather_sc(idx_b, wl_lin)

    va = v_attn.reshape(D, 1)
    z = jnp.zeros((D, D), jnp.float32)
    w2e = jnp.block([[W_enc, z], [z, W_enc]])
    w2d = jnp.block([[W_dec, z], [z, W_dec]])
    zv = jnp.zeros((D, 1), jnp.float32)
    v2 = jnp.block([[va, zv], [zv, va]])
    o = jnp.ones((1, D), jnp.float32)
    zo = jnp.zeros((1, D), jnp.float32)
    k2 = jnp.block([[o, zo], [zo, o]])
    weights = (w2e, v2, w2d, k2)

    out_a = _dense_tc(emb_a.reshape(N_PAD // 2, 2 * D), weights)
    out_b = _dense_tc(emb_b.reshape(N_PAD // 2, 2 * D), weights)
    return jnp.concatenate([out_a, out_b], axis=0)

# --- scband reference (transcript-rebuilt; emitter-appended) ---
"""Pipeline reference for scband-answer-select-model-46643344834572 (READ-ONLY COPY).

The authoritative reference and input builder live on the scoring server;
editing this copy changes nothing except your own understanding.
"""

import jax, jax.numpy as jnp
import numpy as np

VOCAB = 1000000
D = 64
B = 1024
S = 200
T = 50

def setup_inputs(seed: int = 0) -> dict:
    key = jax.random.key(seed)
    ks = jax.random.split(key, 6)
    source = jax.random.randint(ks[0], (B, S), 0, VOCAB, dtype=jnp.int64 if jax.config.jax_enable_x64 else jnp.int32).astype(jnp.int32)
    target = jax.random.randint(ks[1], (B, T), 0, VOCAB, dtype=jnp.int64 if jax.config.jax_enable_x64 else jnp.int32).astype(jnp.int32)
    word_lut = (jax.random.normal(ks[2], (VOCAB, D), dtype=jnp.float32) * 0.02).at[0].set(0.0)  # padding_idx=0 row zeroed
    W_enc = jax.random.normal(ks[3], (D, D), dtype=jnp.float32) * 0.05
    v_attn = jax.random.normal(ks[4], (D,), dtype=jnp.float32) * 0.05
    W_dec = jax.random.normal(ks[5], (D, D), dtype=jnp.float32) * 0.05
    return {"source": source, "target": target, "word_lut": word_lut,
            "W_enc": W_enc, "v_attn": v_attn, "W_dec": W_dec}

def _encoder(src_emb, W_enc, v_attn):
    # stand-in encoder: projected hidden states + attention weights over source positions
    h = jnp.tanh(src_emb @ W_enc)                 # [B, S, D]
    attn = jax.nn.softmax(h @ v_attn, axis=-1)    # [B, S]
    return attn, h

def _decoder(tgt_emb, attn, source_seq_out, W_dec):
    context = jnp.einsum('bs,bsd->bd', attn, source_seq_out)  # [B, D]
    th = jnp.tanh(tgt_emb @ W_dec)                            # [B, T, D]
    scores = jnp.einsum('btd,bd->bt', th, context)            # [B, T]
    return scores

def reference(source, target, word_lut, W_enc, v_attn, W_dec):
    # word_lut embedding lookups (the SparseCore-relevant gathers)
    source_embedding = jnp.take(word_lut, source, axis=0)  # [B, S, D]
    target_embedding = jnp.take(word_lut, target, axis=0)  # [B, T, D]
    attn, source_seq_out = _encoder(source_embedding, W_enc, v_attn)
    scores = _decoder(target_embedding, attn, source_seq_out, W_dec)
    return scores

if __name__ == "__main__":
    import jax
    _d = setup_inputs()
    print(jax.jit(kernel)(*tuple(_d.values())))

</pallas_src>

<mosaic_0001>
#map = affine_map<(d0, d1) -> (0, 0, 0)>
#map1 = affine_map<(d0, d1) -> (0, 0)>
module attributes {stable_mosaic.version = 14 : i64} {
  func.func @k(%arg0: i32, %arg1: i32, %arg2: memref<32x32x128xi32, #tpu.memory_space<hbm>>, %arg3: memref<1015808x64xf32, #tpu.memory_space<hbm>>, %arg4: memref<1024x128x64xf32, #tpu.memory_space<hbm>>, %arg5: memref<32x128xi32, #tpu.memory_space<vmem>>, %arg6: memref<12x128x64xf32, #tpu.memory_space<vmem>>, %arg7: memref<3x!tpu.dma_semaphore, #tpu.memory_space<semaphore_mem>>, %arg8: memref<3x!tpu.dma_semaphore, #tpu.memory_space<semaphore_mem>>) attributes {dimension_semantics = [#tpu.dimension_semantics<core_parallel>, #tpu.dimension_semantics<subcore_parallel>], iteration_bounds = array<i64: 2, 16>, scalar_prefetch = 0 : i64, scratch_operands = 4 : i64, tpu.core_type = #tpu.core_type<sc_vector_subcore>, window_params = [{transform_indices = #map}, {transform_indices = #map1}, {transform_indices = #map}]} {
    %mul3A = arith.constant 2 : i32
    %mul3A_0 = arith.muli %arg1, %mul3A : i32
    %add3A = arith.addi %mul3A_0, %arg0 : i32
    "tpu.region"() ({
      %run_scoped3A = tpu.sem_alloc : memref<!tpu.dma_semaphore, #tpu.memory_space<semaphore_mem>>
      %dma_start3A_965 = arith.constant 0 : i32
      %dma_start3A_966 = arith.constant 0 : i32
      %dma_start3A_967 = tpu.memref_slice %arg2[%add3A, %dma_start3A_965, %dma_start3A_966] : memref<32x32x128xi32, #tpu.memory_space<hbm>> -> memref<1x32x128xi32, #tpu.memory_space<hbm>>
      %dma_start3A_968 = tpu.memref_squeeze %dma_start3A_967 : memref<1x32x128xi32, #tpu.memory_space<hbm>> -> memref<32x128xi32, #tpu.memory_space<hbm>>
      %dma_start3A_969 = arith.constant 0 : i32
      %dma_start3A_970 = arith.constant 0 : i32
      %dma_start3A_971 = tpu.memref_slice %arg2[%add3A, %dma_start3A_969, %dma_start3A_970] : memref<32x32x128xi32, #tpu.memory_space<hbm>> -> memref<1x32x128xi32, #tpu.memory_space<hbm>>
      %dma_start3A_972 = tpu.memref_squeeze %dma_start3A_971 : memref<1x32x128xi32, #tpu.memory_space<hbm>> -> memref<32x128xi32, #tpu.memory_space<hbm>>
      tpu.enqueue_dma source(%dma_start3A_972 : memref<32x128xi32, #tpu.memory_space<hbm>>) target(%arg5 : memref<32x128xi32, #tpu.memory_space<vmem>>) target_semaphore(%run_scoped3A : memref<!tpu.dma_semaphore, #tpu.memory_space<semaphore_mem>>)
      %dma_wait3A_973 = arith.constant 0 : i32
      %dma_wait3A_974 = arith.constant 0 : i32
      %dma_wait3A_975 = tpu.memref_slice %arg2[%add3A, %dma_wait3A_973, %dma_wait3A_974] : memref<32x32x128xi32, #tpu.memory_space<hbm>> -> memref<1x32x128xi32, #tpu.memory_space<hbm>>
      %dma_wait3A_976 = tpu.memref_squeeze %dma_wait3A_975 : memref<1x32x128xi32, #tpu.memory_space<hbm>> -> memref<32x128xi32, #tpu.memory_space<hbm>>
      %dma_wait3A_977 = arith.constant 0 : i32
      %dma_wait3A_978 = arith.constant 0 : i32
      %dma_wait3A_979 = tpu.memref_slice %arg2[%add3A, %dma_wait3A_977, %dma_wait3A_978] : memref<32x32x128xi32, #tpu.memory_space<hbm>> -> memref<1x32x128xi32, #tpu.memory_space<hbm>>
      %dma_wait3A_980 = tpu.memref_squeeze %dma_wait3A_979 : memref<1x32x128xi32, #tpu.memory_space<hbm>> -> memref<32x128xi32, #tpu.memory_space<hbm>>
      tpu.wait_dma2 semaphore(%run_scoped3A : memref<!tpu.dma_semaphore, #tpu.memory_space<semaphore_mem>>) src(%dma_wait3A_980 : memref<32x128xi32, #tpu.memory_space<hbm>>) dst(%arg5 : memref<32x128xi32, #tpu.memory_space<vmem>>)
      tpu.yield
    }) : () -> ()
    %mul3A_1 = arith.constant 32 : i32
    %mul3A_2 = arith.muli %add3A, %mul3A_1 : i32
    %rem3A = arith.constant 0 : i32
    %rem3A_3 = arith.constant 3 : i32
    %rem3A_4 = arith.remsi %rem3A, %rem3A_3 : i32
    %mul3A_5 = arith.constant 4 : i32
    %mul3A_6 = arith.muli %rem3A_4, %mul3A_5 : i32
    %add3A_7 = arith.constant 0 : i32
    %add3A_8 = arith.addi %mul3A_6, %add3A_7 : i32
    %dma_start3A = arith.constant 0 : i32
    %dma_start3A_9 = arith.constant 0 : i32
    %dma_start3A_10 = arith.constant 0 : i32
    %dma_start3A_11 = tpu.memref_slice %arg6[%add3A_8, %dma_start3A_9, %dma_start3A_10] : memref<12x128x64xf32, #tpu.memory_space<vmem>> -> memref<1x128x64xf32, #tpu.memory_space<vmem>>
    %dma_start3A_12 = tpu.memref_squeeze %dma_start3A_11 : memref<1x128x64xf32, #tpu.memory_space<vmem>> -> memref<128x64xf32, #tpu.memory_space<vmem>>
    %dma_start3A_13 = arith.constant 0 : i32
    %dma_start3A_14 = tpu.memref_slice %arg5[%dma_start3A, %dma_start3A_13] : memref<32x128xi32, #tpu.memory_space<vmem>> -> memref<1x128xi32, #tpu.memory_space<vmem>>
    %dma_start3A_15 = tpu.memref_squeeze %dma_start3A_14 : memref<1x128xi32, #tpu.memory_space<vmem>> -> memref<128xi32, #tpu.memory_space<vmem>>
    %dma_start3A_16 = arith.constant 0 : i32
    %dma_start3A_17 = arith.constant 0 : i32
    %dma_start3A_18 = tpu.memref_slice %arg3[%dma_start3A_16, %dma_start3A_17] : memref<1015808x64xf32, #tpu.memory_space<hbm>> -> memref<1015808x64xf32, #tpu.memory_space<hbm>>
    %dma_start3A_19 = tpu.memref_slice %arg7[%rem3A_4] : memref<3x!tpu.dma_semaphore, #tpu.memory_space<semaphore_mem>> -> memref<1x!tpu.dma_semaphore, #tpu.memory_space<semaphore_mem>>
    %dma_start3A_20 = tpu.memref_squeeze %dma_start3A_19 : memref<1x!tpu.dma_semaphore, #tpu.memory_space<semaphore_mem>> -> memref<!tpu.dma_semaphore, #tpu.memory_space<semaphore_mem>>
    tpu.enqueue_indirect_dma source(%dma_start3A_18 : memref<1015808x64xf32, #tpu.memory_space<hbm>>) target(%dma_start3A_12 : memref<128x64xf32, #tpu.memory_space<vmem>>) offsets(%dma_start3A_15 : memref<128xi32, #tpu.memory_space<vmem>>) semaphore(%dma_start3A_20 : memref<!tpu.dma_semaphore, #tpu.memory_space<semaphore_mem>>)
    %mul3A_21 = arith.constant 4 : i32
    %mul3A_22 = arith.muli %rem3A_4, %mul3A_21 : i32
    %add3A_23 = arith.constant 1 : i32
    %add3A_24 = arith.addi %mul3A_22, %add3A_23 : i32
    %dma_start3A_25 = arith.constant 1 : i32
    %dma_start3A_26 = arith.constant 0 : i32
    %dma_start3A_27 = arith.constant 0 : i32
    %dma_start3A_28 = tpu.memref_slice %arg6[%add3A_24, %dma_start3A_26, %dma_start3A_27] : memref<12x128x64xf32, #tpu.memory_space<vmem>> -> memref<1x128x64xf32, #tpu.memory_space<vmem>>
    %dma_start3A_29 = tpu.memref_squeeze %dma_start3A_28 : memref<1x128x64xf32, #tpu.memory_space<vmem>> -> memref<128x64xf32, #tpu.memory_space<vmem>>
    %dma_start3A_30 = arith.constant 0 : i32
    %dma_start3A_31 = tpu.memref_slice %arg5[%dma_start3A_25, %dma_start3A_30] : memref<32x128xi32, #tpu.memory_space<vmem>> -> memref<1x128xi32, #tpu.memory_space<vmem>>
    %dma_start3A_32 = tpu.memref_squeeze %dma_start3A_31 : memref<1x128xi32, #tpu.memory_space<vmem>> -> memref<128xi32, #tpu.memory_space<vmem>>
    %dma_start3A_33 = arith.constant 0 : i32
    %dma_start3A_34 = arith.constant 0 : i32
    %dma_start3A_35 = tpu.memref_slice %arg3[%dma_start3A_33, %dma_start3A_34] : memref<1015808x64xf32, #tpu.memory_space<hbm>> -> memref<1015808x64xf32, #tpu.memory_space<hbm>>
    %dma_start3A_36 = tpu.memref_slice %arg7[%rem3A_4] : memref<3x!tpu.dma_semaphore, #tpu.memory_space<semaphore_mem>> -> memref<1x!tpu.dma_semaphore, #tpu.memory_space<semaphore_mem>>
    %dma_start3A_37 = tpu.memref_squeeze %dma_start3A_36 : memref<1x!tpu.dma_semaphore, #tpu.memory_space<semaphore_mem>> -> memref<!tpu.dma_semaphore, #tpu.memory_space<semaphore_mem>>
    tpu.enqueue_indirect_dma source(%dma_start3A_35 : memref<1015808x64xf32, #tpu.memory_space<hbm>>) target(%dma_start3A_29 : memref<128x64xf32, #tpu.memory_space<vmem>>) offsets(%dma_start3A_32 : memref<128xi32, #tpu.memory_space<vmem>>) semaphore(%dma_start3A_37 : memref<!tpu.dma_semaphore, #tpu.memory_space<semaphore_mem>>)
    %mul3A_38 = arith.constant 4 : i32
    %mul3A_39 = arith.muli %rem3A_4, %mul3A_38 : i32
    %add3A_40 = arith.constant 2 : i32
    %add3A_41 = arith.addi %mul3A_39, %add3A_40 : i32
    %dma_start3A_42 = arith.constant 2 : i32
    %dma_start3A_43 = arith.constant 0 : i32
    %dma_start3A_44 = arith.constant 0 : i32
    %dma_start3A_45 = tpu.memref_slice %arg6[%add3A_41, %dma_start3A_43, %dma_start3A_44] : memref<12x128x64xf32, #tpu.memory_space<vmem>> -> memref<1x128x64xf32, #tpu.memory_space<vmem>>
    %dma_start3A_46 = tpu.memref_squeeze %dma_start3A_45 : memref<1x128x64xf32, #tpu.memory_space<vmem>> -> memref<128x64xf32, #tpu.memory_space<vmem>>
    %dma_start3A_47 = arith.constant 0 : i32
    %dma_start3A_48 = tpu.memref_slice %arg5[%dma_start3A_42, %dma_start3A_47] : memref<32x128xi32, #tpu.memory_space<vmem>> -> memref<1x128xi32, #tpu.memory_space<vmem>>
    %dma_start3A_49 = tpu.memref_squeeze %dma_start3A_48 : memref<1x128xi32, #tpu.memory_space<vmem>> -> memref<128xi32, #tpu.memory_space<vmem>>
    %dma_start3A_50 = arith.constant 0 : i32
    %dma_start3A_51 = arith.constant 0 : i32
    %dma_start3A_52 = tpu.memref_slice %arg3[%dma_start3A_50, %dma_start3A_51] : memref<1015808x64xf32, #tpu.memory_space<hbm>> -> memref<1015808x64xf32, #tpu.memory_space<hbm>>
    %dma_start3A_53 = tpu.memref_slice %arg7[%rem3A_4] : memref<3x!tpu.dma_semaphore, #tpu.memory_space<semaphore_mem>> -> memref<1x!tpu.dma_semaphore, #tpu.memory_space<semaphore_mem>>
    %dma_start3A_54 = tpu.memref_squeeze %dma_start3A_53 : memref<1x!tpu.dma_semaphore, #tpu.memory_space<semaphore_mem>> -> memref<!tpu.dma_semaphore, #tpu.memory_space<semaphore_mem>>
    tpu.enqueue_indirect_dma source(%dma_start3A_52 : memref<1015808x64xf32, #tpu.memory_space<hbm>>) target(%dma_start3A_46 : memref<128x64xf32, #tpu.memory_space<vmem>>) offsets(%dma_start3A_49 : memref<128xi32, #tpu.memory_space<vmem>>) semaphore(%dma_start3A_54 : memref<!tpu.dma_semaphore, #tpu.memory_space<semaphore_mem>>)
    %mul3A_55 = arith.constant 4 : i32
    %mul3A_56 = arith.muli %rem3A_4, %mul3A_55 : i32
    %add3A_57 = arith.constant 3 : i32
    %add3A_58 = arith.addi %mul3A_56, %add3A_57 : i32
    %dma_start3A_59 = arith.constant 3 : i32
    %dma_start3A_60 = arith.constant 0 : i32
    %dma_start3A_61 = arith.constant 0 : i32
    %dma_start3A_62 = tpu.memref_slice %arg6[%add3A_58, %dma_start3A_60, %dma_start3A_61] : memref<12x128x64xf32, #tpu.memory_space<vmem>> -> memref<1x128x64xf32, #tpu.memory_space<vmem>>
    %dma_start3A_63 = tpu.memref_squeeze %dma_start3A_62 : memref<1x128x64xf32, #tpu.memory_space<vmem>> -> memref<128x64xf32, #tpu.memory_space<vmem>>
    %dma_start3A_64 = arith.constant 0 : i32
    %dma_start3A_65 = tpu.memref_slice %arg5[%dma_start3A_59, %dma_start3A_64] : memref<32x128xi32, #tpu.memory_space<vmem>> -> memref<1x128xi32, #tpu.memory_space<vmem>>
    %dma_start3A_66 = tpu.memref_squeeze %dma_start3A_65 : memref<1x128xi32, #tpu.memory_space<vmem>> -> memref<128xi32, #tpu.memory_space<vmem>>
    %dma_start3A_67 = arith.constant 0 : i32
    %dma_start3A_68 = arith.constant 0 : i32
    %dma_start3A_69 = tpu.memref_slice %arg3[%dma_start3A_67, %dma_start3A_68] : memref<1015808x64xf32, #tpu.memory_space<hbm>> -> memref<1015808x64xf32, #tpu.memory_space<hbm>>
    %dma_start3A_70 = tpu.memref_slice %arg7[%rem3A_4] : memref<3x!tpu.dma_semaphore, #tpu.memory_space<semaphore_mem>> -> memref<1x!tpu.dma_semaphore, #tpu.memory_space<semaphore_mem>>
    %dma_start3A_71 = tpu.memref_squeeze %dma_start3A_70 : memref<1x!tpu.dma_semaphore, #tpu.memory_space<semaphore_mem>> -> memref<!tpu.dma_semaphore, #tpu.memory_space<semaphore_mem>>
    tpu.enqueue_indirect_dma source(%dma_start3A_69 : memref<1015808x64xf32, #tpu.memory_space<hbm>>) target(%dma_start3A_63 : memref<128x64xf32, #tpu.memory_space<vmem>>) offsets(%dma_start3A_66 : memref<128xi32, #tpu.memory_space<vmem>>) semaphore(%dma_start3A_71 : memref<!tpu.dma_semaphore, #tpu.memory_space<semaphore_mem>>)
    %rem3A_72 = arith.constant 1 : i32
    %rem3A_73 = arith.constant 3 : i32
    %rem3A_74 = arith.remsi %rem3A_72, %rem3A_73 : i32
    %mul3A_75 = arith.constant 4 : i32
    %mul3A_76 = arith.muli %rem3A_74, %mul3A_75 : i32
    %add3A_77 = arith.constant 0 : i32
    %add3A_78 = arith.addi %mul3A_76, %add3A_77 : i32
    %dma_start3A_79 = arith.constant 4 : i32
    %dma_start3A_80 = arith.constant 0 : i32
    %dma_start3A_81 = arith.constant 0 : i32
    %dma_start3A_82 = tpu.memref_slice %arg6[%add3A_78, %dma_start3A_80, %dma_start3A_81] : memref<12x128x64xf32, #tpu.memory_space<vmem>> -> memref<1x128x64xf32, #tpu.memory_space<vmem>>
    %dma_start3A_83 = tpu.memref_squeeze %dma_start3A_82 : memref<1x128x64xf32, #tpu.memory_space<vmem>> -> memref<128x64xf32, #tpu.memory_space<vmem>>
    %dma_start3A_84 = arith.constant 0 : i32
    %dma_start3A_85 = tpu.memref_slice %arg5[%dma_start3A_79, %dma_start3A_84] : memref<32x128xi32, #tpu.memory_space<vmem>> -> memref<1x128xi32, #tpu.memory_space<vmem>>
    %dma_start3A_86 = tpu.memref_squeeze %dma_start3A_85 : memref<1x128xi32, #tpu.memory_space<vmem>> -> memref<128xi32, #tpu.memory_space<vmem>>
    %dma_start3A_87 = arith.constant 0 : i32
    %dma_start3A_88 = arith.constant 0 : i32
    %dma_start3A_89 = tpu.memref_slice %arg3[%dma_start3A_87, %dma_start3A_88] : memref<1015808x64xf32, #tpu.memory_space<hbm>> -> memref<1015808x64xf32, #tpu.memory_space<hbm>>
    %dma_start3A_90 = tpu.memref_slice %arg7[%rem3A_74] : memref<3x!tpu.dma_semaphore, #tpu.memory_space<semaphore_mem>> -> memref<1x!tpu.dma_semaphore, #tpu.memory_space<semaphore_mem>>
    %dma_start3A_91 = tpu.memref_squeeze %dma_start3A_90 : memref<1x!tpu.dma_semaphore, #tpu.memory_space<semaphore_mem>> -> memref<!tpu.dma_semaphore, #tpu.memory_space<semaphore_mem>>
    tpu.enqueue_indirect_dma source(%dma_start3A_89 : memref<1015808x64xf32, #tpu.memory_space<hbm>>) target(%dma_start3A_83 : memref<128x64xf32, #tpu.memory_space<vmem>>) offsets(%dma_start3A_86 : memref<128xi32, #tpu.memory_space<vmem>>) semaphore(%dma_start3A_91 : memref<!tpu.dma_semaphore, #tpu.memory_space<semaphore_mem>>)
    %mul3A_92 = arith.constant 4 : i32
    %mul3A_93 = arith.muli %rem3A_74, %mul3A_92 : i32
    %add3A_94 = arith.constant 1 : i32
    %add3A_95 = arith.addi %mul3A_93, %add3A_94 : i32
    %dma_start3A_96 = arith.constant 5 : i32
    %dma_start3A_97 = arith.constant 0 : i32
    %dma_start3A_98 = arith.constant 0 : i32
    %dma_start3A_99 = tpu.memref_slice %arg6[%add3A_95, %dma_start3A_97, %dma_start3A_98] : memref<12x128x64xf32, #tpu.memory_space<vmem>> -> memref<1x128x64xf32, #tpu.memory_space<vmem>>
    %dma_start3A_100 = tpu.memref_squeeze %dma_start3A_99 : memref<1x128x64xf32, #tpu.memory_space<vmem>> -> memref<128x64xf32, #tpu.memory_space<vmem>>
    %dma_start3A_101 = arith.constant 0 : i32
    %dma_start3A_102 = tpu.memref_slice %arg5[%dma_start3A_96, %dma_start3A_101] : memref<32x128xi32, #tpu.memory_space<vmem>> -> memref<1x128xi32, #tpu.memory_space<vmem>>
    %dma_start3A_103 = tpu.memref_squeeze %dma_start3A_102 : memref<1x128xi32, #tpu.memory_space<vmem>> -> memref<128xi32, #tpu.memory_space<vmem>>
    %dma_start3A_104 = arith.constant 0 : i32
    %dma_start3A_105 = arith.constant 0 : i32
    %dma_start3A_106 = tpu.memref_slice %arg3[%dma_start3A_104, %dma_start3A_105] : memref<1015808x64xf32, #tpu.memory_space<hbm>> -> memref<1015808x64xf32, #tpu.memory_space<hbm>>
    %dma_start3A_107 = tpu.memref_slice %arg7[%rem3A_74] : memref<3x!tpu.dma_semaphore, #tpu.memory_space<semaphore_mem>> -> memref<1x!tpu.dma_semaphore, #tpu.memory_space<semaphore_mem>>
    %dma_start3A_108 = tpu.memref_squeeze %dma_start3A_107 : memref<1x!tpu.dma_semaphore, #tpu.memory_space<semaphore_mem>> -> memref<!tpu.dma_semaphore, #tpu.memory_space<semaphore_mem>>
    tpu.enqueue_indirect_dma source(%dma_start3A_106 : memref<1015808x64xf32, #tpu.memory_space<hbm>>) target(%dma_start3A_100 : memref<128x64xf32, #tpu.memory_space<vmem>>) offsets(%dma_start3A_103 : memref<128xi32, #tpu.memory_space<vmem>>) semaphore(%dma_start3A_108 : memref<!tpu.dma_semaphore, #tpu.memory_space<semaphore_mem>>)
    %mul3A_109 = arith.constant 4 : i32
    %mul3A_110 = arith.muli %rem3A_74, %mul3A_109 : i32
    %add3A_111 = arith.constant 2 : i32
    %add3A_112 = arith.addi %mul3A_110, %add3A_111 : i32
    %dma_start3A_113 = arith.constant 6 : i32
    %dma_start3A_114 = arith.constant 0 : i32
    %dma_start3A_115 = arith.constant 0 : i32
    %dma_start3A_116 = tpu.memref_slice %arg6[%add3A_112, %dma_start3A_114, %dma_start3A_115] : memref<12x128x64xf32, #tpu.memory_space<vmem>> -> memref<1x128x64xf32, #tpu.memory_space<vmem>>
    %dma_start3A_117 = tpu.memref_squeeze %dma_start3A_116 : memref<1x128x64xf32, #tpu.memory_space<vmem>> -> memref<128x64xf32, #tpu.memory_space<vmem>>
    %dma_start3A_118 = arith.constant 0 : i32
    %dma_start3A_119 = tpu.memref_slice %arg5[%dma_start3A_113, %dma_start3A_118] : memref<32x128xi32, #tpu.memory_space<vmem>> -> memref<1x128xi32, #tpu.memory_space<vmem>>
    %dma_start3A_120 = tpu.memref_squeeze %dma_start3A_119 : memref<1x128xi32, #tpu.memory_space<vmem>> -> memref<128xi32, #tpu.memory_space<vmem>>
    %dma_start3A_121 = arith.constant 0 : i32
    %dma_start3A_122 = arith.constant 0 : i32
    %dma_start3A_123 = tpu.memref_slice %arg3[%dma_start3A_121, %dma_start3A_122] : memref<1015808x64xf32, #tpu.memory_space<hbm>> -> memref<1015808x64xf32, #tpu.memory_space<hbm>>
    %dma_start3A_124 = tpu.memref_slice %arg7[%rem3A_74] : memref<3x!tpu.dma_semaphore, #tpu.memory_space<semaphore_mem>> -> memref<1x!tpu.dma_semaphore, #tpu.memory_space<semaphore_mem>>
    %dma_start3A_125 = tpu.memref_squeeze %dma_start3A_124 : memref<1x!tpu.dma_semaphore, #tpu.memory_space<semaphore_mem>> -> memref<!tpu.dma_semaphore, #tpu.memory_space<semaphore_mem>>
    tpu.enqueue_indirect_dma source(%dma_start3A_123 : memref<1015808x64xf32, #tpu.memory_space<hbm>>) target(%dma_start3A_117 : memref<128x64xf32, #tpu.memory_space<vmem>>) offsets(%dma_start3A_120 : memref<128xi32, #tpu.memory_space<vmem>>) semaphore(%dma_start3A_125 : memref<!tpu.dma_semaphore, #tpu.memory_space<semaphore_mem>>)
    %mul3A_126 = arith.constant 4 : i32
    %mul3A_127 = arith.muli %rem3A_74, %mul3A_126 : i32
    %add3A_128 = arith.constant 3 : i32
    %add3A_129 = arith.addi %mul3A_127, %add3A_128 : i32
    %dma_start3A_130 = arith.constant 7 : i32
    %dma_start3A_131 = arith.constant 0 : i32
    %dma_start3A_132 = arith.constant 0 : i32
    %dma_start3A_133 = tpu.memref_slice %arg6[%add3A_129, %dma_start3A_131, %dma_start3A_132] : memref<12x128x64xf32, #tpu.memory_space<vmem>> -> memref<1x128x64xf32, #tpu.memory_space<vmem>>
    %dma_start3A_134 = tpu.memref_squeeze %dma_start3A_133 : memref<1x128x64xf32, #tpu.memory_space<vmem>> -> memref<128x64xf32, #tpu.memory_space<vmem>>
    %dma_start3A_135 = arith.constant 0 : i32
    %dma_start3A_136 = tpu.memref_slice %arg5[%dma_start3A_130, %dma_start3A_135] : memref<32x128xi32, #tpu.memory_space<vmem>> -> memref<1x128xi32, #tpu.memory_space<vmem>>
    %dma_start3A_137 = tpu.memref_squeeze %dma_start3A_136 : memref<1x128xi32, #tpu.memory_space<vmem>> -> memref<128xi32, #tpu.memory_space<vmem>>
    %dma_start3A_138 = arith.constant 0 : i32
    %dma_start3A_139 = arith.constant 0 : i32
    %dma_start3A_140 = tpu.memref_slice %arg3[%dma_start3A_138, %dma_start3A_139] : memref<1015808x64xf32, #tpu.memory_space<hbm>> -> memref<1015808x64xf32, #tpu.memory_space<hbm>>
    %dma_start3A_141 = tpu.memref_slice %arg7[%rem3A_74] : memref<3x!tpu.dma_semaphore, #tpu.memory_space<semaphore_mem>> -> memref<1x!tpu.dma_semaphore, #tpu.memory_space<semaphore_mem>>
    %dma_start3A_142 = tpu.memref_squeeze %dma_start3A_141 : memref<1x!tpu.dma_semaphore, #tpu.memory_space<semaphore_mem>> -> memref<!tpu.dma_semaphore, #tpu.memory_space<semaphore_mem>>
    tpu.enqueue_indirect_dma source(%dma_start3A_140 : memref<1015808x64xf32, #tpu.memory_space<hbm>>) target(%dma_start3A_134 : memref<128x64xf32, #tpu.memory_space<vmem>>) offsets(%dma_start3A_137 : memref<128xi32, #tpu.memory_space<vmem>>) semaphore(%dma_start3A_142 : memref<!tpu.dma_semaphore, #tpu.memory_space<semaphore_mem>>)
    %rem3A_143 = arith.constant 0 : i32
    %rem3A_144 = arith.constant 3 : i32
    %rem3A_145 = arith.remsi %rem3A_143, %rem3A_144 : i32
    %dma_wait3A = arith.constant 0 : i32
    %dma_wait3A_146 = arith.constant 0 : i32
    %dma_wait3A_147 = arith.constant 0 : i32
    %dma_wait3A_148 = tpu.memref_slice %arg6[%dma_wait3A, %dma_wait3A_146, %dma_wait3A_147] : memref<12x128x64xf32, #tpu.memory_space<vmem>> -> memref<1x128x64xf32, #tpu.memory_space<vmem>>
    %dma_wait3A_149 = tpu.memref_squeeze %dma_wait3A_148 : memref<1x128x64xf32, #tpu.memory_space<vmem>> -> memref<128x64xf32, #tpu.memory_space<vmem>>
    %dma_wait3A_150 = arith.constant 0 : i32
    %dma_wait3A_151 = arith.constant 0 : i32
    %dma_wait3A_152 = tpu.memref_slice %arg3[%dma_wait3A_150, %dma_wait3A_151] : memref<1015808x64xf32, #tpu.memory_space<hbm>> -> memref<128x64xf32, #tpu.memory_space<hbm>>
    %dma_wait3A_153 = tpu.memref_slice %arg7[%rem3A_145] : memref<3x!tpu.dma_semaphore, #tpu.memory_space<semaphore_mem>> -> memref<1x!tpu.dma_semaphore, #tpu.memory_space<semaphore_mem>>
    %dma_wait3A_154 = tpu.memref_squeeze %dma_wait3A_153 : memref<1x!tpu.dma_semaphore, #tpu.memory_space<semaphore_mem>> -> memref<!tpu.dma_semaphore, #tpu.memory_space<semaphore_mem>>
    %dma_wait3A_155 = arith.constant 0 : i32
    %dma_wait3A_156 = arith.constant 0 : i32
    %dma_wait3A_157 = tpu.memref_slice %arg6[%dma_wait3A, %dma_wait3A_155, %dma_wait3A_156] : memref<12x128x64xf32, #tpu.memory_space<vmem>> -> memref<1x128x64xf32, #tpu.memory_space<vmem>>
    %dma_wait3A_158 = tpu.memref_squeeze %dma_wait3A_157 : memref<1x128x64xf32, #tpu.memory_space<vmem>> -> memref<128x64xf32, #tpu.memory_space<vmem>>
    %dma_wait3A_159 = arith.constant 0 : i32
    %dma_wait3A_160 = arith.constant 0 : i32
    %dma_wait3A_161 = tpu.memref_slice %arg3[%dma_wait3A_159, %dma_wait3A_160] : memref<1015808x64xf32, #tpu.memory_space<hbm>> -> memref<128x64xf32, #tpu.memory_space<hbm>>
    tpu.wait_dma2 semaphore(%dma_wait3A_154 : memref<!tpu.dma_semaphore, #tpu.memory_space<semaphore_mem>>) src(%dma_wait3A_161 : memref<128x64xf32, #tpu.memory_space<hbm>>) dst(%dma_wait3A_158 : memref<128x64xf32, #tpu.memory_space<vmem>>)
    %dma_wait3A_162 = arith.constant 0 : i32
    %dma_wait3A_163 = arith.constant 0 : i32
    %dma_wait3A_164 = arith.constant 0 : i32
    %dma_wait3A_165 = tpu.memref_slice %arg6[%dma_wait3A_162, %dma_wait3A_163, %dma_wait3A_164] : memref<12x128x64xf32, #tpu.memory_space<vmem>> -> memref<1x128x64xf32, #tpu.memory_space<vmem>>
    %dma_wait3A_166 = tpu.memref_squeeze %dma_wait3A_165 : memref<1x128x64xf32, #tpu.memory_space<vmem>> -> memref<128x64xf32, #tpu.memory_space<vmem>>
    %dma_wait3A_167 = arith.constant 0 : i32
    %dma_wait3A_168 = arith.constant 0 : i32
    %dma_wait3A_169 = tpu.memref_slice %arg3[%dma_wait3A_167, %dma_wait3A_168] : memref<1015808x64xf32, #tpu.memory_space<hbm>> -> memref<128x64xf32, #tpu.memory_space<hbm>>
    %dma_wait3A_170 = tpu.memref_slice %arg7[%rem3A_145] : memref<3x!tpu.dma_semaphore, #tpu.memory_space<semaphore_mem>> -> memref<1x!tpu.dma_semaphore, #tpu.memory_space<semaphore_mem>>
    %dma_wait3A_171 = tpu.memref_squeeze %dma_wait3A_170 : memref<1x!tpu.dma_semaphore, #tpu.memory_space<semaphore_mem>> -> memref<!tpu.dma_semaphore, #tpu.memory_space<semaphore_mem>>
    %dma_wait3A_172 = arith.constant 0 : i32
    %dma_wait3A_173 = arith.constant 0 : i32
    %dma_wait3A_174 = tpu.memref_slice %arg6[%dma_wait3A_162, %dma_wait3A_172, %dma_wait3A_173] : memref<12x128x64xf32, #tpu.memory_space<vmem>> -> memref<1x128x64xf32, #tpu.memory_space<vmem>>
    %dma_wait3A_175 = tpu.memref_squeeze %dma_wait3A_174 : memref<1x128x64xf32, #tpu.memory_space<vmem>> -> memref<128x64xf32, #tpu.memory_space<vmem>>
    %dma_wait3A_176 = arith.constant 0 : i32
    %dma_wait3A_177 = arith.constant 0 : i32
    %dma_wait3A_178 = tpu.memref_slice %arg3[%dma_wait3A_176, %dma_wait3A_177] : memref<1015808x64xf32, #tpu.memory_space<hbm>> -> memref<128x64xf32, #tpu.memory_space<hbm>>
    tpu.wait_dma2 semaphore(%dma_wait3A_171 : memref<!tpu.dma_semaphore, #tpu.memory_space<semaphore_mem>>) src(%dma_wait3A_178 : memref<128x64xf32, #tpu.memory_space<hbm>>) dst(%dma_wait3A_175 : memref<128x64xf32, #tpu.memory_space<vmem>>)
    %dma_wait3A_179 = arith.constant 0 : i32
    %dma_wait3A_180 = arith.constant 0 : i32
    %dma_wait3A_181 = arith.constant 0 : i32
    %dma_wait3A_182 = tpu.memref_slice %arg6[%dma_wait3A_179, %dma_wait3A_180, %dma_wait3A_181] : memref<12x128x64xf32, #tpu.memory_space<vmem>> -> memref<1x128x64xf32, #tpu.memory_space<vmem>>
    %dma_wait3A_183 = tpu.memref_squeeze %dma_wait3A_182 : memref<1x128x64xf32, #tpu.memory_space<vmem>> -> memref<128x64xf32, #tpu.memory_space<vmem>>
    %dma_wait3A_184 = arith.constant 0 : i32
    %dma_wait3A_185 = arith.constant 0 : i32
    %dma_wait3A_186 = tpu.memref_slice %arg3[%dma_wait3A_184, %dma_wait3A_185] : memref<1015808x64xf32, #tpu.memory_space<hbm>> -> memref<128x64xf32, #tpu.memory_space<hbm>>
    %dma_wait3A_187 = tpu.memref_slice %arg7[%rem3A_145] : memref<3x!tpu.dma_semaphore, #tpu.memory_space<semaphore_mem>> -> memref<1x!tpu.dma_semaphore, #tpu.memory_space<semaphore_mem>>
    %dma_wait3A_188 = tpu.memref_squeeze %dma_wait3A_187 : memref<1x!tpu.dma_semaphore, #tpu.memory_space<semaphore_mem>> -> memref<!tpu.dma_semaphore, #tpu.memory_space<semaphore_mem>>
    %dma_wait3A_189 = arith.constant 0 : i32
    %dma_wait3A_190 = arith.constant 0 : i32
    %dma_wait3A_191 = tpu.memref_slice %arg6[%dma_wait3A_179, %dma_wait3A_189, %dma_wait3A_190] : memref<12x128x64xf32, #tpu.memory_space<vmem>> -> memref<1x128x64xf32, #tpu.memory_space<vmem>>
    %dma_wait3A_192 = tpu.memref_squeeze %dma_wait3A_191 : memref<1x128x64xf32, #tpu.memory_space<vmem>> -> memref<128x64xf32, #tpu.memory_space<vmem>>
    %dma_wait3A_193 = arith.constant 0 : i32
    %dma_wait3A_194 = arith.constant 0 : i32
    %dma_wait3A_195 = tpu.memref_slice %arg3[%dma_wait3A_193, %dma_wait3A_194] : memref<1015808x64xf32, #tpu.memory_space<hbm>> -> memref<128x64xf32, #tpu.memory_space<hbm>>
    tpu.wait_dma2 semaphore(%dma_wait3A_188 : memref<!tpu.dma_semaphore, #tpu.memory_space<semaphore_mem>>) src(%dma_wait3A_195 : memref<128x64xf32, #tpu.memory_space<hbm>>) dst(%dma_wait3A_192 : memref<128x64xf32, #tpu.memory_space<vmem>>)
    %dma_wait3A_196 = arith.constant 0 : i32
    %dma_wait3A_197 = arith.constant 0 : i32
    %dma_wait3A_198 = arith.constant 0 : i32
    %dma_wait3A_199 = tpu.memref_slice %arg6[%dma_wait3A_196, %dma_wait3A_197, %dma_wait3A_198] : memref<12x128x64xf32, #tpu.memory_space<vmem>> -> memref<1x128x64xf32, #tpu.memory_space<vmem>>
    %dma_wait3A_200 = tpu.memref_squeeze %dma_wait3A_199 : memref<1x128x64xf32, #tpu.memory_space<vmem>> -> memref<128x64xf32, #tpu.memory_space<vmem>>
    %dma_wait3A_201 = arith.constant 0 : i32
    %dma_wait3A_202 = arith.constant 0 : i32
    %dma_wait3A_203 = tpu.memref_slice %arg3[%dma_wait3A_201, %dma_wait3A_202] : memref<1015808x64xf32, #tpu.memory_space<hbm>> -> memref<128x64xf32, #tpu.memory_space<hbm>>
    %dma_wait3A_204 = tpu.memref_slice %arg7[%rem3A_145] : memref<3x!tpu.dma_semaphore, #tpu.memory_space<semaphore_mem>> -> memref<1x!tpu.dma_semaphore, #tpu.memory_space<semaphore_mem>>
    %dma_wait3A_205 = tpu.memref_squeeze %dma_wait3A_204 : memref<1x!tpu.dma_semaphore, #tpu.memory_space<semaphore_mem>> -> memref<!tpu.dma_semaphore, #tpu.memory_space<semaphore_mem>>
    %dma_wait3A_206 = arith.constant 0 : i32
    %dma_wait3A_207 = arith.constant 0 : i32
    %dma_wait3A_208 = tpu.memref_slice %arg6[%dma_wait3A_196, %dma_wait3A_206, %dma_wait3A_207] : memref<12x128x64xf32, #tpu.memory_space<vmem>> -> memref<1x128x64xf32, #tpu.memory_space<vmem>>
    %dma_wait3A_209 = tpu.memref_squeeze %dma_wait3A_208 : memref<1x128x64xf32, #tpu.memory_space<vmem>> -> memref<128x64xf32, #tpu.memory_space<vmem>>
    %dma_wait3A_210 = arith.constant 0 : i32
    %dma_wait3A_211 = arith.constant 0 : i32
    %dma_wait3A_212 = tpu.memref_slice %arg3[%dma_wait3A_210, %dma_wait3A_211] : memref<1015808x64xf32, #tpu.memory_space<hbm>> -> memref<128x64xf32, #tpu.memory_space<hbm>>
    tpu.wait_dma2 semaphore(%dma_wait3A_205 : memref<!tpu.dma_semaphore, #tpu.memory_space<semaphore_mem>>) src(%dma_wait3A_212 : memref<128x64xf32, #tpu.memory_space<hbm>>) dst(%dma_wait3A_209 : memref<128x64xf32, #tpu.memory_space<vmem>>)
    %rem3A_213 = arith.constant 0 : i32
    %rem3A_214 = arith.constant 3 : i32
    %rem3A_215 = arith.remsi %rem3A_213, %rem3A_214 : i32
    %mul3A_216 = arith.constant 4 : i32
    %mul3A_217 = arith.muli %rem3A_215, %mul3A_216 : i32
    %add3A_218 = arith.constant 0 : i32
    %add3A_219 = arith.addi %mul3A_217, %add3A_218 : i32
    %add3A_220 = arith.constant 0 : i32
    %add3A_221 = arith.addi %mul3A_2, %add3A_220 : i32
    %add3A_222 = arith.constant 0 : i32
    %add3A_223 = arith.addi %add3A_221, %add3A_222 : i32
    %dma_start3A_224 = arith.constant 0 : i32
    %dma_start3A_225 = arith.constant 0 : i32
    %dma_start3A_226 = tpu.memref_slice %arg6[%add3A_219, %dma_start3A_224, %dma_start3A_225] : memref<12x128x64xf32, #tpu.memory_space<vmem>> -> memref<1x128x64xf32, #tpu.memory_space<vmem>>
    %dma_start3A_227 = tpu.memref_squeeze %dma_start3A_226 : memref<1x128x64xf32, #tpu.memory_space<vmem>> -> memref<128x64xf32, #tpu.memory_space<vmem>>
    %dma_start3A_228 = arith.constant 0 : i32
    %dma_start3A_229 = arith.constant 0 : i32
    %dma_start3A_230 = tpu.memref_slice %arg4[%add3A_223, %dma_start3A_228, %dma_start3A_229] : memref<1024x128x64xf32, #tpu.memory_space<hbm>> -> memref<1x128x64xf32, #tpu.memory_space<hbm>>
    %dma_start3A_231 = tpu.memref_squeeze %dma_start3A_230 : memref<1x128x64xf32, #tpu.memory_space<hbm>> -> memref<128x64xf32, #tpu.memory_space<hbm>>
    %dma_start3A_232 = tpu.memref_slice %arg8[%rem3A_215] : memref<3x!tpu.dma_semaphore, #tpu.memory_space<semaphore_mem>> -> memref<1x!tpu.dma_semaphore, #tpu.memory_space<semaphore_mem>>
    %dma_start3A_233 = tpu.memref_squeeze %dma_start3A_232 : memref<1x!tpu.dma_semaphore, #tpu.memory_space<semaphore_mem>> -> memref<!tpu.dma_semaphore, #tpu.memory_space<semaphore_mem>>
    %dma_start3A_234 = arith.constant 0 : i32
    %dma_start3A_235 = arith.constant 0 : i32
    %dma_start3A_236 = tpu.memref_slice %arg4[%add3A_223, %dma_start3A_234, %dma_start3A_235] : memref<1024x128x64xf32, #tpu.memory_space<hbm>> -> memref<1x128x64xf32, #tpu.memory_space<hbm>>
    %dma_start3A_237 = tpu.memref_squeeze %dma_start3A_236 : memref<1x128x64xf32, #tpu.memory_space<hbm>> -> memref<128x64xf32, #tpu.memory_space<hbm>>
    %dma_start3A_238 = arith.constant 0 : i32
    %dma_start3A_239 = arith.constant 0 : i32
    %dma_start3A_240 = tpu.memref_slice %arg6[%add3A_219, %dma_start3A_238, %dma_start3A_239] : memref<12x128x64xf32, #tpu.memory_space<vmem>> -> memref<1x128x64xf32, #tpu.memory_space<vmem>>
    %dma_start3A_241 = tpu.memref_squeeze %dma_start3A_240 : memref<1x128x64xf32, #tpu.memory_space<vmem>> -> memref<128x64xf32, #tpu.memory_space<vmem>>
    tpu.enqueue_dma source(%dma_start3A_241 : memref<128x64xf32, #tpu.memory_space<vmem>>) target(%dma_start3A_237 : memref<128x64xf32, #tpu.memory_space<hbm>>) target_semaphore(%dma_start3A_233 : memref<!tpu.dma_semaphore, #tpu.memory_space<semaphore_mem>>)
    %mul3A_242 = arith.constant 4 : i32
    %mul3A_243 = arith.muli %rem3A_215, %mul3A_242 : i32
    %add3A_244 = arith.constant 1 : i32
    %add3A_245 = arith.addi %mul3A_243, %add3A_244 : i32
    %add3A_246 = arith.constant 0 : i32
    %add3A_247 = arith.addi %mul3A_2, %add3A_246 : i32
    %add3A_248 = arith.constant 1 : i32
    %add3A_249 = arith.addi %add3A_247, %add3A_248 : i32
    %dma_start3A_250 = arith.constant 0 : i32
    %dma_start3A_251 = arith.constant 0 : i32
    %dma_start3A_252 = tpu.memref_slice %arg6[%add3A_245, %dma_start3A_250, %dma_start3A_251] : memref<12x128x64xf32, #tpu.memory_space<vmem>> -> memref<1x128x64xf32, #tpu.memory_space<vmem>>
    %dma_start3A_253 = tpu.memref_squeeze %dma_start3A_252 : memref<1x128x64xf32, #tpu.memory_space<vmem>> -> memref<128x64xf32, #tpu.memory_space<vmem>>
    %dma_start3A_254 = arith.constant 0 : i32
    %dma_start3A_255 = arith.constant 0 : i32
    %dma_start3A_256 = tpu.memref_slice %arg4[%add3A_249, %dma_start3A_254, %dma_start3A_255] : memref<1024x128x64xf32, #tpu.memory_space<hbm>> -> memref<1x128x64xf32, #tpu.memory_space<hbm>>
    %dma_start3A_257 = tpu.memref_squeeze %dma_start3A_256 : memref<1x128x64xf32, #tpu.memory_space<hbm>> -> memref<128x64xf32, #tpu.memory_space<hbm>>
    %dma_start3A_258 = tpu.memref_slice %arg8[%rem3A_215] : memref<3x!tpu.dma_semaphore, #tpu.memory_space<semaphore_mem>> -> memref<1x!tpu.dma_semaphore, #tpu.memory_space<semaphore_mem>>
    %dma_start3A_259 = tpu.memref_squeeze %dma_start3A_258 : memref<1x!tpu.dma_semaphore, #tpu.memory_space<semaphore_mem>> -> memref<!tpu.dma_semaphore, #tpu.memory_space<semaphore_mem>>
    %dma_start3A_260 = arith.constant 0 : i32
    %dma_start3A_261 = arith.constant 0 : i32
    %dma_start3A_262 = tpu.memref_slice %arg4[%add3A_249, %dma_start3A_260, %dma_start3A_261] : memref<1024x128x64xf32, #tpu.memory_space<hbm>> -> memref<1x128x64xf32, #tpu.memory_space<hbm>>
    %dma_start3A_263 = tpu.memref_squeeze %dma_start3A_262 : memref<1x128x64xf32, #tpu.memory_space<hbm>> -> memref<128x64xf32, #tpu.memory_space<hbm>>
    %dma_start3A_264 = arith.constant 0 : i32
    %dma_start3A_265 = arith.constant 0 : i32
    %dma_start3A_266 = tpu.memref_slice %arg6[%add3A_245, %dma_start3A_264, %dma_start3A_265] : memref<12x128x64xf32, #tpu.memory_space<vmem>> -> memref<1x128x64xf32, #tpu.memory_space<vmem>>
    %dma_start3A_267 = tpu.memref_squeeze %dma_start3A_266 : memref<1x128x64xf32, #tpu.memory_space<vmem>> -> memref<128x64xf32, #tpu.memory_space<vmem>>
    tpu.enqueue_dma source(%dma_start3A_267 : memref<128x64xf32, #tpu.memory_space<vmem>>) target(%dma_start3A_263 : memref<128x64xf32, #tpu.memory_space<hbm>>) target_semaphore(%dma_start3A_259 : memref<!tpu.dma_semaphore, #tpu.memory_space<semaphore_mem>>)
    %mul3A_268 = arith.constant 4 : i32
    %mul3A_269 = arith.muli %rem3A_215, %mul3A_268 : i32
    %add3A_270 = arith.constant 2 : i32
    %add3A_271 = arith.addi %mul3A_269, %add3A_270 : i32
    %add3A_272 = arith.constant 0 : i32
    %add3A_273 = arith.addi %mul3A_2, %add3A_272 : i32
    %add3A_274 = arith.constant 2 : i32
    %add3A_275 = arith.addi %add3A_273, %add3A_274 : i32
    %dma_start3A_276 = arith.constant 0 : i32
    %dma_start3A_277 = arith.constant 0 : i32
    %dma_start3A_278 = tpu.memref_slice %arg6[%add3A_271, %dma_start3A_276, %dma_start3A_277] : memref<12x128x64xf32, #tpu.memory_space<vmem>> -> memref<1x128x64xf32, #tpu.memory_space<vmem>>
    %dma_start3A_279 = tpu.memref_squeeze %dma_start3A_278 : memref<1x128x64xf32, #tpu.memory_space<vmem>> -> memref<128x64xf32, #tpu.memory_space<vmem>>
    %dma_start3A_280 = arith.constant 0 : i32
    %dma_start3A_281 = arith.constant 0 : i32
    %dma_start3A_282 = tpu.memref_slice %arg4[%add3A_275, %dma_start3A_280, %dma_start3A_281] : memref<1024x128x64xf32, #tpu.memory_space<hbm>> -> memref<1x128x64xf32, #tpu.memory_space<hbm>>
    %dma_start3A_283 = tpu.memref_squeeze %dma_start3A_282 : memref<1x128x64xf32, #tpu.memory_space<hbm>> -> memref<128x64xf32, #tpu.memory_space<hbm>>
    %dma_start3A_284 = tpu.memref_slice %arg8[%rem3A_215] : memref<3x!tpu.dma_semaphore, #tpu.memory_space<semaphore_mem>> -> memref<1x!tpu.dma_semaphore, #tpu.memory_space<semaphore_mem>>
    %dma_start3A_285 = tpu.memref_squeeze %dma_start3A_284 : memref<1x!tpu.dma_semaphore, #tpu.memory_space<semaphore_mem>> -> memref<!tpu.dma_semaphore, #tpu.memory_space<semaphore_mem>>
    %dma_start3A_286 = arith.constant 0 : i32
    %dma_start3A_287 = arith.constant 0 : i32
    %dma_start3A_288 = tpu.memref_slice %arg4[%add3A_275, %dma_start3A_286, %dma_start3A_287] : memref<1024x128x64xf32, #tpu.memory_space<hbm>> -> memref<1x128x64xf32, #tpu.memory_space<hbm>>
    %dma_start3A_289 = tpu.memref_squeeze %dma_start3A_288 : memref<1x128x64xf32, #tpu.memory_space<hbm>> -> memref<128x64xf32, #tpu.memory_space<hbm>>
    %dma_start3A_290 = arith.constant 0 : i32
    %dma_start3A_291 = arith.constant 0 : i32
    %dma_start3A_292 = tpu.memref_slice %arg6[%add3A_271, %dma_start3A_290, %dma_start3A_291] : memref<12x128x64xf32, #tpu.memory_space<vmem>> -> memref<1x128x64xf32, #tpu.memory_space<vmem>>
    %dma_start3A_293 = tpu.memref_squeeze %dma_start3A_292 : memref<1x128x64xf32, #tpu.memory_space<vmem>> -> memref<128x64xf32, #tpu.memory_space<vmem>>
    tpu.enqueue_dma source(%dma_start3A_293 : memref<128x64xf32, #tpu.memory_space<vmem>>) target(%dma_start3A_289 : memref<128x64xf32, #tpu.memory_space<hbm>>) target_semaphore(%dma_start3A_285 : memref<!tpu.dma_semaphore, #tpu.memory_space<semaphore_mem>>)
    %mul3A_294 = arith.constant 4 : i32
    %mul3A_295 = arith.muli %rem3A_215, %mul3A_294 : i32
    %add3A_296 = arith.constant 3 : i32
    %add3A_297 = arith.addi %mul3A_295, %add3A_296 : i32
    %add3A_298 = arith.constant 0 : i32
    %add3A_299 = arith.addi %mul3A_2, %add3A_298 : i32
    %add3A_300 = arith.constant 3 : i32
    %add3A_301 = arith.addi %add3A_299, %add3A_300 : i32
    %dma_start3A_302 = arith.constant 0 : i32
    %dma_start3A_303 = arith.constant 0 : i32
    %dma_start3A_304 = tpu.memref_slice %arg6[%add3A_297, %dma_start3A_302, %dma_start3A_303] : memref<12x128x64xf32, #tpu.memory_space<vmem>> -> memref<1x128x64xf32, #tpu.memory_space<vmem>>
    %dma_start3A_305 = tpu.memref_squeeze %dma_start3A_304 : memref<1x128x64xf32, #tpu.memory_space<vmem>> -> memref<128x64xf32, #tpu.memory_space<vmem>>
    %dma_start3A_306 = arith.constant 0 : i32
    %dma_start3A_307 = arith.constant 0 : i32
    %dma_start3A_308 = tpu.memref_slice %arg4[%add3A_301, %dma_start3A_306, %dma_start3A_307] : memref<1024x128x64xf32, #tpu.memory_space<hbm>> -> memref<1x128x64xf32, #tpu.memory_space<hbm>>
    %dma_start3A_309 = tpu.memref_squeeze %dma_start3A_308 : memref<1x128x64xf32, #tpu.memory_space<hbm>> -> memref<128x64xf32, #tpu.memory_space<hbm>>
    %dma_start3A_310 = tpu.memref_slice %arg8[%rem3A_215] : memref<3x!tpu.dma_semaphore, #tpu.memory_space<semaphore_mem>> -> memref<1x!tpu.dma_semaphore, #tpu.memory_space<semaphore_mem>>
    %dma_start3A_311 = tpu.memref_squeeze %dma_start3A_310 : memref<1x!tpu.dma_semaphore, #tpu.memory_space<semaphore_mem>> -> memref<!tpu.dma_semaphore, #tpu.memory_space<semaphore_mem>>
    %dma_start3A_312 = arith.constant 0 : i32
    %dma_start3A_313 = arith.constant 0 : i32
    %dma_start3A_314 = tpu.memref_slice %arg4[%add3A_301, %dma_start3A_312, %dma_start3A_313] : memref<1024x128x64xf32, #tpu.memory_space<hbm>> -> memref<1x128x64xf32, #tpu.memory_space<hbm>>
    %dma_start3A_315 = tpu.memref_squeeze %dma_start3A_314 : memref<1x128x64xf32, #tpu.memory_space<hbm>> -> memref<128x64xf32, #tpu.memory_space<hbm>>
    %dma_start3A_316 = arith.constant 0 : i32
    %dma_start3A_317 = arith.constant 0 : i32
    %dma_start3A_318 = tpu.memref_slice %arg6[%add3A_297, %dma_start3A_316, %dma_start3A_317] : memref<12x128x64xf32, #tpu.memory_space<vmem>> -> memref<1x128x64xf32, #tpu.memory_space<vmem>>
    %dma_start3A_319 = tpu.memref_squeeze %dma_start3A_318 : memref<1x128x64xf32, #tpu.memory_space<vmem>> -> memref<128x64xf32, #tpu.memory_space<vmem>>
    tpu.enqueue_dma source(%dma_start3A_319 : memref<128x64xf32, #tpu.memory_space<vmem>>) target(%dma_start3A_315 : memref<128x64xf32, #tpu.memory_space<hbm>>) target_semaphore(%dma_start3A_311 : memref<!tpu.dma_semaphore, #tpu.memory_space<semaphore_mem>>)
    %rem3A_320 = arith.constant 2 : i32
    %rem3A_321 = arith.constant 3 : i32
    %rem3A_322 = arith.remsi %rem3A_320, %rem3A_321 : i32
    %mul3A_323 = arith.constant 4 : i32
    %mul3A_324 = arith.muli %rem3A_322, %mul3A_323 : i32
    %add3A_325 = arith.constant 0 : i32
    %add3A_326 = arith.addi %mul3A_324, %add3A_325 : i32
    %dma_start3A_327 = arith.constant 8 : i32
    %dma_start3A_328 = arith.constant 0 : i32
    %dma_start3A_329 = arith.constant 0 : i32
    %dma_start3A_330 = tpu.memref_slice %arg6[%add3A_326, %dma_start3A_328, %dma_start3A_329] : memref<12x128x64xf32, #tpu.memory_space<vmem>> -> memref<1x128x64xf32, #tpu.memory_space<vmem>>
    %dma_start3A_331 = tpu.memref_squeeze %dma_start3A_330 : memref<1x128x64xf32, #tpu.memory_space<vmem>> -> memref<128x64xf32, #tpu.memory_space<vmem>>
    %dma_start3A_332 = arith.constant 0 : i32
    %dma_start3A_333 = tpu.memref_slice %arg5[%dma_start3A_327, %dma_start3A_332] : memref<32x128xi32, #tpu.memory_space<vmem>> -> memref<1x128xi32, #tpu.memory_space<vmem>>
    %dma_start3A_334 = tpu.memref_squeeze %dma_start3A_333 : memref<1x128xi32, #tpu.memory_space<vmem>> -> memref<128xi32, #tpu.memory_space<vmem>>
    %dma_start3A_335 = arith.constant 0 : i32
    %dma_start3A_336 = arith.constant 0 : i32
    %dma_start3A_337 = tpu.memref_slice %arg3[%dma_start3A_335, %dma_start3A_336] : memref<1015808x64xf32, #tpu.memory_space<hbm>> -> memref<1015808x64xf32, #tpu.memory_space<hbm>>
    %dma_start3A_338 = tpu.memref_slice %arg7[%rem3A_322] : memref<3x!tpu.dma_semaphore, #tpu.memory_space<semaphore_mem>> -> memref<1x!tpu.dma_semaphore, #tpu.memory_space<semaphore_mem>>
    %dma_start3A_339 = tpu.memref_squeeze %dma_start3A_338 : memref<1x!tpu.dma_semaphore, #tpu.memory_space<semaphore_mem>> -> memref<!tpu.dma_semaphore, #tpu.memory_space<semaphore_mem>>
    tpu.enqueue_indirect_dma source(%dma_start3A_337 : memref<1015808x64xf32, #tpu.memory_space<hbm>>) target(%dma_start3A_331 : memref<128x64xf32, #tpu.memory_space<vmem>>) offsets(%dma_start3A_334 : memref<128xi32, #tpu.memory_space<vmem>>) semaphore(%dma_start3A_339 : memref<!tpu.dma_semaphore, #tpu.memory_space<semaphore_mem>>)
    %mul3A_340 = arith.constant 4 : i32
    %mul3A_341 = arith.muli %rem3A_322, %mul3A_340 : i32
    %add3A_342 = arith.constant 1 : i32
    %add3A_343 = arith.addi %mul3A_341, %add3A_342 : i32
    %dma_start3A_344 = arith.constant 9 : i32
    %dma_start3A_345 = arith.constant 0 : i32
    %dma_start3A_346 = arith.constant 0 : i32
    %dma_start3A_347 = tpu.memref_slice %arg6[%add3A_343, %dma_start3A_345, %dma_start3A_346] : memref<12x128x64xf32, #tpu.memory_space<vmem>> -> memref<1x128x64xf32, #tpu.memory_space<vmem>>
    %dma_start3A_348 = tpu.memref_squeeze %dma_start3A_347 : memref<1x128x64xf32, #tpu.memory_space<vmem>> -> memref<128x64xf32, #tpu.memory_space<vmem>>
    %dma_start3A_349 = arith.constant 0 : i32
    %dma_start3A_350 = tpu.memref_slice %arg5[%dma_start3A_344, %dma_start3A_349] : memref<32x128xi32, #tpu.memory_space<vmem>> -> memref<1x128xi32, #tpu.memory_space<vmem>>
    %dma_start3A_351 = tpu.memref_squeeze %dma_start3A_350 : memref<1x128xi32, #tpu.memory_space<vmem>> -> memref<128xi32, #tpu.memory_space<vmem>>
    %dma_start3A_352 = arith.constant 0 : i32
    %dma_start3A_353 = arith.constant 0 : i32
    %dma_start3A_354 = tpu.memref_slice %arg3[%dma_start3A_352, %dma_start3A_353] : memref<1015808x64xf32, #tpu.memory_space<hbm>> -> memref<1015808x64xf32, #tpu.memory_space<hbm>>
    %dma_start3A_355 = tpu.memref_slice %arg7[%rem3A_322] : memref<3x!tpu.dma_semaphore, #tpu.memory_space<semaphore_mem>> -> memref<1x!tpu.dma_semaphore, #tpu.memory_space<semaphore_mem>>
    %dma_start3A_356 = tpu.memref_squeeze %dma_start3A_355 : memref<1x!tpu.dma_semaphore, #tpu.memory_space<semaphore_mem>> -> memref<!tpu.dma_semaphore, #tpu.memory_space<semaphore_mem>>
    tpu.enqueue_indirect_dma source(%dma_start3A_354 : memref<1015808x64xf32, #tpu.memory_space<hbm>>) target(%dma_start3A_348 : memref<128x64xf32, #tpu.memory_space<vmem>>) offsets(%dma_start3A_351 : memref<128xi32, #tpu.memory_space<vmem>>) semaphore(%dma_start3A_356 : memref<!tpu.dma_semaphore, #tpu.memory_space<semaphore_mem>>)
    %mul3A_357 = arith.constant 4 : i32
    %mul3A_358 = arith.muli %rem3A_322, %mul3A_357 : i32
    %add3A_359 = arith.constant 2 : i32
    %add3A_360 = arith.addi %mul3A_358, %add3A_359 : i32
    %dma_start3A_361 = arith.constant 10 : i32
    %dma_start3A_362 = arith.constant 0 : i32
    %dma_start3A_363 = arith.constant 0 : i32
    %dma_start3A_364 = tpu.memref_slice %arg6[%add3A_360, %dma_start3A_362, %dma_start3A_363] : memref<12x128x64xf32, #tpu.memory_space<vmem>> -> memref<1x128x64xf32, #tpu.memory_space<vmem>>
    %dma_start3A_365 = tpu.memref_squeeze %dma_start3A_364 : memref<1x128x64xf32, #tpu.memory_space<vmem>> -> memref<128x64xf32, #tpu.memory_space<vmem>>
    %dma_start3A_366 = arith.constant 0 : i32
    %dma_start3A_367 = tpu.memref_slice %arg5[%dma_start3A_361, %dma_start3A_366] : memref<32x128xi32, #tpu.memory_space<vmem>> -> memref<1x128xi32, #tpu.memory_space<vmem>>
    %dma_start3A_368 = tpu.memref_squeeze %dma_start3A_367 : memref<1x128xi32, #tpu.memory_space<vmem>> -> memref<128xi32, #tpu.memory_space<vmem>>
    %dma_start3A_369 = arith.constant 0 : i32
    %dma_start3A_370 = arith.constant 0 : i32
    %dma_start3A_371 = tpu.memref_slice %arg3[%dma_start3A_369, %dma_start3A_370] : memref<1015808x64xf32, #tpu.memory_space<hbm>> -> memref<1015808x64xf32, #tpu.memory_space<hbm>>
    %dma_start3A_372 = tpu.memref_slice %arg7[%rem3A_322] : memref<3x!tpu.dma_semaphore, #tpu.memory_space<semaphore_mem>> -> memref<1x!tpu.dma_semaphore, #tpu.memory_space<semaphore_mem>>
    %dma_start3A_373 = tpu.memref_squeeze %dma_start3A_372 : memref<1x!tpu.dma_semaphore, #tpu.memory_space<semaphore_mem>> -> memref<!tpu.dma_semaphore, #tpu.memory_space<semaphore_mem>>
    tpu.enqueue_indirect_dma source(%dma_start3A_371 : memref<1015808x64xf32, #tpu.memory_space<hbm>>) target(%dma_start3A_365 : memref<128x64xf32, #tpu.memory_space<vmem>>) offsets(%dma_start3A_368 : memref<128xi32, #tpu.memory_space<vmem>>) semaphore(%dma_start3A_373 : memref<!tpu.dma_semaphore, #tpu.memory_space<semaphore_mem>>)
    %mul3A_374 = arith.constant 4 : i32
    %mul3A_375 = arith.muli %rem3A_322, %mul3A_374 : i32
    %add3A_376 = arith.constant 3 : i32
    %add3A_377 = arith.addi %mul3A_375, %add3A_376 : i32
    %dma_start3A_378 = arith.constant 11 : i32
    %dma_start3A_379 = arith.constant 0 : i32
    %dma_start3A_380 = arith.constant 0 : i32
    %dma_start3A_381 = tpu.memref_slice %arg6[%add3A_377, %dma_start3A_379, %dma_start3A_380] : memref<12x128x64xf32, #tpu.memory_space<vmem>> -> memref<1x128x64xf32, #tpu.memory_space<vmem>>
    %dma_start3A_382 = tpu.memref_squeeze %dma_start3A_381 : memref<1x128x64xf32, #tpu.memory_space<vmem>> -> memref<128x64xf32, #tpu.memory_space<vmem>>
    %dma_start3A_383 = arith.constant 0 : i32
    %dma_start3A_384 = tpu.memref_slice %arg5[%dma_start3A_378, %dma_start3A_383] : memref<32x128xi32, #tpu.memory_space<vmem>> -> memref<1x128xi32, #tpu.memory_space<vmem>>
    %dma_start3A_385 = tpu.memref_squeeze %dma_start3A_384 : memref<1x128xi32, #tpu.memory_space<vmem>> -> memref<128xi32, #tpu.memory_space<vmem>>
    %dma_start3A_386 = arith.constant 0 : i32
    %dma_start3A_387 = arith.constant 0 : i32
    %dma_start3A_388 = tpu.memref_slice %arg3[%dma_start3A_386, %dma_start3A_387] : memref<1015808x64xf32, #tpu.memory_space<hbm>> -> memref<1015808x64xf32, #tpu.memory_space<hbm>>
    %dma_start3A_389 = tpu.memref_slice %arg7[%rem3A_322] : memref<3x!tpu.dma_semaphore, #tpu.memory_space<semaphore_mem>> -> memref<1x!tpu.dma_semaphore, #tpu.memory_space<semaphore_mem>>
    %dma_start3A_390 = tpu.memref_squeeze %dma_start3A_389 : memref<1x!tpu.dma_semaphore, #tpu.memory_space<semaphore_mem>> -> memref<!tpu.dma_semaphore, #tpu.memory_space<semaphore_mem>>
    tpu.enqueue_indirect_dma source(%dma_start3A_388 : memref<1015808x64xf32, #tpu.memory_space<hbm>>) target(%dma_start3A_382 : memref<128x64xf32, #tpu.memory_space<vmem>>) offsets(%dma_start3A_385 : memref<128xi32, #tpu.memory_space<vmem>>) semaphore(%dma_start3A_390 : memref<!tpu.dma_semaphore, #tpu.memory_space<semaphore_mem>>)
    %scan3A = arith.constant 0 : i32
    %scan3A_391 = arith.constant 1 : i32
    %scan3A_392 = arith.constant 5 : i32
    %scan3A_393 = arith.addi %scan3A_391, %scan3A_392 : i32
    %scan3A_394 = arith.constant 1 : i32
    scf.for %scan3A_965 = %scan3A_391 to %scan3A_393 step %scan3A_394  : i32 {
      %rem3A_966 = arith.constant 3 : i32
      %rem3A_967 = arith.remsi %scan3A_965, %rem3A_966 : i32
      %dma_wait3A_968 = arith.constant 0 : i32
      %dma_wait3A_969 = arith.constant 0 : i32
      %dma_wait3A_970 = arith.constant 0 : i32
      %dma_wait3A_971 = tpu.memref_slice %arg6[%dma_wait3A_968, %dma_wait3A_969, %dma_wait3A_970] : memref<12x128x64xf32, #tpu.memory_space<vmem>> -> memref<1x128x64xf32, #tpu.memory_space<vmem>>
      %dma_wait3A_972 = tpu.memref_squeeze %dma_wait3A_971 : memref<1x128x64xf32, #tpu.memory_space<vmem>> -> memref<128x64xf32, #tpu.memory_space<vmem>>
      %dma_wait3A_973 = arith.constant 0 : i32
      %dma_wait3A_974 = arith.constant 0 : i32
      %dma_wait3A_975 = tpu.memref_slice %arg3[%dma_wait3A_973, %dma_wait3A_974] : memref<1015808x64xf32, #tpu.memory_space<hbm>> -> memref<128x64xf32, #tpu.memory_space<hbm>>
      %dma_wait3A_976 = tpu.memref_slice %arg7[%rem3A_967] : memref<3x!tpu.dma_semaphore, #tpu.memory_space<semaphore_mem>> -> memref<1x!tpu.dma_semaphore, #tpu.memory_space<semaphore_mem>>
      %dma_wait3A_977 = tpu.memref_squeeze %dma_wait3A_976 : memref<1x!tpu.dma_semaphore, #tpu.memory_space<semaphore_mem>> -> memref<!tpu.dma_semaphore, #tpu.memory_space<semaphore_mem>>
      %dma_wait3A_978 = arith.constant 0 : i32
      %dma_wait3A_979 = arith.constant 0 : i32
      %dma_wait3A_980 = tpu.memref_slice %arg6[%dma_wait3A_968, %dma_wait3A_978, %dma_wait3A_979] : memref<12x128x64xf32, #tpu.memory_space<vmem>> -> memref<1x128x64xf32, #tpu.memory_space<vmem>>
      %dma_wait3A_981 = tpu.memref_squeeze %dma_wait3A_980 : memref<1x128x64xf32, #tpu.memory_space<vmem>> -> memref<128x64xf32, #tpu.memory_space<vmem>>
      %dma_wait3A_982 = arith.constant 0 : i32
      %dma_wait3A_983 = arith.constant 0 : i32
      %dma_wait3A_984 = tpu.memref_slice %arg3[%dma_wait3A_982, %dma_wait3A_983] : memref<1015808x64xf32, #tpu.memory_space<hbm>> -> memref<128x64xf32, #tpu.memory_space<hbm>>
      tpu.wait_dma2 semaphore(%dma_wait3A_977 : memref<!tpu.dma_semaphore, #tpu.memory_space<semaphore_mem>>) src(%dma_wait3A_984 : memref<128x64xf32, #tpu.memory_space<hbm>>) dst(%dma_wait3A_981 : memref<128x64xf32, #tpu.memory_space<vmem>>)
      %dma_wait3A_985 = arith.constant 0 : i32
      %dma_wait3A_986 = arith.constant 0 : i32
      %dma_wait3A_987 = arith.constant 0 : i32
      %dma_wait3A_988 = tpu.memref_slice %arg6[%dma_wait3A_985, %dma_wait3A_986, %dma_wait3A_987] : memref<12x128x64xf32, #tpu.memory_space<vmem>> -> memref<1x128x64xf32, #tpu.memory_space<vmem>>
      %dma_wait3A_989 = tpu.memref_squeeze %dma_wait3A_988 : memref<1x128x64xf32, #tpu.memory_space<vmem>> -> memref<128x64xf32, #tpu.memory_space<vmem>>
      %dma_wait3A_990 = arith.constant 0 : i32
      %dma_wait3A_991 = arith.constant 0 : i32
      %dma_wait3A_992 = tpu.memref_slice %arg3[%dma_wait3A_990, %dma_wait3A_991] : memref<1015808x64xf32, #tpu.memory_space<hbm>> -> memref<128x64xf32, #tpu.memory_space<hbm>>
      %dma_wait3A_993 = tpu.memref_slice %arg7[%rem3A_967] : memref<3x!tpu.dma_semaphore, #tpu.memory_space<semaphore_mem>> -> memref<1x!tpu.dma_semaphore, #tpu.memory_space<semaphore_mem>>
      %dma_wait3A_994 = tpu.memref_squeeze %dma_wait3A_993 : memref<1x!tpu.dma_semaphore, #tpu.memory_space<semaphore_mem>> -> memref<!tpu.dma_semaphore, #tpu.memory_space<semaphore_mem>>
      %dma_wait3A_995 = arith.constant 0 : i32
      %dma_wait3A_996 = arith.constant 0 : i32
      %dma_wait3A_997 = tpu.memref_slice %arg6[%dma_wait3A_985, %dma_wait3A_995, %dma_wait3A_996] : memref<12x128x64xf32, #tpu.memory_space<vmem>> -> memref<1x128x64xf32, #tpu.memory_space<vmem>>
      %dma_wait3A_998 = tpu.memref_squeeze %dma_wait3A_997 : memref<1x128x64xf32, #tpu.memory_space<vmem>> -> memref<128x64xf32, #tpu.memory_space<vmem>>
      %dma_wait3A_999 = arith.constant 0 : i32
      %dma_wait3A_1000 = arith.constant 0 : i32
      %dma_wait3A_1001 = tpu.memref_slice %arg3[%dma_wait3A_999, %dma_wait3A_1000] : memref<1015808x64xf32, #tpu.memory_space<hbm>> -> memref<128x64xf32, #tpu.memory_space<hbm>>
      tpu.wait_dma2 semaphore(%dma_wait3A_994 : memref<!tpu.dma_semaphore, #tpu.memory_space<semaphore_mem>>) src(%dma_wait3A_1001 : memref<128x64xf32, #tpu.memory_space<hbm>>) dst(%dma_wait3A_998 : memref<128x64xf32, #tpu.memory_space<vmem>>)
      %dma_wait3A_1002 = arith.constant 0 : i32
      %dma_wait3A_1003 = arith.constant 0 : i32
      %dma_wait3A_1004 = arith.constant 0 : i32
      %dma_wait3A_1005 = tpu.memref_slice %arg6[%dma_wait3A_1002, %dma_wait3A_1003, %dma_wait3A_1004] : memref<12x128x64xf32, #tpu.memory_space<vmem>> -> memref<1x128x64xf32, #tpu.memory_space<vmem>>
      %dma_wait3A_1006 = tpu.memref_squeeze %dma_wait3A_1005 : memref<1x128x64xf32, #tpu.memory_space<vmem>> -> memref<128x64xf32, #tpu.memory_space<vmem>>
      %dma_wait3A_1007 = arith.constant 0 : i32
      %dma_wait3A_1008 = arith.constant 0 : i32
      %dma_wait3A_1009 = tpu.memref_slice %arg3[%dma_wait3A_1007, %dma_wait3A_1008] : memref<1015808x64xf32, #tpu.memory_space<hbm>> -> memref<128x64xf32, #tpu.memory_space<hbm>>
      %dma_wait3A_1010 = tpu.memref_slice %arg7[%rem3A_967] : memref<3x!tpu.dma_semaphore, #tpu.memory_space<semaphore_mem>> -> memref<1x!tpu.dma_semaphore, #tpu.memory_space<semaphore_mem>>
      %dma_wait3A_1011 = tpu.memref_squeeze %dma_wait3A_1010 : memref<1x!tpu.dma_semaphore, #tpu.memory_space<semaphore_mem>> -> memref<!tpu.dma_semaphore, #tpu.memory_space<semaphore_mem>>
      %dma_wait3A_1012 = arith.constant 0 : i32
      %dma_wait3A_1013 = arith.constant 0 : i32
      %dma_wait3A_1014 = tpu.memref_slice %arg6[%dma_wait3A_1002, %dma_wait3A_1012, %dma_wait3A_1013] : memref<12x128x64xf32, #tpu.memory_space<vmem>> -> memref<1x128x64xf32, #tpu.memory_space<vmem>>
      %dma_wait3A_1015 = tpu.memref_squeeze %dma_wait3A_1014 : memref<1x128x64xf32, #tpu.memory_space<vmem>> -> memref<128x64xf32, #tpu.memory_space<vmem>>
      %dma_wait3A_1016 = arith.constant 0 : i32
      %dma_wait3A_1017 = arith.constant 0 : i32
      %dma_wait3A_1018 = tpu.memref_slice %arg3[%dma_wait3A_1016, %dma_wait3A_1017] : memref<1015808x64xf32, #tpu.memory_space<hbm>> -> memref<128x64xf32, #tpu.memory_space<hbm>>
      tpu.wait_dma2 semaphore(%dma_wait3A_1011 : memref<!tpu.dma_semaphore, #tpu.memory_space<semaphore_mem>>) src(%dma_wait3A_1018 : memref<128x64xf32, #tpu.memory_space<hbm>>) dst(%dma_wait3A_1015 : memref<128x64xf32, #tpu.memory_space<vmem>>)
      %dma_wait3A_1019 = arith.constant 0 : i32
      %dma_wait3A_1020 = arith.constant 0 : i32
      %dma_wait3A_1021 = arith.constant 0 : i32
      %dma_wait3A_1022 = tpu.memref_slice %arg6[%dma_wait3A_1019, %dma_wait3A_1020, %dma_wait3A_1021] : memref<12x128x64xf32, #tpu.memory_space<vmem>> -> memref<1x128x64xf32, #tpu.memory_space<vmem>>
      %dma_wait3A_1023 = tpu.memref_squeeze %dma_wait3A_1022 : memref<1x128x64xf32, #tpu.memory_space<vmem>> -> memref<128x64xf32, #tpu.memory_space<vmem>>
      %dma_wait3A_1024 = arith.constant 0 : i32
      %dma_wait3A_1025 = arith.constant 0 : i32
      %dma_wait3A_1026 = tpu.memref_slice %arg3[%dma_wait3A_1024, %dma_wait3A_1025] : memref<1015808x64xf32, #tpu.memory_space<hbm>> -> memref<128x64xf32, #tpu.memory_space<hbm>>
      %dma_wait3A_1027 = tpu.memref_slice %arg7[%rem3A_967] : memref<3x!tpu.dma_semaphore, #tpu.memory_space<semaphore_mem>> -> memref<1x!tpu.dma_semaphore, #tpu.memory_space<semaphore_mem>>
      %dma_wait3A_1028 = tpu.memref_squeeze %dma_wait3A_1027 : memref<1x!tpu.dma_semaphore, #tpu.memory_space<semaphore_mem>> -> memref<!tpu.dma_semaphore, #tpu.memory_space<semaphore_mem>>
      %dma_wait3A_1029 = arith.constant 0 : i32
      %dma_wait3A_1030 = arith.constant 0 : i32
      %dma_wait3A_1031 = tpu.memref_slice %arg6[%dma_wait3A_1019, %dma_wait3A_1029, %dma_wait3A_1030] : memref<12x128x64xf32, #tpu.memory_space<vmem>> -> memref<1x128x64xf32, #tpu.memory_space<vmem>>
      %dma_wait3A_1032 = tpu.memref_squeeze %dma_wait3A_1031 : memref<1x128x64xf32, #tpu.memory_space<vmem>> -> memref<128x64xf32, #tpu.memory_space<vmem>>
      %dma_wait3A_1033 = arith.constant 0 : i32
      %dma_wait3A_1034 = arith.constant 0 : i32
      %dma_wait3A_1035 = tpu.memref_slice %arg3[%dma_wait3A_1033, %dma_wait3A_1034] : memref<1015808x64xf32, #tpu.memory_space<hbm>> -> memref<128x64xf32, #tpu.memory_space<hbm>>
      tpu.wait_dma2 semaphore(%dma_wait3A_1028 : memref<!tpu.dma_semaphore, #tpu.memory_space<semaphore_mem>>) src(%dma_wait3A_1035 : memref<128x64xf32, #tpu.memory_space<hbm>>) dst(%dma_wait3A_1032 : memref<128x64xf32, #tpu.memory_space<vmem>>)
      %sub3A = arith.constant 1 : i32
      %sub3A_1036 = arith.subi %scan3A_965, %sub3A : i32
      %rem3A_1037 = arith.constant 3 : i32
      %rem3A_1038 = arith.remsi %sub3A_1036, %rem3A_1037 : i32
      %dma_wait3A_1039 = arith.constant 0 : i32
      %dma_wait3A_1040 = arith.constant 0 : i32
      %dma_wait3A_1041 = arith.constant 0 : i32
      %dma_wait3A_1042 = tpu.memref_slice %arg6[%dma_wait3A_1039, %dma_wait3A_1040, %dma_wait3A_1041] : memref<12x128x64xf32, #tpu.memory_space<vmem>> -> memref<1x128x64xf32, #tpu.memory_space<vmem>>
      %dma_wait3A_1043 = tpu.memref_squeeze %dma_wait3A_1042 : memref<1x128x64xf32, #tpu.memory_space<vmem>> -> memref<128x64xf32, #tpu.memory_space<vmem>>
      %dma_wait3A_1044 = arith.constant 0 : i32
      %dma_wait3A_1045 = arith.constant 0 : i32
      %dma_wait3A_1046 = tpu.memref_slice %arg3[%dma_wait3A_1044, %dma_wait3A_1045] : memref<1015808x64xf32, #tpu.memory_space<hbm>> -> memref<128x64xf32, #tpu.memory_space<hbm>>
      %dma_wait3A_1047 = tpu.memref_slice %arg8[%rem3A_1038] : memref<3x!tpu.dma_semaphore, #tpu.memory_space<semaphore_mem>> -> memref<1x!tpu.dma_semaphore, #tpu.memory_space<semaphore_mem>>
      %dma_wait3A_1048 = tpu.memref_squeeze %dma_wait3A_1047 : memref<1x!tpu.dma_semaphore, #tpu.memory_space<semaphore_mem>> -> memref<!tpu.dma_semaphore, #tpu.memory_space<semaphore_mem>>
      %dma_wait3A_1049 = arith.constant 0 : i32
      %dma_wait3A_1050 = arith.constant 0 : i32
      %dma_wait3A_1051 = tpu.memref_slice %arg6[%dma_wait3A_1039, %dma_wait3A_1049, %dma_wait3A_1050] : memref<12x128x64xf32, #tpu.memory_space<vmem>> -> memref<1x128x64xf32, #tpu.memory_space<vmem>>
      %dma_wait3A_1052 = tpu.memref_squeeze %dma_wait3A_1051 : memref<1x128x64xf32, #tpu.memory_space<vmem>> -> memref<128x64xf32, #tpu.memory_space<vmem>>
      %dma_wait3A_1053 = arith.constant 0 : i32
      %dma_wait3A_1054 = arith.constant 0 : i32
      %dma_wait3A_1055 = tpu.memref_slice %arg3[%dma_wait3A_1053, %dma_wait3A_1054] : memref<1015808x64xf32, #tpu.memory_space<hbm>> -> memref<128x64xf32, #tpu.memory_space<hbm>>
      tpu.wait_dma2 semaphore(%dma_wait3A_1048 : memref<!tpu.dma_semaphore, #tpu.memory_space<semaphore_mem>>) src(%dma_wait3A_1055 : memref<128x64xf32, #tpu.memory_space<hbm>>) dst(%dma_wait3A_1052 : memref<128x64xf32, #tpu.memory_space<vmem>>)
      %dma_wait3A_1056 = arith.constant 0 : i32
      %dma_wait3A_1057 = arith.constant 0 : i32
      %dma_wait3A_1058 = arith.constant 0 : i32
      %dma_wait3A_1059 = tpu.memref_slice %arg6[%dma_wait3A_1056, %dma_wait3A_1057, %dma_wait3A_1058] : memref<12x128x64xf32, #tpu.memory_space<vmem>> -> memref<1x128x64xf32, #tpu.memory_space<vmem>>
      %dma_wait3A_1060 = tpu.memref_squeeze %dma_wait3A_1059 : memref<1x128x64xf32, #tpu.memory_space<vmem>> -> memref<128x64xf32, #tpu.memory_space<vmem>>
      %dma_wait3A_1061 = arith.constant 0 : i32
      %dma_wait3A_1062 = arith.constant 0 : i32
      %dma_wait3A_1063 = tpu.memref_slice %arg3[%dma_wait3A_1061, %dma_wait3A_1062] : memref<1015808x64xf32, #tpu.memory_space<hbm>> -> memref<128x64xf32, #tpu.memory_space<hbm>>
      %dma_wait3A_1064 = tpu.memref_slice %arg8[%rem3A_1038] : memref<3x!tpu.dma_semaphore, #tpu.memory_space<semaphore_mem>> -> memref<1x!tpu.dma_semaphore, #tpu.memory_space<semaphore_mem>>
      %dma_wait3A_1065 = tpu.memref_squeeze %dma_wait3A_1064 : memref<1x!tpu.dma_semaphore, #tpu.memory_space<semaphore_mem>> -> memref<!tpu.dma_semaphore, #tpu.memory_space<semaphore_mem>>
      %dma_wait3A_1066 = arith.constant 0 : i32
      %dma_wait3A_1067 = arith.constant 0 : i32
      %dma_wait3A_1068 = tpu.memref_slice %arg6[%dma_wait3A_1056, %dma_wait3A_1066, %dma_wait3A_1067] : memref<12x128x64xf32, #tpu.memory_space<vmem>> -> memref<1x128x64xf32, #tpu.memory_space<vmem>>
      %dma_wait3A_1069 = tpu.memref_squeeze %dma_wait3A_1068 : memref<1x128x64xf32, #tpu.memory_space<vmem>> -> memref<128x64xf32, #tpu.memory_space<vmem>>
      %dma_wait3A_1070 = arith.constant 0 : i32
      %dma_wait3A_1071 = arith.constant 0 : i32
      %dma_wait3A_1072 = tpu.memref_slice %arg3[%dma_wait3A_1070, %dma_wait3A_1071] : memref<1015808x64xf32, #tpu.memory_space<hbm>> -> memref<128x64xf32, #tpu.memory_space<hbm>>
      tpu.wait_dma2 semaphore(%dma_wait3A_1065 : memref<!tpu.dma_semaphore, #tpu.memory_space<semaphore_mem>>) src(%dma_wait3A_1072 : memref<128x64xf32, #tpu.memory_space<hbm>>) dst(%dma_wait3A_1069 : memref<128x64xf32, #tpu.memory_space<vmem>>)
      %dma_wait3A_1073 = arith.constant 0 : i32
      %dma_wait3A_1074 = arith.constant 0 : i32
      %dma_wait3A_1075 = arith.constant 0 : i32
      %dma_wait3A_1076 = tpu.memref_slice %arg6[%dma_wait3A_1073, %dma_wait3A_1074, %dma_wait3A_1075] : memref<12x128x64xf32, #tpu.memory_space<vmem>> -> memref<1x128x64xf32, #tpu.memory_space<vmem>>
      %dma_wait3A_1077 = tpu.memref_squeeze %dma_wait3A_1076 : memref<1x128x64xf32, #tpu.memory_space<vmem>> -> memref<128x64xf32, #tpu.memory_space<vmem>>
      %dma_wait3A_1078 = arith.constant 0 : i32
      %dma_wait3A_1079 = arith.constant 0 : i32
      %dma_wait3A_1080 = tpu.memref_slice %arg3[%dma_wait3A_1078, %dma_wait3A_1079] : memref<1015808x64xf32, #tpu.memory_space<hbm>> -> memref<128x64xf32, #tpu.memory_space<hbm>>
      %dma_wait3A_1081 = tpu.memref_slice %arg8[%rem3A_1038] : memref<3x!tpu.dma_semaphore, #tpu.memory_space<semaphore_mem>> -> memref<1x!tpu.dma_semaphore, #tpu.memory_space<semaphore_mem>>
      %dma_wait3A_1082 = tpu.memref_squeeze %dma_wait3A_1081 : memref<1x!tpu.dma_semaphore, #tpu.memory_space<semaphore_mem>> -> memref<!tpu.dma_semaphore, #tpu.memory_space<semaphore_mem>>
      %dma_wait3A_1083 = arith.constant 0 : i32
      %dma_wait3A_1084 = arith.constant 0 : i32
      %dma_wait3A_1085 = tpu.memref_slice %arg6[%dma_wait3A_1073, %dma_wait3A_1083, %dma_wait3A_1084] : memref<12x128x64xf32, #tpu.memory_space<vmem>> -> memref<1x128x64xf32, #tpu.memory_space<vmem>>
      %dma_wait3A_1086 = tpu.memref_squeeze %dma_wait3A_1085 : memref<1x128x64xf32, #tpu.memory_space<vmem>> -> memref<128x64xf32, #tpu.memory_space<vmem>>
      %dma_wait3A_1087 = arith.constant 0 : i32
      %dma_wait3A_1088 = arith.constant 0 : i32
      %dma_wait3A_1089 = tpu.memref_slice %arg3[%dma_wait3A_1087, %dma_wait3A_1088] : memref<1015808x64xf32, #tpu.memory_space<hbm>> -> memref<128x64xf32, #tpu.memory_space<hbm>>
      tpu.wait_dma2 semaphore(%dma_wait3A_1082 : memref<!tpu.dma_semaphore, #tpu.memory_space<semaphore_mem>>) src(%dma_wait3A_1089 : memref<128x64xf32, #tpu.memory_space<hbm>>) dst(%dma_wait3A_1086 : memref<128x64xf32, #tpu.memory_space<vmem>>)
      %dma_wait3A_1090 = arith.constant 0 : i32
      %dma_wait3A_1091 = arith.constant 0 : i32
      %dma_wait3A_1092 = arith.constant 0 : i32
      %dma_wait3A_1093 = tpu.memref_slice %arg6[%dma_wait3A_1090, %dma_wait3A_1091, %dma_wait3A_1092] : memref<12x128x64xf32, #tpu.memory_space<vmem>> -> memref<1x128x64xf32, #tpu.memory_space<vmem>>
      %dma_wait3A_1094 = tpu.memref_squeeze %dma_wait3A_1093 : memref<1x128x64xf32, #tpu.memory_space<vmem>> -> memref<128x64xf32, #tpu.memory_space<vmem>>
      %dma_wait3A_1095 = arith.constant 0 : i32
      %dma_wait3A_1096 = arith.constant 0 : i32
      %dma_wait3A_1097 = tpu.memref_slice %arg3[%dma_wait3A_1095, %dma_wait3A_1096] : memref<1015808x64xf32, #tpu.memory_space<hbm>> -> memref<128x64xf32, #tpu.memory_space<hbm>>
      %dma_wait3A_1098 = tpu.memref_slice %arg8[%rem3A_1038] : memref<3x!tpu.dma_semaphore, #tpu.memory_space<semaphore_mem>> -> memref<1x!tpu.dma_semaphore, #tpu.memory_space<semaphore_mem>>
      %dma_wait3A_1099 = tpu.memref_squeeze %dma_wait3A_1098 : memref<1x!tpu.dma_semaphore, #tpu.memory_space<semaphore_mem>> -> memref<!tpu.dma_semaphore, #tpu.memory_space<semaphore_mem>>
      %dma_wait3A_1100 = arith.constant 0 : i32
      %dma_wait3A_1101 = arith.constant 0 : i32
      %dma_wait3A_1102 = tpu.memref_slice %arg6[%dma_wait3A_1090, %dma_wait3A_1100, %dma_wait3A_1101] : memref<12x128x64xf32, #tpu.memory_space<vmem>> -> memref<1x128x64xf32, #tpu.memory_space<vmem>>
      %dma_wait3A_1103 = tpu.memref_squeeze %dma_wait3A_1102 : memref<1x128x64xf32, #tpu.memory_space<vmem>> -> memref<128x64xf32, #tpu.memory_space<vmem>>
      %dma_wait3A_1104 = arith.constant 0 : i32
      %dma_wait3A_1105 = arith.constant 0 : i32
      %dma_wait3A_1106 = tpu.memref_slice %arg3[%dma_wait3A_1104, %dma_wait3A_1105] : memref<1015808x64xf32, #tpu.memory_space<hbm>> -> memref<128x64xf32, #tpu.memory_space<hbm>>
      tpu.wait_dma2 semaphore(%dma_wait3A_1099 : memref<!tpu.dma_semaphore, #tpu.memory_space<semaphore_mem>>) src(%dma_wait3A_1106 : memref<128x64xf32, #tpu.memory_space<hbm>>) dst(%dma_wait3A_1103 : memref<128x64xf32, #tpu.memory_space<vmem>>)
      %rem3A_1107 = arith.constant 3 : i32
      %rem3A_1108 = arith.remsi %scan3A_965, %rem3A_1107 : i32
      %mul3A_1109 = arith.constant 4 : i32
      %mul3A_1110 = arith.muli %rem3A_1108, %mul3A_1109 : i32
      %add3A_1111 = arith.constant 0 : i32
      %add3A_1112 = arith.addi %mul3A_1110, %add3A_1111 : i32
      %mul3A_1113 = arith.constant 4 : i32
      %mul3A_1114 = arith.muli %scan3A_965, %mul3A_1113 : i32
      %add3A_1115 = arith.addi %mul3A_2, %mul3A_1114 : i32
      %add3A_1116 = arith.constant 0 : i32
      %add3A_1117 = arith.addi %add3A_1115, %add3A_1116 : i32
      %dma_start3A_1118 = arith.constant 0 : i32
      %dma_start3A_1119 = arith.constant 0 : i32
      %dma_start3A_1120 = tpu.memref_slice %arg6[%add3A_1112, %dma_start3A_1118, %dma_start3A_1119] : memref<12x128x64xf32, #tpu.memory_space<vmem>> -> memref<1x128x64xf32, #tpu.memory_space<vmem>>
      %dma_start3A_1121 = tpu.memref_squeeze %dma_start3A_1120 : memref<1x128x64xf32, #tpu.memory_space<vmem>> -> memref<128x64xf32, #tpu.memory_space<vmem>>
      %dma_start3A_1122 = arith.constant 0 : i32
      %dma_start3A_1123 = arith.constant 0 : i32
      %dma_start3A_1124 = tpu.memref_slice %arg4[%add3A_1117, %dma_start3A_1122, %dma_start3A_1123] : memref<1024x128x64xf32, #tpu.memory_space<hbm>> -> memref<1x128x64xf32, #tpu.memory_space<hbm>>
      %dma_start3A_1125 = tpu.memref_squeeze %dma_start3A_1124 : memref<1x128x64xf32, #tpu.memory_space<hbm>> -> memref<128x64xf32, #tpu.memory_space<hbm>>
      %dma_start3A_1126 = tpu.memref_slice %arg8[%rem3A_1108] : memref<3x!tpu.dma_semaphore, #tpu.memory_space<semaphore_mem>> -> memref<1x!tpu.dma_semaphore, #tpu.memory_space<semaphore_mem>>
      %dma_start3A_1127 = tpu.memref_squeeze %dma_start3A_1126 : memref<1x!tpu.dma_semaphore, #tpu.memory_space<semaphore_mem>> -> memref<!tpu.dma_semaphore, #tpu.memory_space<semaphore_mem>>
      %dma_start3A_1128 = arith.constant 0 : i32
      %dma_start3A_1129 = arith.constant 0 : i32
      %dma_start3A_1130 = tpu.memref_slice %arg4[%add3A_1117, %dma_start3A_1128, %dma_start3A_1129] : memref<1024x128x64xf32, #tpu.memory_space<hbm>> -> memref<1x128x64xf32, #tpu.memory_space<hbm>>
      %dma_start3A_1131 = tpu.memref_squeeze %dma_start3A_1130 : memref<1x128x64xf32, #tpu.memory_space<hbm>> -> memref<128x64xf32, #tpu.memory_space<hbm>>
      %dma_start3A_1132 = arith.constant 0 : i32
      %dma_start3A_1133 = arith.constant 0 : i32
      %dma_start3A_1134 = tpu.memref_slice %arg6[%add3A_1112, %dma_start3A_1132, %dma_start3A_1133] : memref<12x128x64xf32, #tpu.memory_space<vmem>> -> memref<1x128x64xf32, #tpu.memory_space<vmem>>
      %dma_start3A_1135 = tpu.memref_squeeze %dma_start3A_1134 : memref<1x128x64xf32, #tpu.memory_space<vmem>> -> memref<128x64xf32, #tpu.memory_space<vmem>>
      tpu.enqueue_dma source(%dma_start3A_1135 : memref<128x64xf32, #tpu.memory_space<vmem>>) target(%dma_start3A_1131 : memref<128x64xf32, #tpu.memory_space<hbm>>) target_semaphore(%dma_start3A_1127 : memref<!tpu.dma_semaphore, #tpu.memory_space<semaphore_mem>>)
      %mul3A_1136 = arith.constant 4 : i32
      %mul3A_1137 = arith.muli %rem3A_1108, %mul3A_1136 : i32
      %add3A_1138 = arith.constant 1 : i32
      %add3A_1139 = arith.addi %mul3A_1137, %add3A_1138 : i32
      %mul3A_1140 = arith.constant 4 : i32
      %mul3A_1141 = arith.muli %scan3A_965, %mul3A_1140 : i32
      %add3A_1142 = arith.addi %mul3A_2, %mul3A_1141 : i32
      %add3A_1143 = arith.constant 1 : i32
      %add3A_1144 = arith.addi %add3A_1142, %add3A_1143 : i32
      %dma_start3A_1145 = arith.constant 0 : i32
      %dma_start3A_1146 = arith.constant 0 : i32
      %dma_start3A_1147 = tpu.memref_slice %arg6[%add3A_1139, %dma_start3A_1145, %dma_start3A_1146] : memref<12x128x64xf32, #tpu.memory_space<vmem>> -> memref<1x128x64xf32, #tpu.memory_space<vmem>>
      %dma_start3A_1148 = tpu.memref_squeeze %dma_start3A_1147 : memref<1x128x64xf32, #tpu.memory_space<vmem>> -> memref<128x64xf32, #tpu.memory_space<vmem>>
      %dma_start3A_1149 = arith.constant 0 : i32
      %dma_start3A_1150 = arith.constant 0 : i32
      %dma_start3A_1151 = tpu.memref_slice %arg4[%add3A_1144, %dma_start3A_1149, %dma_start3A_1150] : memref<1024x128x64xf32, #tpu.memory_space<hbm>> -> memref<1x128x64xf32, #tpu.memory_space<hbm>>
      %dma_start3A_1152 = tpu.memref_squeeze %dma_start3A_1151 : memref<1x128x64xf32, #tpu.memory_space<hbm>> -> memref<128x64xf32, #tpu.memory_space<hbm>>
      %dma_start3A_1153 = tpu.memref_slice %arg8[%rem3A_1108] : memref<3x!tpu.dma_semaphore, #tpu.memory_space<semaphore_mem>> -> memref<1x!tpu.dma_semaphore, #tpu.memory_space<semaphore_mem>>
      %dma_start3A_1154 = tpu.memref_squeeze %dma_start3A_1153 : memref<1x!tpu.dma_semaphore, #tpu.memory_space<semaphore_mem>> -> memref<!tpu.dma_semaphore, #tpu.memory_space<semaphore_mem>>
      %dma_start3A_1155 = arith.constant 0 : i32
      %dma_start3A_1156 = arith.constant 0 : i32
      %dma_start3A_1157 = tpu.memref_slice %arg4[%add3A_1144, %dma_start3A_1155, %dma_start3A_1156] : memref<1024x128x64xf32, #tpu.memory_space<hbm>> -> memref<1x128x64xf32, #tpu.memory_space<hbm>>
      %dma_start3A_1158 = tpu.memref_squeeze %dma_start3A_1157 : memref<1x128x64xf32, #tpu.memory_space<hbm>> -> memref<128x64xf32, #tpu.memory_space<hbm>>
      %dma_start3A_1159 = arith.constant 0 : i32
      %dma_start3A_1160 = arith.constant 0 : i32
      %dma_start3A_1161 = tpu.memref_slice %arg6[%add3A_1139, %dma_start3A_1159, %dma_start3A_1160] : memref<12x128x64xf32, #tpu.memory_space<vmem>> -> memref<1x128x64xf32, #tpu.memory_space<vmem>>
      %dma_start3A_1162 = tpu.memref_squeeze %dma_start3A_1161 : memref<1x128x64xf32, #tpu.memory_space<vmem>> -> memref<128x64xf32, #tpu.memory_space<vmem>>
      tpu.enqueue_dma source(%dma_start3A_1162 : memref<128x64xf32, #tpu.memory_space<vmem>>) target(%dma_start3A_1158 : memref<128x64xf32, #tpu.memory_space<hbm>>) target_semaphore(%dma_start3A_1154 : memref<!tpu.dma_semaphore, #tpu.memory_space<semaphore_mem>>)
      %mul3A_1163 = arith.constant 4 : i32
      %mul3A_1164 = arith.muli %rem3A_1108, %mul3A_1163 : i32
      %add3A_1165 = arith.constant 2 : i32
      %add3A_1166 = arith.addi %mul3A_1164, %add3A_1165 : i32
      %mul3A_1167 = arith.constant 4 : i32
      %mul3A_1168 = arith.muli %scan3A_965, %mul3A_1167 : i32
      %add3A_1169 = arith.addi %mul3A_2, %mul3A_1168 : i32
      %add3A_1170 = arith.constant 2 : i32
      %add3A_1171 = arith.addi %add3A_1169, %add3A_1170 : i32
      %dma_start3A_1172 = arith.constant 0 : i32
      %dma_start3A_1173 = arith.constant 0 : i32
      %dma_start3A_1174 = tpu.memref_slice %arg6[%add3A_1166, %dma_start3A_1172, %dma_start3A_1173] : memref<12x128x64xf32, #tpu.memory_space<vmem>> -> memref<1x128x64xf32, #tpu.memory_space<vmem>>
      %dma_start3A_1175 = tpu.memref_squeeze %dma_start3A_1174 : memref<1x128x64xf32, #tpu.memory_space<vmem>> -> memref<128x64xf32, #tpu.memory_space<vmem>>
      %dma_start3A_1176 = arith.constant 0 : i32
      %dma_start3A_1177 = arith.constant 0 : i32
      %dma_start3A_1178 = tpu.memref_slice %arg4[%add3A_1171, %dma_start3A_1176, %dma_start3A_1177] : memref<1024x128x64xf32, #tpu.memory_space<hbm>> -> memref<1x128x64xf32, #tpu.memory_space<hbm>>
      %dma_start3A_1179 = tpu.memref_squeeze %dma_start3A_1178 : memref<1x128x64xf32, #tpu.memory_space<hbm>> -> memref<128x64xf32, #tpu.memory_space<hbm>>
      %dma_start3A_1180 = tpu.memref_slice %arg8[%rem3A_1108] : memref<3x!tpu.dma_semaphore, #tpu.memory_space<semaphore_mem>> -> memref<1x!tpu.dma_semaphore, #tpu.memory_space<semaphore_mem>>
      %dma_start3A_1181 = tpu.memref_squeeze %dma_start3A_1180 : memref<1x!tpu.dma_semaphore, #tpu.memory_space<semaphore_mem>> -> memref<!tpu.dma_semaphore, #tpu.memory_space<semaphore_mem>>
      %dma_start3A_1182 = arith.constant 0 : i32
      %dma_start3A_1183 = arith.constant 0 : i32
      %dma_start3A_1184 = tpu.memref_slice %arg4[%add3A_1171, %dma_start3A_1182, %dma_start3A_1183] : memref<1024x128x64xf32, #tpu.memory_space<hbm>> -> memref<1x128x64xf32, #tpu.memory_space<hbm>>
      %dma_start3A_1185 = tpu.memref_squeeze %dma_start3A_1184 : memref<1x128x64xf32, #tpu.memory_space<hbm>> -> memref<128x64xf32, #tpu.memory_space<hbm>>
      %dma_start3A_1186 = arith.constant 0 : i32
      %dma_start3A_1187 = arith.constant 0 : i32
      %dma_start3A_1188 = tpu.memref_slice %arg6[%add3A_1166, %dma_start3A_1186, %dma_start3A_1187] : memref<12x128x64xf32, #tpu.memory_space<vmem>> -> memref<1x128x64xf32, #tpu.memory_space<vmem>>
      %dma_start3A_1189 = tpu.memref_squeeze %dma_start3A_1188 : memref<1x128x64xf32, #tpu.memory_space<vmem>> -> memref<128x64xf32, #tpu.memory_space<vmem>>
      tpu.enqueue_dma source(%dma_start3A_1189 : memref<128x64xf32, #tpu.memory_space<vmem>>) target(%dma_start3A_1185 : memref<128x64xf32, #tpu.memory_space<hbm>>) target_semaphore(%dma_start3A_1181 : memref<!tpu.dma_semaphore, #tpu.memory_space<semaphore_mem>>)
      %mul3A_1190 = arith.constant 4 : i32
      %mul3A_1191 = arith.muli %rem3A_1108, %mul3A_1190 : i32
      %add3A_1192 = arith.constant 3 : i32
      %add3A_1193 = arith.addi %mul3A_1191, %add3A_1192 : i32
      %mul3A_1194 = arith.constant 4 : i32
      %mul3A_1195 = arith.muli %scan3A_965, %mul3A_1194 : i32
      %add3A_1196 = arith.addi %mul3A_2, %mul3A_1195 : i32
      %add3A_1197 = arith.constant 3 : i32
      %add3A_1198 = arith.addi %add3A_1196, %add3A_1197 : i32
      %dma_start3A_1199 = arith.constant 0 : i32
      %dma_start3A_1200 = arith.constant 0 : i32
      %dma_start3A_1201 = tpu.memref_slice %arg6[%add3A_1193, %dma_start3A_1199, %dma_start3A_1200] : memref<12x128x64xf32, #tpu.memory_space<vmem>> -> memref<1x128x64xf32, #tpu.memory_space<vmem>>
      %dma_start3A_1202 = tpu.memref_squeeze %dma_start3A_1201 : memref<1x128x64xf32, #tpu.memory_space<vmem>> -> memref<128x64xf32, #tpu.memory_space<vmem>>
      %dma_start3A_1203 = arith.constant 0 : i32
      %dma_start3A_1204 = arith.constant 0 : i32
      %dma_start3A_1205 = tpu.memref_slice %arg4[%add3A_1198, %dma_start3A_1203, %dma_start3A_1204] : memref<1024x128x64xf32, #tpu.memory_space<hbm>> -> memref<1x128x64xf32, #tpu.memory_space<hbm>>
      %dma_start3A_1206 = tpu.memref_squeeze %dma_start3A_1205 : memref<1x128x64xf32, #tpu.memory_space<hbm>> -> memref<128x64xf32, #tpu.memory_space<hbm>>
      %dma_start3A_1207 = tpu.memref_slice %arg8[%rem3A_1108] : memref<3x!tpu.dma_semaphore, #tpu.memory_space<semaphore_mem>> -> memref<1x!tpu.dma_semaphore, #tpu.memory_space<semaphore_mem>>
      %dma_start3A_1208 = tpu.memref_squeeze %dma_start3A_1207 : memref<1x!tpu.dma_semaphore, #tpu.memory_space<semaphore_mem>> -> memref<!tpu.dma_semaphore, #tpu.memory_space<semaphore_mem>>
      %dma_start3A_1209 = arith.constant 0 : i32
      %dma_start3A_1210 = arith.constant 0 : i32
      %dma_start3A_1211 = tpu.memref_slice %arg4[%add3A_1198, %dma_start3A_1209, %dma_start3A_1210] : memref<1024x128x64xf32, #tpu.memory_space<hbm>> -> memref<1x128x64xf32, #tpu.memory_space<hbm>>
      %dma_start3A_1212 = tpu.memref_squeeze %dma_start3A_1211 : memref<1x128x64xf32, #tpu.memory_space<hbm>> -> memref<128x64xf32, #tpu.memory_space<hbm>>
      %dma_start3A_1213 = arith.constant 0 : i32
      %dma_start3A_1214 = arith.constant 0 : i32
      %dma_start3A_1215 = tpu.memref_slice %arg6[%add3A_1193, %dma_start3A_1213, %dma_start3A_1214] : memref<12x128x64xf32, #tpu.memory_space<vmem>> -> memref<1x128x64xf32, #tpu.memory_space<vmem>>
      %dma_start3A_1216 = tpu.memref_squeeze %dma_start3A_1215 : memref<1x128x64xf32, #tpu.memory_space<vmem>> -> memref<128x64xf32, #tpu.memory_space<vmem>>
      tpu.enqueue_dma source(%dma_start3A_1216 : memref<128x64xf32, #tpu.memory_space<vmem>>) target(%dma_start3A_1212 : memref<128x64xf32, #tpu.memory_space<hbm>>) target_semaphore(%dma_start3A_1208 : memref<!tpu.dma_semaphore, #tpu.memory_space<semaphore_mem>>)
      %add3A_1217 = arith.constant 2 : i32
      %add3A_1218 = arith.addi %scan3A_965, %add3A_1217 : i32
      %rem3A_1219 = arith.constant 3 : i32
      %rem3A_1220 = arith.remsi %add3A_1218, %rem3A_1219 : i32
      %mul3A_1221 = arith.constant 4 : i32
      %mul3A_1222 = arith.muli %add3A_1218, %mul3A_1221 : i32
      %add3A_1223 = arith.constant 0 : i32
      %add3A_1224 = arith.addi %mul3A_1222, %add3A_1223 : i32
      %mul3A_1225 = arith.constant 4 : i32
      %mul3A_1226 = arith.muli %rem3A_1220, %mul3A_1225 : i32
      %add3A_1227 = arith.constant 0 : i32
      %add3A_1228 = arith.addi %mul3A_1226, %add3A_1227 : i32
      %dma_start3A_1229 = arith.constant 0 : i32
      %dma_start3A_1230 = arith.constant 0 : i32
      %dma_start3A_1231 = tpu.memref_slice %arg6[%add3A_1228, %dma_start3A_1229, %dma_start3A_1230] : memref<12x128x64xf32, #tpu.memory_space<vmem>> -> memref<1x128x64xf32, #tpu.memory_space<vmem>>
      %dma_start3A_1232 = tpu.memref_squeeze %dma_start3A_1231 : memref<1x128x64xf32, #tpu.memory_space<vmem>> -> memref<128x64xf32, #tpu.memory_space<vmem>>
      %dma_start3A_1233 = arith.constant 0 : i32
      %dma_start3A_1234 = tpu.memref_slice %arg5[%add3A_1224, %dma_start3A_1233] : memref<32x128xi32, #tpu.memory_space<vmem>> -> memref<1x128xi32, #tpu.memory_space<vmem>>
      %dma_start3A_1235 = tpu.memref_squeeze %dma_start3A_1234 : memref<1x128xi32, #tpu.memory_space<vmem>> -> memref<128xi32, #tpu.memory_space<vmem>>
      %dma_start3A_1236 = arith.constant 0 : i32
      %dma_start3A_1237 = arith.constant 0 : i32
      %dma_start3A_1238 = tpu.memref_slice %arg3[%dma_start3A_1236, %dma_start3A_1237] : memref<1015808x64xf32, #tpu.memory_space<hbm>> -> memref<1015808x64xf32, #tpu.memory_space<hbm>>
      %dma_start3A_1239 = tpu.memref_slice %arg7[%rem3A_1220] : memref<3x!tpu.dma_semaphore, #tpu.memory_space<semaphore_mem>> -> memref<1x!tpu.dma_semaphore, #tpu.memory_space<semaphore_mem>>
      %dma_start3A_1240 = tpu.memref_squeeze %dma_start3A_1239 : memref<1x!tpu.dma_semaphore, #tpu.memory_space<semaphore_mem>> -> memref<!tpu.dma_semaphore, #tpu.memory_space<semaphore_mem>>
      tpu.enqueue_indirect_dma source(%dma_start3A_1238 : memref<1015808x64xf32, #tpu.memory_space<hbm>>) target(%dma_start3A_1232 : memref<128x64xf32, #tpu.memory_space<vmem>>) offsets(%dma_start3A_1235 : memref<128xi32, #tpu.memory_space<vmem>>) semaphore(%dma_start3A_1240 : memref<!tpu.dma_semaphore, #tpu.memory_space<semaphore_mem>>)
      %mul3A_1241 = arith.constant 4 : i32
      %mul3A_1242 = arith.muli %add3A_1218, %mul3A_1241 : i32
      %add3A_1243 = arith.constant 1 : i32
      %add3A_1244 = arith.addi %mul3A_1242, %add3A_1243 : i32
      %mul3A_1245 = arith.constant 4 : i32
      %mul3A_1246 = arith.muli %rem3A_1220, %mul3A_1245 : i32
      %add3A_1247 = arith.constant 1 : i32
      %add3A_1248 = arith.addi %mul3A_1246, %add3A_1247 : i32
      %dma_start3A_1249 = arith.constant 0 : i32
      %dma_start3A_1250 = arith.constant 0 : i32
      %dma_start3A_1251 = tpu.memref_slice %arg6[%add3A_1248, %dma_start3A_1249, %dma_start3A_1250] : memref<12x128x64xf32, #tpu.memory_space<vmem>> -> memref<1x128x64xf32, #tpu.memory_space<vmem>>
      %dma_start3A_1252 = tpu.memref_squeeze %dma_start3A_1251 : memref<1x128x64xf32, #tpu.memory_space<vmem>> -> memref<128x64xf32, #tpu.memory_space<vmem>>
      %dma_start3A_1253 = arith.constant 0 : i32
      %dma_start3A_1254 = tpu.memref_slice %arg5[%add3A_1244, %dma_start3A_1253] : memref<32x128xi32, #tpu.memory_space<vmem>> -> memref<1x128xi32, #tpu.memory_space<vmem>>
      %dma_start3A_1255 = tpu.memref_squeeze %dma_start3A_1254 : memref<1x128xi32, #tpu.memory_space<vmem>> -> memref<128xi32, #tpu.memory_space<vmem>>
      %dma_start3A_1256 = arith.constant 0 : i32
      %dma_start3A_1257 = arith.constant 0 : i32
      %dma_start3A_1258 = tpu.memref_slice %arg3[%dma_start3A_1256, %dma_start3A_1257] : memref<1015808x64xf32, #tpu.memory_space<hbm>> -> memref<1015808x64xf32, #tpu.memory_space<hbm>>
      %dma_start3A_1259 = tpu.memref_slice %arg7[%rem3A_1220] : memref<3x!tpu.dma_semaphore, #tpu.memory_space<semaphore_mem>> -> memref<1x!tpu.dma_semaphore, #tpu.memory_space<semaphore_mem>>
      %dma_start3A_1260 = tpu.memref_squeeze %dma_start3A_1259 : memref<1x!tpu.dma_semaphore, #tpu.memory_space<semaphore_mem>> -> memref<!tpu.dma_semaphore, #tpu.memory_space<semaphore_mem>>
      tpu.enqueue_indirect_dma source(%dma_start3A_1258 : memref<1015808x64xf32, #tpu.memory_space<hbm>>) target(%dma_start3A_1252 : memref<128x64xf32, #tpu.memory_space<vmem>>) offsets(%dma_start3A_1255 : memref<128xi32, #tpu.memory_space<vmem>>) semaphore(%dma_start3A_1260 : memref<!tpu.dma_semaphore, #tpu.memory_space<semaphore_mem>>)
      %mul3A_1261 = arith.constant 4 : i32
      %mul3A_1262 = arith.muli %add3A_1218, %mul3A_1261 : i32
      %add3A_1263 = arith.constant 2 : i32
      %add3A_1264 = arith.addi %mul3A_1262, %add3A_1263 : i32
      %mul3A_1265 = arith.constant 4 : i32
      %mul3A_1266 = arith.muli %rem3A_1220, %mul3A_1265 : i32
      %add3A_1267 = arith.constant 2 : i32
      %add3A_1268 = arith.addi %mul3A_1266, %add3A_1267 : i32
      %dma_start3A_1269 = arith.constant 0 : i32
      %dma_start3A_1270 = arith.constant 0 : i32
      %dma_start3A_1271 = tpu.memref_slice %arg6[%add3A_1268, %dma_start3A_1269, %dma_start3A_1270] : memref<12x128x64xf32, #tpu.memory_space<vmem>> -> memref<1x128x64xf32, #tpu.memory_space<vmem>>
      %dma_start3A_1272 = tpu.memref_squeeze %dma_start3A_1271 : memref<1x128x64xf32, #tpu.memory_space<vmem>> -> memref<128x64xf32, #tpu.memory_space<vmem>>
      %dma_start3A_1273 = arith.constant 0 : i32
      %dma_start3A_1274 = tpu.memref_slice %arg5[%add3A_1264, %dma_start3A_1273] : memref<32x128xi32, #tpu.memory_space<vmem>> -> memref<1x128xi32, #tpu.memory_space<vmem>>
      %dma_start3A_1275 = tpu.memref_squeeze %dma_start3A_1274 : memref<1x128xi32, #tpu.memory_space<vmem>> -> memref<128xi32, #tpu.memory_space<vmem>>
      %dma_start3A_1276 = arith.constant 0 : i32
      %dma_start3A_1277 = arith.constant 0 : i32
      %dma_start3A_1278 = tpu.memref_slice %arg3[%dma_start3A_1276, %dma_start3A_1277] : memref<1015808x64xf32, #tpu.memory_space<hbm>> -> memref<1015808x64xf32, #tpu.memory_space<hbm>>
      %dma_start3A_1279 = tpu.memref_slice %arg7[%rem3A_1220] : memref<3x!tpu.dma_semaphore, #tpu.memory_space<semaphore_mem>> -> memref<1x!tpu.dma_semaphore, #tpu.memory_space<semaphore_mem>>
      %dma_start3A_1280 = tpu.memref_squeeze %dma_start3A_1279 : memref<1x!tpu.dma_semaphore, #tpu.memory_space<semaphore_mem>> -> memref<!tpu.dma_semaphore, #tpu.memory_space<semaphore_mem>>
      tpu.enqueue_indirect_dma source(%dma_start3A_1278 : memref<1015808x64xf32, #tpu.memory_space<hbm>>) target(%dma_start3A_1272 : memref<128x64xf32, #tpu.memory_space<vmem>>) offsets(%dma_start3A_1275 : memref<128xi32, #tpu.memory_space<vmem>>) semaphore(%dma_start3A_1280 : memref<!tpu.dma_semaphore, #tpu.memory_space<semaphore_mem>>)
      %mul3A_1281 = arith.constant 4 : i32
      %mul3A_1282 = arith.muli %add3A_1218, %mul3A_1281 : i32
      %add3A_1283 = arith.constant 3 : i32
      %add3A_1284 = arith.addi %mul3A_1282, %add3A_1283 : i32
      %mul3A_1285 = arith.constant 4 : i32
      %mul3A_1286 = arith.muli %rem3A_1220, %mul3A_1285 : i32
      %add3A_1287 = arith.constant 3 : i32
      %add3A_1288 = arith.addi %mul3A_1286, %add3A_1287 : i32
      %dma_start3A_1289 = arith.constant 0 : i32
      %dma_start3A_1290 = arith.constant 0 : i32
      %dma_start3A_1291 = tpu.memref_slice %arg6[%add3A_1288, %dma_start3A_1289, %dma_start3A_1290] : memref<12x128x64xf32, #tpu.memory_space<vmem>> -> memref<1x128x64xf32, #tpu.memory_space<vmem>>
      %dma_start3A_1292 = tpu.memref_squeeze %dma_start3A_1291 : memref<1x128x64xf32, #tpu.memory_space<vmem>> -> memref<128x64xf32, #tpu.memory_space<vmem>>
      %dma_start3A_1293 = arith.constant 0 : i32
      %dma_start3A_1294 = tpu.memref_slice %arg5[%add3A_1284, %dma_start3A_1293] : memref<32x128xi32, #tpu.memory_space<vmem>> -> memref<1x128xi32, #tpu.memory_space<vmem>>
      %dma_start3A_1295 = tpu.memref_squeeze %dma_start3A_1294 : memref<1x128xi32, #tpu.memory_space<vmem>> -> memref<128xi32, #tpu.memory_space<vmem>>
      %dma_start3A_1296 = arith.constant 0 : i32
      %dma_start3A_1297 = arith.constant 0 : i32
      %dma_start3A_1298 = tpu.memref_slice %arg3[%dma_start3A_1296, %dma_start3A_1297] : memref<1015808x64xf32, #tpu.memory_space<hbm>> -> memref<1015808x64xf32, #tpu.memory_space<hbm>>
      %dma_start3A_1299 = tpu.memref_slice %arg7[%rem3A_1220] : memref<3x!tpu.dma_semaphore, #tpu.memory_space<semaphore_mem>> -> memref<1x!tpu.dma_semaphore, #tpu.memory_space<semaphore_mem>>
      %dma_start3A_1300 = tpu.memref_squeeze %dma_start3A_1299 : memref<1x!tpu.dma_semaphore, #tpu.memory_space<semaphore_mem>> -> memref<!tpu.dma_semaphore, #tpu.memory_space<semaphore_mem>>
      tpu.enqueue_indirect_dma source(%dma_start3A_1298 : memref<1015808x64xf32, #tpu.memory_space<hbm>>) target(%dma_start3A_1292 : memref<128x64xf32, #tpu.memory_space<vmem>>) offsets(%dma_start3A_1295 : memref<128xi32, #tpu.memory_space<vmem>>) semaphore(%dma_start3A_1300 : memref<!tpu.dma_semaphore, #tpu.memory_space<semaphore_mem>>)
    }
    %scan3A_395 = arith.constant 5 : i32
    %rem3A_396 = arith.constant 6 : i32
    %rem3A_397 = arith.constant 3 : i32
    %rem3A_398 = arith.remsi %rem3A_396, %rem3A_397 : i32
    %dma_wait3A_399 = arith.constant 0 : i32
    %dma_wait3A_400 = arith.constant 0 : i32
    %dma_wait3A_401 = arith.constant 0 : i32
    %dma_wait3A_402 = tpu.memref_slice %arg6[%dma_wait3A_399, %dma_wait3A_400, %dma_wait3A_401] : memref<12x128x64xf32, #tpu.memory_space<vmem>> -> memref<1x128x64xf32, #tpu.memory_space<vmem>>
    %dma_wait3A_403 = tpu.memref_squeeze %dma_wait3A_402 : memref<1x128x64xf32, #tpu.memory_space<vmem>> -> memref<128x64xf32, #tpu.memory_space<vmem>>
    %dma_wait3A_404 = arith.constant 0 : i32
    %dma_wait3A_405 = arith.constant 0 : i32
    %dma_wait3A_406 = tpu.memref_slice %arg3[%dma_wait3A_404, %dma_wait3A_405] : memref<1015808x64xf32, #tpu.memory_space<hbm>> -> memref<128x64xf32, #tpu.memory_space<hbm>>
    %dma_wait3A_407 = tpu.memref_slice %arg7[%rem3A_398] : memref<3x!tpu.dma_semaphore, #tpu.memory_space<semaphore_mem>> -> memref<1x!tpu.dma_semaphore, #tpu.memory_space<semaphore_mem>>
    %dma_wait3A_408 = tpu.memref_squeeze %dma_wait3A_407 : memref<1x!tpu.dma_semaphore, #tpu.memory_space<semaphore_mem>> -> memref<!tpu.dma_semaphore, #tpu.memory_space<semaphore_mem>>
    %dma_wait3A_409 = arith.constant 0 : i32
    %dma_wait3A_410 = arith.constant 0 : i32
    %dma_wait3A_411 = tpu.memref_slice %arg6[%dma_wait3A_399, %dma_wait3A_409, %dma_wait3A_410] : memref<12x128x64xf32, #tpu.memory_space<vmem>> -> memref<1x128x64xf32, #tpu.memory_space<vmem>>
    %dma_wait3A_412 = tpu.memref_squeeze %dma_wait3A_411 : memref<1x128x64xf32, #tpu.memory_space<vmem>> -> memref<128x64xf32, #tpu.memory_space<vmem>>
    %dma_wait3A_413 = arith.constant 0 : i32
    %dma_wait3A_414 = arith.constant 0 : i32
    %dma_wait3A_415 = tpu.memref_slice %arg3[%dma_wait3A_413, %dma_wait3A_414] : memref<1015808x64xf32, #tpu.memory_space<hbm>> -> memref<128x64xf32, #tpu.memory_space<hbm>>
    tpu.wait_dma2 semaphore(%dma_wait3A_408 : memref<!tpu.dma_semaphore, #tpu.memory_space<semaphore_mem>>) src(%dma_wait3A_415 : memref<128x64xf32, #tpu.memory_space<hbm>>) dst(%dma_wait3A_412 : memref<128x64xf32, #tpu.memory_space<vmem>>)
    %dma_wait3A_416 = arith.constant 0 : i32
    %dma_wait3A_417 = arith.constant 0 : i32
    %dma_wait3A_418 = arith.constant 0 : i32
    %dma_wait3A_419 = tpu.memref_slice %arg6[%dma_wait3A_416, %dma_wait3A_417, %dma_wait3A_418] : memref<12x128x64xf32, #tpu.memory_space<vmem>> -> memref<1x128x64xf32, #tpu.memory_space<vmem>>
    %dma_wait3A_420 = tpu.memref_squeeze %dma_wait3A_419 : memref<1x128x64xf32, #tpu.memory_space<vmem>> -> memref<128x64xf32, #tpu.memory_space<vmem>>
    %dma_wait3A_421 = arith.constant 0 : i32
    %dma_wait3A_422 = arith.constant 0 : i32
    %dma_wait3A_423 = tpu.memref_slice %arg3[%dma_wait3A_421, %dma_wait3A_422] : memref<1015808x64xf32, #tpu.memory_space<hbm>> -> memref<128x64xf32, #tpu.memory_space<hbm>>
    %dma_wait3A_424 = tpu.memref_slice %arg7[%rem3A_398] : memref<3x!tpu.dma_semaphore, #tpu.memory_space<semaphore_mem>> -> memref<1x!tpu.dma_semaphore, #tpu.memory_space<semaphore_mem>>
    %dma_wait3A_425 = tpu.memref_squeeze %dma_wait3A_424 : memref<1x!tpu.dma_semaphore, #tpu.memory_space<semaphore_mem>> -> memref<!tpu.dma_semaphore, #tpu.memory_space<semaphore_mem>>
    %dma_wait3A_426 = arith.constant 0 : i32
    %dma_wait3A_427 = arith.constant 0 : i32
    %dma_wait3A_428 = tpu.memref_slice %arg6[%dma_wait3A_416, %dma_wait3A_426, %dma_wait3A_427] : memref<12x128x64xf32, #tpu.memory_space<vmem>> -> memref<1x128x64xf32, #tpu.memory_space<vmem>>
    %dma_wait3A_429 = tpu.memref_squeeze %dma_wait3A_428 : memref<1x128x64xf32, #tpu.memory_space<vmem>> -> memref<128x64xf32, #tpu.memory_space<vmem>>
    %dma_wait3A_430 = arith.constant 0 : i32
    %dma_wait3A_431 = arith.constant 0 : i32
    %dma_wait3A_432 = tpu.memref_slice %arg3[%dma_wait3A_430, %dma_wait3A_431] : memref<1015808x64xf32, #tpu.memory_space<hbm>> -> memref<128x64xf32, #tpu.memory_space<hbm>>
    tpu.wait_dma2 semaphore(%dma_wait3A_425 : memref<!tpu.dma_semaphore, #tpu.memory_space<semaphore_mem>>) src(%dma_wait3A_432 : memref<128x64xf32, #tpu.memory_space<hbm>>) dst(%dma_wait3A_429 : memref<128x64xf32, #tpu.memory_space<vmem>>)
    %dma_wait3A_433 = arith.constant 0 : i32
    %dma_wait3A_434 = arith.constant 0 : i32
    %dma_wait3A_435 = arith.constant 0 : i32
    %dma_wait3A_436 = tpu.memref_slice %arg6[%dma_wait3A_433, %dma_wait3A_434, %dma_wait3A_435] : memref<12x128x64xf32, #tpu.memory_space<vmem>> -> memref<1x128x64xf32, #tpu.memory_space<vmem>>
    %dma_wait3A_437 = tpu.memref_squeeze %dma_wait3A_436 : memref<1x128x64xf32, #tpu.memory_space<vmem>> -> memref<128x64xf32, #tpu.memory_space<vmem>>
    %dma_wait3A_438 = arith.constant 0 : i32
    %dma_wait3A_439 = arith.constant 0 : i32
    %dma_wait3A_440 = tpu.memref_slice %arg3[%dma_wait3A_438, %dma_wait3A_439] : memref<1015808x64xf32, #tpu.memory_space<hbm>> -> memref<128x64xf32, #tpu.memory_space<hbm>>
    %dma_wait3A_441 = tpu.memref_slice %arg7[%rem3A_398] : memref<3x!tpu.dma_semaphore, #tpu.memory_space<semaphore_mem>> -> memref<1x!tpu.dma_semaphore, #tpu.memory_space<semaphore_mem>>
    %dma_wait3A_442 = tpu.memref_squeeze %dma_wait3A_441 : memref<1x!tpu.dma_semaphore, #tpu.memory_space<semaphore_mem>> -> memref<!tpu.dma_semaphore, #tpu.memory_space<semaphore_mem>>
    %dma_wait3A_443 = arith.constant 0 : i32
    %dma_wait3A_444 = arith.constant 0 : i32
    %dma_wait3A_445 = tpu.memref_slice %arg6[%dma_wait3A_433, %dma_wait3A_443, %dma_wait3A_444] : memref<12x128x64xf32, #tpu.memory_space<vmem>> -> memref<1x128x64xf32, #tpu.memory_space<vmem>>
    %dma_wait3A_446 = tpu.memref_squeeze %dma_wait3A_445 : memref<1x128x64xf32, #tpu.memory_space<vmem>> -> memref<128x64xf32, #tpu.memory_space<vmem>>
    %dma_wait3A_447 = arith.constant 0 : i32
    %dma_wait3A_448 = arith.constant 0 : i32
    %dma_wait3A_449 = tpu.memref_slice %arg3[%dma_wait3A_447, %dma_wait3A_448] : memref<1015808x64xf32, #tpu.memory_space<hbm>> -> memref<128x64xf32, #tpu.memory_space<hbm>>
    tpu.wait_dma2 semaphore(%dma_wait3A_442 : memref<!tpu.dma_semaphore, #tpu.memory_space<semaphore_mem>>) src(%dma_wait3A_449 : memref<128x64xf32, #tpu.memory_space<hbm>>) dst(%dma_wait3A_446 : memref<128x64xf32, #tpu.memory_space<vmem>>)
    %dma_wait3A_450 = arith.constant 0 : i32
    %dma_wait3A_451 = arith.constant 0 : i32
    %dma_wait3A_452 = arith.constant 0 : i32
    %dma_wait3A_453 = tpu.memref_slice %arg6[%dma_wait3A_450, %dma_wait3A_451, %dma_wait3A_452] : memref<12x128x64xf32, #tpu.memory_space<vmem>> -> memref<1x128x64xf32, #tpu.memory_space<vmem>>
    %dma_wait3A_454 = tpu.memref_squeeze %dma_wait3A_453 : memref<1x128x64xf32, #tpu.memory_space<vmem>> -> memref<128x64xf32, #tpu.memory_space<vmem>>
    %dma_wait3A_455 = arith.constant 0 : i32
    %dma_wait3A_456 = arith.constant 0 : i32
    %dma_wait3A_457 = tpu.memref_slice %arg3[%dma_wait3A_455, %dma_wait3A_456] : memref<1015808x64xf32, #tpu.memory_space<hbm>> -> memref<128x64xf32, #tpu.memory_space<hbm>>
    %dma_wait3A_458 = tpu.memref_slice %arg7[%rem3A_398] : memref<3x!tpu.dma_semaphore, #tpu.memory_space<semaphore_mem>> -> memref<1x!tpu.dma_semaphore, #tpu.memory_space<semaphore_mem>>
    %dma_wait3A_459 = tpu.memref_squeeze %dma_wait3A_458 : memref<1x!tpu.dma_semaphore, #tpu.memory_space<semaphore_mem>> -> memref<!tpu.dma_semaphore, #tpu.memory_space<semaphore_mem>>
    %dma_wait3A_460 = arith.constant 0 : i32
    %dma_wait3A_461 = arith.constant 0 : i32
    %dma_wait3A_462 = tpu.memref_slice %arg6[%dma_wait3A_450, %dma_wait3A_460, %dma_wait3A_461] : memref<12x128x64xf32, #tpu.memory_space<vmem>> -> memref<1x128x64xf32, #tpu.memory_space<vmem>>
    %dma_wait3A_463 = tpu.memref_squeeze %dma_wait3A_462 : memref<1x128x64xf32, #tpu.memory_space<vmem>> -> memref<128x64xf32, #tpu.memory_space<vmem>>
    %dma_wait3A_464 = arith.constant 0 : i32
    %dma_wait3A_465 = arith.constant 0 : i32
    %dma_wait3A_466 = tpu.memref_slice %arg3[%dma_wait3A_464, %dma_wait3A_465] : memref<1015808x64xf32, #tpu.memory_space<hbm>> -> memref<128x64xf32, #tpu.memory_space<hbm>>
    tpu.wait_dma2 semaphore(%dma_wait3A_459 : memref<!tpu.dma_semaphore, #tpu.memory_space<semaphore_mem>>) src(%dma_wait3A_466 : memref<128x64xf32, #tpu.memory_space<hbm>>) dst(%dma_wait3A_463 : memref<128x64xf32, #tpu.memory_space<vmem>>)
    %rem3A_467 = arith.constant 5 : i32
    %rem3A_468 = arith.constant 3 : i32
    %rem3A_469 = arith.remsi %rem3A_467, %rem3A_468 : i32
    %dma_wait3A_470 = arith.constant 0 : i32
    %dma_wait3A_471 = arith.constant 0 : i32
    %dma_wait3A_472 = arith.constant 0 : i32
    %dma_wait3A_473 = tpu.memref_slice %arg6[%dma_wait3A_470, %dma_wait3A_471, %dma_wait3A_472] : memref<12x128x64xf32, #tpu.memory_space<vmem>> -> memref<1x128x64xf32, #tpu.memory_space<vmem>>
    %dma_wait3A_474 = tpu.memref_squeeze %dma_wait3A_473 : memref<1x128x64xf32, #tpu.memory_space<vmem>> -> memref<128x64xf32, #tpu.memory_space<vmem>>
    %dma_wait3A_475 = arith.constant 0 : i32
    %dma_wait3A_476 = arith.constant 0 : i32
    %dma_wait3A_477 = tpu.memref_slice %arg3[%dma_wait3A_475, %dma_wait3A_476] : memref<1015808x64xf32, #tpu.memory_space<hbm>> -> memref<128x64xf32, #tpu.memory_space<hbm>>
    %dma_wait3A_478 = tpu.memref_slice %arg8[%rem3A_469] : memref<3x!tpu.dma_semaphore, #tpu.memory_space<semaphore_mem>> -> memref<1x!tpu.dma_semaphore, #tpu.memory_space<semaphore_mem>>
    %dma_wait3A_479 = tpu.memref_squeeze %dma_wait3A_478 : memref<1x!tpu.dma_semaphore, #tpu.memory_space<semaphore_mem>> -> memref<!tpu.dma_semaphore, #tpu.memory_space<semaphore_mem>>
    %dma_wait3A_480 = arith.constant 0 : i32
    %dma_wait3A_481 = arith.constant 0 : i32
    %dma_wait3A_482 = tpu.memref_slice %arg6[%dma_wait3A_470, %dma_wait3A_480, %dma_wait3A_481] : memref<12x128x64xf32, #tpu.memory_space<vmem>> -> memref<1x128x64xf32, #tpu.memory_space<vmem>>
    %dma_wait3A_483 = tpu.memref_squeeze %dma_wait3A_482 : memref<1x128x64xf32, #tpu.memory_space<vmem>> -> memref<128x64xf32, #tpu.memory_space<vmem>>
    %dma_wait3A_484 = arith.constant 0 : i32
    %dma_wait3A_485 = arith.constant 0 : i32
    %dma_wait3A_486 = tpu.memref_slice %arg3[%dma_wait3A_484, %dma_wait3A_485] : memref<1015808x64xf32, #tpu.memory_space<hbm>> -> memref<128x64xf32, #tpu.memory_space<hbm>>
    tpu.wait_dma2 semaphore(%dma_wait3A_479 : memref<!tpu.dma_semaphore, #tpu.memory_space<semaphore_mem>>) src(%dma_wait3A_486 : memref<128x64xf32, #tpu.memory_space<hbm>>) dst(%dma_wait3A_483 : memref<128x64xf32, #tpu.memory_space<vmem>>)
    %dma_wait3A_487 = arith.constant 0 : i32
    %dma_wait3A_488 = arith.constant 0 : i32
    %dma_wait3A_489 = arith.constant 0 : i32
    %dma_wait3A_490 = tpu.memref_slice %arg6[%dma_wait3A_487, %dma_wait3A_488, %dma_wait3A_489] : memref<12x128x64xf32, #tpu.memory_space<vmem>> -> memref<1x128x64xf32, #tpu.memory_space<vmem>>
    %dma_wait3A_491 = tpu.memref_squeeze %dma_wait3A_490 : memref<1x128x64xf32, #tpu.memory_space<vmem>> -> memref<128x64xf32, #tpu.memory_space<vmem>>
    %dma_wait3A_492 = arith.constant 0 : i32
    %dma_wait3A_493 = arith.constant 0 : i32
    %dma_wait3A_494 = tpu.memref_slice %arg3[%dma_wait3A_492, %dma_wait3A_493] : memref<1015808x64xf32, #tpu.memory_space<hbm>> -> memref<128x64xf32, #tpu.memory_space<hbm>>
    %dma_wait3A_495 = tpu.memref_slice %arg8[%rem3A_469] : memref<3x!tpu.dma_semaphore, #tpu.memory_space<semaphore_mem>> -> memref<1x!tpu.dma_semaphore, #tpu.memory_space<semaphore_mem>>
    %dma_wait3A_496 = tpu.memref_squeeze %dma_wait3A_495 : memref<1x!tpu.dma_semaphore, #tpu.memory_space<semaphore_mem>> -> memref<!tpu.dma_semaphore, #tpu.memory_space<semaphore_mem>>
    %dma_wait3A_497 = arith.constant 0 : i32
    %dma_wait3A_498 = arith.constant 0 : i32
    %dma_wait3A_499 = tpu.memref_slice %arg6[%dma_wait3A_487, %dma_wait3A_497, %dma_wait3A_498] : memref<12x128x64xf32, #tpu.memory_space<vmem>> -> memref<1x128x64xf32, #tpu.memory_space<vmem>>
    %dma_wait3A_500 = tpu.memref_squeeze %dma_wait3A_499 : memref<1x128x64xf32, #tpu.memory_space<vmem>> -> memref<128x64xf32, #tpu.memory_space<vmem>>
    %dma_wait3A_501 = arith.constant 0 : i32
    %dma_wait3A_502 = arith.constant 0 : i32
    %dma_wait3A_503 = tpu.memref_slice %arg3[%dma_wait3A_501, %dma_wait3A_502] : memref<1015808x64xf32, #tpu.memory_space<hbm>> -> memref<128x64xf32, #tpu.memory_space<hbm>>
    tpu.wait_dma2 semaphore(%dma_wait3A_496 : memref<!tpu.dma_semaphore, #tpu.memory_space<semaphore_mem>>) src(%dma_wait3A_503 : memref<128x64xf32, #tpu.memory_space<hbm>>) dst(%dma_wait3A_500 : memref<128x64xf32, #tpu.memory_space<vmem>>)
    %dma_wait3A_504 = arith.constant 0 : i32
    %dma_wait3A_505 = arith.constant 0 : i32
    %dma_wait3A_506 = arith.constant 0 : i32
    %dma_wait3A_507 = tpu.memref_slice %arg6[%dma_wait3A_504, %dma_wait3A_505, %dma_wait3A_506] : memref<12x128x64xf32, #tpu.memory_space<vmem>> -> memref<1x128x64xf32, #tpu.memory_space<vmem>>
    %dma_wait3A_508 = tpu.memref_squeeze %dma_wait3A_507 : memref<1x128x64xf32, #tpu.memory_space<vmem>> -> memref<128x64xf32, #tpu.memory_space<vmem>>
    %dma_wait3A_509 = arith.constant 0 : i32
    %dma_wait3A_510 = arith.constant 0 : i32
    %dma_wait3A_511 = tpu.memref_slice %arg3[%dma_wait3A_509, %dma_wait3A_510] : memref<1015808x64xf32, #tpu.memory_space<hbm>> -> memref<128x64xf32, #tpu.memory_space<hbm>>
    %dma_wait3A_512 = tpu.memref_slice %arg8[%rem3A_469] : memref<3x!tpu.dma_semaphore, #tpu.memory_space<semaphore_mem>> -> memref<1x!tpu.dma_semaphore, #tpu.memory_space<semaphore_mem>>
    %dma_wait3A_513 = tpu.memref_squeeze %dma_wait3A_512 : memref<1x!tpu.dma_semaphore, #tpu.memory_space<semaphore_mem>> -> memref<!tpu.dma_semaphore, #tpu.memory_space<semaphore_mem>>
    %dma_wait3A_514 = arith.constant 0 : i32
    %dma_wait3A_515 = arith.constant 0 : i32
    %dma_wait3A_516 = tpu.memref_slice %arg6[%dma_wait3A_504, %dma_wait3A_514, %dma_wait3A_515] : memref<12x128x64xf32, #tpu.memory_space<vmem>> -> memref<1x128x64xf32, #tpu.memory_space<vmem>>
    %dma_wait3A_517 = tpu.memref_squeeze %dma_wait3A_516 : memref<1x128x64xf32, #tpu.memory_space<vmem>> -> memref<128x64xf32, #tpu.memory_space<vmem>>
    %dma_wait3A_518 = arith.constant 0 : i32
    %dma_wait3A_519 = arith.constant 0 : i32
    %dma_wait3A_520 = tpu.memref_slice %arg3[%dma_wait3A_518, %dma_wait3A_519] : memref<1015808x64xf32, #tpu.memory_space<hbm>> -> memref<128x64xf32, #tpu.memory_space<hbm>>
    tpu.wait_dma2 semaphore(%dma_wait3A_513 : memref<!tpu.dma_semaphore, #tpu.memory_space<semaphore_mem>>) src(%dma_wait3A_520 : memref<128x64xf32, #tpu.memory_space<hbm>>) dst(%dma_wait3A_517 : memref<128x64xf32, #tpu.memory_space<vmem>>)
    %dma_wait3A_521 = arith.constant 0 : i32
    %dma_wait3A_522 = arith.constant 0 : i32
    %dma_wait3A_523 = arith.constant 0 : i32
    %dma_wait3A_524 = tpu.memref_slice %arg6[%dma_wait3A_521, %dma_wait3A_522, %dma_wait3A_523] : memref<12x128x64xf32, #tpu.memory_space<vmem>> -> memref<1x128x64xf32, #tpu.memory_space<vmem>>
    %dma_wait3A_525 = tpu.memref_squeeze %dma_wait3A_524 : memref<1x128x64xf32, #tpu.memory_space<vmem>> -> memref<128x64xf32, #tpu.memory_space<vmem>>
    %dma_wait3A_526 = arith.constant 0 : i32
    %dma_wait3A_527 = arith.constant 0 : i32
    %dma_wait3A_528 = tpu.memref_slice %arg3[%dma_wait3A_526, %dma_wait3A_527] : memref<1015808x64xf32, #tpu.memory_space<hbm>> -> memref<128x64xf32, #tpu.memory_space<hbm>>
    %dma_wait3A_529 = tpu.memref_slice %arg8[%rem3A_469] : memref<3x!tpu.dma_semaphore, #tpu.memory_space<semaphore_mem>> -> memref<1x!tpu.dma_semaphore, #tpu.memory_space<semaphore_mem>>
    %dma_wait3A_530 = tpu.memref_squeeze %dma_wait3A_529 : memref<1x!tpu.dma_semaphore, #tpu.memory_space<semaphore_mem>> -> memref<!tpu.dma_semaphore, #tpu.memory_space<semaphore_mem>>
    %dma_wait3A_531 = arith.constant 0 : i32
    %dma_wait3A_532 = arith.constant 0 : i32
    %dma_wait3A_533 = tpu.memref_slice %arg6[%dma_wait3A_521, %dma_wait3A_531, %dma_wait3A_532] : memref<12x128x64xf32, #tpu.memory_space<vmem>> -> memref<1x128x64xf32, #tpu.memory_space<vmem>>
    %dma_wait3A_534 = tpu.memref_squeeze %dma_wait3A_533 : memref<1x128x64xf32, #tpu.memory_space<vmem>> -> memref<128x64xf32, #tpu.memory_space<vmem>>
    %dma_wait3A_535 = arith.constant 0 : i32
    %dma_wait3A_536 = arith.constant 0 : i32
    %dma_wait3A_537 = tpu.memref_slice %arg3[%dma_wait3A_535, %dma_wait3A_536] : memref<1015808x64xf32, #tpu.memory_space<hbm>> -> memref<128x64xf32, #tpu.memory_space<hbm>>
    tpu.wait_dma2 semaphore(%dma_wait3A_530 : memref<!tpu.dma_semaphore, #tpu.memory_space<semaphore_mem>>) src(%dma_wait3A_537 : memref<128x64xf32, #tpu.memory_space<hbm>>) dst(%dma_wait3A_534 : memref<128x64xf32, #tpu.memory_space<vmem>>)
    %rem3A_538 = arith.constant 6 : i32
    %rem3A_539 = arith.constant 3 : i32
    %rem3A_540 = arith.remsi %rem3A_538, %rem3A_539 : i32
    %mul3A_541 = arith.constant 4 : i32
    %mul3A_542 = arith.muli %rem3A_540, %mul3A_541 : i32
    %add3A_543 = arith.constant 0 : i32
    %add3A_544 = arith.addi %mul3A_542, %add3A_543 : i32
    %add3A_545 = arith.constant 24 : i32
    %add3A_546 = arith.addi %mul3A_2, %add3A_545 : i32
    %add3A_547 = arith.constant 0 : i32
    %add3A_548 = arith.addi %add3A_546, %add3A_547 : i32
    %dma_start3A_549 = arith.constant 0 : i32
    %dma_start3A_550 = arith.constant 0 : i32
    %dma_start3A_551 = tpu.memref_slice %arg6[%add3A_544, %dma_start3A_549, %dma_start3A_550] : memref<12x128x64xf32, #tpu.memory_space<vmem>> -> memref<1x128x64xf32, #tpu.memory_space<vmem>>
    %dma_start3A_552 = tpu.memref_squeeze %dma_start3A_551 : memref<1x128x64xf32, #tpu.memory_space<vmem>> -> memref<128x64xf32, #tpu.memory_space<vmem>>
    %dma_start3A_553 = arith.constant 0 : i32
    %dma_start3A_554 = arith.constant 0 : i32
    %dma_start3A_555 = tpu.memref_slice %arg4[%add3A_548, %dma_start3A_553, %dma_start3A_554] : memref<1024x128x64xf32, #tpu.memory_space<hbm>> -> memref<1x128x64xf32, #tpu.memory_space<hbm>>
    %dma_start3A_556 = tpu.memref_squeeze %dma_start3A_555 : memref<1x128x64xf32, #tpu.memory_space<hbm>> -> memref<128x64xf32, #tpu.memory_space<hbm>>
    %dma_start3A_557 = tpu.memref_slice %arg8[%rem3A_540] : memref<3x!tpu.dma_semaphore, #tpu.memory_space<semaphore_mem>> -> memref<1x!tpu.dma_semaphore, #tpu.memory_space<semaphore_mem>>
    %dma_start3A_558 = tpu.memref_squeeze %dma_start3A_557 : memref<1x!tpu.dma_semaphore, #tpu.memory_space<semaphore_mem>> -> memref<!tpu.dma_semaphore, #tpu.memory_space<semaphore_mem>>
    %dma_start3A_559 = arith.constant 0 : i32
    %dma_start3A_560 = arith.constant 0 : i32
    %dma_start3A_561 = tpu.memref_slice %arg4[%add3A_548, %dma_start3A_559, %dma_start3A_560] : memref<1024x128x64xf32, #tpu.memory_space<hbm>> -> memref<1x128x64xf32, #tpu.memory_space<hbm>>
    %dma_start3A_562 = tpu.memref_squeeze %dma_start3A_561 : memref<1x128x64xf32, #tpu.memory_space<hbm>> -> memref<128x64xf32, #tpu.memory_space<hbm>>
    %dma_start3A_563 = arith.constant 0 : i32
    %dma_start3A_564 = arith.constant 0 : i32
    %dma_start3A_565 = tpu.memref_slice %arg6[%add3A_544, %dma_start3A_563, %dma_start3A_564] : memref<12x128x64xf32, #tpu.memory_space<vmem>> -> memref<1x128x64xf32, #tpu.memory_space<vmem>>
    %dma_start3A_566 = tpu.memref_squeeze %dma_start3A_565 : memref<1x128x64xf32, #tpu.memory_space<vmem>> -> memref<128x64xf32, #tpu.memory_space<vmem>>
    tpu.enqueue_dma source(%dma_start3A_566 : memref<128x64xf32, #tpu.memory_space<vmem>>) target(%dma_start3A_562 : memref<128x64xf32, #tpu.memory_space<hbm>>) target_semaphore(%dma_start3A_558 : memref<!tpu.dma_semaphore, #tpu.memory_space<semaphore_mem>>)
    %mul3A_567 = arith.constant 4 : i32
    %mul3A_568 = arith.muli %rem3A_540, %mul3A_567 : i32
    %add3A_569 = arith.constant 1 : i32
    %add3A_570 = arith.addi %mul3A_568, %add3A_569 : i32
    %add3A_571 = arith.constant 24 : i32
    %add3A_572 = arith.addi %mul3A_2, %add3A_571 : i32
    %add3A_573 = arith.constant 1 : i32
    %add3A_574 = arith.addi %add3A_572, %add3A_573 : i32
    %dma_start3A_575 = arith.constant 0 : i32
    %dma_start3A_576 = arith.constant 0 : i32
    %dma_start3A_577 = tpu.memref_slice %arg6[%add3A_570, %dma_start3A_575, %dma_start3A_576] : memref<12x128x64xf32, #tpu.memory_space<vmem>> -> memref<1x128x64xf32, #tpu.memory_space<vmem>>
    %dma_start3A_578 = tpu.memref_squeeze %dma_start3A_577 : memref<1x128x64xf32, #tpu.memory_space<vmem>> -> memref<128x64xf32, #tpu.memory_space<vmem>>
    %dma_start3A_579 = arith.constant 0 : i32
    %dma_start3A_580 = arith.constant 0 : i32
    %dma_start3A_581 = tpu.memref_slice %arg4[%add3A_574, %dma_start3A_579, %dma_start3A_580] : memref<1024x128x64xf32, #tpu.memory_space<hbm>> -> memref<1x128x64xf32, #tpu.memory_space<hbm>>
    %dma_start3A_582 = tpu.memref_squeeze %dma_start3A_581 : memref<1x128x64xf32, #tpu.memory_space<hbm>> -> memref<128x64xf32, #tpu.memory_space<hbm>>
    %dma_start3A_583 = tpu.memref_slice %arg8[%rem3A_540] : memref<3x!tpu.dma_semaphore, #tpu.memory_space<semaphore_mem>> -> memref<1x!tpu.dma_semaphore, #tpu.memory_space<semaphore_mem>>
    %dma_start3A_584 = tpu.memref_squeeze %dma_start3A_583 : memref<1x!tpu.dma_semaphore, #tpu.memory_space<semaphore_mem>> -> memref<!tpu.dma_semaphore, #tpu.memory_space<semaphore_mem>>
    %dma_start3A_585 = arith.constant 0 : i32
    %dma_start3A_586 = arith.constant 0 : i32
    %dma_start3A_587 = tpu.memref_slice %arg4[%add3A_574, %dma_start3A_585, %dma_start3A_586] : memref<1024x128x64xf32, #tpu.memory_space<hbm>> -> memref<1x128x64xf32, #tpu.memory_space<hbm>>
    %dma_start3A_588 = tpu.memref_squeeze %dma_start3A_587 : memref<1x128x64xf32, #tpu.memory_space<hbm>> -> memref<128x64xf32, #tpu.memory_space<hbm>>
    %dma_start3A_589 = arith.constant 0 : i32
    %dma_start3A_590 = arith.constant 0 : i32
    %dma_start3A_591 = tpu.memref_slice %arg6[%add3A_570, %dma_start3A_589, %dma_start3A_590] : memref<12x128x64xf32, #tpu.memory_space<vmem>> -> memref<1x128x64xf32, #tpu.memory_space<vmem>>
    %dma_start3A_592 = tpu.memref_squeeze %dma_start3A_591 : memref<1x128x64xf32, #tpu.memory_space<vmem>> -> memref<128x64xf32, #tpu.memory_space<vmem>>
    tpu.enqueue_dma source(%dma_start3A_592 : memref<128x64xf32, #tpu.memory_space<vmem>>) target(%dma_start3A_588 : memref<128x64xf32, #tpu.memory_space<hbm>>) target_semaphore(%dma_start3A_584 : memref<!tpu.dma_semaphore, #tpu.memory_space<semaphore_mem>>)
    %mul3A_593 = arith.constant 4 : i32
    %mul3A_594 = arith.muli %rem3A_540, %mul3A_593 : i32
    %add3A_595 = arith.constant 2 : i32
    %add3A_596 = arith.addi %mul3A_594, %add3A_595 : i32
    %add3A_597 = arith.constant 24 : i32
    %add3A_598 = arith.addi %mul3A_2, %add3A_597 : i32
    %add3A_599 = arith.constant 2 : i32
    %add3A_600 = arith.addi %add3A_598, %add3A_599 : i32
    %dma_start3A_601 = arith.constant 0 : i32
    %dma_start3A_602 = arith.constant 0 : i32
    %dma_start3A_603 = tpu.memref_slice %arg6[%add3A_596, %dma_start3A_601, %dma_start3A_602] : memref<12x128x64xf32, #tpu.memory_space<vmem>> -> memref<1x128x64xf32, #tpu.memory_space<vmem>>
    %dma_start3A_604 = tpu.memref_squeeze %dma_start3A_603 : memref<1x128x64xf32, #tpu.memory_space<vmem>> -> memref<128x64xf32, #tpu.memory_space<vmem>>
    %dma_start3A_605 = arith.constant 0 : i32
    %dma_start3A_606 = arith.constant 0 : i32
    %dma_start3A_607 = tpu.memref_slice %arg4[%add3A_600, %dma_start3A_605, %dma_start3A_606] : memref<1024x128x64xf32, #tpu.memory_space<hbm>> -> memref<1x128x64xf32, #tpu.memory_space<hbm>>
    %dma_start3A_608 = tpu.memref_squeeze %dma_start3A_607 : memref<1x128x64xf32, #tpu.memory_space<hbm>> -> memref<128x64xf32, #tpu.memory_space<hbm>>
    %dma_start3A_609 = tpu.memref_slice %arg8[%rem3A_540] : memref<3x!tpu.dma_semaphore, #tpu.memory_space<semaphore_mem>> -> memref<1x!tpu.dma_semaphore, #tpu.memory_space<semaphore_mem>>
    %dma_start3A_610 = tpu.memref_squeeze %dma_start3A_609 : memref<1x!tpu.dma_semaphore, #tpu.memory_space<semaphore_mem>> -> memref<!tpu.dma_semaphore, #tpu.memory_space<semaphore_mem>>
    %dma_start3A_611 = arith.constant 0 : i32
    %dma_start3A_612 = arith.constant 0 : i32
    %dma_start3A_613 = tpu.memref_slice %arg4[%add3A_600, %dma_start3A_611, %dma_start3A_612] : memref<1024x128x64xf32, #tpu.memory_space<hbm>> -> memref<1x128x64xf32, #tpu.memory_space<hbm>>
    %dma_start3A_614 = tpu.memref_squeeze %dma_start3A_613 : memref<1x128x64xf32, #tpu.memory_space<hbm>> -> memref<128x64xf32, #tpu.memory_space<hbm>>
    %dma_start3A_615 = arith.constant 0 : i32
    %dma_start3A_616 = arith.constant 0 : i32
    %dma_start3A_617 = tpu.memref_slice %arg6[%add3A_596, %dma_start3A_615, %dma_start3A_616] : memref<12x128x64xf32, #tpu.memory_space<vmem>> -> memref<1x128x64xf32, #tpu.memory_space<vmem>>
    %dma_start3A_618 = tpu.memref_squeeze %dma_start3A_617 : memref<1x128x64xf32, #tpu.memory_space<vmem>> -> memref<128x64xf32, #tpu.memory_space<vmem>>
    tpu.enqueue_dma source(%dma_start3A_618 : memref<128x64xf32, #tpu.memory_space<vmem>>) target(%dma_start3A_614 : memref<128x64xf32, #tpu.memory_space<hbm>>) target_semaphore(%dma_start3A_610 : memref<!tpu.dma_semaphore, #tpu.memory_space<semaphore_mem>>)
    %mul3A_619 = arith.constant 4 : i32
    %mul3A_620 = arith.muli %rem3A_540, %mul3A_619 : i32
    %add3A_621 = arith.constant 3 : i32
    %add3A_622 = arith.addi %mul3A_620, %add3A_621 : i32
    %add3A_623 = arith.constant 24 : i32
    %add3A_624 = arith.addi %mul3A_2, %add3A_623 : i32
    %add3A_625 = arith.constant 3 : i32
    %add3A_626 = arith.addi %add3A_624, %add3A_625 : i32
    %dma_start3A_627 = arith.constant 0 : i32
    %dma_start3A_628 = arith.constant 0 : i32
    %dma_start3A_629 = tpu.memref_slice %arg6[%add3A_622, %dma_start3A_627, %dma_start3A_628] : memref<12x128x64xf32, #tpu.memory_space<vmem>> -> memref<1x128x64xf32, #tpu.memory_space<vmem>>
    %dma_start3A_630 = tpu.memref_squeeze %dma_start3A_629 : memref<1x128x64xf32, #tpu.memory_space<vmem>> -> memref<128x64xf32, #tpu.memory_space<vmem>>
    %dma_start3A_631 = arith.constant 0 : i32
    %dma_start3A_632 = arith.constant 0 : i32
    %dma_start3A_633 = tpu.memref_slice %arg4[%add3A_626, %dma_start3A_631, %dma_start3A_632] : memref<1024x128x64xf32, #tpu.memory_space<hbm>> -> memref<1x128x64xf32, #tpu.memory_space<hbm>>
    %dma_start3A_634 = tpu.memref_squeeze %dma_start3A_633 : memref<1x128x64xf32, #tpu.memory_space<hbm>> -> memref<128x64xf32, #tpu.memory_space<hbm>>
    %dma_start3A_635 = tpu.memref_slice %arg8[%rem3A_540] : memref<3x!tpu.dma_semaphore, #tpu.memory_space<semaphore_mem>> -> memref<1x!tpu.dma_semaphore, #tpu.memory_space<semaphore_mem>>
    %dma_start3A_636 = tpu.memref_squeeze %dma_start3A_635 : memref<1x!tpu.dma_semaphore, #tpu.memory_space<semaphore_mem>> -> memref<!tpu.dma_semaphore, #tpu.memory_space<semaphore_mem>>
    %dma_start3A_637 = arith.constant 0 : i32
    %dma_start3A_638 = arith.constant 0 : i32
    %dma_start3A_639 = tpu.memref_slice %arg4[%add3A_626, %dma_start3A_637, %dma_start3A_638] : memref<1024x128x64xf32, #tpu.memory_space<hbm>> -> memref<1x128x64xf32, #tpu.memory_space<hbm>>
    %dma_start3A_640 = tpu.memref_squeeze %dma_start3A_639 : memref<1x128x64xf32, #tpu.memory_space<hbm>> -> memref<128x64xf32, #tpu.memory_space<hbm>>
    %dma_start3A_641 = arith.constant 0 : i32
    %dma_start3A_642 = arith.constant 0 : i32
    %dma_start3A_643 = tpu.memref_slice %arg6[%add3A_622, %dma_start3A_641, %dma_start3A_642] : memref<12x128x64xf32, #tpu.memory_space<vmem>> -> memref<1x128x64xf32, #tpu.memory_space<vmem>>
    %dma_start3A_644 = tpu.memref_squeeze %dma_start3A_643 : memref<1x128x64xf32, #tpu.memory_space<vmem>> -> memref<128x64xf32, #tpu.memory_space<vmem>>
    tpu.enqueue_dma source(%dma_start3A_644 : memref<128x64xf32, #tpu.memory_space<vmem>>) target(%dma_start3A_640 : memref<128x64xf32, #tpu.memory_space<hbm>>) target_semaphore(%dma_start3A_636 : memref<!tpu.dma_semaphore, #tpu.memory_space<semaphore_mem>>)
    %rem3A_645 = arith.constant 7 : i32
    %rem3A_646 = arith.constant 3 : i32
    %rem3A_647 = arith.remsi %rem3A_645, %rem3A_646 : i32
    %dma_wait3A_648 = arith.constant 0 : i32
    %dma_wait3A_649 = arith.constant 0 : i32
    %dma_wait3A_650 = arith.constant 0 : i32
    %dma_wait3A_651 = tpu.memref_slice %arg6[%dma_wait3A_648, %dma_wait3A_649, %dma_wait3A_650] : memref<12x128x64xf32, #tpu.memory_space<vmem>> -> memref<1x128x64xf32, #tpu.memory_space<vmem>>
    %dma_wait3A_652 = tpu.memref_squeeze %dma_wait3A_651 : memref<1x128x64xf32, #tpu.memory_space<vmem>> -> memref<128x64xf32, #tpu.memory_space<vmem>>
    %dma_wait3A_653 = arith.constant 0 : i32
    %dma_wait3A_654 = arith.constant 0 : i32
    %dma_wait3A_655 = tpu.memref_slice %arg3[%dma_wait3A_653, %dma_wait3A_654] : memref<1015808x64xf32, #tpu.memory_space<hbm>> -> memref<128x64xf32, #tpu.memory_space<hbm>>
    %dma_wait3A_656 = tpu.memref_slice %arg7[%rem3A_647] : memref<3x!tpu.dma_semaphore, #tpu.memory_space<semaphore_mem>> -> memref<1x!tpu.dma_semaphore, #tpu.memory_space<semaphore_mem>>
    %dma_wait3A_657 = tpu.memref_squeeze %dma_wait3A_656 : memref<1x!tpu.dma_semaphore, #tpu.memory_space<semaphore_mem>> -> memref<!tpu.dma_semaphore, #tpu.memory_space<semaphore_mem>>
    %dma_wait3A_658 = arith.constant 0 : i32
    %dma_wait3A_659 = arith.constant 0 : i32
    %dma_wait3A_660 = tpu.memref_slice %arg6[%dma_wait3A_648, %dma_wait3A_658, %dma_wait3A_659] : memref<12x128x64xf32, #tpu.memory_space<vmem>> -> memref<1x128x64xf32, #tpu.memory_space<vmem>>
    %dma_wait3A_661 = tpu.memref_squeeze %dma_wait3A_660 : memref<1x128x64xf32, #tpu.memory_space<vmem>> -> memref<128x64xf32, #tpu.memory_space<vmem>>
    %dma_wait3A_662 = arith.constant 0 : i32
    %dma_wait3A_663 = arith.constant 0 : i32
    %dma_wait3A_664 = tpu.memref_slice %arg3[%dma_wait3A_662, %dma_wait3A_663] : memref<1015808x64xf32, #tpu.memory_space<hbm>> -> memref<128x64xf32, #tpu.memory_space<hbm>>
    tpu.wait_dma2 semaphore(%dma_wait3A_657 : memref<!tpu.dma_semaphore, #tpu.memory_space<semaphore_mem>>) src(%dma_wait3A_664 : memref<128x64xf32, #tpu.memory_space<hbm>>) dst(%dma_wait3A_661 : memref<128x64xf32, #tpu.memory_space<vmem>>)
    %dma_wait3A_665 = arith.constant 0 : i32
    %dma_wait3A_666 = arith.constant 0 : i32
    %dma_wait3A_667 = arith.constant 0 : i32
    %dma_wait3A_668 = tpu.memref_slice %arg6[%dma_wait3A_665, %dma_wait3A_666, %dma_wait3A_667] : memref<12x128x64xf32, #tpu.memory_space<vmem>> -> memref<1x128x64xf32, #tpu.memory_space<vmem>>
    %dma_wait3A_669 = tpu.memref_squeeze %dma_wait3A_668 : memref<1x128x64xf32, #tpu.memory_space<vmem>> -> memref<128x64xf32, #tpu.memory_space<vmem>>
    %dma_wait3A_670 = arith.constant 0 : i32
    %dma_wait3A_671 = arith.constant 0 : i32
    %dma_wait3A_672 = tpu.memref_slice %arg3[%dma_wait3A_670, %dma_wait3A_671] : memref<1015808x64xf32, #tpu.memory_space<hbm>> -> memref<128x64xf32, #tpu.memory_space<hbm>>
    %dma_wait3A_673 = tpu.memref_slice %arg7[%rem3A_647] : memref<3x!tpu.dma_semaphore, #tpu.memory_space<semaphore_mem>> -> memref<1x!tpu.dma_semaphore, #tpu.memory_space<semaphore_mem>>
    %dma_wait3A_674 = tpu.memref_squeeze %dma_wait3A_673 : memref<1x!tpu.dma_semaphore, #tpu.memory_space<semaphore_mem>> -> memref<!tpu.dma_semaphore, #tpu.memory_space<semaphore_mem>>
    %dma_wait3A_675 = arith.constant 0 : i32
    %dma_wait3A_676 = arith.constant 0 : i32
    %dma_wait3A_677 = tpu.memref_slice %arg6[%dma_wait3A_665, %dma_wait3A_675, %dma_wait3A_676] : memref<12x128x64xf32, #tpu.memory_space<vmem>> -> memref<1x128x64xf32, #tpu.memory_space<vmem>>
    %dma_wait3A_678 = tpu.memref_squeeze %dma_wait3A_677 : memref<1x128x64xf32, #tpu.memory_space<vmem>> -> memref<128x64xf32, #tpu.memory_space<vmem>>
    %dma_wait3A_679 = arith.constant 0 : i32
    %dma_wait3A_680 = arith.constant 0 : i32
    %dma_wait3A_681 = tpu.memref_slice %arg3[%dma_wait3A_679, %dma_wait3A_680] : memref<1015808x64xf32, #tpu.memory_space<hbm>> -> memref<128x64xf32, #tpu.memory_space<hbm>>
    tpu.wait_dma2 semaphore(%dma_wait3A_674 : memref<!tpu.dma_semaphore, #tpu.memory_space<semaphore_mem>>) src(%dma_wait3A_681 : memref<128x64xf32, #tpu.memory_space<hbm>>) dst(%dma_wait3A_678 : memref<128x64xf32, #tpu.memory_space<vmem>>)
    %dma_wait3A_682 = arith.constant 0 : i32
    %dma_wait3A_683 = arith.constant 0 : i32
    %dma_wait3A_684 = arith.constant 0 : i32
    %dma_wait3A_685 = tpu.memref_slice %arg6[%dma_wait3A_682, %dma_wait3A_683, %dma_wait3A_684] : memref<12x128x64xf32, #tpu.memory_space<vmem>> -> memref<1x128x64xf32, #tpu.memory_space<vmem>>
    %dma_wait3A_686 = tpu.memref_squeeze %dma_wait3A_685 : memref<1x128x64xf32, #tpu.memory_space<vmem>> -> memref<128x64xf32, #tpu.memory_space<vmem>>
    %dma_wait3A_687 = arith.constant 0 : i32
    %dma_wait3A_688 = arith.constant 0 : i32
    %dma_wait3A_689 = tpu.memref_slice %arg3[%dma_wait3A_687, %dma_wait3A_688] : memref<1015808x64xf32, #tpu.memory_space<hbm>> -> memref<128x64xf32, #tpu.memory_space<hbm>>
    %dma_wait3A_690 = tpu.memref_slice %arg7[%rem3A_647] : memref<3x!tpu.dma_semaphore, #tpu.memory_space<semaphore_mem>> -> memref<1x!tpu.dma_semaphore, #tpu.memory_space<semaphore_mem>>
    %dma_wait3A_691 = tpu.memref_squeeze %dma_wait3A_690 : memref<1x!tpu.dma_semaphore, #tpu.memory_space<semaphore_mem>> -> memref<!tpu.dma_semaphore, #tpu.memory_space<semaphore_mem>>
    %dma_wait3A_692 = arith.constant 0 : i32
    %dma_wait3A_693 = arith.constant 0 : i32
    %dma_wait3A_694 = tpu.memref_slice %arg6[%dma_wait3A_682, %dma_wait3A_692, %dma_wait3A_693] : memref<12x128x64xf32, #tpu.memory_space<vmem>> -> memref<1x128x64xf32, #tpu.memory_space<vmem>>
    %dma_wait3A_695 = tpu.memref_squeeze %dma_wait3A_694 : memref<1x128x64xf32, #tpu.memory_space<vmem>> -> memref<128x64xf32, #tpu.memory_space<vmem>>
    %dma_wait3A_696 = arith.constant 0 : i32
    %dma_wait3A_697 = arith.constant 0 : i32
    %dma_wait3A_698 = tpu.memref_slice %arg3[%dma_wait3A_696, %dma_wait3A_697] : memref<1015808x64xf32, #tpu.memory_space<hbm>> -> memref<128x64xf32, #tpu.memory_space<hbm>>
    tpu.wait_dma2 semaphore(%dma_wait3A_691 : memref<!tpu.dma_semaphore, #tpu.memory_space<semaphore_mem>>) src(%dma_wait3A_698 : memref<128x64xf32, #tpu.memory_space<hbm>>) dst(%dma_wait3A_695 : memref<128x64xf32, #tpu.memory_space<vmem>>)
    %dma_wait3A_699 = arith.constant 0 : i32
    %dma_wait3A_700 = arith.constant 0 : i32
    %dma_wait3A_701 = arith.constant 0 : i32
    %dma_wait3A_702 = tpu.memref_slice %arg6[%dma_wait3A_699, %dma_wait3A_700, %dma_wait3A_701] : memref<12x128x64xf32, #tpu.memory_space<vmem>> -> memref<1x128x64xf32, #tpu.memory_space<vmem>>
    %dma_wait3A_703 = tpu.memref_squeeze %dma_wait3A_702 : memref<1x128x64xf32, #tpu.memory_space<vmem>> -> memref<128x64xf32, #tpu.memory_space<vmem>>
    %dma_wait3A_704 = arith.constant 0 : i32
    %dma_wait3A_705 = arith.constant 0 : i32
    %dma_wait3A_706 = tpu.memref_slice %arg3[%dma_wait3A_704, %dma_wait3A_705] : memref<1015808x64xf32, #tpu.memory_space<hbm>> -> memref<128x64xf32, #tpu.memory_space<hbm>>
    %dma_wait3A_707 = tpu.memref_slice %arg7[%rem3A_647] : memref<3x!tpu.dma_semaphore, #tpu.memory_space<semaphore_mem>> -> memref<1x!tpu.dma_semaphore, #tpu.memory_space<semaphore_mem>>
    %dma_wait3A_708 = tpu.memref_squeeze %dma_wait3A_707 : memref<1x!tpu.dma_semaphore, #tpu.memory_space<semaphore_mem>> -> memref<!tpu.dma_semaphore, #tpu.memory_space<semaphore_mem>>
    %dma_wait3A_709 = arith.constant 0 : i32
    %dma_wait3A_710 = arith.constant 0 : i32
    %dma_wait3A_711 = tpu.memref_slice %arg6[%dma_wait3A_699, %dma_wait3A_709, %dma_wait3A_710] : memref<12x128x64xf32, #tpu.memory_space<vmem>> -> memref<1x128x64xf32, #tpu.memory_space<vmem>>
    %dma_wait3A_712 = tpu.memref_squeeze %dma_wait3A_711 : memref<1x128x64xf32, #tpu.memory_space<vmem>> -> memref<128x64xf32, #tpu.memory_space<vmem>>
    %dma_wait3A_713 = arith.constant 0 : i32
    %dma_wait3A_714 = arith.constant 0 : i32
    %dma_wait3A_715 = tpu.memref_slice %arg3[%dma_wait3A_713, %dma_wait3A_714] : memref<1015808x64xf32, #tpu.memory_space<hbm>> -> memref<128x64xf32, #tpu.memory_space<hbm>>
    tpu.wait_dma2 semaphore(%dma_wait3A_708 : memref<!tpu.dma_semaphore, #tpu.memory_space<semaphore_mem>>) src(%dma_wait3A_715 : memref<128x64xf32, #tpu.memory_space<hbm>>) dst(%dma_wait3A_712 : memref<128x64xf32, #tpu.memory_space<vmem>>)
    %rem3A_716 = arith.constant 6 : i32
    %rem3A_717 = arith.constant 3 : i32
    %rem3A_718 = arith.remsi %rem3A_716, %rem3A_717 : i32
    %dma_wait3A_719 = arith.constant 0 : i32
    %dma_wait3A_720 = arith.constant 0 : i32
    %dma_wait3A_721 = arith.constant 0 : i32
    %dma_wait3A_722 = tpu.memref_slice %arg6[%dma_wait3A_719, %dma_wait3A_720, %dma_wait3A_721] : memref<12x128x64xf32, #tpu.memory_space<vmem>> -> memref<1x128x64xf32, #tpu.memory_space<vmem>>
    %dma_wait3A_723 = tpu.memref_squeeze %dma_wait3A_722 : memref<1x128x64xf32, #tpu.memory_space<vmem>> -> memref<128x64xf32, #tpu.memory_space<vmem>>
    %dma_wait3A_724 = arith.constant 0 : i32
    %dma_wait3A_725 = arith.constant 0 : i32
    %dma_wait3A_726 = tpu.memref_slice %arg3[%dma_wait3A_724, %dma_wait3A_725] : memref<1015808x64xf32, #tpu.memory_space<hbm>> -> memref<128x64xf32, #tpu.memory_space<hbm>>
    %dma_wait3A_727 = tpu.memref_slice %arg8[%rem3A_718] : memref<3x!tpu.dma_semaphore, #tpu.memory_space<semaphore_mem>> -> memref<1x!tpu.dma_semaphore, #tpu.memory_space<semaphore_mem>>
    %dma_wait3A_728 = tpu.memref_squeeze %dma_wait3A_727 : memref<1x!tpu.dma_semaphore, #tpu.memory_space<semaphore_mem>> -> memref<!tpu.dma_semaphore, #tpu.memory_space<semaphore_mem>>
    %dma_wait3A_729 = arith.constant 0 : i32
    %dma_wait3A_730 = arith.constant 0 : i32
    %dma_wait3A_731 = tpu.memref_slice %arg6[%dma_wait3A_719, %dma_wait3A_729, %dma_wait3A_730] : memref<12x128x64xf32, #tpu.memory_space<vmem>> -> memref<1x128x64xf32, #tpu.memory_space<vmem>>
    %dma_wait3A_732 = tpu.memref_squeeze %dma_wait3A_731 : memref<1x128x64xf32, #tpu.memory_space<vmem>> -> memref<128x64xf32, #tpu.memory_space<vmem>>
    %dma_wait3A_733 = arith.constant 0 : i32
    %dma_wait3A_734 = arith.constant 0 : i32
    %dma_wait3A_735 = tpu.memref_slice %arg3[%dma_wait3A_733, %dma_wait3A_734] : memref<1015808x64xf32, #tpu.memory_space<hbm>> -> memref<128x64xf32, #tpu.memory_space<hbm>>
    tpu.wait_dma2 semaphore(%dma_wait3A_728 : memref<!tpu.dma_semaphore, #tpu.memory_space<semaphore_mem>>) src(%dma_wait3A_735 : memref<128x64xf32, #tpu.memory_space<hbm>>) dst(%dma_wait3A_732 : memref<128x64xf32, #tpu.memory_space<vmem>>)
    %dma_wait3A_736 = arith.constant 0 : i32
    %dma_wait3A_737 = arith.constant 0 : i32
    %dma_wait3A_738 = arith.constant 0 : i32
    %dma_wait3A_739 = tpu.memref_slice %arg6[%dma_wait3A_736, %dma_wait3A_737, %dma_wait3A_738] : memref<12x128x64xf32, #tpu.memory_space<vmem>> -> memref<1x128x64xf32, #tpu.memory_space<vmem>>
    %dma_wait3A_740 = tpu.memref_squeeze %dma_wait3A_739 : memref<1x128x64xf32, #tpu.memory_space<vmem>> -> memref<128x64xf32, #tpu.memory_space<vmem>>
    %dma_wait3A_741 = arith.constant 0 : i32
    %dma_wait3A_742 = arith.constant 0 : i32
    %dma_wait3A_743 = tpu.memref_slice %arg3[%dma_wait3A_741, %dma_wait3A_742] : memref<1015808x64xf32, #tpu.memory_space<hbm>> -> memref<128x64xf32, #tpu.memory_space<hbm>>
    %dma_wait3A_744 = tpu.memref_slice %arg8[%rem3A_718] : memref<3x!tpu.dma_semaphore, #tpu.memory_space<semaphore_mem>> -> memref<1x!tpu.dma_semaphore, #tpu.memory_space<semaphore_mem>>
    %dma_wait3A_745 = tpu.memref_squeeze %dma_wait3A_744 : memref<1x!tpu.dma_semaphore, #tpu.memory_space<semaphore_mem>> -> memref<!tpu.dma_semaphore, #tpu.memory_space<semaphore_mem>>
    %dma_wait3A_746 = arith.constant 0 : i32
    %dma_wait3A_747 = arith.constant 0 : i32
    %dma_wait3A_748 = tpu.memref_slice %arg6[%dma_wait3A_736, %dma_wait3A_746, %dma_wait3A_747] : memref<12x128x64xf32, #tpu.memory_space<vmem>> -> memref<1x128x64xf32, #tpu.memory_space<vmem>>
    %dma_wait3A_749 = tpu.memref_squeeze %dma_wait3A_748 : memref<1x128x64xf32, #tpu.memory_space<vmem>> -> memref<128x64xf32, #tpu.memory_space<vmem>>
    %dma_wait3A_750 = arith.constant 0 : i32
    %dma_wait3A_751 = arith.constant 0 : i32
    %dma_wait3A_752 = tpu.memref_slice %arg3[%dma_wait3A_750, %dma_wait3A_751] : memref<1015808x64xf32, #tpu.memory_space<hbm>> -> memref<128x64xf32, #tpu.memory_space<hbm>>
    tpu.wait_dma2 semaphore(%dma_wait3A_745 : memref<!tpu.dma_semaphore, #tpu.memory_space<semaphore_mem>>) src(%dma_wait3A_752 : memref<128x64xf32, #tpu.memory_space<hbm>>) dst(%dma_wait3A_749 : memref<128x64xf32, #tpu.memory_space<vmem>>)
    %dma_wait3A_753 = arith.constant 0 : i32
    %dma_wait3A_754 = arith.constant 0 : i32
    %dma_wait3A_755 = arith.constant 0 : i32
    %dma_wait3A_756 = tpu.memref_slice %arg6[%dma_wait3A_753, %dma_wait3A_754, %dma_wait3A_755] : memref<12x128x64xf32, #tpu.memory_space<vmem>> -> memref<1x128x64xf32, #tpu.memory_space<vmem>>
    %dma_wait3A_757 = tpu.memref_squeeze %dma_wait3A_756 : memref<1x128x64xf32, #tpu.memory_space<vmem>> -> memref<128x64xf32, #tpu.memory_space<vmem>>
    %dma_wait3A_758 = arith.constant 0 : i32
    %dma_wait3A_759 = arith.constant 0 : i32
    %dma_wait3A_760 = tpu.memref_slice %arg3[%dma_wait3A_758, %dma_wait3A_759] : memref<1015808x64xf32, #tpu.memory_space<hbm>> -> memref<128x64xf32, #tpu.memory_space<hbm>>
    %dma_wait3A_761 = tpu.memref_slice %arg8[%rem3A_718] : memref<3x!tpu.dma_semaphore, #tpu.memory_space<semaphore_mem>> -> memref<1x!tpu.dma_semaphore, #tpu.memory_space<semaphore_mem>>
    %dma_wait3A_762 = tpu.memref_squeeze %dma_wait3A_761 : memref<1x!tpu.dma_semaphore, #tpu.memory_space<semaphore_mem>> -> memref<!tpu.dma_semaphore, #tpu.memory_space<semaphore_mem>>
    %dma_wait3A_763 = arith.constant 0 : i32
    %dma_wait3A_764 = arith.constant 0 : i32
    %dma_wait3A_765 = tpu.memref_slice %arg6[%dma_wait3A_753, %dma_wait3A_763, %dma_wait3A_764] : memref<12x128x64xf32, #tpu.memory_space<vmem>> -> memref<1x128x64xf32, #tpu.memory_space<vmem>>
    %dma_wait3A_766 = tpu.memref_squeeze %dma_wait3A_765 : memref<1x128x64xf32, #tpu.memory_space<vmem>> -> memref<128x64xf32, #tpu.memory_space<vmem>>
    %dma_wait3A_767 = arith.constant 0 : i32
    %dma_wait3A_768 = arith.constant 0 : i32
    %dma_wait3A_769 = tpu.memref_slice %arg3[%dma_wait3A_767, %dma_wait3A_768] : memref<1015808x64xf32, #tpu.memory_space<hbm>> -> memref<128x64xf32, #tpu.memory_space<hbm>>
    tpu.wait_dma2 semaphore(%dma_wait3A_762 : memref<!tpu.dma_semaphore, #tpu.memory_space<semaphore_mem>>) src(%dma_wait3A_769 : memref<128x64xf32, #tpu.memory_space<hbm>>) dst(%dma_wait3A_766 : memref<128x64xf32, #tpu.memory_space<vmem>>)
    %dma_wait3A_770 = arith.constant 0 : i32
    %dma_wait3A_771 = arith.constant 0 : i32
    %dma_wait3A_772 = arith.constant 0 : i32
    %dma_wait3A_773 = tpu.memref_slice %arg6[%dma_wait3A_770, %dma_wait3A_771, %dma_wait3A_772] : memref<12x128x64xf32, #tpu.memory_space<vmem>> -> memref<1x128x64xf32, #tpu.memory_space<vmem>>
    %dma_wait3A_774 = tpu.memref_squeeze %dma_wait3A_773 : memref<1x128x64xf32, #tpu.memory_space<vmem>> -> memref<128x64xf32, #tpu.memory_space<vmem>>
    %dma_wait3A_775 = arith.constant 0 : i32
    %dma_wait3A_776 = arith.constant 0 : i32
    %dma_wait3A_777 = tpu.memref_slice %arg3[%dma_wait3A_775, %dma_wait3A_776] : memref<1015808x64xf32, #tpu.memory_space<hbm>> -> memref<128x64xf32, #tpu.memory_space<hbm>>
    %dma_wait3A_778 = tpu.memref_slice %arg8[%rem3A_718] : memref<3x!tpu.dma_semaphore, #tpu.memory_space<semaphore_mem>> -> memref<1x!tpu.dma_semaphore, #tpu.memory_space<semaphore_mem>>
    %dma_wait3A_779 = tpu.memref_squeeze %dma_wait3A_778 : memref<1x!tpu.dma_semaphore, #tpu.memory_space<semaphore_mem>> -> memref<!tpu.dma_semaphore, #tpu.memory_space<semaphore_mem>>
    %dma_wait3A_780 = arith.constant 0 : i32
    %dma_wait3A_781 = arith.constant 0 : i32
    %dma_wait3A_782 = tpu.memref_slice %arg6[%dma_wait3A_770, %dma_wait3A_780, %dma_wait3A_781] : memref<12x128x64xf32, #tpu.memory_space<vmem>> -> memref<1x128x64xf32, #tpu.memory_space<vmem>>
    %dma_wait3A_783 = tpu.memref_squeeze %dma_wait3A_782 : memref<1x128x64xf32, #tpu.memory_space<vmem>> -> memref<128x64xf32, #tpu.memory_space<vmem>>
    %dma_wait3A_784 = arith.constant 0 : i32
    %dma_wait3A_785 = arith.constant 0 : i32
    %dma_wait3A_786 = tpu.memref_slice %arg3[%dma_wait3A_784, %dma_wait3A_785] : memref<1015808x64xf32, #tpu.memory_space<hbm>> -> memref<128x64xf32, #tpu.memory_space<hbm>>
    tpu.wait_dma2 semaphore(%dma_wait3A_779 : memref<!tpu.dma_semaphore, #tpu.memory_space<semaphore_mem>>) src(%dma_wait3A_786 : memref<128x64xf32, #tpu.memory_space<hbm>>) dst(%dma_wait3A_783 : memref<128x64xf32, #tpu.memory_space<vmem>>)
    %rem3A_787 = arith.constant 7 : i32
    %rem3A_788 = arith.constant 3 : i32
    %rem3A_789 = arith.remsi %rem3A_787, %rem3A_788 : i32
    %mul3A_790 = arith.constant 4 : i32
    %mul3A_791 = arith.muli %rem3A_789, %mul3A_790 : i32
    %add3A_792 = arith.constant 0 : i32
    %add3A_793 = arith.addi %mul3A_791, %add3A_792 : i32
    %add3A_794 = arith.constant 28 : i32
    %add3A_795 = arith.addi %mul3A_2, %add3A_794 : i32
    %add3A_796 = arith.constant 0 : i32
    %add3A_797 = arith.addi %add3A_795, %add3A_796 : i32
    %dma_start3A_798 = arith.constant 0 : i32
    %dma_start3A_799 = arith.constant 0 : i32
    %dma_start3A_800 = tpu.memref_slice %arg6[%add3A_793, %dma_start3A_798, %dma_start3A_799] : memref<12x128x64xf32, #tpu.memory_space<vmem>> -> memref<1x128x64xf32, #tpu.memory_space<vmem>>
    %dma_start3A_801 = tpu.memref_squeeze %dma_start3A_800 : memref<1x128x64xf32, #tpu.memory_space<vmem>> -> memref<128x64xf32, #tpu.memory_space<vmem>>
    %dma_start3A_802 = arith.constant 0 : i32
    %dma_start3A_803 = arith.constant 0 : i32
    %dma_start3A_804 = tpu.memref_slice %arg4[%add3A_797, %dma_start3A_802, %dma_start3A_803] : memref<1024x128x64xf32, #tpu.memory_space<hbm>> -> memref<1x128x64xf32, #tpu.memory_space<hbm>>
    %dma_start3A_805 = tpu.memref_squeeze %dma_start3A_804 : memref<1x128x64xf32, #tpu.memory_space<hbm>> -> memref<128x64xf32, #tpu.memory_space<hbm>>
    %dma_start3A_806 = tpu.memref_slice %arg8[%rem3A_789] : memref<3x!tpu.dma_semaphore, #tpu.memory_space<semaphore_mem>> -> memref<1x!tpu.dma_semaphore, #tpu.memory_space<semaphore_mem>>
    %dma_start3A_807 = tpu.memref_squeeze %dma_start3A_806 : memref<1x!tpu.dma_semaphore, #tpu.memory_space<semaphore_mem>> -> memref<!tpu.dma_semaphore, #tpu.memory_space<semaphore_mem>>
    %dma_start3A_808 = arith.constant 0 : i32
    %dma_start3A_809 = arith.constant 0 : i32
    %dma_start3A_810 = tpu.memref_slice %arg4[%add3A_797, %dma_start3A_808, %dma_start3A_809] : memref<1024x128x64xf32, #tpu.memory_space<hbm>> -> memref<1x128x64xf32, #tpu.memory_space<hbm>>
    %dma_start3A_811 = tpu.memref_squeeze %dma_start3A_810 : memref<1x128x64xf32, #tpu.memory_space<hbm>> -> memref<128x64xf32, #tpu.memory_space<hbm>>
    %dma_start3A_812 = arith.constant 0 : i32
    %dma_start3A_813 = arith.constant 0 : i32
    %dma_start3A_814 = tpu.memref_slice %arg6[%add3A_793, %dma_start3A_812, %dma_start3A_813] : memref<12x128x64xf32, #tpu.memory_space<vmem>> -> memref<1x128x64xf32, #tpu.memory_space<vmem>>
    %dma_start3A_815 = tpu.memref_squeeze %dma_start3A_814 : memref<1x128x64xf32, #tpu.memory_space<vmem>> -> memref<128x64xf32, #tpu.memory_space<vmem>>
    tpu.enqueue_dma source(%dma_start3A_815 : memref<128x64xf32, #tpu.memory_space<vmem>>) target(%dma_start3A_811 : memref<128x64xf32, #tpu.memory_space<hbm>>) target_semaphore(%dma_start3A_807 : memref<!tpu.dma_semaphore, #tpu.memory_space<semaphore_mem>>)
    %mul3A_816 = arith.constant 4 : i32
    %mul3A_817 = arith.muli %rem3A_789, %mul3A_816 : i32
    %add3A_818 = arith.constant 1 : i32
    %add3A_819 = arith.addi %mul3A_817, %add3A_818 : i32
    %add3A_820 = arith.constant 28 : i32
    %add3A_821 = arith.addi %mul3A_2, %add3A_820 : i32
    %add3A_822 = arith.constant 1 : i32
    %add3A_823 = arith.addi %add3A_821, %add3A_822 : i32
    %dma_start3A_824 = arith.constant 0 : i32
    %dma_start3A_825 = arith.constant 0 : i32
    %dma_start3A_826 = tpu.memref_slice %arg6[%add3A_819, %dma_start3A_824, %dma_start3A_825] : memref<12x128x64xf32, #tpu.memory_space<vmem>> -> memref<1x128x64xf32, #tpu.memory_space<vmem>>
    %dma_start3A_827 = tpu.memref_squeeze %dma_start3A_826 : memref<1x128x64xf32, #tpu.memory_space<vmem>> -> memref<128x64xf32, #tpu.memory_space<vmem>>
    %dma_start3A_828 = arith.constant 0 : i32
    %dma_start3A_829 = arith.constant 0 : i32
    %dma_start3A_830 = tpu.memref_slice %arg4[%add3A_823, %dma_start3A_828, %dma_start3A_829] : memref<1024x128x64xf32, #tpu.memory_space<hbm>> -> memref<1x128x64xf32, #tpu.memory_space<hbm>>
    %dma_start3A_831 = tpu.memref_squeeze %dma_start3A_830 : memref<1x128x64xf32, #tpu.memory_space<hbm>> -> memref<128x64xf32, #tpu.memory_space<hbm>>
    %dma_start3A_832 = tpu.memref_slice %arg8[%rem3A_789] : memref<3x!tpu.dma_semaphore, #tpu.memory_space<semaphore_mem>> -> memref<1x!tpu.dma_semaphore, #tpu.memory_space<semaphore_mem>>
    %dma_start3A_833 = tpu.memref_squeeze %dma_start3A_832 : memref<1x!tpu.dma_semaphore, #tpu.memory_space<semaphore_mem>> -> memref<!tpu.dma_semaphore, #tpu.memory_space<semaphore_mem>>
    %dma_start3A_834 = arith.constant 0 : i32
    %dma_start3A_835 = arith.constant 0 : i32
    %dma_start3A_836 = tpu.memref_slice %arg4[%add3A_823, %dma_start3A_834, %dma_start3A_835] : memref<1024x128x64xf32, #tpu.memory_space<hbm>> -> memref<1x128x64xf32, #tpu.memory_space<hbm>>
    %dma_start3A_837 = tpu.memref_squeeze %dma_start3A_836 : memref<1x128x64xf32, #tpu.memory_space<hbm>> -> memref<128x64xf32, #tpu.memory_space<hbm>>
    %dma_start3A_838 = arith.constant 0 : i32
    %dma_start3A_839 = arith.constant 0 : i32
    %dma_start3A_840 = tpu.memref_slice %arg6[%add3A_819, %dma_start3A_838, %dma_start3A_839] : memref<12x128x64xf32, #tpu.memory_space<vmem>> -> memref<1x128x64xf32, #tpu.memory_space<vmem>>
    %dma_start3A_841 = tpu.memref_squeeze %dma_start3A_840 : memref<1x128x64xf32, #tpu.memory_space<vmem>> -> memref<128x64xf32, #tpu.memory_space<vmem>>
    tpu.enqueue_dma source(%dma_start3A_841 : memref<128x64xf32, #tpu.memory_space<vmem>>) target(%dma_start3A_837 : memref<128x64xf32, #tpu.memory_space<hbm>>) target_semaphore(%dma_start3A_833 : memref<!tpu.dma_semaphore, #tpu.memory_space<semaphore_mem>>)
    %mul3A_842 = arith.constant 4 : i32
    %mul3A_843 = arith.muli %rem3A_789, %mul3A_842 : i32
    %add3A_844 = arith.constant 2 : i32
    %add3A_845 = arith.addi %mul3A_843, %add3A_844 : i32
    %add3A_846 = arith.constant 28 : i32
    %add3A_847 = arith.addi %mul3A_2, %add3A_846 : i32
    %add3A_848 = arith.constant 2 : i32
    %add3A_849 = arith.addi %add3A_847, %add3A_848 : i32
    %dma_start3A_850 = arith.constant 0 : i32
    %dma_start3A_851 = arith.constant 0 : i32
    %dma_start3A_852 = tpu.memref_slice %arg6[%add3A_845, %dma_start3A_850, %dma_start3A_851] : memref<12x128x64xf32, #tpu.memory_space<vmem>> -> memref<1x128x64xf32, #tpu.memory_space<vmem>>
    %dma_start3A_853 = tpu.memref_squeeze %dma_start3A_852 : memref<1x128x64xf32, #tpu.memory_space<vmem>> -> memref<128x64xf32, #tpu.memory_space<vmem>>
    %dma_start3A_854 = arith.constant 0 : i32
    %dma_start3A_855 = arith.constant 0 : i32
    %dma_start3A_856 = tpu.memref_slice %arg4[%add3A_849, %dma_start3A_854, %dma_start3A_855] : memref<1024x128x64xf32, #tpu.memory_space<hbm>> -> memref<1x128x64xf32, #tpu.memory_space<hbm>>
    %dma_start3A_857 = tpu.memref_squeeze %dma_start3A_856 : memref<1x128x64xf32, #tpu.memory_space<hbm>> -> memref<128x64xf32, #tpu.memory_space<hbm>>
    %dma_start3A_858 = tpu.memref_slice %arg8[%rem3A_789] : memref<3x!tpu.dma_semaphore, #tpu.memory_space<semaphore_mem>> -> memref<1x!tpu.dma_semaphore, #tpu.memory_space<semaphore_mem>>
    %dma_start3A_859 = tpu.memref_squeeze %dma_start3A_858 : memref<1x!tpu.dma_semaphore, #tpu.memory_space<semaphore_mem>> -> memref<!tpu.dma_semaphore, #tpu.memory_space<semaphore_mem>>
    %dma_start3A_860 = arith.constant 0 : i32
    %dma_start3A_861 = arith.constant 0 : i32
    %dma_start3A_862 = tpu.memref_slice %arg4[%add3A_849, %dma_start3A_860, %dma_start3A_861] : memref<1024x128x64xf32, #tpu.memory_space<hbm>> -> memref<1x128x64xf32, #tpu.memory_space<hbm>>
    %dma_start3A_863 = tpu.memref_squeeze %dma_start3A_862 : memref<1x128x64xf32, #tpu.memory_space<hbm>> -> memref<128x64xf32, #tpu.memory_space<hbm>>
    %dma_start3A_864 = arith.constant 0 : i32
    %dma_start3A_865 = arith.constant 0 : i32
    %dma_start3A_866 = tpu.memref_slice %arg6[%add3A_845, %dma_start3A_864, %dma_start3A_865] : memref<12x128x64xf32, #tpu.memory_space<vmem>> -> memref<1x128x64xf32, #tpu.memory_space<vmem>>
    %dma_start3A_867 = tpu.memref_squeeze %dma_start3A_866 : memref<1x128x64xf32, #tpu.memory_space<vmem>> -> memref<128x64xf32, #tpu.memory_space<vmem>>
    tpu.enqueue_dma source(%dma_start3A_867 : memref<128x64xf32, #tpu.memory_space<vmem>>) target(%dma_start3A_863 : memref<128x64xf32, #tpu.memory_space<hbm>>) target_semaphore(%dma_start3A_859 : memref<!tpu.dma_semaphore, #tpu.memory_space<semaphore_mem>>)
    %mul3A_868 = arith.constant 4 : i32
    %mul3A_869 = arith.muli %rem3A_789, %mul3A_868 : i32
    %add3A_870 = arith.constant 3 : i32
    %add3A_871 = arith.addi %mul3A_869, %add3A_870 : i32
    %add3A_872 = arith.constant 28 : i32
    %add3A_873 = arith.addi %mul3A_2, %add3A_872 : i32
    %add3A_874 = arith.constant 3 : i32
    %add3A_875 = arith.addi %add3A_873, %add3A_874 : i32
    %dma_start3A_876 = arith.constant 0 : i32
    %dma_start3A_877 = arith.constant 0 : i32
    %dma_start3A_878 = tpu.memref_slice %arg6[%add3A_871, %dma_start3A_876, %dma_start3A_877] : memref<12x128x64xf32, #tpu.memory_space<vmem>> -> memref<1x128x64xf32, #tpu.memory_space<vmem>>
    %dma_start3A_879 = tpu.memref_squeeze %dma_start3A_878 : memref<1x128x64xf32, #tpu.memory_space<vmem>> -> memref<128x64xf32, #tpu.memory_space<vmem>>
    %dma_start3A_880 = arith.constant 0 : i32
    %dma_start3A_881 = arith.constant 0 : i32
    %dma_start3A_882 = tpu.memref_slice %arg4[%add3A_875, %dma_start3A_880, %dma_start3A_881] : memref<1024x128x64xf32, #tpu.memory_space<hbm>> -> memref<1x128x64xf32, #tpu.memory_space<hbm>>
    %dma_start3A_883 = tpu.memref_squeeze %dma_start3A_882 : memref<1x128x64xf32, #tpu.memory_space<hbm>> -> memref<128x64xf32, #tpu.memory_space<hbm>>
    %dma_start3A_884 = tpu.memref_slice %arg8[%rem3A_789] : memref<3x!tpu.dma_semaphore, #tpu.memory_space<semaphore_mem>> -> memref<1x!tpu.dma_semaphore, #tpu.memory_space<semaphore_mem>>
    %dma_start3A_885 = tpu.memref_squeeze %dma_start3A_884 : memref<1x!tpu.dma_semaphore, #tpu.memory_space<semaphore_mem>> -> memref<!tpu.dma_semaphore, #tpu.memory_space<semaphore_mem>>
    %dma_start3A_886 = arith.constant 0 : i32
    %dma_start3A_887 = arith.constant 0 : i32
    %dma_start3A_888 = tpu.memref_slice %arg4[%add3A_875, %dma_start3A_886, %dma_start3A_887] : memref<1024x128x64xf32, #tpu.memory_space<hbm>> -> memref<1x128x64xf32, #tpu.memory_space<hbm>>
    %dma_start3A_889 = tpu.memref_squeeze %dma_start3A_888 : memref<1x128x64xf32, #tpu.memory_space<hbm>> -> memref<128x64xf32, #tpu.memory_space<hbm>>
    %dma_start3A_890 = arith.constant 0 : i32
    %dma_start3A_891 = arith.constant 0 : i32
    %dma_start3A_892 = tpu.memref_slice %arg6[%add3A_871, %dma_start3A_890, %dma_start3A_891] : memref<12x128x64xf32, #tpu.memory_space<vmem>> -> memref<1x128x64xf32, #tpu.memory_space<vmem>>
    %dma_start3A_893 = tpu.memref_squeeze %dma_start3A_892 : memref<1x128x64xf32, #tpu.memory_space<vmem>> -> memref<128x64xf32, #tpu.memory_space<vmem>>
    tpu.enqueue_dma source(%dma_start3A_893 : memref<128x64xf32, #tpu.memory_space<vmem>>) target(%dma_start3A_889 : memref<128x64xf32, #tpu.memory_space<hbm>>) target_semaphore(%dma_start3A_885 : memref<!tpu.dma_semaphore, #tpu.memory_space<semaphore_mem>>)
    %rem3A_894 = arith.constant 7 : i32
    %rem3A_895 = arith.constant 3 : i32
    %rem3A_896 = arith.remsi %rem3A_894, %rem3A_895 : i32
    %dma_wait3A_897 = arith.constant 0 : i32
    %dma_wait3A_898 = arith.constant 0 : i32
    %dma_wait3A_899 = arith.constant 0 : i32
    %dma_wait3A_900 = tpu.memref_slice %arg6[%dma_wait3A_897, %dma_wait3A_898, %dma_wait3A_899] : memref<12x128x64xf32, #tpu.memory_space<vmem>> -> memref<1x128x64xf32, #tpu.memory_space<vmem>>
    %dma_wait3A_901 = tpu.memref_squeeze %dma_wait3A_900 : memref<1x128x64xf32, #tpu.memory_space<vmem>> -> memref<128x64xf32, #tpu.memory_space<vmem>>
    %dma_wait3A_902 = arith.constant 0 : i32
    %dma_wait3A_903 = arith.constant 0 : i32
    %dma_wait3A_904 = tpu.memref_slice %arg3[%dma_wait3A_902, %dma_wait3A_903] : memref<1015808x64xf32, #tpu.memory_space<hbm>> -> memref<128x64xf32, #tpu.memory_space<hbm>>
    %dma_wait3A_905 = tpu.memref_slice %arg8[%rem3A_896] : memref<3x!tpu.dma_semaphore, #tpu.memory_space<semaphore_mem>> -> memref<1x!tpu.dma_semaphore, #tpu.memory_space<semaphore_mem>>
    %dma_wait3A_906 = tpu.memref_squeeze %dma_wait3A_905 : memref<1x!tpu.dma_semaphore, #tpu.memory_space<semaphore_mem>> -> memref<!tpu.dma_semaphore, #tpu.memory_space<semaphore_mem>>
    %dma_wait3A_907 = arith.constant 0 : i32
    %dma_wait3A_908 = arith.constant 0 : i32
    %dma_wait3A_909 = tpu.memref_slice %arg6[%dma_wait3A_897, %dma_wait3A_907, %dma_wait3A_908] : memref<12x128x64xf32, #tpu.memory_space<vmem>> -> memref<1x128x64xf32, #tpu.memory_space<vmem>>
    %dma_wait3A_910 = tpu.memref_squeeze %dma_wait3A_909 : memref<1x128x64xf32, #tpu.memory_space<vmem>> -> memref<128x64xf32, #tpu.memory_space<vmem>>
    %dma_wait3A_911 = arith.constant 0 : i32
    %dma_wait3A_912 = arith.constant 0 : i32
    %dma_wait3A_913 = tpu.memref_slice %arg3[%dma_wait3A_911, %dma_wait3A_912] : memref<1015808x64xf32, #tpu.memory_space<hbm>> -> memref<128x64xf32, #tpu.memory_space<hbm>>
    tpu.wait_dma2 semaphore(%dma_wait3A_906 : memref<!tpu.dma_semaphore, #tpu.memory_space<semaphore_mem>>) src(%dma_wait3A_913 : memref<128x64xf32, #tpu.memory_space<hbm>>) dst(%dma_wait3A_910 : memref<128x64xf32, #tpu.memory_space<vmem>>)
    %dma_wait3A_914 = arith.constant 0 : i32
    %dma_wait3A_915 = arith.constant 0 : i32
    %dma_wait3A_916 = arith.constant 0 : i32
    %dma_wait3A_917 = tpu.memref_slice %arg6[%dma_wait3A_914, %dma_wait3A_915, %dma_wait3A_916] : memref<12x128x64xf32, #tpu.memory_space<vmem>> -> memref<1x128x64xf32, #tpu.memory_space<vmem>>
    %dma_wait3A_918 = tpu.memref_squeeze %dma_wait3A_917 : memref<1x128x64xf32, #tpu.memory_space<vmem>> -> memref<128x64xf32, #tpu.memory_space<vmem>>
    %dma_wait3A_919 = arith.constant 0 : i32
    %dma_wait3A_920 = arith.constant 0 : i32
    %dma_wait3A_921 = tpu.memref_slice %arg3[%dma_wait3A_919, %dma_wait3A_920] : memref<1015808x64xf32, #tpu.memory_space<hbm>> -> memref<128x64xf32, #tpu.memory_space<hbm>>
    %dma_wait3A_922 = tpu.memref_slice %arg8[%rem3A_896] : memref<3x!tpu.dma_semaphore, #tpu.memory_space<semaphore_mem>> -> memref<1x!tpu.dma_semaphore, #tpu.memory_space<semaphore_mem>>
    %dma_wait3A_923 = tpu.memref_squeeze %dma_wait3A_922 : memref<1x!tpu.dma_semaphore, #tpu.memory_space<semaphore_mem>> -> memref<!tpu.dma_semaphore, #tpu.memory_space<semaphore_mem>>
    %dma_wait3A_924 = arith.constant 0 : i32
    %dma_wait3A_925 = arith.constant 0 : i32
    %dma_wait3A_926 = tpu.memref_slice %arg6[%dma_wait3A_914, %dma_wait3A_924, %dma_wait3A_925] : memref<12x128x64xf32, #tpu.memory_space<vmem>> -> memref<1x128x64xf32, #tpu.memory_space<vmem>>
    %dma_wait3A_927 = tpu.memref_squeeze %dma_wait3A_926 : memref<1x128x64xf32, #tpu.memory_space<vmem>> -> memref<128x64xf32, #tpu.memory_space<vmem>>
    %dma_wait3A_928 = arith.constant 0 : i32
    %dma_wait3A_929 = arith.constant 0 : i32
    %dma_wait3A_930 = tpu.memref_slice %arg3[%dma_wait3A_928, %dma_wait3A_929] : memref<1015808x64xf32, #tpu.memory_space<hbm>> -> memref<128x64xf32, #tpu.memory_space<hbm>>
    tpu.wait_dma2 semaphore(%dma_wait3A_923 : memref<!tpu.dma_semaphore, #tpu.memory_space<semaphore_mem>>) src(%dma_wait3A_930 : memref<128x64xf32, #tpu.memory_space<hbm>>) dst(%dma_wait3A_927 : memref<128x64xf32, #tpu.memory_space<vmem>>)
    %dma_wait3A_931 = arith.constant 0 : i32
    %dma_wait3A_932 = arith.constant 0 : i32
    %dma_wait3A_933 = arith.constant 0 : i32
    %dma_wait3A_934 = tpu.memref_slice %arg6[%dma_wait3A_931, %dma_wait3A_932, %dma_wait3A_933] : memref<12x128x64xf32, #tpu.memory_space<vmem>> -> memref<1x128x64xf32, #tpu.memory_space<vmem>>
    %dma_wait3A_935 = tpu.memref_squeeze %dma_wait3A_934 : memref<1x128x64xf32, #tpu.memory_space<vmem>> -> memref<128x64xf32, #tpu.memory_space<vmem>>
    %dma_wait3A_936 = arith.constant 0 : i32
    %dma_wait3A_937 = arith.constant 0 : i32
    %dma_wait3A_938 = tpu.memref_slice %arg3[%dma_wait3A_936, %dma_wait3A_937] : memref<1015808x64xf32, #tpu.memory_space<hbm>> -> memref<128x64xf32, #tpu.memory_space<hbm>>
    %dma_wait3A_939 = tpu.memref_slice %arg8[%rem3A_896] : memref<3x!tpu.dma_semaphore, #tpu.memory_space<semaphore_mem>> -> memref<1x!tpu.dma_semaphore, #tpu.memory_space<semaphore_mem>>
    %dma_wait3A_940 = tpu.memref_squeeze %dma_wait3A_939 : memref<1x!tpu.dma_semaphore, #tpu.memory_space<semaphore_mem>> -> memref<!tpu.dma_semaphore, #tpu.memory_space<semaphore_mem>>
    %dma_wait3A_941 = arith.constant 0 : i32
    %dma_wait3A_942 = arith.constant 0 : i32
    %dma_wait3A_943 = tpu.memref_slice %arg6[%dma_wait3A_931, %dma_wait3A_941, %dma_wait3A_942] : memref<12x128x64xf32, #tpu.memory_space<vmem>> -> memref<1x128x64xf32, #tpu.memory_space<vmem>>
    %dma_wait3A_944 = tpu.memref_squeeze %dma_wait3A_943 : memref<1x128x64xf32, #tpu.memory_space<vmem>> -> memref<128x64xf32, #tpu.memory_space<vmem>>
    %dma_wait3A_945 = arith.constant 0 : i32
    %dma_wait3A_946 = arith.constant 0 : i32
    %dma_wait3A_947 = tpu.memref_slice %arg3[%dma_wait3A_945, %dma_wait3A_946] : memref<1015808x64xf32, #tpu.memory_space<hbm>> -> memref<128x64xf32, #tpu.memory_space<hbm>>
    tpu.wait_dma2 semaphore(%dma_wait3A_940 : memref<!tpu.dma_semaphore, #tpu.memory_space<semaphore_mem>>) src(%dma_wait3A_947 : memref<128x64xf32, #tpu.memory_space<hbm>>) dst(%dma_wait3A_944 : memref<128x64xf32, #tpu.memory_space<vmem>>)
    %dma_wait3A_948 = arith.constant 0 : i32
    %dma_wait3A_949 = arith.constant 0 : i32
    %dma_wait3A_950 = arith.constant 0 : i32
    %dma_wait3A_951 = tpu.memref_slice %arg6[%dma_wait3A_948, %dma_wait3A_949, %dma_wait3A_950] : memref<12x128x64xf32, #tpu.memory_space<vmem>> -> memref<1x128x64xf32, #tpu.memory_space<vmem>>
    %dma_wait3A_952 = tpu.memref_squeeze %dma_wait3A_951 : memref<1x128x64xf32, #tpu.memory_space<vmem>> -> memref<128x64xf32, #tpu.memory_space<vmem>>
    %dma_wait3A_953 = arith.constant 0 : i32
    %dma_wait3A_954 = arith.constant 0 : i32
    %dma_wait3A_955 = tpu.memref_slice %arg3[%dma_wait3A_953, %dma_wait3A_954] : memref<1015808x64xf32, #tpu.memory_space<hbm>> -> memref<128x64xf32, #tpu.memory_space<hbm>>
    %dma_wait3A_956 = tpu.memref_slice %arg8[%rem3A_896] : memref<3x!tpu.dma_semaphore, #tpu.memory_space<semaphore_mem>> -> memref<1x!tpu.dma_semaphore, #tpu.memory_space<semaphore_mem>>
    %dma_wait3A_957 = tpu.memref_squeeze %dma_wait3A_956 : memref<1x!tpu.dma_semaphore, #tpu.memory_space<semaphore_mem>> -> memref<!tpu.dma_semaphore, #tpu.memory_space<semaphore_mem>>
    %dma_wait3A_958 = arith.constant 0 : i32
    %dma_wait3A_959 = arith.constant 0 : i32
    %dma_wait3A_960 = tpu.memref_slice %arg6[%dma_wait3A_948, %dma_wait3A_958, %dma_wait3A_959] : memref<12x128x64xf32, #tpu.memory_space<vmem>> -> memref<1x128x64xf32, #tpu.memory_space<vmem>>
    %dma_wait3A_961 = tpu.memref_squeeze %dma_wait3A_960 : memref<1x128x64xf32, #tpu.memory_space<vmem>> -> memref<128x64xf32, #tpu.memory_space<vmem>>
    %dma_wait3A_962 = arith.constant 0 : i32
    %dma_wait3A_963 = arith.constant 0 : i32
    %dma_wait3A_964 = tpu.memref_slice %arg3[%dma_wait3A_962, %dma_wait3A_963] : memref<1015808x64xf32, #tpu.memory_space<hbm>> -> memref<128x64xf32, #tpu.memory_space<hbm>>
    tpu.wait_dma2 semaphore(%dma_wait3A_957 : memref<!tpu.dma_semaphore, #tpu.memory_space<semaphore_mem>>) src(%dma_wait3A_964 : memref<128x64xf32, #tpu.memory_space<hbm>>) dst(%dma_wait3A_961 : memref<128x64xf32, #tpu.memory_space<vmem>>)
    return
  }
}

#map = affine_map<(d0, d1) -> (0, 0, 0)>
#map1 = affine_map<(d0, d1) -> (0, 0)>
module attributes {stable_mosaic.version = 14 : i64} {
  func.func @k(%arg0: i32, %arg1: i32, %arg2: memref<32x32x128xi32, #tpu.memory_space<hbm>>, %arg3: memref<1015808x64xf32, #tpu.memory_space<hbm>>, %arg4: memref<1024x128x64xf32, #tpu.memory_space<hbm>>, %arg5: memref<32x128xi32, #tpu.memory_space<vmem>>, %arg6: memref<12x128x64xf32, #tpu.memory_space<vmem>>, %arg7: memref<3x!tpu.dma_semaphore, #tpu.memory_space<semaphore_mem>>, %arg8: memref<3x!tpu.dma_semaphore, #tpu.memory_space<semaphore_mem>>) attributes {dimension_semantics = [#tpu.dimension_semantics<core_parallel>, #tpu.dimension_semantics<subcore_parallel>], iteration_bounds = array<i64: 2, 16>, scalar_prefetch = 0 : i64, scratch_operands = 4 : i64, tpu.core_type = #tpu.core_type<sc_vector_subcore>, window_params = [{transform_indices = #map}, {transform_indices = #map1}, {transform_indices = #map}]} {
    %mul3A = arith.constant 2 : i32
    %mul3A_0 = arith.muli %arg1, %mul3A : i32
    %add3A = arith.addi %mul3A_0, %arg0 : i32
    "tpu.region"() ({
      %run_scoped3A = tpu.sem_alloc : memref<!tpu.dma_semaphore, #tpu.memory_space<semaphore_mem>>
      %dma_start3A_965 = arith.constant 0 : i32
      %dma_start3A_966 = arith.constant 0 : i32
      %dma_start3A_967 = tpu.memref_slice %arg2[%add3A, %dma_start3A_965, %dma_start3A_966] : memref<32x32x128xi32, #tpu.memory_space<hbm>> -> memref<1x32x128xi32, #tpu.memory_space<hbm>>
      %dma_start3A_968 = tpu.memref_squeeze %dma_start3A_967 : memref<1x32x128xi32, #tpu.memory_space<hbm>> -> memref<32x128xi32, #tpu.memory_space<hbm>>
      %dma_start3A_969 = arith.constant 0 : i32
      %dma_start3A_970 = arith.constant 0 : i32
      %dma_start3A_971 = tpu.memref_slice %arg2[%add3A, %dma_start3A_969, %dma_start3A_970] : memref<32x32x128xi32, #tpu.memory_space<hbm>> -> memref<1x32x128xi32, #tpu.memory_space<hbm>>
      %dma_start3A_972 = tpu.memref_squeeze %dma_start3A_971 : memref<1x32x128xi32, #tpu.memory_space<hbm>> -> memref<32x128xi32, #tpu.memory_space<hbm>>
      tpu.enqueue_dma source(%dma_start3A_972 : memref<32x128xi32, #tpu.memory_space<hbm>>) target(%arg5 : memref<32x128xi32, #tpu.memory_space<vmem>>) target_semaphore(%run_scoped3A : memref<!tpu.dma_semaphore, #tpu.memory_space<semaphore_mem>>)
      %dma_wait3A_973 = arith.constant 0 : i32
      %dma_wait3A_974 = arith.constant 0 : i32
      %dma_wait3A_975 = tpu.memref_slice %arg2[%add3A, %dma_wait3A_973, %dma_wait3A_974] : memref<32x32x128xi32, #tpu.memory_space<hbm>> -> memref<1x32x128xi32, #tpu.memory_space<hbm>>
      %dma_wait3A_976 = tpu.memref_squeeze %dma_wait3A_975 : memref<1x32x128xi32, #tpu.memory_space<hbm>> -> memref<32x128xi32, #tpu.memory_space<hbm>>
      %dma_wait3A_977 = arith.constant 0 : i32
      %dma_wait3A_978 = arith.constant 0 : i32
      %dma_wait3A_979 = tpu.memref_slice %arg2[%add3A, %dma_wait3A_977, %dma_wait3A_978] : memref<32x32x128xi32, #tpu.memory_space<hbm>> -> memref<1x32x128xi32, #tpu.memory_space<hbm>>
      %dma_wait3A_980 = tpu.memref_squeeze %dma_wait3A_979 : memref<1x32x128xi32, #tpu.memory_space<hbm>> -> memref<32x128xi32, #tpu.memory_space<hbm>>
      tpu.wait_dma2 semaphore(%run_scoped3A : memref<!tpu.dma_semaphore, #tpu.memory_space<semaphore_mem>>) src(%dma_wait3A_980 : memref<32x128xi32, #tpu.memory_space<hbm>>) dst(%arg5 : memref<32x128xi32, #tpu.memory_space<vmem>>)
      tpu.yield
    }) : () -> ()
    %mul3A_1 = arith.constant 32 : i32
    %mul3A_2 = arith.muli %add3A, %mul3A_1 : i32
    %rem3A = arith.constant 0 : i32
    %rem3A_3 = arith.constant 3 : i32
    %rem3A_4 = arith.remsi %rem3A, %rem3A_3 : i32
    %mul3A_5 = arith.constant 4 : i32
    %mul3A_6 = arith.muli %rem3A_4, %mul3A_5 : i32
    %add3A_7 = arith.constant 0 : i32
    %add3A_8 = arith.addi %mul3A_6, %add3A_7 : i32
    %dma_start3A = arith.constant 0 : i32
    %dma_start3A_9 = arith.constant 0 : i32
    %dma_start3A_10 = arith.constant 0 : i32
    %dma_start3A_11 = tpu.memref_slice %arg6[%add3A_8, %dma_start3A_9, %dma_start3A_10] : memref<12x128x64xf32, #tpu.memory_space<vmem>> -> memref<1x128x64xf32, #tpu.memory_space<vmem>>
    %dma_start3A_12 = tpu.memref_squeeze %dma_start3A_11 : memref<1x128x64xf32, #tpu.memory_space<vmem>> -> memref<128x64xf32, #tpu.memory_space<vmem>>
    %dma_start3A_13 = arith.constant 0 : i32
    %dma_start3A_14 = tpu.memref_slice %arg5[%dma_start3A, %dma_start3A_13] : memref<32x128xi32, #tpu.memory_space<vmem>> -> memref<1x128xi32, #tpu.memory_space<vmem>>
    %dma_start3A_15 = tpu.memref_squeeze %dma_start3A_14 : memref<1x128xi32, #tpu.memory_space<vmem>> -> memref<128xi32, #tpu.memory_space<vmem>>
    %dma_start3A_16 = arith.constant 0 : i32
    %dma_start3A_17 = arith.constant 0 : i32
    %dma_start3A_18 = tpu.memref_slice %arg3[%dma_start3A_16, %dma_start3A_17] : memref<1015808x64xf32, #tpu.memory_space<hbm>> -> memref<1015808x64xf32, #tpu.memory_space<hbm>>
    %dma_start3A_19 = tpu.memref_slice %arg7[%rem3A_4] : memref<3x!tpu.dma_semaphore, #tpu.memory_space<semaphore_mem>> -> memref<1x!tpu.dma_semaphore, #tpu.memory_space<semaphore_mem>>
    %dma_start3A_20 = tpu.memref_squeeze %dma_start3A_19 : memref<1x!tpu.dma_semaphore, #tpu.memory_space<semaphore_mem>> -> memref<!tpu.dma_semaphore, #tpu.memory_space<semaphore_mem>>
    tpu.enqueue_indirect_dma source(%dma_start3A_18 : memref<1015808x64xf32, #tpu.memory_space<hbm>>) target(%dma_start3A_12 : memref<128x64xf32, #tpu.memory_space<vmem>>) offsets(%dma_start3A_15 : memref<128xi32, #tpu.memory_space<vmem>>) semaphore(%dma_start3A_20 : memref<!tpu.dma_semaphore, #tpu.memory_space<semaphore_mem>>)
    %mul3A_21 = arith.constant 4 : i32
    %mul3A_22 = arith.muli %rem3A_4, %mul3A_21 : i32
    %add3A_23 = arith.constant 1 : i32
    %add3A_24 = arith.addi %mul3A_22, %add3A_23 : i32
    %dma_start3A_25 = arith.constant 1 : i32
    %dma_start3A_26 = arith.constant 0 : i32
    %dma_start3A_27 = arith.constant 0 : i32
    %dma_start3A_28 = tpu.memref_slice %arg6[%add3A_24, %dma_start3A_26, %dma_start3A_27] : memref<12x128x64xf32, #tpu.memory_space<vmem>> -> memref<1x128x64xf32, #tpu.memory_space<vmem>>
    %dma_start3A_29 = tpu.memref_squeeze %dma_start3A_28 : memref<1x128x64xf32, #tpu.memory_space<vmem>> -> memref<128x64xf32, #tpu.memory_space<vmem>>
    %dma_start3A_30 = arith.constant 0 : i32
    %dma_start3A_31 = tpu.memref_slice %arg5[%dma_start3A_25, %dma_start3A_30] : memref<32x128xi32, #tpu.memory_space<vmem>> -> memref<1x128xi32, #tpu.memory_space<vmem>>
    %dma_start3A_32 = tpu.memref_squeeze %dma_start3A_31 : memref<1x128xi32, #tpu.memory_space<vmem>> -> memref<128xi32, #tpu.memory_space<vmem>>
    %dma_start3A_33 = arith.constant 0 : i32
    %dma_start3A_34 = arith.constant 0 : i32
    %dma_start3A_35 = tpu.memref_slice %arg3[%dma_start3A_33, %dma_start3A_34] : memref<1015808x64xf32, #tpu.memory_space<hbm>> -> memref<1015808x64xf32, #tpu.memory_space<hbm>>
    %dma_start3A_36 = tpu.memref_slice %arg7[%rem3A_4] : memref<3x!tpu.dma_semaphore, #tpu.memory_space<semaphore_mem>> -> memref<1x!tpu.dma_semaphore, #tpu.memory_space<semaphore_mem>>
    %dma_start3A_37 = tpu.memref_squeeze %dma_start3A_36 : memref<1x!tpu.dma_semaphore, #tpu.memory_space<semaphore_mem>> -> memref<!tpu.dma_semaphore, #tpu.memory_space<semaphore_mem>>
    tpu.enqueue_indirect_dma source(%dma_start3A_35 : memref<1015808x64xf32, #tpu.memory_space<hbm>>) target(%dma_start3A_29 : memref<128x64xf32, #tpu.memory_space<vmem>>) offsets(%dma_start3A_32 : memref<128xi32, #tpu.memory_space<vmem>>) semaphore(%dma_start3A_37 : memref<!tpu.dma_semaphore, #tpu.memory_space<semaphore_mem>>)
    %mul3A_38 = arith.constant 4 : i32
    %mul3A_39 = arith.muli %rem3A_4, %mul3A_38 : i32
    %add3A_40 = arith.constant 2 : i32
    %add3A_41 = arith.addi %mul3A_39, %add3A_40 : i32
    %dma_start3A_42 = arith.constant 2 : i32
    %dma_start3A_43 = arith.constant 0 : i32
    %dma_start3A_44 = arith.constant 0 : i32
    %dma_start3A_45 = tpu.memref_slice %arg6[%add3A_41, %dma_start3A_43, %dma_start3A_44] : memref<12x128x64xf32, #tpu.memory_space<vmem>> -> memref<1x128x64xf32, #tpu.memory_space<vmem>>
    %dma_start3A_46 = tpu.memref_squeeze %dma_start3A_45 : memref<1x128x64xf32, #tpu.memory_space<vmem>> -> memref<128x64xf32, #tpu.memory_space<vmem>>
    %dma_start3A_47 = arith.constant 0 : i32
    %dma_start3A_48 = tpu.memref_slice %arg5[%dma_start3A_42, %dma_start3A_47] : memref<32x128xi32, #tpu.memory_space<vmem>> -> memref<1x128xi32, #tpu.memory_space<vmem>>
    %dma_start3A_49 = tpu.memref_squeeze %dma_start3A_48 : memref<1x128xi32, #tpu.memory_space<vmem>> -> memref<128xi32, #tpu.memory_space<vmem>>
    %dma_start3A_50 = arith.constant 0 : i32
    %dma_start3A_51 = arith.constant 0 : i32
    %dma_start3A_52 = tpu.memref_slice %arg3[%dma_start3A_50, %dma_start3A_51] : memref<1015808x64xf32, #tpu.memory_space<hbm>> -> memref<1015808x64xf32, #tpu.memory_space<hbm>>
    %dma_start3A_53 = tpu.memref_slice %arg7[%rem3A_4] : memref<3x!tpu.dma_semaphore, #tpu.memory_space<semaphore_mem>> -> memref<1x!tpu.dma_semaphore, #tpu.memory_space<semaphore_mem>>
    %dma_start3A_54 = tpu.memref_squeeze %dma_start3A_53 : memref<1x!tpu.dma_semaphore, #tpu.memory_space<semaphore_mem>> -> memref<!tpu.dma_semaphore, #tpu.memory_space<semaphore_mem>>
    tpu.enqueue_indirect_dma source(%dma_start3A_52 : memref<1015808x64xf32, #tpu.memory_space<hbm>>) target(%dma_start3A_46 : memref<128x64xf32, #tpu.memory_space<vmem>>) offsets(%dma_start3A_49 : memref<128xi32, #tpu.memory_space<vmem>>) semaphore(%dma_start3A_54 : memref<!tpu.dma_semaphore, #tpu.memory_space<semaphore_mem>>)
    %mul3A_55 = arith.constant 4 : i32
    %mul3A_56 = arith.muli %rem3A_4, %mul3A_55 : i32
    %add3A_57 = arith.constant 3 : i32
    %add3A_58 = arith.addi %mul3A_56, %add3A_57 : i32
    %dma_start3A_59 = arith.constant 3 : i32
    %dma_start3A_60 = arith.constant 0 : i32
    %dma_start3A_61 = arith.constant 0 : i32
    %dma_start3A_62 = tpu.memref_slice %arg6[%add3A_58, %dma_start3A_60, %dma_start3A_61] : memref<12x128x64xf32, #tpu.memory_space<vmem>> -> memref<1x128x64xf32, #tpu.memory_space<vmem>>
    %dma_start3A_63 = tpu.memref_squeeze %dma_start3A_62 : memref<1x128x64xf32, #tpu.memory_space<vmem>> -> memref<128x64xf32, #tpu.memory_space<vmem>>
    %dma_start3A_64 = arith.constant 0 : i32
    %dma_start3A_65 = tpu.memref_slice %arg5[%dma_start3A_59, %dma_start3A_64] : memref<32x128xi32, #tpu.memory_space<vmem>> -> memref<1x128xi32, #tpu.memory_space<vmem>>
    %dma_start3A_66 = tpu.memref_squeeze %dma_start3A_65 : memref<1x128xi32, #tpu.memory_space<vmem>> -> memref<128xi32, #tpu.memory_space<vmem>>
    %dma_start3A_67 = arith.constant 0 : i32
    %dma_start3A_68 = arith.constant 0 : i32
    %dma_start3A_69 = tpu.memref_slice %arg3[%dma_start3A_67, %dma_start3A_68] : memref<1015808x64xf32, #tpu.memory_space<hbm>> -> memref<1015808x64xf32, #tpu.memory_space<hbm>>
    %dma_start3A_70 = tpu.memref_slice %arg7[%rem3A_4] : memref<3x!tpu.dma_semaphore, #tpu.memory_space<semaphore_mem>> -> memref<1x!tpu.dma_semaphore, #tpu.memory_space<semaphore_mem>>
    %dma_start3A_71 = tpu.memref_squeeze %dma_start3A_70 : memref<1x!tpu.dma_semaphore, #tpu.memory_space<semaphore_mem>> -> memref<!tpu.dma_semaphore, #tpu.memory_space<semaphore_mem>>
    tpu.enqueue_indirect_dma source(%dma_start3A_69 : memref<1015808x64xf32, #tpu.memory_space<hbm>>) target(%dma_start3A_63 : memref<128x64xf32, #tpu.memory_space<vmem>>) offsets(%dma_start3A_66 : memref<128xi32, #tpu.memory_space<vmem>>) semaphore(%dma_start3A_71 : memref<!tpu.dma_semaphore, #tpu.memory_space<semaphore_mem>>)
    %rem3A_72 = arith.constant 1 : i32
    %rem3A_73 = arith.constant 3 : i32
    %rem3A_74 = arith.remsi %rem3A_72, %rem3A_73 : i32
    %mul3A_75 = arith.constant 4 : i32
    %mul3A_76 = arith.muli %rem3A_74, %mul3A_75 : i32
    %add3A_77 = arith.constant 0 : i32
    %add3A_78 = arith.addi %mul3A_76, %add3A_77 : i32
    %dma_start3A_79 = arith.constant 4 : i32
    %dma_start3A_80 = arith.constant 0 : i32
    %dma_start3A_81 = arith.constant 0 : i32
    %dma_start3A_82 = tpu.memref_slice %arg6[%add3A_78, %dma_start3A_80, %dma_start3A_81] : memref<12x128x64xf32, #tpu.memory_space<vmem>> -> memref<1x128x64xf32, #tpu.memory_space<vmem>>
    %dma_start3A_83 = tpu.memref_squeeze %dma_start3A_82 : memref<1x128x64xf32, #tpu.memory_space<vmem>> -> memref<128x64xf32, #tpu.memory_space<vmem>>
    %dma_start3A_84 = arith.constant 0 : i32
    %dma_start3A_85 = tpu.memref_slice %arg5[%dma_start3A_79, %dma_start3A_84] : memref<32x128xi32, #tpu.memory_space<vmem>> -> memref<1x128xi32, #tpu.memory_space<vmem>>
    %dma_start3A_86 = tpu.memref_squeeze %dma_start3A_85 : memref<1x128xi32, #tpu.memory_space<vmem>> -> memref<128xi32, #tpu.memory_space<vmem>>
    %dma_start3A_87 = arith.constant 0 : i32
    %dma_start3A_88 = arith.constant 0 : i32
    %dma_start3A_89 = tpu.memref_slice %arg3[%dma_start3A_87, %dma_start3A_88] : memref<1015808x64xf32, #tpu.memory_space<hbm>> -> memref<1015808x64xf32, #tpu.memory_space<hbm>>
    %dma_start3A_90 = tpu.memref_slice %arg7[%rem3A_74] : memref<3x!tpu.dma_semaphore, #tpu.memory_space<semaphore_mem>> -> memref<1x!tpu.dma_semaphore, #tpu.memory_space<semaphore_mem>>
    %dma_start3A_91 = tpu.memref_squeeze %dma_start3A_90 : memref<1x!tpu.dma_semaphore, #tpu.memory_space<semaphore_mem>> -> memref<!tpu.dma_semaphore, #tpu.memory_space<semaphore_mem>>
    tpu.enqueue_indirect_dma source(%dma_start3A_89 : memref<1015808x64xf32, #tpu.memory_space<hbm>>) target(%dma_start3A_83 : memref<128x64xf32, #tpu.memory_space<vmem>>) offsets(%dma_start3A_86 : memref<128xi32, #tpu.memory_space<vmem>>) semaphore(%dma_start3A_91 : memref<!tpu.dma_semaphore, #tpu.memory_space<semaphore_mem>>)
    %mul3A_92 = arith.constant 4 : i32
    %mul3A_93 = arith.muli %rem3A_74, %mul3A_92 : i32
    %add3A_94 = arith.constant 1 : i32
    %add3A_95 = arith.addi %mul3A_93, %add3A_94 : i32
    %dma_start3A_96 = arith.constant 5 : i32
    %dma_start3A_97 = arith.constant 0 : i32
    %dma_start3A_98 = arith.constant 0 : i32
    %dma_start3A_99 = tpu.memref_slice %arg6[%add3A_95, %dma_start3A_97, %dma_start3A_98] : memref<12x128x64xf32, #tpu.memory_space<vmem>> -> memref<1x128x64xf32, #tpu.memory_space<vmem>>
    %dma_start3A_100 = tpu.memref_squeeze %dma_start3A_99 : memref<1x128x64xf32, #tpu.memory_space<vmem>> -> memref<128x64xf32, #tpu.memory_space<vmem>>
    %dma_start3A_101 = arith.constant 0 : i32
    %dma_start3A_102 = tpu.memref_slice %arg5[%dma_start3A_96, %dma_start3A_101] : memref<32x128xi32, #tpu.memory_space<vmem>> -> memref<1x128xi32, #tpu.memory_space<vmem>>
    %dma_start3A_103 = tpu.memref_squeeze %dma_start3A_102 : memref<1x128xi32, #tpu.memory_space<vmem>> -> memref<128xi32, #tpu.memory_space<vmem>>
    %dma_start3A_104 = arith.constant 0 : i32
    %dma_start3A_105 = arith.constant 0 : i32
    %dma_start3A_106 = tpu.memref_slice %arg3[%dma_start3A_104, %dma_start3A_105] : memref<1015808x64xf32, #tpu.memory_space<hbm>> -> memref<1015808x64xf32, #tpu.memory_space<hbm>>
    %dma_start3A_107 = tpu.memref_slice %arg7[%rem3A_74] : memref<3x!tpu.dma_semaphore, #tpu.memory_space<semaphore_mem>> -> memref<1x!tpu.dma_semaphore, #tpu.memory_space<semaphore_mem>>
    %dma_start3A_108 = tpu.memref_squeeze %dma_start3A_107 : memref<1x!tpu.dma_semaphore, #tpu.memory_space<semaphore_mem>> -> memref<!tpu.dma_semaphore, #tpu.memory_space<semaphore_mem>>
    tpu.enqueue_indirect_dma source(%dma_start3A_106 : memref<1015808x64xf32, #tpu.memory_space<hbm>>) target(%dma_start3A_100 : memref<128x64xf32, #tpu.memory_space<vmem>>) offsets(%dma_start3A_103 : memref<128xi32, #tpu.memory_space<vmem>>) semaphore(%dma_start3A_108 : memref<!tpu.dma_semaphore, #tpu.memory_space<semaphore_mem>>)
    %mul3A_109 = arith.constant 4 : i32
    %mul3A_110 = arith.muli %rem3A_74, %mul3A_109 : i32
    %add3A_111 = arith.constant 2 : i32
    %add3A_112 = arith.addi %mul3A_110, %add3A_111 : i32
    %dma_start3A_113 = arith.constant 6 : i32
    %dma_start3A_114 = arith.constant 0 : i32
    %dma_start3A_115 = arith.constant 0 : i32
    %dma_start3A_116 = tpu.memref_slice %arg6[%add3A_112, %dma_start3A_114, %dma_start3A_115] : memref<12x128x64xf32, #tpu.memory_space<vmem>> -> memref<1x128x64xf32, #tpu.memory_space<vmem>>
    %dma_start3A_117 = tpu.memref_squeeze %dma_start3A_116 : memref<1x128x64xf32, #tpu.memory_space<vmem>> -> memref<128x64xf32, #tpu.memory_space<vmem>>
    %dma_start3A_118 = arith.constant 0 : i32
    %dma_start3A_119 = tpu.memref_slice %arg5[%dma_start3A_113, %dma_start3A_118] : memref<32x128xi32, #tpu.memory_space<vmem>> -> memref<1x128xi32, #tpu.memory_space<vmem>>
    %dma_start3A_120 = tpu.memref_squeeze %dma_start3A_119 : memref<1x128xi32, #tpu.memory_space<vmem>> -> memref<128xi32, #tpu.memory_space<vmem>>
    %dma_start3A_121 = arith.constant 0 : i32
    %dma_start3A_122 = arith.constant 0 : i32
    %dma_start3A_123 = tpu.memref_slice %arg3[%dma_start3A_121, %dma_start3A_122] : memref<1015808x64xf32, #tpu.memory_space<hbm>> -> memref<1015808x64xf32, #tpu.memory_space<hbm>>
    %dma_start3A_124 = tpu.memref_slice %arg7[%rem3A_74] : memref<3x!tpu.dma_semaphore, #tpu.memory_space<semaphore_mem>> -> memref<1x!tpu.dma_semaphore, #tpu.memory_space<semaphore_mem>>
    %dma_start3A_125 = tpu.memref_squeeze %dma_start3A_124 : memref<1x!tpu.dma_semaphore, #tpu.memory_space<semaphore_mem>> -> memref<!tpu.dma_semaphore, #tpu.memory_space<semaphore_mem>>
    tpu.enqueue_indirect_dma source(%dma_start3A_123 : memref<1015808x64xf32, #tpu.memory_space<hbm>>) target(%dma_start3A_117 : memref<128x64xf32, #tpu.memory_space<vmem>>) offsets(%dma_start3A_120 : memref<128xi32, #tpu.memory_space<vmem>>) semaphore(%dma_start3A_125 : memref<!tpu.dma_semaphore, #tpu.memory_space<semaphore_mem>>)
    %mul3A_126 = arith.constant 4 : i32
    %mul3A_127 = arith.muli %rem3A_74, %mul3A_126 : i32
    %add3A_128 = arith.constant 3 : i32
    %add3A_129 = arith.addi %mul3A_127, %add3A_128 : i32
    %dma_start3A_130 = arith.constant 7 : i32
    %dma_start3A_131 = arith.constant 0 : i32
    %dma_start3A_132 = arith.constant 0 : i32
    %dma_start3A_133 = tpu.memref_slice %arg6[%add3A_129, %dma_start3A_131, %dma_start3A_132] : memref<12x128x64xf32, #tpu.memory_space<vmem>> -> memref<1x128x64xf32, #tpu.memory_space<vmem>>
    %dma_start3A_134 = tpu.memref_squeeze %dma_start3A_133 : memref<1x128x64xf32, #tpu.memory_space<vmem>> -> memref<128x64xf32, #tpu.memory_space<vmem>>
    %dma_start3A_135 = arith.constant 0 : i32
    %dma_start3A_136 = tpu.memref_slice %arg5[%dma_start3A_130, %dma_start3A_135] : memref<32x128xi32, #tpu.memory_space<vmem>> -> memref<1x128xi32, #tpu.memory_space<vmem>>
    %dma_start3A_137 = tpu.memref_squeeze %dma_start3A_136 : memref<1x128xi32, #tpu.memory_space<vmem>> -> memref<128xi32, #tpu.memory_space<vmem>>
    %dma_start3A_138 = arith.constant 0 : i32
    %dma_start3A_139 = arith.constant 0 : i32
    %dma_start3A_140 = tpu.memref_slice %arg3[%dma_start3A_138, %dma_start3A_139] : memref<1015808x64xf32, #tpu.memory_space<hbm>> -> memref<1015808x64xf32, #tpu.memory_space<hbm>>
    %dma_start3A_141 = tpu.memref_slice %arg7[%rem3A_74] : memref<3x!tpu.dma_semaphore, #tpu.memory_space<semaphore_mem>> -> memref<1x!tpu.dma_semaphore, #tpu.memory_space<semaphore_mem>>
    %dma_start3A_142 = tpu.memref_squeeze %dma_start3A_141 : memref<1x!tpu.dma_semaphore, #tpu.memory_space<semaphore_mem>> -> memref<!tpu.dma_semaphore, #tpu.memory_space<semaphore_mem>>
    tpu.enqueue_indirect_dma source(%dma_start3A_140 : memref<1015808x64xf32, #tpu.memory_space<hbm>>) target(%dma_start3A_134 : memref<128x64xf32, #tpu.memory_space<vmem>>) offsets(%dma_start3A_137 : memref<128xi32, #tpu.memory_space<vmem>>) semaphore(%dma_start3A_142 : memref<!tpu.dma_semaphore, #tpu.memory_space<semaphore_mem>>)
    %rem3A_143 = arith.constant 0 : i32
    %rem3A_144 = arith.constant 3 : i32
    %rem3A_145 = arith.remsi %rem3A_143, %rem3A_144 : i32
    %dma_wait3A = arith.constant 0 : i32
    %dma_wait3A_146 = arith.constant 0 : i32
    %dma_wait3A_147 = arith.constant 0 : i32
    %dma_wait3A_148 = tpu.memref_slice %arg6[%dma_wait3A, %dma_wait3A_146, %dma_wait3A_147] : memref<12x128x64xf32, #tpu.memory_space<vmem>> -> memref<1x128x64xf32, #tpu.memory_space<vmem>>
    %dma_wait3A_149 = tpu.memref_squeeze %dma_wait3A_148 : memref<1x128x64xf32, #tpu.memory_space<vmem>> -> memref<128x64xf32, #tpu.memory_space<vmem>>
    %dma_wait3A_150 = arith.constant 0 : i32
    %dma_wait3A_151 = arith.constant 0 : i32
    %dma_wait3A_152 = tpu.memref_slice %arg3[%dma_wait3A_150, %dma_wait3A_151] : memref<1015808x64xf32, #tpu.memory_space<hbm>> -> memref<128x64xf32, #tpu.memory_space<hbm>>
    %dma_wait3A_153 = tpu.memref_slice %arg7[%rem3A_145] : memref<3x!tpu.dma_semaphore, #tpu.memory_space<semaphore_mem>> -> memref<1x!tpu.dma_semaphore, #tpu.memory_space<semaphore_mem>>
    %dma_wait3A_154 = tpu.memref_squeeze %dma_wait3A_153 : memref<1x!tpu.dma_semaphore, #tpu.memory_space<semaphore_mem>> -> memref<!tpu.dma_semaphore, #tpu.memory_space<semaphore_mem>>
    %dma_wait3A_155 = arith.constant 0 : i32
    %dma_wait3A_156 = arith.constant 0 : i32
    %dma_wait3A_157 = tpu.memref_slice %arg6[%dma_wait3A, %dma_wait3A_155, %dma_wait3A_156] : memref<12x128x64xf32, #tpu.memory_space<vmem>> -> memref<1x128x64xf32, #tpu.memory_space<vmem>>
    %dma_wait3A_158 = tpu.memref_squeeze %dma_wait3A_157 : memref<1x128x64xf32, #tpu.memory_space<vmem>> -> memref<128x64xf32, #tpu.memory_space<vmem>>
    %dma_wait3A_159 = arith.constant 0 : i32
    %dma_wait3A_160 = arith.constant 0 : i32
    %dma_wait3A_161 = tpu.memref_slice %arg3[%dma_wait3A_159, %dma_wait3A_160] : memref<1015808x64xf32, #tpu.memory_space<hbm>> -> memref<128x64xf32, #tpu.memory_space<hbm>>
    tpu.wait_dma2 semaphore(%dma_wait3A_154 : memref<!tpu.dma_semaphore, #tpu.memory_space<semaphore_mem>>) src(%dma_wait3A_161 : memref<128x64xf32, #tpu.memory_space<hbm>>) dst(%dma_wait3A_158 : memref<128x64xf32, #tpu.memory_space<vmem>>)
    %dma_wait3A_162 = arith.constant 0 : i32
    %dma_wait3A_163 = arith.constant 0 : i32
    %dma_wait3A_164 = arith.constant 0 : i32
    %dma_wait3A_165 = tpu.memref_slice %arg6[%dma_wait3A_162, %dma_wait3A_163, %dma_wait3A_164] : memref<12x128x64xf32, #tpu.memory_space<vmem>> -> memref<1x128x64xf32, #tpu.memory_space<vmem>>
    %dma_wait3A_166 = tpu.memref_squeeze %dma_wait3A_165 : memref<1x128x64xf32, #tpu.memory_space<vmem>> -> memref<128x64xf32, #tpu.memory_space<vmem>>
    %dma_wait3A_167 = arith.constant 0 : i32
    %dma_wait3A_168 = arith.constant 0 : i32
    %dma_wait3A_169 = tpu.memref_slice %arg3[%dma_wait3A_167, %dma_wait3A_168] : memref<1015808x64xf32, #tpu.memory_space<hbm>> -> memref<128x64xf32, #tpu.memory_space<hbm>>
    %dma_wait3A_170 = tpu.memref_slice %arg7[%rem3A_145] : memref<3x!tpu.dma_semaphore, #tpu.memory_space<semaphore_mem>> -> memref<1x!tpu.dma_semaphore, #tpu.memory_space<semaphore_mem>>
    %dma_wait3A_171 = tpu.memref_squeeze %dma_wait3A_170 : memref<1x!tpu.dma_semaphore, #tpu.memory_space<semaphore_mem>> -> memref<!tpu.dma_semaphore, #tpu.memory_space<semaphore_mem>>
    %dma_wait3A_172 = arith.constant 0 : i32
    %dma_wait3A_173 = arith.constant 0 : i32
    %dma_wait3A_174 = tpu.memref_slice %arg6[%dma_wait3A_162, %dma_wait3A_172, %dma_wait3A_173] : memref<12x128x64xf32, #tpu.memory_space<vmem>> -> memref<1x128x64xf32, #tpu.memory_space<vmem>>
    %dma_wait3A_175 = tpu.memref_squeeze %dma_wait3A_174 : memref<1x128x64xf32, #tpu.memory_space<vmem>> -> memref<128x64xf32, #tpu.memory_space<vmem>>
    %dma_wait3A_176 = arith.constant 0 : i32
    %dma_wait3A_177 = arith.constant 0 : i32
    %dma_wait3A_178 = tpu.memref_slice %arg3[%dma_wait3A_176, %dma_wait3A_177] : memref<1015808x64xf32, #tpu.memory_space<hbm>> -> memref<128x64xf32, #tpu.memory_space<hbm>>
    tpu.wait_dma2 semaphore(%dma_wait3A_171 : memref<!tpu.dma_semaphore, #tpu.memory_space<semaphore_mem>>) src(%dma_wait3A_178 : memref<128x64xf32, #tpu.memory_space<hbm>>) dst(%dma_wait3A_175 : memref<128x64xf32, #tpu.memory_space<vmem>>)
    %dma_wait3A_179 = arith.constant 0 : i32
    %dma_wait3A_180 = arith.constant 0 : i32
    %dma_wait3A_181 = arith.constant 0 : i32
    %dma_wait3A_182 = tpu.memref_slice %arg6[%dma_wait3A_179, %dma_wait3A_180, %dma_wait3A_181] : memref<12x128x64xf32, #tpu.memory_space<vmem>> -> memref<1x128x64xf32, #tpu.memory_space<vmem>>
    %dma_wait3A_183 = tpu.memref_squeeze %dma_wait3A_182 : memref<1x128x64xf32, #tpu.memory_space<vmem>> -> memref<128x64xf32, #tpu.memory_space<vmem>>
    %dma_wait3A_184 = arith.constant 0 : i32
    %dma_wait3A_185 = arith.constant 0 : i32
    %dma_wait3A_186 = tpu.memref_slice %arg3[%dma_wait3A_184, %dma_wait3A_185] : memref<1015808x64xf32, #tpu.memory_space<hbm>> -> memref<128x64xf32, #tpu.memory_space<hbm>>
    %dma_wait3A_187 = tpu.memref_slice %arg7[%rem3A_145] : memref<3x!tpu.dma_semaphore, #tpu.memory_space<semaphore_mem>> -> memref<1x!tpu.dma_semaphore, #tpu.memory_space<semaphore_mem>>
    %dma_wait3A_188 = tpu.memref_squeeze %dma_wait3A_187 : memref<1x!tpu.dma_semaphore, #tpu.memory_space<semaphore_mem>> -> memref<!tpu.dma_semaphore, #tpu.memory_space<semaphore_mem>>
    %dma_wait3A_189 = arith.constant 0 : i32
    %dma_wait3A_190 = arith.constant 0 : i32
    %dma_wait3A_191 = tpu.memref_slice %arg6[%dma_wait3A_179, %dma_wait3A_189, %dma_wait3A_190] : memref<12x128x64xf32, #tpu.memory_space<vmem>> -> memref<1x128x64xf32, #tpu.memory_space<vmem>>
    %dma_wait3A_192 = tpu.memref_squeeze %dma_wait3A_191 : memref<1x128x64xf32, #tpu.memory_space<vmem>> -> memref<128x64xf32, #tpu.memory_space<vmem>>
    %dma_wait3A_193 = arith.constant 0 : i32
    %dma_wait3A_194 = arith.constant 0 : i32
    %dma_wait3A_195 = tpu.memref_slice %arg3[%dma_wait3A_193, %dma_wait3A_194] : memref<1015808x64xf32, #tpu.memory_space<hbm>> -> memref<128x64xf32, #tpu.memory_space<hbm>>
    tpu.wait_dma2 semaphore(%dma_wait3A_188 : memref<!tpu.dma_semaphore, #tpu.memory_space<semaphore_mem>>) src(%dma_wait3A_195 : memref<128x64xf32, #tpu.memory_space<hbm>>) dst(%dma_wait3A_192 : memref<128x64xf32, #tpu.memory_space<vmem>>)
    %dma_wait3A_196 = arith.constant 0 : i32
    %dma_wait3A_197 = arith.constant 0 : i32
    %dma_wait3A_198 = arith.constant 0 : i32
    %dma_wait3A_199 = tpu.memref_slice %arg6[%dma_wait3A_196, %dma_wait3A_197, %dma_wait3A_198] : memref<12x128x64xf32, #tpu.memory_space<vmem>> -> memref<1x128x64xf32, #tpu.memory_space<vmem>>
    %dma_wait3A_200 = tpu.memref_squeeze %dma_wait3A_199 : memref<1x128x64xf32, #tpu.memory_space<vmem>> -> memref<128x64xf32, #tpu.memory_space<vmem>>
    %dma_wait3A_201 = arith.constant 0 : i32
    %dma_wait3A_202 = arith.constant 0 : i32
    %dma_wait3A_203 = tpu.memref_slice %arg3[%dma_wait3A_201, %dma_wait3A_202] : memref<1015808x64xf32, #tpu.memory_space<hbm>> -> memref<128x64xf32, #tpu.memory_space<hbm>>
    %dma_wait3A_204 = tpu.memref_slice %arg7[%rem3A_145] : memref<3x!tpu.dma_semaphore, #tpu.memory_space<semaphore_mem>> -> memref<1x!tpu.dma_semaphore, #tpu.memory_space<semaphore_mem>>
    %dma_wait3A_205 = tpu.memref_squeeze %dma_wait3A_204 : memref<1x!tpu.dma_semaphore, #tpu.memory_space<semaphore_mem>> -> memref<!tpu.dma_semaphore, #tpu.memory_space<semaphore_mem>>
    %dma_wait3A_206 = arith.constant 0 : i32
    %dma_wait3A_207 = arith.constant 0 : i32
    %dma_wait3A_208 = tpu.memref_slice %arg6[%dma_wait3A_196, %dma_wait3A_206, %dma_wait3A_207] : memref<12x128x64xf32, #tpu.memory_space<vmem>> -> memref<1x128x64xf32, #tpu.memory_space<vmem>>
    %dma_wait3A_209 = tpu.memref_squeeze %dma_wait3A_208 : memref<1x128x64xf32, #tpu.memory_space<vmem>> -> memref<128x64xf32, #tpu.memory_space<vmem>>
    %dma_wait3A_210 = arith.constant 0 : i32
    %dma_wait3A_211 = arith.constant 0 : i32
    %dma_wait3A_212 = tpu.memref_slice %arg3[%dma_wait3A_210, %dma_wait3A_211] : memref<1015808x64xf32, #tpu.memory_space<hbm>> -> memref<128x64xf32, #tpu.memory_space<hbm>>
    tpu.wait_dma2 semaphore(%dma_wait3A_205 : memref<!tpu.dma_semaphore, #tpu.memory_space<semaphore_mem>>) src(%dma_wait3A_212 : memref<128x64xf32, #tpu.memory_space<hbm>>) dst(%dma_wait3A_209 : memref<128x64xf32, #tpu.memory_space<vmem>>)
    %rem3A_213 = arith.constant 0 : i32
    %rem3A_214 = arith.constant 3 : i32
    %rem3A_215 = arith.remsi %rem3A_213, %rem3A_214 : i32
    %mul3A_216 = arith.constant 4 : i32
    %mul3A_217 = arith.muli %rem3A_215, %mul3A_216 : i32
    %add3A_218 = arith.constant 0 : i32
    %add3A_219 = arith.addi %mul3A_217, %add3A_218 : i32
    %add3A_220 = arith.constant 0 : i32
    %add3A_221 = arith.addi %mul3A_2, %add3A_220 : i32
    %add3A_222 = arith.constant 0 : i32
    %add3A_223 = arith.addi %add3A_221, %add3A_222 : i32
    %dma_start3A_224 = arith.constant 0 : i32
    %dma_start3A_225 = arith.constant 0 : i32
    %dma_start3A_226 = tpu.memref_slice %arg6[%add3A_219, %dma_start3A_224, %dma_start3A_225] : memref<12x128x64xf32, #tpu.memory_space<vmem>> -> memref<1x128x64xf32, #tpu.memory_space<vmem>>
    %dma_start3A_227 = tpu.memref_squeeze %dma_start3A_226 : memref<1x128x64xf32, #tpu.memory_space<vmem>> -> memref<128x64xf32, #tpu.memory_space<vmem>>
    %dma_start3A_228 = arith.constant 0 : i32
    %dma_start3A_229 = arith.constant 0 : i32
    %dma_start3A_230 = tpu.memref_slice %arg4[%add3A_223, %dma_start3A_228, %dma_start3A_229] : memref<1024x128x64xf32, #tpu.memory_space<hbm>> -> memref<1x128x64xf32, #tpu.memory_space<hbm>>
    %dma_start3A_231 = tpu.memref_squeeze %dma_start3A_230 : memref<1x128x64xf32, #tpu.memory_space<hbm>> -> memref<128x64xf32, #tpu.memory_space<hbm>>
    %dma_start3A_232 = tpu.memref_slice %arg8[%rem3A_215] : memref<3x!tpu.dma_semaphore, #tpu.memory_space<semaphore_mem>> -> memref<1x!tpu.dma_semaphore, #tpu.memory_space<semaphore_mem>>
    %dma_start3A_233 = tpu.memref_squeeze %dma_start3A_232 : memref<1x!tpu.dma_semaphore, #tpu.memory_space<semaphore_mem>> -> memref<!tpu.dma_semaphore, #tpu.memory_space<semaphore_mem>>
    %dma_start3A_234 = arith.constant 0 : i32
    %dma_start3A_235 = arith.constant 0 : i32
    %dma_start3A_236 = tpu.memref_slice %arg4[%add3A_223, %dma_start3A_234, %dma_start3A_235] : memref<1024x128x64xf32, #tpu.memory_space<hbm>> -> memref<1x128x64xf32, #tpu.memory_space<hbm>>
    %dma_start3A_237 = tpu.memref_squeeze %dma_start3A_236 : memref<1x128x64xf32, #tpu.memory_space<hbm>> -> memref<128x64xf32, #tpu.memory_space<hbm>>
    %dma_start3A_238 = arith.constant 0 : i32
    %dma_start3A_239 = arith.constant 0 : i32
    %dma_start3A_240 = tpu.memref_slice %arg6[%add3A_219, %dma_start3A_238, %dma_start3A_239] : memref<12x128x64xf32, #tpu.memory_space<vmem>> -> memref<1x128x64xf32, #tpu.memory_space<vmem>>
    %dma_start3A_241 = tpu.memref_squeeze %dma_start3A_240 : memref<1x128x64xf32, #tpu.memory_space<vmem>> -> memref<128x64xf32, #tpu.memory_space<vmem>>
    tpu.enqueue_dma source(%dma_start3A_241 : memref<128x64xf32, #tpu.memory_space<vmem>>) target(%dma_start3A_237 : memref<128x64xf32, #tpu.memory_space<hbm>>) target_semaphore(%dma_start3A_233 : memref<!tpu.dma_semaphore, #tpu.memory_space<semaphore_mem>>)
    %mul3A_242 = arith.constant 4 : i32
    %mul3A_243 = arith.muli %rem3A_215, %mul3A_242 : i32
    %add3A_244 = arith.constant 1 : i32
    %add3A_245 = arith.addi %mul3A_243, %add3A_244 : i32
    %add3A_246 = arith.constant 0 : i32
    %add3A_247 = arith.addi %mul3A_2, %add3A_246 : i32
    %add3A_248 = arith.constant 1 : i32
    %add3A_249 = arith.addi %add3A_247, %add3A_248 : i32
    %dma_start3A_250 = arith.constant 0 : i32
    %dma_start3A_251 = arith.constant 0 : i32
    %dma_start3A_252 = tpu.memref_slice %arg6[%add3A_245, %dma_start3A_250, %dma_start3A_251] : memref<12x128x64xf32, #tpu.memory_space<vmem>> -> memref<1x128x64xf32, #tpu.memory_space<vmem>>
    %dma_start3A_253 = tpu.memref_squeeze %dma_start3A_252 : memref<1x128x64xf32, #tpu.memory_space<vmem>> -> memref<128x64xf32, #tpu.memory_space<vmem>>
    %dma_start3A_254 = arith.constant 0 : i32
    %dma_start3A_255 = arith.constant 0 : i32
    %dma_start3A_256 = tpu.memref_slice %arg4[%add3A_249, %dma_start3A_254, %dma_start3A_255] : memref<1024x128x64xf32, #tpu.memory_space<hbm>> -> memref<1x128x64xf32, #tpu.memory_space<hbm>>
    %dma_start3A_257 = tpu.memref_squeeze %dma_start3A_256 : memref<1x128x64xf32, #tpu.memory_space<hbm>> -> memref<128x64xf32, #tpu.memory_space<hbm>>
    %dma_start3A_258 = tpu.memref_slice %arg8[%rem3A_215] : memref<3x!tpu.dma_semaphore, #tpu.memory_space<semaphore_mem>> -> memref<1x!tpu.dma_semaphore, #tpu.memory_space<semaphore_mem>>
    %dma_start3A_259 = tpu.memref_squeeze %dma_start3A_258 : memref<1x!tpu.dma_semaphore, #tpu.memory_space<semaphore_mem>> -> memref<!tpu.dma_semaphore, #tpu.memory_space<semaphore_mem>>
    %dma_start3A_260 = arith.constant 0 : i32
    %dma_start3A_261 = arith.constant 0 : i32
    %dma_start3A_262 = tpu.memref_slice %arg4[%add3A_249, %dma_start3A_260, %dma_start3A_261] : memref<1024x128x64xf32, #tpu.memory_space<hbm>> -> memref<1x128x64xf32, #tpu.memory_space<hbm>>
    %dma_start3A_263 = tpu.memref_squeeze %dma_start3A_262 : memref<1x128x64xf32, #tpu.memory_space<hbm>> -> memref<128x64xf32, #tpu.memory_space<hbm>>
    %dma_start3A_264 = arith.constant 0 : i32
    %dma_start3A_265 = arith.constant 0 : i32
    %dma_start3A_266 = tpu.memref_slice %arg6[%add3A_245, %dma_start3A_264, %dma_start3A_265] : memref<12x128x64xf32, #tpu.memory_space<vmem>> -> memref<1x128x64xf32, #tpu.memory_space<vmem>>
    %dma_start3A_267 = tpu.memref_squeeze %dma_start3A_266 : memref<1x128x64xf32, #tpu.memory_space<vmem>> -> memref<128x64xf32, #tpu.memory_space<vmem>>
    tpu.enqueue_dma source(%dma_start3A_267 : memref<128x64xf32, #tpu.memory_space<vmem>>) target(%dma_start3A_263 : memref<128x64xf32, #tpu.memory_space<hbm>>) target_semaphore(%dma_start3A_259 : memref<!tpu.dma_semaphore, #tpu.memory_space<semaphore_mem>>)
    %mul3A_268 = arith.constant 4 : i32
    %mul3A_269 = arith.muli %rem3A_215, %mul3A_268 : i32
    %add3A_270 = arith.constant 2 : i32
    %add3A_271 = arith.addi %mul3A_269, %add3A_270 : i32
    %add3A_272 = arith.constant 0 : i32
    %add3A_273 = arith.addi %mul3A_2, %add3A_272 : i32
    %add3A_274 = arith.constant 2 : i32
    %add3A_275 = arith.addi %add3A_273, %add3A_274 : i32
    %dma_start3A_276 = arith.constant 0 : i32
    %dma_start3A_277 = arith.constant 0 : i32
    %dma_start3A_278 = tpu.memref_slice %arg6[%add3A_271, %dma_start3A_276, %dma_start3A_277] : memref<12x128x64xf32, #tpu.memory_space<vmem>> -> memref<1x128x64xf32, #tpu.memory_space<vmem>>
    %dma_start3A_279 = tpu.memref_squeeze %dma_start3A_278 : memref<1x128x64xf32, #tpu.memory_space<vmem>> -> memref<128x64xf32, #tpu.memory_space<vmem>>
    %dma_start3A_280 = arith.constant 0 : i32
    %dma_start3A_281 = arith.constant 0 : i32
    %dma_start3A_282 = tpu.memref_slice %arg4[%add3A_275, %dma_start3A_280, %dma_start3A_281] : memref<1024x128x64xf32, #tpu.memory_space<hbm>> -> memref<1x128x64xf32, #tpu.memory_space<hbm>>
    %dma_start3A_283 = tpu.memref_squeeze %dma_start3A_282 : memref<1x128x64xf32, #tpu.memory_space<hbm>> -> memref<128x64xf32, #tpu.memory_space<hbm>>
    %dma_start3A_284 = tpu.memref_slice %arg8[%rem3A_215] : memref<3x!tpu.dma_semaphore, #tpu.memory_space<semaphore_mem>> -> memref<1x!tpu.dma_semaphore, #tpu.memory_space<semaphore_mem>>
    %dma_start3A_285 = tpu.memref_squeeze %dma_start3A_284 : memref<1x!tpu.dma_semaphore, #tpu.memory_space<semaphore_mem>> -> memref<!tpu.dma_semaphore, #tpu.memory_space<semaphore_mem>>
    %dma_start3A_286 = arith.constant 0 : i32
    %dma_start3A_287 = arith.constant 0 : i32
    %dma_start3A_288 = tpu.memref_slice %arg4[%add3A_275, %dma_start3A_286, %dma_start3A_287] : memref<1024x128x64xf32, #tpu.memory_space<hbm>> -> memref<1x128x64xf32, #tpu.memory_space<hbm>>
    %dma_start3A_289 = tpu.memref_squeeze %dma_start3A_288 : memref<1x128x64xf32, #tpu.memory_space<hbm>> -> memref<128x64xf32, #tpu.memory_space<hbm>>
    %dma_start3A_290 = arith.constant 0 : i32
    %dma_start3A_291 = arith.constant 0 : i32
    %dma_start3A_292 = tpu.memref_slice %arg6[%add3A_271, %dma_start3A_290, %dma_start3A_291] : memref<12x128x64xf32, #tpu.memory_space<vmem>> -> memref<1x128x64xf32, #tpu.memory_space<vmem>>
    %dma_start3A_293 = tpu.memref_squeeze %dma_start3A_292 : memref<1x128x64xf32, #tpu.memory_space<vmem>> -> memref<128x64xf32, #tpu.memory_space<vmem>>
    tpu.enqueue_dma source(%dma_start3A_293 : memref<128x64xf32, #tpu.memory_space<vmem>>) target(%dma_start3A_289 : memref<128x64xf32, #tpu.memory_space<hbm>>) target_semaphore(%dma_start3A_285 : memref<!tpu.dma_semaphore, #tpu.memory_space<semaphore_mem>>)
    %mul3A_294 = arith.constant 4 : i32
    %mul3A_295 = arith.muli %rem3A_215, %mul3A_294 : i32
    %add3A_296 = arith.constant 3 : i32
    %add3A_297 = arith.addi %mul3A_295, %add3A_296 : i32
    %add3A_298 = arith.constant 0 : i32
    %add3A_299 = arith.addi %mul3A_2, %add3A_298 : i32
    %add3A_300 = arith.constant 3 : i32
    %add3A_301 = arith.addi %add3A_299, %add3A_300 : i32
    %dma_start3A_302 = arith.constant 0 : i32
    %dma_start3A_303 = arith.constant 0 : i32
    %dma_start3A_304 = tpu.memref_slice %arg6[%add3A_297, %dma_start3A_302, %dma_start3A_303] : memref<12x128x64xf32, #tpu.memory_space<vmem>> -> memref<1x128x64xf32, #tpu.memory_space<vmem>>
    %dma_start3A_305 = tpu.memref_squeeze %dma_start3A_304 : memref<1x128x64xf32, #tpu.memory_space<vmem>> -> memref<128x64xf32, #tpu.memory_space<vmem>>
    %dma_start3A_306 = arith.constant 0 : i32
    %dma_start3A_307 = arith.constant 0 : i32
    %dma_start3A_308 = tpu.memref_slice %arg4[%add3A_301, %dma_start3A_306, %dma_start3A_307] : memref<1024x128x64xf32, #tpu.memory_space<hbm>> -> memref<1x128x64xf32, #tpu.memory_space<hbm>>
    %dma_start3A_309 = tpu.memref_squeeze %dma_start3A_308 : memref<1x128x64xf32, #tpu.memory_space<hbm>> -> memref<128x64xf32, #tpu.memory_space<hbm>>
    %dma_start3A_310 = tpu.memref_slice %arg8[%rem3A_215] : memref<3x!tpu.dma_semaphore, #tpu.memory_space<semaphore_mem>> -> memref<1x!tpu.dma_semaphore, #tpu.memory_space<semaphore_mem>>
    %dma_start3A_311 = tpu.memref_squeeze %dma_start3A_310 : memref<1x!tpu.dma_semaphore, #tpu.memory_space<semaphore_mem>> -> memref<!tpu.dma_semaphore, #tpu.memory_space<semaphore_mem>>
    %dma_start3A_312 = arith.constant 0 : i32
    %dma_start3A_313 = arith.constant 0 : i32
    %dma_start3A_314 = tpu.memref_slice %arg4[%add3A_301, %dma_start3A_312, %dma_start3A_313] : memref<1024x128x64xf32, #tpu.memory_space<hbm>> -> memref<1x128x64xf32, #tpu.memory_space<hbm>>
    %dma_start3A_315 = tpu.memref_squeeze %dma_start3A_314 : memref<1x128x64xf32, #tpu.memory_space<hbm>> -> memref<128x64xf32, #tpu.memory_space<hbm>>
    %dma_start3A_316 = arith.constant 0 : i32
    %dma_start3A_317 = arith.constant 0 : i32
    %dma_start3A_318 = tpu.memref_slice %arg6[%add3A_297, %dma_start3A_316, %dma_start3A_317] : memref<12x128x64xf32, #tpu.memory_space<vmem>> -> memref<1x128x64xf32, #tpu.memory_space<vmem>>
    %dma_start3A_319 = tpu.memref_squeeze %dma_start3A_318 : memref<1x128x64xf32, #tpu.memory_space<vmem>> -> memref<128x64xf32, #tpu.memory_space<vmem>>
    tpu.enqueue_dma source(%dma_start3A_319 : memref<128x64xf32, #tpu.memory_space<vmem>>) target(%dma_start3A_315 : memref<128x64xf32, #tpu.memory_space<hbm>>) target_semaphore(%dma_start3A_311 : memref<!tpu.dma_semaphore, #tpu.memory_space<semaphore_mem>>)
    %rem3A_320 = arith.constant 2 : i32
    %rem3A_321 = arith.constant 3 : i32
    %rem3A_322 = arith.remsi %rem3A_320, %rem3A_321 : i32
    %mul3A_323 = arith.constant 4 : i32
    %mul3A_324 = arith.muli %rem3A_322, %mul3A_323 : i32
    %add3A_325 = arith.constant 0 : i32
    %add3A_326 = arith.addi %mul3A_324, %add3A_325 : i32
    %dma_start3A_327 = arith.constant 8 : i32
    %dma_start3A_328 = arith.constant 0 : i32
    %dma_start3A_329 = arith.constant 0 : i32
    %dma_start3A_330 = tpu.memref_slice %arg6[%add3A_326, %dma_start3A_328, %dma_start3A_329] : memref<12x128x64xf32, #tpu.memory_space<vmem>> -> memref<1x128x64xf32, #tpu.memory_space<vmem>>
    %dma_start3A_331 = tpu.memref_squeeze %dma_start3A_330 : memref<1x128x64xf32, #tpu.memory_space<vmem>> -> memref<128x64xf32, #tpu.memory_space<vmem>>
    %dma_start3A_332 = arith.constant 0 : i32
    %dma_start3A_333 = tpu.memref_slice %arg5[%dma_start3A_327, %dma_start3A_332] : memref<32x128xi32, #tpu.memory_space<vmem>> -> memref<1x128xi32, #tpu.memory_space<vmem>>
    %dma_start3A_334 = tpu.memref_squeeze %dma_start3A_333 : memref<1x128xi32, #tpu.memory_space<vmem>> -> memref<128xi32, #tpu.memory_space<vmem>>
    %dma_start3A_335 = arith.constant 0 : i32
    %dma_start3A_336 = arith.constant 0 : i32
    %dma_start3A_337 = tpu.memref_slice %arg3[%dma_start3A_335, %dma_start3A_336] : memref<1015808x64xf32, #tpu.memory_space<hbm>> -> memref<1015808x64xf32, #tpu.memory_space<hbm>>
    %dma_start3A_338 = tpu.memref_slice %arg7[%rem3A_322] : memref<3x!tpu.dma_semaphore, #tpu.memory_space<semaphore_mem>> -> memref<1x!tpu.dma_semaphore, #tpu.memory_space<semaphore_mem>>
    %dma_start3A_339 = tpu.memref_squeeze %dma_start3A_338 : memref<1x!tpu.dma_semaphore, #tpu.memory_space<semaphore_mem>> -> memref<!tpu.dma_semaphore, #tpu.memory_space<semaphore_mem>>
    tpu.enqueue_indirect_dma source(%dma_start3A_337 : memref<1015808x64xf32, #tpu.memory_space<hbm>>) target(%dma_start3A_331 : memref<128x64xf32, #tpu.memory_space<vmem>>) offsets(%dma_start3A_334 : memref<128xi32, #tpu.memory_space<vmem>>) semaphore(%dma_start3A_339 : memref<!tpu.dma_semaphore, #tpu.memory_space<semaphore_mem>>)
    %mul3A_340 = arith.constant 4 : i32
    %mul3A_341 = arith.muli %rem3A_322, %mul3A_340 : i32
    %add3A_342 = arith.constant 1 : i32
    %add3A_343 = arith.addi %mul3A_341, %add3A_342 : i32
    %dma_start3A_344 = arith.constant 9 : i32
    %dma_start3A_345 = arith.constant 0 : i32
    %dma_start3A_346 = arith.constant 0 : i32
    %dma_start3A_347 = tpu.memref_slice %arg6[%add3A_343, %dma_start3A_345, %dma_start3A_346] : memref<12x128x64xf32, #tpu.memory_space<vmem>> -> memref<1x128x64xf32, #tpu.memory_space<vmem>>
    %dma_start3A_348 = tpu.memref_squeeze %dma_start3A_347 : memref<1x128x64xf32, #tpu.memory_space<vmem>> -> memref<128x64xf32, #tpu.memory_space<vmem>>
    %dma_start3A_349 = arith.constant 0 : i32
    %dma_start3A_350 = tpu.memref_slice %arg5[%dma_start3A_344, %dma_start3A_349] : memref<32x128xi32, #tpu.memory_space<vmem>> -> memref<1x128xi32, #tpu.memory_space<vmem>>
    %dma_start3A_351 = tpu.memref_squeeze %dma_start3A_350 : memref<1x128xi32, #tpu.memory_space<vmem>> -> memref<128xi32, #tpu.memory_space<vmem>>
    %dma_start3A_352 = arith.constant 0 : i32
    %dma_start3A_353 = arith.constant 0 : i32
    %dma_start3A_354 = tpu.memref_slice %arg3[%dma_start3A_352, %dma_start3A_353] : memref<1015808x64xf32, #tpu.memory_space<hbm>> -> memref<1015808x64xf32, #tpu.memory_space<hbm>>
    %dma_start3A_355 = tpu.memref_slice %arg7[%rem3A_322] : memref<3x!tpu.dma_semaphore, #tpu.memory_space<semaphore_mem>> -> memref<1x!tpu.dma_semaphore, #tpu.memory_space<semaphore_mem>>
    %dma_start3A_356 = tpu.memref_squeeze %dma_start3A_355 : memref<1x!tpu.dma_semaphore, #tpu.memory_space<semaphore_mem>> -> memref<!tpu.dma_semaphore, #tpu.memory_space<semaphore_mem>>
    tpu.enqueue_indirect_dma source(%dma_start3A_354 : memref<1015808x64xf32, #tpu.memory_space<hbm>>) target(%dma_start3A_348 : memref<128x64xf32, #tpu.memory_space<vmem>>) offsets(%dma_start3A_351 : memref<128xi32, #tpu.memory_space<vmem>>) semaphore(%dma_start3A_356 : memref<!tpu.dma_semaphore, #tpu.memory_space<semaphore_mem>>)
    %mul3A_357 = arith.constant 4 : i32
    %mul3A_358 = arith.muli %rem3A_322, %mul3A_357 : i32
    %add3A_359 = arith.constant 2 : i32
    %add3A_360 = arith.addi %mul3A_358, %add3A_359 : i32
    %dma_start3A_361 = arith.constant 10 : i32
    %dma_start3A_362 = arith.constant 0 : i32
    %dma_start3A_363 = arith.constant 0 : i32
    %dma_start3A_364 = tpu.memref_slice %arg6[%add3A_360, %dma_start3A_362, %dma_start3A_363] : memref<12x128x64xf32, #tpu.memory_space<vmem>> -> memref<1x128x64xf32, #tpu.memory_space<vmem>>
    %dma_start3A_365 = tpu.memref_squeeze %dma_start3A_364 : memref<1x128x64xf32, #tpu.memory_space<vmem>> -> memref<128x64xf32, #tpu.memory_space<vmem>>
    %dma_start3A_366 = arith.constant 0 : i32
    %dma_start3A_367 = tpu.memref_slice %arg5[%dma_start3A_361, %dma_start3A_366] : memref<32x128xi32, #tpu.memory_space<vmem>> -> memref<1x128xi32, #tpu.memory_space<vmem>>
    %dma_start3A_368 = tpu.memref_squeeze %dma_start3A_367 : memref<1x128xi32, #tpu.memory_space<vmem>> -> memref<128xi32, #tpu.memory_space<vmem>>
    %dma_start3A_369 = arith.constant 0 : i32
    %dma_start3A_370 = arith.constant 0 : i32
    %dma_start3A_371 = tpu.memref_slice %arg3[%dma_start3A_369, %dma_start3A_370] : memref<1015808x64xf32, #tpu.memory_space<hbm>> -> memref<1015808x64xf32, #tpu.memory_space<hbm>>
    %dma_start3A_372 = tpu.memref_slice %arg7[%rem3A_322] : memref<3x!tpu.dma_semaphore, #tpu.memory_space<semaphore_mem>> -> memref<1x!tpu.dma_semaphore, #tpu.memory_space<semaphore_mem>>
    %dma_start3A_373 = tpu.memref_squeeze %dma_start3A_372 : memref<1x!tpu.dma_semaphore, #tpu.memory_space<semaphore_mem>> -> memref<!tpu.dma_semaphore, #tpu.memory_space<semaphore_mem>>
    tpu.enqueue_indirect_dma source(%dma_start3A_371 : memref<1015808x64xf32, #tpu.memory_space<hbm>>) target(%dma_start3A_365 : memref<128x64xf32, #tpu.memory_space<vmem>>) offsets(%dma_start3A_368 : memref<128xi32, #tpu.memory_space<vmem>>) semaphore(%dma_start3A_373 : memref<!tpu.dma_semaphore, #tpu.memory_space<semaphore_mem>>)
    %mul3A_374 = arith.constant 4 : i32
    %mul3A_375 = arith.muli %rem3A_322, %mul3A_374 : i32
    %add3A_376 = arith.constant 3 : i32
    %add3A_377 = arith.addi %mul3A_375, %add3A_376 : i32
    %dma_start3A_378 = arith.constant 11 : i32
    %dma_start3A_379 = arith.constant 0 : i32
    %dma_start3A_380 = arith.constant 0 : i32
    %dma_start3A_381 = tpu.memref_slice %arg6[%add3A_377, %dma_start3A_379, %dma_start3A_380] : memref<12x128x64xf32, #tpu.memory_space<vmem>> -> memref<1x128x64xf32, #tpu.memory_space<vmem>>
    %dma_start3A_382 = tpu.memref_squeeze %dma_start3A_381 : memref<1x128x64xf32, #tpu.memory_space<vmem>> -> memref<128x64xf32, #tpu.memory_space<vmem>>
    %dma_start3A_383 = arith.constant 0 : i32
    %dma_start3A_384 = tpu.memref_slice %arg5[%dma_start3A_378, %dma_start3A_383] : memref<32x128xi32, #tpu.memory_space<vmem>> -> memref<1x128xi32, #tpu.memory_space<vmem>>
    %dma_start3A_385 = tpu.memref_squeeze %dma_start3A_384 : memref<1x128xi32, #tpu.memory_space<vmem>> -> memref<128xi32, #tpu.memory_space<vmem>>
    %dma_start3A_386 = arith.constant 0 : i32
    %dma_start3A_387 = arith.constant 0 : i32
    %dma_start3A_388 = tpu.memref_slice %arg3[%dma_start3A_386, %dma_start3A_387] : memref<1015808x64xf32, #tpu.memory_space<hbm>> -> memref<1015808x64xf32, #tpu.memory_space<hbm>>
    %dma_start3A_389 = tpu.memref_slice %arg7[%rem3A_322] : memref<3x!tpu.dma_semaphore, #tpu.memory_space<semaphore_mem>> -> memref<1x!tpu.dma_semaphore, #tpu.memory_space<semaphore_mem>>
    %dma_start3A_390 = tpu.memref_squeeze %dma_start3A_389 : memref<1x!tpu.dma_semaphore, #tpu.memory_space<semaphore_mem>> -> memref<!tpu.dma_semaphore, #tpu.memory_space<semaphore_mem>>
    tpu.enqueue_indirect_dma source(%dma_start3A_388 : memref<1015808x64xf32, #tpu.memory_space<hbm>>) target(%dma_start3A_382 : memref<128x64xf32, #tpu.memory_space<vmem>>) offsets(%dma_start3A_385 : memref<128xi32, #tpu.memory_space<vmem>>) semaphore(%dma_start3A_390 : memref<!tpu.dma_semaphore, #tpu.memory_space<semaphore_mem>>)
    %scan3A = arith.constant 0 : i32
    %scan3A_391 = arith.constant 1 : i32
    %scan3A_392 = arith.constant 5 : i32
    %scan3A_393 = arith.addi %scan3A_391, %scan3A_392 : i32
    %scan3A_394 = arith.constant 1 : i32
    scf.for %scan3A_965 = %scan3A_391 to %scan3A_393 step %scan3A_394  : i32 {
      %rem3A_966 = arith.constant 3 : i32
      %rem3A_967 = arith.remsi %scan3A_965, %rem3A_966 : i32
      %dma_wait3A_968 = arith.constant 0 : i32
      %dma_wait3A_969 = arith.constant 0 : i32
      %dma_wait3A_970 = arith.constant 0 : i32
      %dma_wait3A_971 = tpu.memref_slice %arg6[%dma_wait3A_968, %dma_wait3A_969, %dma_wait3A_970] : memref<12x128x64xf32, #tpu.memory_space<vmem>> -> memref<1x128x64xf32, #tpu.memory_space<vmem>>
      %dma_wait3A_972 = tpu.memref_squeeze %dma_wait3A_971 : memref<1x128x64xf32, #tpu.memory_space<vmem>> -> memref<128x64xf32, #tpu.memory_space<vmem>>
      %dma_wait3A_973 = arith.constant 0 : i32
      %dma_wait3A_974 = arith.constant 0 : i32
      %dma_wait3A_975 = tpu.memref_slice %arg3[%dma_wait3A_973, %dma_wait3A_974] : memref<1015808x64xf32, #tpu.memory_space<hbm>> -> memref<128x64xf32, #tpu.memory_space<hbm>>
      %dma_wait3A_976 = tpu.memref_slice %arg7[%rem3A_967] : memref<3x!tpu.dma_semaphore, #tpu.memory_space<semaphore_mem>> -> memref<1x!tpu.dma_semaphore, #tpu.memory_space<semaphore_mem>>
      %dma_wait3A_977 = tpu.memref_squeeze %dma_wait3A_976 : memref<1x!tpu.dma_semaphore, #tpu.memory_space<semaphore_mem>> -> memref<!tpu.dma_semaphore, #tpu.memory_space<semaphore_mem>>
      %dma_wait3A_978 = arith.constant 0 : i32
      %dma_wait3A_979 = arith.constant 0 : i32
      %dma_wait3A_980 = tpu.memref_slice %arg6[%dma_wait3A_968, %dma_wait3A_978, %dma_wait3A_979] : memref<12x128x64xf32, #tpu.memory_space<vmem>> -> memref<1x128x64xf32, #tpu.memory_space<vmem>>
      %dma_wait3A_981 = tpu.memref_squeeze %dma_wait3A_980 : memref<1x128x64xf32, #tpu.memory_space<vmem>> -> memref<128x64xf32, #tpu.memory_space<vmem>>
      %dma_wait3A_982 = arith.constant 0 : i32
      %dma_wait3A_983 = arith.constant 0 : i32
      %dma_wait3A_984 = tpu.memref_slice %arg3[%dma_wait3A_982, %dma_wait3A_983] : memref<1015808x64xf32, #tpu.memory_space<hbm>> -> memref<128x64xf32, #tpu.memory_space<hbm>>
      tpu.wait_dma2 semaphore(%dma_wait3A_977 : memref<!tpu.dma_semaphore, #tpu.memory_space<semaphore_mem>>) src(%dma_wait3A_984 : memref<128x64xf32, #tpu.memory_space<hbm>>) dst(%dma_wait3A_981 : memref<128x64xf32, #tpu.memory_space<vmem>>)
      %dma_wait3A_985 = arith.constant 0 : i32
      %dma_wait3A_986 = arith.constant 0 : i32
      %dma_wait3A_987 = arith.constant 0 : i32
      %dma_wait3A_988 = tpu.memref_slice %arg6[%dma_wait3A_985, %dma_wait3A_986, %dma_wait3A_987] : memref<12x128x64xf32, #tpu.memory_space<vmem>> -> memref<1x128x64xf32, #tpu.memory_space<vmem>>
      %dma_wait3A_989 = tpu.memref_squeeze %dma_wait3A_988 : memref<1x128x64xf32, #tpu.memory_space<vmem>> -> memref<128x64xf32, #tpu.memory_space<vmem>>
      %dma_wait3A_990 = arith.constant 0 : i32
      %dma_wait3A_991 = arith.constant 0 : i32
      %dma_wait3A_992 = tpu.memref_slice %arg3[%dma_wait3A_990, %dma_wait3A_991] : memref<1015808x64xf32, #tpu.memory_space<hbm>> -> memref<128x64xf32, #tpu.memory_space<hbm>>
      %dma_wait3A_993 = tpu.memref_slice %arg7[%rem3A_967] : memref<3x!tpu.dma_semaphore, #tpu.memory_space<semaphore_mem>> -> memref<1x!tpu.dma_semaphore, #tpu.memory_space<semaphore_mem>>
      %dma_wait3A_994 = tpu.memref_squeeze %dma_wait3A_993 : memref<1x!tpu.dma_semaphore, #tpu.memory_space<semaphore_mem>> -> memref<!tpu.dma_semaphore, #tpu.memory_space<semaphore_mem>>
      %dma_wait3A_995 = arith.constant 0 : i32
      %dma_wait3A_996 = arith.constant 0 : i32
      %dma_wait3A_997 = tpu.memref_slice %arg6[%dma_wait3A_985, %dma_wait3A_995, %dma_wait3A_996] : memref<12x128x64xf32, #tpu.memory_space<vmem>> -> memref<1x128x64xf32, #tpu.memory_space<vmem>>
      %dma_wait3A_998 = tpu.memref_squeeze %dma_wait3A_997 : memref<1x128x64xf32, #tpu.memory_space<vmem>> -> memref<128x64xf32, #tpu.memory_space<vmem>>
      %dma_wait3A_999 = arith.constant 0 : i32
      %dma_wait3A_1000 = arith.constant 0 : i32
      %dma_wait3A_1001 = tpu.memref_slice %arg3[%dma_wait3A_999, %dma_wait3A_1000] : memref<1015808x64xf32, #tpu.memory_space<hbm>> -> memref<128x64xf32, #tpu.memory_space<hbm>>
      tpu.wait_dma2 semaphore(%dma_wait3A_994 : memref<!tpu.dma_semaphore, #tpu.memory_space<semaphore_mem>>) src(%dma_wait3A_1001 : memref<128x64xf32, #tpu.memory_space<hbm>>) dst(%dma_wait3A_998 : memref<128x64xf32, #tpu.memory_space<vmem>>)
      %dma_wait3A_1002 = arith.constant 0 : i32
      %dma_wait3A_1003 = arith.constant 0 : i32
      %dma_wait3A_1004 = arith.constant 0 : i32
      %dma_wait3A_1005 = tpu.memref_slice %arg6[%dma_wait3A_1002, %dma_wait3A_1003, %dma_wait3A_1004] : memref<12x128x64xf32, #tpu.memory_space<vmem>> -> memref<1x128x64xf32, #tpu.memory_space<vmem>>
      %dma_wait3A_1006 = tpu.memref_squeeze %dma_wait3A_1005 : memref<1x128x64xf32, #tpu.memory_space<vmem>> -> memref<128x64xf32, #tpu.memory_space<vmem>>
      %dma_wait3A_1007 = arith.constant 0 : i32
      %dma_wait3A_1008 = arith.constant 0 : i32
      %dma_wait3A_1009 = tpu.memref_slice %arg3[%dma_wait3A_1007, %dma_wait3A_1008] : memref<1015808x64xf32, #tpu.memory_space<hbm>> -> memref<128x64xf32, #tpu.memory_space<hbm>>
      %dma_wait3A_1010 = tpu.memref_slice %arg7[%rem3A_967] : memref<3x!tpu.dma_semaphore, #tpu.memory_space<semaphore_mem>> -> memref<1x!tpu.dma_semaphore, #tpu.memory_space<semaphore_mem>>
      %dma_wait3A_1011 = tpu.memref_squeeze %dma_wait3A_1010 : memref<1x!tpu.dma_semaphore, #tpu.memory_space<semaphore_mem>> -> memref<!tpu.dma_semaphore, #tpu.memory_space<semaphore_mem>>
      %dma_wait3A_1012 = arith.constant 0 : i32
      %dma_wait3A_1013 = arith.constant 0 : i32
      %dma_wait3A_1014 = tpu.memref_slice %arg6[%dma_wait3A_1002, %dma_wait3A_1012, %dma_wait3A_1013] : memref<12x128x64xf32, #tpu.memory_space<vmem>> -> memref<1x128x64xf32, #tpu.memory_space<vmem>>
      %dma_wait3A_1015 = tpu.memref_squeeze %dma_wait3A_1014 : memref<1x128x64xf32, #tpu.memory_space<vmem>> -> memref<128x64xf32, #tpu.memory_space<vmem>>
      %dma_wait3A_1016 = arith.constant 0 : i32
      %dma_wait3A_1017 = arith.constant 0 : i32
      %dma_wait3A_1018 = tpu.memref_slice %arg3[%dma_wait3A_1016, %dma_wait3A_1017] : memref<1015808x64xf32, #tpu.memory_space<hbm>> -> memref<128x64xf32, #tpu.memory_space<hbm>>
      tpu.wait_dma2 semaphore(%dma_wait3A_1011 : memref<!tpu.dma_semaphore, #tpu.memory_space<semaphore_mem>>) src(%dma_wait3A_1018 : memref<128x64xf32, #tpu.memory_space<hbm>>) dst(%dma_wait3A_1015 : memref<128x64xf32, #tpu.memory_space<vmem>>)
      %dma_wait3A_1019 = arith.constant 0 : i32
      %dma_wait3A_1020 = arith.constant 0 : i32
      %dma_wait3A_1021 = arith.constant 0 : i32
      %dma_wait3A_1022 = tpu.memref_slice %arg6[%dma_wait3A_1019, %dma_wait3A_1020, %dma_wait3A_1021] : memref<12x128x64xf32, #tpu.memory_space<vmem>> -> memref<1x128x64xf32, #tpu.memory_space<vmem>>
      %dma_wait3A_1023 = tpu.memref_squeeze %dma_wait3A_1022 : memref<1x128x64xf32, #tpu.memory_space<vmem>> -> memref<128x64xf32, #tpu.memory_space<vmem>>
      %dma_wait3A_1024 = arith.constant 0 : i32
      %dma_wait3A_1025 = arith.constant 0 : i32
      %dma_wait3A_1026 = tpu.memref_slice %arg3[%dma_wait3A_1024, %dma_wait3A_1025] : memref<1015808x64xf32, #tpu.memory_space<hbm>> -> memref<128x64xf32, #tpu.memory_space<hbm>>
      %dma_wait3A_1027 = tpu.memref_slice %arg7[%rem3A_967] : memref<3x!tpu.dma_semaphore, #tpu.memory_space<semaphore_mem>> -> memref<1x!tpu.dma_semaphore, #tpu.memory_space<semaphore_mem>>
      %dma_wait3A_1028 = tpu.memref_squeeze %dma_wait3A_1027 : memref<1x!tpu.dma_semaphore, #tpu.memory_space<semaphore_mem>> -> memref<!tpu.dma_semaphore, #tpu.memory_space<semaphore_mem>>
      %dma_wait3A_1029 = arith.constant 0 : i32
      %dma_wait3A_1030 = arith.constant 0 : i32
      %dma_wait3A_1031 = tpu.memref_slice %arg6[%dma_wait3A_1019, %dma_wait3A_1029, %dma_wait3A_1030] : memref<12x128x64xf32, #tpu.memory_space<vmem>> -> memref<1x128x64xf32, #tpu.memory_space<vmem>>
      %dma_wait3A_1032 = tpu.memref_squeeze %dma_wait3A_1031 : memref<1x128x64xf32, #tpu.memory_space<vmem>> -> memref<128x64xf32, #tpu.memory_space<vmem>>
      %dma_wait3A_1033 = arith.constant 0 : i32
      %dma_wait3A_1034 = arith.constant 0 : i32
      %dma_wait3A_1035 = tpu.memref_slice %arg3[%dma_wait3A_1033, %dma_wait3A_1034] : memref<1015808x64xf32, #tpu.memory_space<hbm>> -> memref<128x64xf32, #tpu.memory_space<hbm>>
      tpu.wait_dma2 semaphore(%dma_wait3A_1028 : memref<!tpu.dma_semaphore, #tpu.memory_space<semaphore_mem>>) src(%dma_wait3A_1035 : memref<128x64xf32, #tpu.memory_space<hbm>>) dst(%dma_wait3A_1032 : memref<128x64xf32, #tpu.memory_space<vmem>>)
      %sub3A = arith.constant 1 : i32
      %sub3A_1036 = arith.subi %scan3A_965, %sub3A : i32
      %rem3A_1037 = arith.constant 3 : i32
      %rem3A_1038 = arith.remsi %sub3A_1036, %rem3A_1037 : i32
      %dma_wait3A_1039 = arith.constant 0 : i32
      %dma_wait3A_1040 = arith.constant 0 : i32
      %dma_wait3A_1041 = arith.constant 0 : i32
      %dma_wait3A_1042 = tpu.memref_slice %arg6[%dma_wait3A_1039, %dma_wait3A_1040, %dma_wait3A_1041] : memref<12x128x64xf32, #tpu.memory_space<vmem>> -> memref<1x128x64xf32, #tpu.memory_space<vmem>>
      %dma_wait3A_1043 = tpu.memref_squeeze %dma_wait3A_1042 : memref<1x128x64xf32, #tpu.memory_space<vmem>> -> memref<128x64xf32, #tpu.memory_space<vmem>>
      %dma_wait3A_1044 = arith.constant 0 : i32
      %dma_wait3A_1045 = arith.constant 0 : i32
      %dma_wait3A_1046 = tpu.memref_slice %arg3[%dma_wait3A_1044, %dma_wait3A_1045] : memref<1015808x64xf32, #tpu.memory_space<hbm>> -> memref<128x64xf32, #tpu.memory_space<hbm>>
      %dma_wait3A_1047 = tpu.memref_slice %arg8[%rem3A_1038] : memref<3x!tpu.dma_semaphore, #tpu.memory_space<semaphore_mem>> -> memref<1x!tpu.dma_semaphore, #tpu.memory_space<semaphore_mem>>
      %dma_wait3A_1048 = tpu.memref_squeeze %dma_wait3A_1047 : memref<1x!tpu.dma_semaphore, #tpu.memory_space<semaphore_mem>> -> memref<!tpu.dma_semaphore, #tpu.memory_space<semaphore_mem>>
      %dma_wait3A_1049 = arith.constant 0 : i32
      %dma_wait3A_1050 = arith.constant 0 : i32
      %dma_wait3A_1051 = tpu.memref_slice %arg6[%dma_wait3A_1039, %dma_wait3A_1049, %dma_wait3A_1050] : memref<12x128x64xf32, #tpu.memory_space<vmem>> -> memref<1x128x64xf32, #tpu.memory_space<vmem>>
      %dma_wait3A_1052 = tpu.memref_squeeze %dma_wait3A_1051 : memref<1x128x64xf32, #tpu.memory_space<vmem>> -> memref<128x64xf32, #tpu.memory_space<vmem>>
      %dma_wait3A_1053 = arith.constant 0 : i32
      %dma_wait3A_1054 = arith.constant 0 : i32
      %dma_wait3A_1055 = tpu.memref_slice %arg3[%dma_wait3A_1053, %dma_wait3A_1054] : memref<1015808x64xf32, #tpu.memory_space<hbm>> -> memref<128x64xf32, #tpu.memory_space<hbm>>
      tpu.wait_dma2 semaphore(%dma_wait3A_1048 : memref<!tpu.dma_semaphore, #tpu.memory_space<semaphore_mem>>) src(%dma_wait3A_1055 : memref<128x64xf32, #tpu.memory_space<hbm>>) dst(%dma_wait3A_1052 : memref<128x64xf32, #tpu.memory_space<vmem>>)
      %dma_wait3A_1056 = arith.constant 0 : i32
      %dma_wait3A_1057 = arith.constant 0 : i32
      %dma_wait3A_1058 = arith.constant 0 : i32
      %dma_wait3A_1059 = tpu.memref_slice %arg6[%dma_wait3A_1056, %dma_wait3A_1057, %dma_wait3A_1058] : memref<12x128x64xf32, #tpu.memory_space<vmem>> -> memref<1x128x64xf32, #tpu.memory_space<vmem>>
      %dma_wait3A_1060 = tpu.memref_squeeze %dma_wait3A_1059 : memref<1x128x64xf32, #tpu.memory_space<vmem>> -> memref<128x64xf32, #tpu.memory_space<vmem>>
      %dma_wait3A_1061 = arith.constant 0 : i32
      %dma_wait3A_1062 = arith.constant 0 : i32
      %dma_wait3A_1063 = tpu.memref_slice %arg3[%dma_wait3A_1061, %dma_wait3A_1062] : memref<1015808x64xf32, #tpu.memory_space<hbm>> -> memref<128x64xf32, #tpu.memory_space<hbm>>
      %dma_wait3A_1064 = tpu.memref_slice %arg8[%rem3A_1038] : memref<3x!tpu.dma_semaphore, #tpu.memory_space<semaphore_mem>> -> memref<1x!tpu.dma_semaphore, #tpu.memory_space<semaphore_mem>>
      %dma_wait3A_1065 = tpu.memref_squeeze %dma_wait3A_1064 : memref<1x!tpu.dma_semaphore, #tpu.memory_space<semaphore_mem>> -> memref<!tpu.dma_semaphore, #tpu.memory_space<semaphore_mem>>
      %dma_wait3A_1066 = arith.constant 0 : i32
      %dma_wait3A_1067 = arith.constant 0 : i32
      %dma_wait3A_1068 = tpu.memref_slice %arg6[%dma_wait3A_1056, %dma_wait3A_1066, %dma_wait3A_1067] : memref<12x128x64xf32, #tpu.memory_space<vmem>> -> memref<1x128x64xf32, #tpu.memory_space<vmem>>
      %dma_wait3A_1069 = tpu.memref_squeeze %dma_wait3A_1068 : memref<1x128x64xf32, #tpu.memory_space<vmem>> -> memref<128x64xf32, #tpu.memory_space<vmem>>
      %dma_wait3A_1070 = arith.constant 0 : i32
      %dma_wait3A_1071 = arith.constant 0 : i32
      %dma_wait3A_1072 = tpu.memref_slice %arg3[%dma_wait3A_1070, %dma_wait3A_1071] : memref<1015808x64xf32, #tpu.memory_space<hbm>> -> memref<128x64xf32, #tpu.memory_space<hbm>>
      tpu.wait_dma2 semaphore(%dma_wait3A_1065 : memref<!tpu.dma_semaphore, #tpu.memory_space<semaphore_mem>>) src(%dma_wait3A_1072 : memref<128x64xf32, #tpu.memory_space<hbm>>) dst(%dma_wait3A_1069 : memref<128x64xf32, #tpu.memory_space<vmem>>)
      %dma_wait3A_1073 = arith.constant 0 : i32
      %dma_wait3A_1074 = arith.constant 0 : i32
      %dma_wait3A_1075 = arith.constant 0 : i32
      %dma_wait3A_1076 = tpu.memref_slice %arg6[%dma_wait3A_1073, %dma_wait3A_1074, %dma_wait3A_1075] : memref<12x128x64xf32, #tpu.memory_space<vmem>> -> memref<1x128x64xf32, #tpu.memory_space<vmem>>
      %dma_wait3A_1077 = tpu.memref_squeeze %dma_wait3A_1076 : memref<1x128x64xf32, #tpu.memory_space<vmem>> -> memref<128x64xf32, #tpu.memory_space<vmem>>
      %dma_wait3A_1078 = arith.constant 0 : i32
      %dma_wait3A_1079 = arith.constant 0 : i32
      %dma_wait3A_1080 = tpu.memref_slice %arg3[%dma_wait3A_1078, %dma_wait3A_1079] : memref<1015808x64xf32, #tpu.memory_space<hbm>> -> memref<128x64xf32, #tpu.memory_space<hbm>>
      %dma_wait3A_1081 = tpu.memref_slice %arg8[%rem3A_1038] : memref<3x!tpu.dma_semaphore, #tpu.memory_space<semaphore_mem>> -> memref<1x!tpu.dma_semaphore, #tpu.memory_space<semaphore_mem>>
      %dma_wait3A_1082 = tpu.memref_squeeze %dma_wait3A_1081 : memref<1x!tpu.dma_semaphore, #tpu.memory_space<semaphore_mem>> -> memref<!tpu.dma_semaphore, #tpu.memory_space<semaphore_mem>>
      %dma_wait3A_1083 = arith.constant 0 : i32
      %dma_wait3A_1084 = arith.constant 0 : i32
      %dma_wait3A_1085 = tpu.memref_slice %arg6[%dma_wait3A_1073, %dma_wait3A_1083, %dma_wait3A_1084] : memref<12x128x64xf32, #tpu.memory_space<vmem>> -> memref<1x128x64xf32, #tpu.memory_space<vmem>>
      %dma_wait3A_1086 = tpu.memref_squeeze %dma_wait3A_1085 : memref<1x128x64xf32, #tpu.memory_space<vmem>> -> memref<128x64xf32, #tpu.memory_space<vmem>>
      %dma_wait3A_1087 = arith.constant 0 : i32
      %dma_wait3A_1088 = arith.constant 0 : i32
      %dma_wait3A_1089 = tpu.memref_slice %arg3[%dma_wait3A_1087, %dma_wait3A_1088] : memref<1015808x64xf32, #tpu.memory_space<hbm>> -> memref<128x64xf32, #tpu.memory_space<hbm>>
      tpu.wait_dma2 semaphore(%dma_wait3A_1082 : memref<!tpu.dma_semaphore, #tpu.memory_space<semaphore_mem>>) src(%dma_wait3A_1089 : memref<128x64xf32, #tpu.memory_space<hbm>>) dst(%dma_wait3A_1086 : memref<128x64xf32, #tpu.memory_space<vmem>>)
      %dma_wait3A_1090 = arith.constant 0 : i32
      %dma_wait3A_1091 = arith.constant 0 : i32
      %dma_wait3A_1092 = arith.constant 0 : i32
      %dma_wait3A_1093 = tpu.memref_slice %arg6[%dma_wait3A_1090, %dma_wait3A_1091, %dma_wait3A_1092] : memref<12x128x64xf32, #tpu.memory_space<vmem>> -> memref<1x128x64xf32, #tpu.memory_space<vmem>>
      %dma_wait3A_1094 = tpu.memref_squeeze %dma_wait3A_1093 : memref<1x128x64xf32, #tpu.memory_space<vmem>> -> memref<128x64xf32, #tpu.memory_space<vmem>>
      %dma_wait3A_1095 = arith.constant 0 : i32
      %dma_wait3A_1096 = arith.constant 0 : i32
      %dma_wait3A_1097 = tpu.memref_slice %arg3[%dma_wait3A_1095, %dma_wait3A_1096] : memref<1015808x64xf32, #tpu.memory_space<hbm>> -> memref<128x64xf32, #tpu.memory_space<hbm>>
      %dma_wait3A_1098 = tpu.memref_slice %arg8[%rem3A_1038] : memref<3x!tpu.dma_semaphore, #tpu.memory_space<semaphore_mem>> -> memref<1x!tpu.dma_semaphore, #tpu.memory_space<semaphore_mem>>
      %dma_wait3A_1099 = tpu.memref_squeeze %dma_wait3A_1098 : memref<1x!tpu.dma_semaphore, #tpu.memory_space<semaphore_mem>> -> memref<!tpu.dma_semaphore, #tpu.memory_space<semaphore_mem>>
      %dma_wait3A_1100 = arith.constant 0 : i32
      %dma_wait3A_1101 = arith.constant 0 : i32
      %dma_wait3A_1102 = tpu.memref_slice %arg6[%dma_wait3A_1090, %dma_wait3A_1100, %dma_wait3A_1101] : memref<12x128x64xf32, #tpu.memory_space<vmem>> -> memref<1x128x64xf32, #tpu.memory_space<vmem>>
      %dma_wait3A_1103 = tpu.memref_squeeze %dma_wait3A_1102 : memref<1x128x64xf32, #tpu.memory_space<vmem>> -> memref<128x64xf32, #tpu.memory_space<vmem>>
      %dma_wait3A_1104 = arith.constant 0 : i32
      %dma_wait3A_1105 = arith.constant 0 : i32
      %dma_wait3A_1106 = tpu.memref_slice %arg3[%dma_wait3A_1104, %dma_wait3A_1105] : memref<1015808x64xf32, #tpu.memory_space<hbm>> -> memref<128x64xf32, #tpu.memory_space<hbm>>
      tpu.wait_dma2 semaphore(%dma_wait3A_1099 : memref<!tpu.dma_semaphore, #tpu.memory_space<semaphore_mem>>) src(%dma_wait3A_1106 : memref<128x64xf32, #tpu.memory_space<hbm>>) dst(%dma_wait3A_1103 : memref<128x64xf32, #tpu.memory_space<vmem>>)
      %rem3A_1107 = arith.constant 3 : i32
      %rem3A_1108 = arith.remsi %scan3A_965, %rem3A_1107 : i32
      %mul3A_1109 = arith.constant 4 : i32
      %mul3A_1110 = arith.muli %rem3A_1108, %mul3A_1109 : i32
      %add3A_1111 = arith.constant 0 : i32
      %add3A_1112 = arith.addi %mul3A_1110, %add3A_1111 : i32
      %mul3A_1113 = arith.constant 4 : i32
      %mul3A_1114 = arith.muli %scan3A_965, %mul3A_1113 : i32
      %add3A_1115 = arith.addi %mul3A_2, %mul3A_1114 : i32
      %add3A_1116 = arith.constant 0 : i32
      %add3A_1117 = arith.addi %add3A_1115, %add3A_1116 : i32
      %dma_start3A_1118 = arith.constant 0 : i32
      %dma_start3A_1119 = arith.constant 0 : i32
      %dma_start3A_1120 = tpu.memref_slice %arg6[%add3A_1112, %dma_start3A_1118, %dma_start3A_1119] : memref<12x128x64xf32, #tpu.memory_space<vmem>> -> memref<1x128x64xf32, #tpu.memory_space<vmem>>
      %dma_start3A_1121 = tpu.memref_squeeze %dma_start3A_1120 : memref<1x128x64xf32, #tpu.memory_space<vmem>> -> memref<128x64xf32, #tpu.memory_space<vmem>>
      %dma_start3A_1122 = arith.constant 0 : i32
      %dma_start3A_1123 = arith.constant 0 : i32
      %dma_start3A_1124 = tpu.memref_slice %arg4[%add3A_1117, %dma_start3A_1122, %dma_start3A_1123] : memref<1024x128x64xf32, #tpu.memory_space<hbm>> -> memref<1x128x64xf32, #tpu.memory_space<hbm>>
      %dma_start3A_1125 = tpu.memref_squeeze %dma_start3A_1124 : memref<1x128x64xf32, #tpu.memory_space<hbm>> -> memref<128x64xf32, #tpu.memory_space<hbm>>
      %dma_start3A_1126 = tpu.memref_slice %arg8[%rem3A_1108] : memref<3x!tpu.dma_semaphore, #tpu.memory_space<semaphore_mem>> -> memref<1x!tpu.dma_semaphore, #tpu.memory_space<semaphore_mem>>
      %dma_start3A_1127 = tpu.memref_squeeze %dma_start3A_1126 : memref<1x!tpu.dma_semaphore, #tpu.memory_space<semaphore_mem>> -> memref<!tpu.dma_semaphore, #tpu.memory_space<semaphore_mem>>
      %dma_start3A_1128 = arith.constant 0 : i32
      %dma_start3A_1129 = arith.constant 0 : i32
      %dma_start3A_1130 = tpu.memref_slice %arg4[%add3A_1117, %dma_start3A_1128, %dma_start3A_1129] : memref<1024x128x64xf32, #tpu.memory_space<hbm>> -> memref<1x128x64xf32, #tpu.memory_space<hbm>>
      %dma_start3A_1131 = tpu.memref_squeeze %dma_start3A_1130 : memref<1x128x64xf32, #tpu.memory_space<hbm>> -> memref<128x64xf32, #tpu.memory_space<hbm>>
      %dma_start3A_1132 = arith.constant 0 : i32
      %dma_start3A_1133 = arith.constant 0 : i32
      %dma_start3A_1134 = tpu.memref_slice %arg6[%add3A_1112, %dma_start3A_1132, %dma_start3A_1133] : memref<12x128x64xf32, #tpu.memory_space<vmem>> -> memref<1x128x64xf32, #tpu.memory_space<vmem>>
      %dma_start3A_1135 = tpu.memref_squeeze %dma_start3A_1134 : memref<1x128x64xf32, #tpu.memory_space<vmem>> -> memref<128x64xf32, #tpu.memory_space<vmem>>
      tpu.enqueue_dma source(%dma_start3A_1135 : memref<128x64xf32, #tpu.memory_space<vmem>>) target(%dma_start3A_1131 : memref<128x64xf32, #tpu.memory_space<hbm>>) target_semaphore(%dma_start3A_1127 : memref<!tpu.dma_semaphore, #tpu.memory_space<semaphore_mem>>)
      %mul3A_1136 = arith.constant 4 : i32
      %mul3A_1137 = arith.muli %rem3A_1108, %mul3A_1136 : i32
      %add3A_1138 = arith.constant 1 : i32
      %add3A_1139 = arith.addi %mul3A_1137, %add3A_1138 : i32
      %mul3A_1140 = arith.constant 4 : i32
      %mul3A_1141 = arith.muli %scan3A_965, %mul3A_1140 : i32
      %add3A_1142 = arith.addi %mul3A_2, %mul3A_1141 : i32
      %add3A_1143 = arith.constant 1 : i32
      %add3A_1144 = arith.addi %add3A_1142, %add3A_1143 : i32
      %dma_start3A_1145 = arith.constant 0 : i32
      %dma_start3A_1146 = arith.constant 0 : i32
      %dma_start3A_1147 = tpu.memref_slice %arg6[%add3A_1139, %dma_start3A_1145, %dma_start3A_1146] : memref<12x128x64xf32, #tpu.memory_space<vmem>> -> memref<1x128x64xf32, #tpu.memory_space<vmem>>
      %dma_start3A_1148 = tpu.memref_squeeze %dma_start3A_1147 : memref<1x128x64xf32, #tpu.memory_space<vmem>> -> memref<128x64xf32, #tpu.memory_space<vmem>>
      %dma_start3A_1149 = arith.constant 0 : i32
      %dma_start3A_1150 = arith.constant 0 : i32
      %dma_start3A_1151 = tpu.memref_slice %arg4[%add3A_1144, %dma_start3A_1149, %dma_start3A_1150] : memref<1024x128x64xf32, #tpu.memory_space<hbm>> -> memref<1x128x64xf32, #tpu.memory_space<hbm>>
      %dma_start3A_1152 = tpu.memref_squeeze %dma_start3A_1151 : memref<1x128x64xf32, #tpu.memory_space<hbm>> -> memref<128x64xf32, #tpu.memory_space<hbm>>
      %dma_start3A_1153 = tpu.memref_slice %arg8[%rem3A_1108] : memref<3x!tpu.dma_semaphore, #tpu.memory_space<semaphore_mem>> -> memref<1x!tpu.dma_semaphore, #tpu.memory_space<semaphore_mem>>
      %dma_start3A_1154 = tpu.memref_squeeze %dma_start3A_1153 : memref<1x!tpu.dma_semaphore, #tpu.memory_space<semaphore_mem>> -> memref<!tpu.dma_semaphore, #tpu.memory_space<semaphore_mem>>
      %dma_start3A_1155 = arith.constant 0 : i32
      %dma_start3A_1156 = arith.constant 0 : i32
      %dma_start3A_1157 = tpu.memref_slice %arg4[%add3A_1144, %dma_start3A_1155, %dma_start3A_1156] : memref<1024x128x64xf32, #tpu.memory_space<hbm>> -> memref<1x128x64xf32, #tpu.memory_space<hbm>>
      %dma_start3A_1158 = tpu.memref_squeeze %dma_start3A_1157 : memref<1x128x64xf32, #tpu.memory_space<hbm>> -> memref<128x64xf32, #tpu.memory_space<hbm>>
      %dma_start3A_1159 = arith.constant 0 : i32
      %dma_start3A_1160 = arith.constant 0 : i32
      %dma_start3A_1161 = tpu.memref_slice %arg6[%add3A_1139, %dma_start3A_1159, %dma_start3A_1160] : memref<12x128x64xf32, #tpu.memory_space<vmem>> -> memref<1x128x64xf32, #tpu.memory_space<vmem>>
      %dma_start3A_1162 = tpu.memref_squeeze %dma_start3A_1161 : memref<1x128x64xf32, #tpu.memory_space<vmem>> -> memref<128x64xf32, #tpu.memory_space<vmem>>
      tpu.enqueue_dma source(%dma_start3A_1162 : memref<128x64xf32, #tpu.memory_space<vmem>>) target(%dma_start3A_1158 : memref<128x64xf32, #tpu.memory_space<hbm>>) target_semaphore(%dma_start3A_1154 : memref<!tpu.dma_semaphore, #tpu.memory_space<semaphore_mem>>)
      %mul3A_1163 = arith.constant 4 : i32
      %mul3A_1164 = arith.muli %rem3A_1108, %mul3A_1163 : i32
      %add3A_1165 = arith.constant 2 : i32
      %add3A_1166 = arith.addi %mul3A_1164, %add3A_1165 : i32
      %mul3A_1167 = arith.constant 4 : i32
      %mul3A_1168 = arith.muli %scan3A_965, %mul3A_1167 : i32
      %add3A_1169 = arith.addi %mul3A_2, %mul3A_1168 : i32
      %add3A_1170 = arith.constant 2 : i32
      %add3A_1171 = arith.addi %add3A_1169, %add3A_1170 : i32
      %dma_start3A_1172 = arith.constant 0 : i32
      %dma_start3A_1173 = arith.constant 0 : i32
      %dma_start3A_1174 = tpu.memref_slice %arg6[%add3A_1166, %dma_start3A_1172, %dma_start3A_1173] : memref<12x128x64xf32, #tpu.memory_space<vmem>> -> memref<1x128x64xf32, #tpu.memory_space<vmem>>
      %dma_start3A_1175 = tpu.memref_squeeze %dma_start3A_1174 : memref<1x128x64xf32, #tpu.memory_space<vmem>> -> memref<128x64xf32, #tpu.memory_space<vmem>>
      %dma_start3A_1176 = arith.constant 0 : i32
      %dma_start3A_1177 = arith.constant 0 : i32
      %dma_start3A_1178 = tpu.memref_slice %arg4[%add3A_1171, %dma_start3A_1176, %dma_start3A_1177] : memref<1024x128x64xf32, #tpu.memory_space<hbm>> -> memref<1x128x64xf32, #tpu.memory_space<hbm>>
      %dma_start3A_1179 = tpu.memref_squeeze %dma_start3A_1178 : memref<1x128x64xf32, #tpu.memory_space<hbm>> -> memref<128x64xf32, #tpu.memory_space<hbm>>
      %dma_start3A_1180 = tpu.memref_slice %arg8[%rem3A_1108] : memref<3x!tpu.dma_semaphore, #tpu.memory_space<semaphore_mem>> -> memref<1x!tpu.dma_semaphore, #tpu.memory_space<semaphore_mem>>
      %dma_start3A_1181 = tpu.memref_squeeze %dma_start3A_1180 : memref<1x!tpu.dma_semaphore, #tpu.memory_space<semaphore_mem>> -> memref<!tpu.dma_semaphore, #tpu.memory_space<semaphore_mem>>
      %dma_start3A_1182 = arith.constant 0 : i32
      %dma_start3A_1183 = arith.constant 0 : i32
      %dma_start3A_1184 = tpu.memref_slice %arg4[%add3A_1171, %dma_start3A_1182, %dma_start3A_1183] : memref<1024x128x64xf32, #tpu.memory_space<hbm>> -> memref<1x128x64xf32, #tpu.memory_space<hbm>>
      %dma_start3A_1185 = tpu.memref_squeeze %dma_start3A_1184 : memref<1x128x64xf32, #tpu.memory_space<hbm>> -> memref<128x64xf32, #tpu.memory_space<hbm>>
      %dma_start3A_1186 = arith.constant 0 : i32
      %dma_start3A_1187 = arith.constant 0 : i32
      %dma_start3A_1188 = tpu.memref_slice %arg6[%add3A_1166, %dma_start3A_1186, %dma_start3A_1187] : memref<12x128x64xf32, #tpu.memory_space<vmem>> -> memref<1x128x64xf32, #tpu.memory_space<vmem>>
      %dma_start3A_1189 = tpu.memref_squeeze %dma_start3A_1188 : memref<1x128x64xf32, #tpu.memory_space<vmem>> -> memref<128x64xf32, #tpu.memory_space<vmem>>
      tpu.enqueue_dma source(%dma_start3A_1189 : memref<128x64xf32, #tpu.memory_space<vmem>>) target(%dma_start3A_1185 : memref<128x64xf32, #tpu.memory_space<hbm>>) target_semaphore(%dma_start3A_1181 : memref<!tpu.dma_semaphore, #tpu.memory_space<semaphore_mem>>)
      %mul3A_1190 = arith.constant 4 : i32
      %mul3A_1191 = arith.muli %rem3A_1108, %mul3A_1190 : i32
      %add3A_1192 = arith.constant 3 : i32
      %add3A_1193 = arith.addi %mul3A_1191, %add3A_1192 : i32
      %mul3A_1194 = arith.constant 4 : i32
      %mul3A_1195 = arith.muli %scan3A_965, %mul3A_1194 : i32
      %add3A_1196 = arith.addi %mul3A_2, %mul3A_1195 : i32
      %add3A_1197 = arith.constant 3 : i32
      %add3A_1198 = arith.addi %add3A_1196, %add3A_1197 : i32
      %dma_start3A_1199 = arith.constant 0 : i32
      %dma_start3A_1200 = arith.constant 0 : i32
      %dma_start3A_1201 = tpu.memref_slice %arg6[%add3A_1193, %dma_start3A_1199, %dma_start3A_1200] : memref<12x128x64xf32, #tpu.memory_space<vmem>> -> memref<1x128x64xf32, #tpu.memory_space<vmem>>
      %dma_start3A_1202 = tpu.memref_squeeze %dma_start3A_1201 : memref<1x128x64xf32, #tpu.memory_space<vmem>> -> memref<128x64xf32, #tpu.memory_space<vmem>>
      %dma_start3A_1203 = arith.constant 0 : i32
      %dma_start3A_1204 = arith.constant 0 : i32
      %dma_start3A_1205 = tpu.memref_slice %arg4[%add3A_1198, %dma_start3A_1203, %dma_start3A_1204] : memref<1024x128x64xf32, #tpu.memory_space<hbm>> -> memref<1x128x64xf32, #tpu.memory_space<hbm>>
      %dma_start3A_1206 = tpu.memref_squeeze %dma_start3A_1205 : memref<1x128x64xf32, #tpu.memory_space<hbm>> -> memref<128x64xf32, #tpu.memory_space<hbm>>
      %dma_start3A_1207 = tpu.memref_slice %arg8[%rem3A_1108] : memref<3x!tpu.dma_semaphore, #tpu.memory_space<semaphore_mem>> -> memref<1x!tpu.dma_semaphore, #tpu.memory_space<semaphore_mem>>
      %dma_start3A_1208 = tpu.memref_squeeze %dma_start3A_1207 : memref<1x!tpu.dma_semaphore, #tpu.memory_space<semaphore_mem>> -> memref<!tpu.dma_semaphore, #tpu.memory_space<semaphore_mem>>
      %dma_start3A_1209 = arith.constant 0 : i32
      %dma_start3A_1210 = arith.constant 0 : i32
      %dma_start3A_1211 = tpu.memref_slice %arg4[%add3A_1198, %dma_start3A_1209, %dma_start3A_1210] : memref<1024x128x64xf32, #tpu.memory_space<hbm>> -> memref<1x128x64xf32, #tpu.memory_space<hbm>>
      %dma_start3A_1212 = tpu.memref_squeeze %dma_start3A_1211 : memref<1x128x64xf32, #tpu.memory_space<hbm>> -> memref<128x64xf32, #tpu.memory_space<hbm>>
      %dma_start3A_1213 = arith.constant 0 : i32
      %dma_start3A_1214 = arith.constant 0 : i32
      %dma_start3A_1215 = tpu.memref_slice %arg6[%add3A_1193, %dma_start3A_1213, %dma_start3A_1214] : memref<12x128x64xf32, #tpu.memory_space<vmem>> -> memref<1x128x64xf32, #tpu.memory_space<vmem>>
      %dma_start3A_1216 = tpu.memref_squeeze %dma_start3A_1215 : memref<1x128x64xf32, #tpu.memory_space<vmem>> -> memref<128x64xf32, #tpu.memory_space<vmem>>
      tpu.enqueue_dma source(%dma_start3A_1216 : memref<128x64xf32, #tpu.memory_space<vmem>>) target(%dma_start3A_1212 : memref<128x64xf32, #tpu.memory_space<hbm>>) target_semaphore(%dma_start3A_1208 : memref<!tpu.dma_semaphore, #tpu.memory_space<semaphore_mem>>)
      %add3A_1217 = arith.constant 2 : i32
      %add3A_1218 = arith.addi %scan3A_965, %add3A_1217 : i32
      %rem3A_1219 = arith.constant 3 : i32
      %rem3A_1220 = arith.remsi %add3A_1218, %rem3A_1219 : i32
      %mul3A_1221 = arith.constant 4 : i32
      %mul3A_1222 = arith.muli %add3A_1218, %mul3A_1221 : i32
      %add3A_1223 = arith.constant 0 : i32
      %add3A_1224 = arith.addi %mul3A_1222, %add3A_1223 : i32
      %mul3A_1225 = arith.constant 4 : i32
      %mul3A_1226 = arith.muli %rem3A_1220, %mul3A_1225 : i32
      %add3A_1227 = arith.constant 0 : i32
      %add3A_1228 = arith.addi %mul3A_1226, %add3A_1227 : i32
      %dma_start3A_1229 = arith.constant 0 : i32
      %dma_start3A_1230 = arith.constant 0 : i32
      %dma_start3A_1231 = tpu.memref_slice %arg6[%add3A_1228, %dma_start3A_1229, %dma_start3A_1230] : memref<12x128x64xf32, #tpu.memory_space<vmem>> -> memref<1x128x64xf32, #tpu.memory_space<vmem>>
      %dma_start3A_1232 = tpu.memref_squeeze %dma_start3A_1231 : memref<1x128x64xf32, #tpu.memory_space<vmem>> -> memref<128x64xf32, #tpu.memory_space<vmem>>
      %dma_start3A_1233 = arith.constant 0 : i32
      %dma_start3A_1234 = tpu.memref_slice %arg5[%add3A_1224, %dma_start3A_1233] : memref<32x128xi32, #tpu.memory_space<vmem>> -> memref<1x128xi32, #tpu.memory_space<vmem>>
      %dma_start3A_1235 = tpu.memref_squeeze %dma_start3A_1234 : memref<1x128xi32, #tpu.memory_space<vmem>> -> memref<128xi32, #tpu.memory_space<vmem>>
      %dma_start3A_1236 = arith.constant 0 : i32
      %dma_start3A_1237 = arith.constant 0 : i32
      %dma_start3A_1238 = tpu.memref_slice %arg3[%dma_start3A_1236, %dma_start3A_1237] : memref<1015808x64xf32, #tpu.memory_space<hbm>> -> memref<1015808x64xf32, #tpu.memory_space<hbm>>
      %dma_start3A_1239 = tpu.memref_slice %arg7[%rem3A_1220] : memref<3x!tpu.dma_semaphore, #tpu.memory_space<semaphore_mem>> -> memref<1x!tpu.dma_semaphore, #tpu.memory_space<semaphore_mem>>
      %dma_start3A_1240 = tpu.memref_squeeze %dma_start3A_1239 : memref<1x!tpu.dma_semaphore, #tpu.memory_space<semaphore_mem>> -> memref<!tpu.dma_semaphore, #tpu.memory_space<semaphore_mem>>
      tpu.enqueue_indirect_dma source(%dma_start3A_1238 : memref<1015808x64xf32, #tpu.memory_space<hbm>>) target(%dma_start3A_1232 : memref<128x64xf32, #tpu.memory_space<vmem>>) offsets(%dma_start3A_1235 : memref<128xi32, #tpu.memory_space<vmem>>) semaphore(%dma_start3A_1240 : memref<!tpu.dma_semaphore, #tpu.memory_space<semaphore_mem>>)
      %mul3A_1241 = arith.constant 4 : i32
      %mul3A_1242 = arith.muli %add3A_1218, %mul3A_1241 : i32
      %add3A_1243 = arith.constant 1 : i32
      %add3A_1244 = arith.addi %mul3A_1242, %add3A_1243 : i32
      %mul3A_1245 = arith.constant 4 : i32
      %mul3A_1246 = arith.muli %rem3A_1220, %mul3A_1245 : i32
      %add3A_1247 = arith.constant 1 : i32
      %add3A_1248 = arith.addi %mul3A_1246, %add3A_1247 : i32
      %dma_start3A_1249 = arith.constant 0 : i32
      %dma_start3A_1250 = arith.constant 0 : i32
      %dma_start3A_1251 = tpu.memref_slice %arg6[%add3A_1248, %dma_start3A_1249, %dma_start3A_1250] : memref<12x128x64xf32, #tpu.memory_space<vmem>> -> memref<1x128x64xf32, #tpu.memory_space<vmem>>
      %dma_start3A_1252 = tpu.memref_squeeze %dma_start3A_1251 : memref<1x128x64xf32, #tpu.memory_space<vmem>> -> memref<128x64xf32, #tpu.memory_space<vmem>>
      %dma_start3A_1253 = arith.constant 0 : i32
      %dma_start3A_1254 = tpu.memref_slice %arg5[%add3A_1244, %dma_start3A_1253] : memref<32x128xi32, #tpu.memory_space<vmem>> -> memref<1x128xi32, #tpu.memory_space<vmem>>
      %dma_start3A_1255 = tpu.memref_squeeze %dma_start3A_1254 : memref<1x128xi32, #tpu.memory_space<vmem>> -> memref<128xi32, #tpu.memory_space<vmem>>
      %dma_start3A_1256 = arith.constant 0 : i32
      %dma_start3A_1257 = arith.constant 0 : i32
      %dma_start3A_1258 = tpu.memref_slice %arg3[%dma_start3A_1256, %dma_start3A_1257] : memref<1015808x64xf32, #tpu.memory_space<hbm>> -> memref<1015808x64xf32, #tpu.memory_space<hbm>>
      %dma_start3A_1259 = tpu.memref_slice %arg7[%rem3A_1220] : memref<3x!tpu.dma_semaphore, #tpu.memory_space<semaphore_mem>> -> memref<1x!tpu.dma_semaphore, #tpu.memory_space<semaphore_mem>>
      %dma_start3A_1260 = tpu.memref_squeeze %dma_start3A_1259 : memref<1x!tpu.dma_semaphore, #tpu.memory_space<semaphore_mem>> -> memref<!tpu.dma_semaphore, #tpu.memory_space<semaphore_mem>>
      tpu.enqueue_indirect_dma source(%dma_start3A_1258 : memref<1015808x64xf32, #tpu.memory_space<hbm>>) target(%dma_start3A_1252 : memref<128x64xf32, #tpu.memory_space<vmem>>) offsets(%dma_start3A_1255 : memref<128xi32, #tpu.memory_space<vmem>>) semaphore(%dma_start3A_1260 : memref<!tpu.dma_semaphore, #tpu.memory_space<semaphore_mem>>)
      %mul3A_1261 = arith.constant 4 : i32
      %mul3A_1262 = arith.muli %add3A_1218, %mul3A_1261 : i32
      %add3A_1263 = arith.constant 2 : i32
      %add3A_1264 = arith.addi %mul3A_1262, %add3A_1263 : i32
      %mul3A_1265 = arith.constant 4 : i32
      %mul3A_1266 = arith.muli %rem3A_1220, %mul3A_1265 : i32
      %add3A_1267 = arith.constant 2 : i32
      %add3A_1268 = arith.addi %mul3A_1266, %add3A_1267 : i32
      %dma_start3A_1269 = arith.constant 0 : i32
      %dma_start3A_1270 = arith.constant 0 : i32
      %dma_start3A_1271 = tpu.memref_slice %arg6[%add3A_1268, %dma_start3A_1269, %dma_start3A_1270] : memref<12x128x64xf32, #tpu.memory_space<vmem>> -> memref<1x128x64xf32, #tpu.memory_space<vmem>>
      %dma_start3A_1272 = tpu.memref_squeeze %dma_start3A_1271 : memref<1x128x64xf32, #tpu.memory_space<vmem>> -> memref<128x64xf32, #tpu.memory_space<vmem>>
      %dma_start3A_1273 = arith.constant 0 : i32
      %dma_start3A_1274 = tpu.memref_slice %arg5[%add3A_1264, %dma_start3A_1273] : memref<32x128xi32, #tpu.memory_space<vmem>> -> memref<1x128xi32, #tpu.memory_space<vmem>>
      %dma_start3A_1275 = tpu.memref_squeeze %dma_start3A_1274 : memref<1x128xi32, #tpu.memory_space<vmem>> -> memref<128xi32, #tpu.memory_space<vmem>>
      %dma_start3A_1276 = arith.constant 0 : i32
      %dma_start3A_1277 = arith.constant 0 : i32
      %dma_start3A_1278 = tpu.memref_slice %arg3[%dma_start3A_1276, %dma_start3A_1277] : memref<1015808x64xf32, #tpu.memory_space<hbm>> -> memref<1015808x64xf32, #tpu.memory_space<hbm>>
      %dma_start3A_1279 = tpu.memref_slice %arg7[%rem3A_1220] : memref<3x!tpu.dma_semaphore, #tpu.memory_space<semaphore_mem>> -> memref<1x!tpu.dma_semaphore, #tpu.memory_space<semaphore_mem>>
      %dma_start3A_1280 = tpu.memref_squeeze %dma_start3A_1279 : memref<1x!tpu.dma_semaphore, #tpu.memory_space<semaphore_mem>> -> memref<!tpu.dma_semaphore, #tpu.memory_space<semaphore_mem>>
      tpu.enqueue_indirect_dma source(%dma_start3A_1278 : memref<1015808x64xf32, #tpu.memory_space<hbm>>) target(%dma_start3A_1272 : memref<128x64xf32, #tpu.memory_space<vmem>>) offsets(%dma_start3A_1275 : memref<128xi32, #tpu.memory_space<vmem>>) semaphore(%dma_start3A_1280 : memref<!tpu.dma_semaphore, #tpu.memory_space<semaphore_mem>>)
      %mul3A_1281 = arith.constant 4 : i32
      %mul3A_1282 = arith.muli %add3A_1218, %mul3A_1281 : i32
      %add3A_1283 = arith.constant 3 : i32
      %add3A_1284 = arith.addi %mul3A_1282, %add3A_1283 : i32
      %mul3A_1285 = arith.constant 4 : i32
      %mul3A_1286 = arith.muli %rem3A_1220, %mul3A_1285 : i32
      %add3A_1287 = arith.constant 3 : i32
      %add3A_1288 = arith.addi %mul3A_1286, %add3A_1287 : i32
      %dma_start3A_1289 = arith.constant 0 : i32
      %dma_start3A_1290 = arith.constant 0 : i32
      %dma_start3A_1291 = tpu.memref_slice %arg6[%add3A_1288, %dma_start3A_1289, %dma_start3A_1290] : memref<12x128x64xf32, #tpu.memory_space<vmem>> -> memref<1x128x64xf32, #tpu.memory_space<vmem>>
      %dma_start3A_1292 = tpu.memref_squeeze %dma_start3A_1291 : memref<1x128x64xf32, #tpu.memory_space<vmem>> -> memref<128x64xf32, #tpu.memory_space<vmem>>
      %dma_start3A_1293 = arith.constant 0 : i32
      %dma_start3A_1294 = tpu.memref_slice %arg5[%add3A_1284, %dma_start3A_1293] : memref<32x128xi32, #tpu.memory_space<vmem>> -> memref<1x128xi32, #tpu.memory_space<vmem>>
      %dma_start3A_1295 = tpu.memref_squeeze %dma_start3A_1294 : memref<1x128xi32, #tpu.memory_space<vmem>> -> memref<128xi32, #tpu.memory_space<vmem>>
      %dma_start3A_1296 = arith.constant 0 : i32
      %dma_start3A_1297 = arith.constant 0 : i32
      %dma_start3A_1298 = tpu.memref_slice %arg3[%dma_start3A_1296, %dma_start3A_1297] : memref<1015808x64xf32, #tpu.memory_space<hbm>> -> memref<1015808x64xf32, #tpu.memory_space<hbm>>
      %dma_start3A_1299 = tpu.memref_slice %arg7[%rem3A_1220] : memref<3x!tpu.dma_semaphore, #tpu.memory_space<semaphore_mem>> -> memref<1x!tpu.dma_semaphore, #tpu.memory_space<semaphore_mem>>
      %dma_start3A_1300 = tpu.memref_squeeze %dma_start3A_1299 : memref<1x!tpu.dma_semaphore, #tpu.memory_space<semaphore_mem>> -> memref<!tpu.dma_semaphore, #tpu.memory_space<semaphore_mem>>
      tpu.enqueue_indirect_dma source(%dma_start3A_1298 : memref<1015808x64xf32, #tpu.memory_space<hbm>>) target(%dma_start3A_1292 : memref<128x64xf32, #tpu.memory_space<vmem>>) offsets(%dma_start3A_1295 : memref<128xi32, #tpu.memory_space<vmem>>) semaphore(%dma_start3A_1300 : memref<!tpu.dma_semaphore, #tpu.memory_space<semaphore_mem>>)
    }
    %scan3A_395 = arith.constant 5 : i32
    %rem3A_396 = arith.constant 6 : i32
    %rem3A_397 = arith.constant 3 : i32
    %rem3A_398 = arith.remsi %rem3A_396, %rem3A_397 : i32
    %dma_wait3A_399 = arith.constant 0 : i32
    %dma_wait3A_400 = arith.constant 0 : i32
    %dma_wait3A_401 = arith.constant 0 : i32
    %dma_wait3A_402 = tpu.memref_slice %arg6[%dma_wait3A_399, %dma_wait3A_400, %dma_wait3A_401] : memref<12x128x64xf32, #tpu.memory_space<vmem>> -> memref<1x128x64xf32, #tpu.memory_space<vmem>>
    %dma_wait3A_403 = tpu.memref_squeeze %dma_wait3A_402 : memref<1x128x64xf32, #tpu.memory_space<vmem>> -> memref<128x64xf32, #tpu.memory_space<vmem>>
    %dma_wait3A_404 = arith.constant 0 : i32
    %dma_wait3A_405 = arith.constant 0 : i32
    %dma_wait3A_406 = tpu.memref_slice %arg3[%dma_wait3A_404, %dma_wait3A_405] : memref<1015808x64xf32, #tpu.memory_space<hbm>> -> memref<128x64xf32, #tpu.memory_space<hbm>>
    %dma_wait3A_407 = tpu.memref_slice %arg7[%rem3A_398] : memref<3x!tpu.dma_semaphore, #tpu.memory_space<semaphore_mem>> -> memref<1x!tpu.dma_semaphore, #tpu.memory_space<semaphore_mem>>
    %dma_wait3A_408 = tpu.memref_squeeze %dma_wait3A_407 : memref<1x!tpu.dma_semaphore, #tpu.memory_space<semaphore_mem>> -> memref<!tpu.dma_semaphore, #tpu.memory_space<semaphore_mem>>
    %dma_wait3A_409 = arith.constant 0 : i32
    %dma_wait3A_410 = arith.constant 0 : i32
    %dma_wait3A_411 = tpu.memref_slice %arg6[%dma_wait3A_399, %dma_wait3A_409, %dma_wait3A_410] : memref<12x128x64xf32, #tpu.memory_space<vmem>> -> memref<1x128x64xf32, #tpu.memory_space<vmem>>
    %dma_wait3A_412 = tpu.memref_squeeze %dma_wait3A_411 : memref<1x128x64xf32, #tpu.memory_space<vmem>> -> memref<128x64xf32, #tpu.memory_space<vmem>>
    %dma_wait3A_413 = arith.constant 0 : i32
    %dma_wait3A_414 = arith.constant 0 : i32
    %dma_wait3A_415 = tpu.memref_slice %arg3[%dma_wait3A_413, %dma_wait3A_414] : memref<1015808x64xf32, #tpu.memory_space<hbm>> -> memref<128x64xf32, #tpu.memory_space<hbm>>
    tpu.wait_dma2 semaphore(%dma_wait3A_408 : memref<!tpu.dma_semaphore, #tpu.memory_space<semaphore_mem>>) src(%dma_wait3A_415 : memref<128x64xf32, #tpu.memory_space<hbm>>) dst(%dma_wait3A_412 : memref<128x64xf32, #tpu.memory_space<vmem>>)
    %dma_wait3A_416 = arith.constant 0 : i32
    %dma_wait3A_417 = arith.constant 0 : i32
    %dma_wait3A_418 = arith.constant 0 : i32
    %dma_wait3A_419 = tpu.memref_slice %arg6[%dma_wait3A_416, %dma_wait3A_417, %dma_wait3A_418] : memref<12x128x64xf32, #tpu.memory_space<vmem>> -> memref<1x128x64xf32, #tpu.memory_space<vmem>>
    %dma_wait3A_420 = tpu.memref_squeeze %dma_wait3A_419 : memref<1x128x64xf32, #tpu.memory_space<vmem>> -> memref<128x64xf32, #tpu.memory_space<vmem>>
    %dma_wait3A_421 = arith.constant 0 : i32
    %dma_wait3A_422 = arith.constant 0 : i32
    %dma_wait3A_423 = tpu.memref_slice %arg3[%dma_wait3A_421, %dma_wait3A_422] : memref<1015808x64xf32, #tpu.memory_space<hbm>> -> memref<128x64xf32, #tpu.memory_space<hbm>>
    %dma_wait3A_424 = tpu.memref_slice %arg7[%rem3A_398] : memref<3x!tpu.dma_semaphore, #tpu.memory_space<semaphore_mem>> -> memref<1x!tpu.dma_semaphore, #tpu.memory_space<semaphore_mem>>
    %dma_wait3A_425 = tpu.memref_squeeze %dma_wait3A_424 : memref<1x!tpu.dma_semaphore, #tpu.memory_space<semaphore_mem>> -> memref<!tpu.dma_semaphore, #tpu.memory_space<semaphore_mem>>
    %dma_wait3A_426 = arith.constant 0 : i32
    %dma_wait3A_427 = arith.constant 0 : i32
    %dma_wait3A_428 = tpu.memref_slice %arg6[%dma_wait3A_416, %dma_wait3A_426, %dma_wait3A_427] : memref<12x128x64xf32, #tpu.memory_space<vmem>> -> memref<1x128x64xf32, #tpu.memory_space<vmem>>
    %dma_wait3A_429 = tpu.memref_squeeze %dma_wait3A_428 : memref<1x128x64xf32, #tpu.memory_space<vmem>> -> memref<128x64xf32, #tpu.memory_space<vmem>>
    %dma_wait3A_430 = arith.constant 0 : i32
    %dma_wait3A_431 = arith.constant 0 : i32
    %dma_wait3A_432 = tpu.memref_slice %arg3[%dma_wait3A_430, %dma_wait3A_431] : memref<1015808x64xf32, #tpu.memory_space<hbm>> -> memref<128x64xf32, #tpu.memory_space<hbm>>
    tpu.wait_dma2 semaphore(%dma_wait3A_425 : memref<!tpu.dma_semaphore, #tpu.memory_space<semaphore_mem>>) src(%dma_wait3A_432 : memref<128x64xf32, #tpu.memory_space<hbm>>) dst(%dma_wait3A_429 : memref<128x64xf32, #tpu.memory_space<vmem>>)
    %dma_wait3A_433 = arith.constant 0 : i32
    %dma_wait3A_434 = arith.constant 0 : i32
    %dma_wait3A_435 = arith.constant 0 : i32
    %dma_wait3A_436 = tpu.memref_slice %arg6[%dma_wait3A_433, %dma_wait3A_434, %dma_wait3A_435] : memref<12x128x64xf32, #tpu.memory_space<vmem>> -> memref<1x128x64xf32, #tpu.memory_space<vmem>>
    %dma_wait3A_437 = tpu.memref_squeeze %dma_wait3A_436 : memref<1x128x64xf32, #tpu.memory_space<vmem>> -> memref<128x64xf32, #tpu.memory_space<vmem>>
    %dma_wait3A_438 = arith.constant 0 : i32
    %dma_wait3A_439 = arith.constant 0 : i32
    %dma_wait3A_440 = tpu.memref_slice %arg3[%dma_wait3A_438, %dma_wait3A_439] : memref<1015808x64xf32, #tpu.memory_space<hbm>> -> memref<128x64xf32, #tpu.memory_space<hbm>>
    %dma_wait3A_441 = tpu.memref_slice %arg7[%rem3A_398] : memref<3x!tpu.dma_semaphore, #tpu.memory_space<semaphore_mem>> -> memref<1x!tpu.dma_semaphore, #tpu.memory_space<semaphore_mem>>
    %dma_wait3A_442 = tpu.memref_squeeze %dma_wait3A_441 : memref<1x!tpu.dma_semaphore, #tpu.memory_space<semaphore_mem>> -> memref<!tpu.dma_semaphore, #tpu.memory_space<semaphore_mem>>
    %dma_wait3A_443 = arith.constant 0 : i32
    %dma_wait3A_444 = arith.constant 0 : i32
    %dma_wait3A_445 = tpu.memref_slice %arg6[%dma_wait3A_433, %dma_wait3A_443, %dma_wait3A_444] : memref<12x128x64xf32, #tpu.memory_space<vmem>> -> memref<1x128x64xf32, #tpu.memory_space<vmem>>
    %dma_wait3A_446 = tpu.memref_squeeze %dma_wait3A_445 : memref<1x128x64xf32, #tpu.memory_space<vmem>> -> memref<128x64xf32, #tpu.memory_space<vmem>>
    %dma_wait3A_447 = arith.constant 0 : i32
    %dma_wait3A_448 = arith.constant 0 : i32
    %dma_wait3A_449 = tpu.memref_slice %arg3[%dma_wait3A_447, %dma_wait3A_448] : memref<1015808x64xf32, #tpu.memory_space<hbm>> -> memref<128x64xf32, #tpu.memory_space<hbm>>
    tpu.wait_dma2 semaphore(%dma_wait3A_442 : memref<!tpu.dma_semaphore, #tpu.memory_space<semaphore_mem>>) src(%dma_wait3A_449 : memref<128x64xf32, #tpu.memory_space<hbm>>) dst(%dma_wait3A_446 : memref<128x64xf32, #tpu.memory_space<vmem>>)
    %dma_wait3A_450 = arith.constant 0 : i32
    %dma_wait3A_451 = arith.constant 0 : i32
    %dma_wait3A_452 = arith.constant 0 : i32
    %dma_wait3A_453 = tpu.memref_slice %arg6[%dma_wait3A_450, %dma_wait3A_451, %dma_wait3A_452] : memref<12x128x64xf32, #tpu.memory_space<vmem>> -> memref<1x128x64xf32, #tpu.memory_space<vmem>>
    %dma_wait3A_454 = tpu.memref_squeeze %dma_wait3A_453 : memref<1x128x64xf32, #tpu.memory_space<vmem>> -> memref<128x64xf32, #tpu.memory_space<vmem>>
    %dma_wait3A_455 = arith.constant 0 : i32
    %dma_wait3A_456 = arith.constant 0 : i32
    %dma_wait3A_457 = tpu.memref_slice %arg3[%dma_wait3A_455, %dma_wait3A_456] : memref<1015808x64xf32, #tpu.memory_space<hbm>> -> memref<128x64xf32, #tpu.memory_space<hbm>>
    %dma_wait3A_458 = tpu.memref_slice %arg7[%rem3A_398] : memref<3x!tpu.dma_semaphore, #tpu.memory_space<semaphore_mem>> -> memref<1x!tpu.dma_semaphore, #tpu.memory_space<semaphore_mem>>
    %dma_wait3A_459 = tpu.memref_squeeze %dma_wait3A_458 : memref<1x!tpu.dma_semaphore, #tpu.memory_space<semaphore_mem>> -> memref<!tpu.dma_semaphore, #tpu.memory_space<semaphore_mem>>
    %dma_wait3A_460 = arith.constant 0 : i32
    %dma_wait3A_461 = arith.constant 0 : i32
    %dma_wait3A_462 = tpu.memref_slice %arg6[%dma_wait3A_450, %dma_wait3A_460, %dma_wait3A_461] : memref<12x128x64xf32, #tpu.memory_space<vmem>> -> memref<1x128x64xf32, #tpu.memory_space<vmem>>
    %dma_wait3A_463 = tpu.memref_squeeze %dma_wait3A_462 : memref<1x128x64xf32, #tpu.memory_space<vmem>> -> memref<128x64xf32, #tpu.memory_space<vmem>>
    %dma_wait3A_464 = arith.constant 0 : i32
    %dma_wait3A_465 = arith.constant 0 : i32
    %dma_wait3A_466 = tpu.memref_slice %arg3[%dma_wait3A_464, %dma_wait3A_465] : memref<1015808x64xf32, #tpu.memory_space<hbm>> -> memref<128x64xf32, #tpu.memory_space<hbm>>
    tpu.wait_dma2 semaphore(%dma_wait3A_459 : memref<!tpu.dma_semaphore, #tpu.memory_space<semaphore_mem>>) src(%dma_wait3A_466 : memref<128x64xf32, #tpu.memory_space<hbm>>) dst(%dma_wait3A_463 : memref<128x64xf32, #tpu.memory_space<vmem>>)
    %rem3A_467 = arith.constant 5 : i32
    %rem3A_468 = arith.constant 3 : i32
    %rem3A_469 = arith.remsi %rem3A_467, %rem3A_468 : i32
    %dma_wait3A_470 = arith.constant 0 : i32
    %dma_wait3A_471 = arith.constant 0 : i32
    %dma_wait3A_472 = arith.constant 0 : i32
    %dma_wait3A_473 = tpu.memref_slice %arg6[%dma_wait3A_470, %dma_wait3A_471, %dma_wait3A_472] : memref<12x128x64xf32, #tpu.memory_space<vmem>> -> memref<1x128x64xf32, #tpu.memory_space<vmem>>
    %dma_wait3A_474 = tpu.memref_squeeze %dma_wait3A_473 : memref<1x128x64xf32, #tpu.memory_space<vmem>> -> memref<128x64xf32, #tpu.memory_space<vmem>>
    %dma_wait3A_475 = arith.constant 0 : i32
    %dma_wait3A_476 = arith.constant 0 : i32
    %dma_wait3A_477 = tpu.memref_slice %arg3[%dma_wait3A_475, %dma_wait3A_476] : memref<1015808x64xf32, #tpu.memory_space<hbm>> -> memref<128x64xf32, #tpu.memory_space<hbm>>
    %dma_wait3A_478 = tpu.memref_slice %arg8[%rem3A_469] : memref<3x!tpu.dma_semaphore, #tpu.memory_space<semaphore_mem>> -> memref<1x!tpu.dma_semaphore, #tpu.memory_space<semaphore_mem>>
    %dma_wait3A_479 = tpu.memref_squeeze %dma_wait3A_478 : memref<1x!tpu.dma_semaphore, #tpu.memory_space<semaphore_mem>> -> memref<!tpu.dma_semaphore, #tpu.memory_space<semaphore_mem>>
    %dma_wait3A_480 = arith.constant 0 : i32
    %dma_wait3A_481 = arith.constant 0 : i32
    %dma_wait3A_482 = tpu.memref_slice %arg6[%dma_wait3A_470, %dma_wait3A_480, %dma_wait3A_481] : memref<12x128x64xf32, #tpu.memory_space<vmem>> -> memref<1x128x64xf32, #tpu.memory_space<vmem>>
    %dma_wait3A_483 = tpu.memref_squeeze %dma_wait3A_482 : memref<1x128x64xf32, #tpu.memory_space<vmem>> -> memref<128x64xf32, #tpu.memory_space<vmem>>
    %dma_wait3A_484 = arith.constant 0 : i32
    %dma_wait3A_485 = arith.constant 0 : i32
    %dma_wait3A_486 = tpu.memref_slice %arg3[%dma_wait3A_484, %dma_wait3A_485] : memref<1015808x64xf32, #tpu.memory_space<hbm>> -> memref<128x64xf32, #tpu.memory_space<hbm>>
    tpu.wait_dma2 semaphore(%dma_wait3A_479 : memref<!tpu.dma_semaphore, #tpu.memory_space<semaphore_mem>>) src(%dma_wait3A_486 : memref<128x64xf32, #tpu.memory_space<hbm>>) dst(%dma_wait3A_483 : memref<128x64xf32, #tpu.memory_space<vmem>>)
    %dma_wait3A_487 = arith.constant 0 : i32
    %dma_wait3A_488 = arith.constant 0 : i32
    %dma_wait3A_489 = arith.constant 0 : i32
    %dma_wait3A_490 = tpu.memref_slice %arg6[%dma_wait3A_487, %dma_wait3A_488, %dma_wait3A_489] : memref<12x128x64xf32, #tpu.memory_space<vmem>> -> memref<1x128x64xf32, #tpu.memory_space<vmem>>
    %dma_wait3A_491 = tpu.memref_squeeze %dma_wait3A_490 : memref<1x128x64xf32, #tpu.memory_space<vmem>> -> memref<128x64xf32, #tpu.memory_space<vmem>>
    %dma_wait3A_492 = arith.constant 0 : i32
    %dma_wait3A_493 = arith.constant 0 : i32
    %dma_wait3A_494 = tpu.memref_slice %arg3[%dma_wait3A_492, %dma_wait3A_493] : memref<1015808x64xf32, #tpu.memory_space<hbm>> -> memref<128x64xf32, #tpu.memory_space<hbm>>
    %dma_wait3A_495 = tpu.memref_slice %arg8[%rem3A_469] : memref<3x!tpu.dma_semaphore, #tpu.memory_space<semaphore_mem>> -> memref<1x!tpu.dma_semaphore, #tpu.memory_space<semaphore_mem>>
    %dma_wait3A_496 = tpu.memref_squeeze %dma_wait3A_495 : memref<1x!tpu.dma_semaphore, #tpu.memory_space<semaphore_mem>> -> memref<!tpu.dma_semaphore, #tpu.memory_space<semaphore_mem>>
    %dma_wait3A_497 = arith.constant 0 : i32
    %dma_wait3A_498 = arith.constant 0 : i32
    %dma_wait3A_499 = tpu.memref_slice %arg6[%dma_wait3A_487, %dma_wait3A_497, %dma_wait3A_498] : memref<12x128x64xf32, #tpu.memory_space<vmem>> -> memref<1x128x64xf32, #tpu.memory_space<vmem>>
    %dma_wait3A_500 = tpu.memref_squeeze %dma_wait3A_499 : memref<1x128x64xf32, #tpu.memory_space<vmem>> -> memref<128x64xf32, #tpu.memory_space<vmem>>
    %dma_wait3A_501 = arith.constant 0 : i32
    %dma_wait3A_502 = arith.constant 0 : i32
    %dma_wait3A_503 = tpu.memref_slice %arg3[%dma_wait3A_501, %dma_wait3A_502] : memref<1015808x64xf32, #tpu.memory_space<hbm>> -> memref<128x64xf32, #tpu.memory_space<hbm>>
    tpu.wait_dma2 semaphore(%dma_wait3A_496 : memref<!tpu.dma_semaphore, #tpu.memory_space<semaphore_mem>>) src(%dma_wait3A_503 : memref<128x64xf32, #tpu.memory_space<hbm>>) dst(%dma_wait3A_500 : memref<128x64xf32, #tpu.memory_space<vmem>>)
    %dma_wait3A_504 = arith.constant 0 : i32
    %dma_wait3A_505 = arith.constant 0 : i32
    %dma_wait3A_506 = arith.constant 0 : i32
    %dma_wait3A_507 = tpu.memref_slice %arg6[%dma_wait3A_504, %dma_wait3A_505, %dma_wait3A_506] : memref<12x128x64xf32, #tpu.memory_space<vmem>> -> memref<1x128x64xf32, #tpu.memory_space<vmem>>
    %dma_wait3A_508 = tpu.memref_squeeze %dma_wait3A_507 : memref<1x128x64xf32, #tpu.memory_space<vmem>> -> memref<128x64xf32, #tpu.memory_space<vmem>>
    %dma_wait3A_509 = arith.constant 0 : i32
    %dma_wait3A_510 = arith.constant 0 : i32
    %dma_wait3A_511 = tpu.memref_slice %arg3[%dma_wait3A_509, %dma_wait3A_510] : memref<1015808x64xf32, #tpu.memory_space<hbm>> -> memref<128x64xf32, #tpu.memory_space<hbm>>
    %dma_wait3A_512 = tpu.memref_slice %arg8[%rem3A_469] : memref<3x!tpu.dma_semaphore, #tpu.memory_space<semaphore_mem>> -> memref<1x!tpu.dma_semaphore, #tpu.memory_space<semaphore_mem>>
    %dma_wait3A_513 = tpu.memref_squeeze %dma_wait3A_512 : memref<1x!tpu.dma_semaphore, #tpu.memory_space<semaphore_mem>> -> memref<!tpu.dma_semaphore, #tpu.memory_space<semaphore_mem>>
    %dma_wait3A_514 = arith.constant 0 : i32
    %dma_wait3A_515 = arith.constant 0 : i32
    %dma_wait3A_516 = tpu.memref_slice %arg6[%dma_wait3A_504, %dma_wait3A_514, %dma_wait3A_515] : memref<12x128x64xf32, #tpu.memory_space<vmem>> -> memref<1x128x64xf32, #tpu.memory_space<vmem>>
    %dma_wait3A_517 = tpu.memref_squeeze %dma_wait3A_516 : memref<1x128x64xf32, #tpu.memory_space<vmem>> -> memref<128x64xf32, #tpu.memory_space<vmem>>
    %dma_wait3A_518 = arith.constant 0 : i32
    %dma_wait3A_519 = arith.constant 0 : i32
    %dma_wait3A_520 = tpu.memref_slice %arg3[%dma_wait3A_518, %dma_wait3A_519] : memref<1015808x64xf32, #tpu.memory_space<hbm>> -> memref<128x64xf32, #tpu.memory_space<hbm>>
    tpu.wait_dma2 semaphore(%dma_wait3A_513 : memref<!tpu.dma_semaphore, #tpu.memory_space<semaphore_mem>>) src(%dma_wait3A_520 : memref<128x64xf32, #tpu.memory_space<hbm>>) dst(%dma_wait3A_517 : memref<128x64xf32, #tpu.memory_space<vmem>>)
    %dma_wait3A_521 = arith.constant 0 : i32
    %dma_wait3A_522 = arith.constant 0 : i32
    %dma_wait3A_523 = arith.constant 0 : i32
    %dma_wait3A_524 = tpu.memref_slice %arg6[%dma_wait3A_521, %dma_wait3A_522, %dma_wait3A_523] : memref<12x128x64xf32, #tpu.memory_space<vmem>> -> memref<1x128x64xf32, #tpu.memory_space<vmem>>
    %dma_wait3A_525 = tpu.memref_squeeze %dma_wait3A_524 : memref<1x128x64xf32, #tpu.memory_space<vmem>> -> memref<128x64xf32, #tpu.memory_space<vmem>>
    %dma_wait3A_526 = arith.constant 0 : i32
    %dma_wait3A_527 = arith.constant 0 : i32
    %dma_wait3A_528 = tpu.memref_slice %arg3[%dma_wait3A_526, %dma_wait3A_527] : memref<1015808x64xf32, #tpu.memory_space<hbm>> -> memref<128x64xf32, #tpu.memory_space<hbm>>
    %dma_wait3A_529 = tpu.memref_slice %arg8[%rem3A_469] : memref<3x!tpu.dma_semaphore, #tpu.memory_space<semaphore_mem>> -> memref<1x!tpu.dma_semaphore, #tpu.memory_space<semaphore_mem>>
    %dma_wait3A_530 = tpu.memref_squeeze %dma_wait3A_529 : memref<1x!tpu.dma_semaphore, #tpu.memory_space<semaphore_mem>> -> memref<!tpu.dma_semaphore, #tpu.memory_space<semaphore_mem>>
    %dma_wait3A_531 = arith.constant 0 : i32
    %dma_wait3A_532 = arith.constant 0 : i32
    %dma_wait3A_533 = tpu.memref_slice %arg6[%dma_wait3A_521, %dma_wait3A_531, %dma_wait3A_532] : memref<12x128x64xf32, #tpu.memory_space<vmem>> -> memref<1x128x64xf32, #tpu.memory_space<vmem>>
    %dma_wait3A_534 = tpu.memref_squeeze %dma_wait3A_533 : memref<1x128x64xf32, #tpu.memory_space<vmem>> -> memref<128x64xf32, #tpu.memory_space<vmem>>
    %dma_wait3A_535 = arith.constant 0 : i32
    %dma_wait3A_536 = arith.constant 0 : i32
    %dma_wait3A_537 = tpu.memref_slice %arg3[%dma_wait3A_535, %dma_wait3A_536] : memref<1015808x64xf32, #tpu.memory_space<hbm>> -> memref<128x64xf32, #tpu.memory_space<hbm>>
    tpu.wait_dma2 semaphore(%dma_wait3A_530 : memref<!tpu.dma_semaphore, #tpu.memory_space<semaphore_mem>>) src(%dma_wait3A_537 : memref<128x64xf32, #tpu.memory_space<hbm>>) dst(%dma_wait3A_534 : memref<128x64xf32, #tpu.memory_space<vmem>>)
    %rem3A_538 = arith.constant 6 : i32
    %rem3A_539 = arith.constant 3 : i32
    %rem3A_540 = arith.remsi %rem3A_538, %rem3A_539 : i32
    %mul3A_541 = arith.constant 4 : i32
    %mul3A_542 = arith.muli %rem3A_540, %mul3A_541 : i32
    %add3A_543 = arith.constant 0 : i32
    %add3A_544 = arith.addi %mul3A_542, %add3A_543 : i32
    %add3A_545 = arith.constant 24 : i32
    %add3A_546 = arith.addi %mul3A_2, %add3A_545 : i32
    %add3A_547 = arith.constant 0 : i32
    %add3A_548 = arith.addi %add3A_546, %add3A_547 : i32
    %dma_start3A_549 = arith.constant 0 : i32
    %dma_start3A_550 = arith.constant 0 : i32
    %dma_start3A_551 = tpu.memref_slice %arg6[%add3A_544, %dma_start3A_549, %dma_start3A_550] : memref<12x128x64xf32, #tpu.memory_space<vmem>> -> memref<1x128x64xf32, #tpu.memory_space<vmem>>
    %dma_start3A_552 = tpu.memref_squeeze %dma_start3A_551 : memref<1x128x64xf32, #tpu.memory_space<vmem>> -> memref<128x64xf32, #tpu.memory_space<vmem>>
    %dma_start3A_553 = arith.constant 0 : i32
    %dma_start3A_554 = arith.constant 0 : i32
    %dma_start3A_555 = tpu.memref_slice %arg4[%add3A_548, %dma_start3A_553, %dma_start3A_554] : memref<1024x128x64xf32, #tpu.memory_space<hbm>> -> memref<1x128x64xf32, #tpu.memory_space<hbm>>
    %dma_start3A_556 = tpu.memref_squeeze %dma_start3A_555 : memref<1x128x64xf32, #tpu.memory_space<hbm>> -> memref<128x64xf32, #tpu.memory_space<hbm>>
    %dma_start3A_557 = tpu.memref_slice %arg8[%rem3A_540] : memref<3x!tpu.dma_semaphore, #tpu.memory_space<semaphore_mem>> -> memref<1x!tpu.dma_semaphore, #tpu.memory_space<semaphore_mem>>
    %dma_start3A_558 = tpu.memref_squeeze %dma_start3A_557 : memref<1x!tpu.dma_semaphore, #tpu.memory_space<semaphore_mem>> -> memref<!tpu.dma_semaphore, #tpu.memory_space<semaphore_mem>>
    %dma_start3A_559 = arith.constant 0 : i32
    %dma_start3A_560 = arith.constant 0 : i32
    %dma_start3A_561 = tpu.memref_slice %arg4[%add3A_548, %dma_start3A_559, %dma_start3A_560] : memref<1024x128x64xf32, #tpu.memory_space<hbm>> -> memref<1x128x64xf32, #tpu.memory_space<hbm>>
    %dma_start3A_562 = tpu.memref_squeeze %dma_start3A_561 : memref<1x128x64xf32, #tpu.memory_space<hbm>> -> memref<128x64xf32, #tpu.memory_space<hbm>>
    %dma_start3A_563 = arith.constant 0 : i32
    %dma_start3A_564 = arith.constant 0 : i32
    %dma_start3A_565 = tpu.memref_slice %arg6[%add3A_544, %dma_start3A_563, %dma_start3A_564] : memref<12x128x64xf32, #tpu.memory_space<vmem>> -> memref<1x128x64xf32, #tpu.memory_space<vmem>>
    %dma_start3A_566 = tpu.memref_squeeze %dma_start3A_565 : memref<1x128x64xf32, #tpu.memory_space<vmem>> -> memref<128x64xf32, #tpu.memory_space<vmem>>
    tpu.enqueue_dma source(%dma_start3A_566 : memref<128x64xf32, #tpu.memory_space<vmem>>) target(%dma_start3A_562 : memref<128x64xf32, #tpu.memory_space<hbm>>) target_semaphore(%dma_start3A_558 : memref<!tpu.dma_semaphore, #tpu.memory_space<semaphore_mem>>)
    %mul3A_567 = arith.constant 4 : i32
    %mul3A_568 = arith.muli %rem3A_540, %mul3A_567 : i32
    %add3A_569 = arith.constant 1 : i32
    %add3A_570 = arith.addi %mul3A_568, %add3A_569 : i32
    %add3A_571 = arith.constant 24 : i32
    %add3A_572 = arith.addi %mul3A_2, %add3A_571 : i32
    %add3A_573 = arith.constant 1 : i32
    %add3A_574 = arith.addi %add3A_572, %add3A_573 : i32
    %dma_start3A_575 = arith.constant 0 : i32
    %dma_start3A_576 = arith.constant 0 : i32
    %dma_start3A_577 = tpu.memref_slice %arg6[%add3A_570, %dma_start3A_575, %dma_start3A_576] : memref<12x128x64xf32, #tpu.memory_space<vmem>> -> memref<1x128x64xf32, #tpu.memory_space<vmem>>
    %dma_start3A_578 = tpu.memref_squeeze %dma_start3A_577 : memref<1x128x64xf32, #tpu.memory_space<vmem>> -> memref<128x64xf32, #tpu.memory_space<vmem>>
    %dma_start3A_579 = arith.constant 0 : i32
    %dma_start3A_580 = arith.constant 0 : i32
    %dma_start3A_581 = tpu.memref_slice %arg4[%add3A_574, %dma_start3A_579, %dma_start3A_580] : memref<1024x128x64xf32, #tpu.memory_space<hbm>> -> memref<1x128x64xf32, #tpu.memory_space<hbm>>
    %dma_start3A_582 = tpu.memref_squeeze %dma_start3A_581 : memref<1x128x64xf32, #tpu.memory_space<hbm>> -> memref<128x64xf32, #tpu.memory_space<hbm>>
    %dma_start3A_583 = tpu.memref_slice %arg8[%rem3A_540] : memref<3x!tpu.dma_semaphore, #tpu.memory_space<semaphore_mem>> -> memref<1x!tpu.dma_semaphore, #tpu.memory_space<semaphore_mem>>
    %dma_start3A_584 = tpu.memref_squeeze %dma_start3A_583 : memref<1x!tpu.dma_semaphore, #tpu.memory_space<semaphore_mem>> -> memref<!tpu.dma_semaphore, #tpu.memory_space<semaphore_mem>>
    %dma_start3A_585 = arith.constant 0 : i32
    %dma_start3A_586 = arith.constant 0 : i32
    %dma_start3A_587 = tpu.memref_slice %arg4[%add3A_574, %dma_start3A_585, %dma_start3A_586] : memref<1024x128x64xf32, #tpu.memory_space<hbm>> -> memref<1x128x64xf32, #tpu.memory_space<hbm>>
    %dma_start3A_588 = tpu.memref_squeeze %dma_start3A_587 : memref<1x128x64xf32, #tpu.memory_space<hbm>> -> memref<128x64xf32, #tpu.memory_space<hbm>>
    %dma_start3A_589 = arith.constant 0 : i32
    %dma_start3A_590 = arith.constant 0 : i32
    %dma_start3A_591 = tpu.memref_slice %arg6[%add3A_570, %dma_start3A_589, %dma_start3A_590] : memref<12x128x64xf32, #tpu.memory_space<vmem>> -> memref<1x128x64xf32, #tpu.memory_space<vmem>>
    %dma_start3A_592 = tpu.memref_squeeze %dma_start3A_591 : memref<1x128x64xf32, #tpu.memory_space<vmem>> -> memref<128x64xf32, #tpu.memory_space<vmem>>
    tpu.enqueue_dma source(%dma_start3A_592 : memref<128x64xf32, #tpu.memory_space<vmem>>) target(%dma_start3A_588 : memref<128x64xf32, #tpu.memory_space<hbm>>) target_semaphore(%dma_start3A_584 : memref<!tpu.dma_semaphore, #tpu.memory_space<semaphore_mem>>)
    %mul3A_593 = arith.constant 4 : i32
    %mul3A_594 = arith.muli %rem3A_540, %mul3A_593 : i32
    %add3A_595 = arith.constant 2 : i32
    %add3A_596 = arith.addi %mul3A_594, %add3A_595 : i32
    %add3A_597 = arith.constant 24 : i32
    %add3A_598 = arith.addi %mul3A_2, %add3A_597 : i32
    %add3A_599 = arith.constant 2 : i32
    %add3A_600 = arith.addi %add3A_598, %add3A_599 : i32
    %dma_start3A_601 = arith.constant 0 : i32
    %dma_start3A_602 = arith.constant 0 : i32
    %dma_start3A_603 = tpu.memref_slice %arg6[%add3A_596, %dma_start3A_601, %dma_start3A_602] : memref<12x128x64xf32, #tpu.memory_space<vmem>> -> memref<1x128x64xf32, #tpu.memory_space<vmem>>
    %dma_start3A_604 = tpu.memref_squeeze %dma_start3A_603 : memref<1x128x64xf32, #tpu.memory_space<vmem>> -> memref<128x64xf32, #tpu.memory_space<vmem>>
    %dma_start3A_605 = arith.constant 0 : i32
    %dma_start3A_606 = arith.constant 0 : i32
    %dma_start3A_607 = tpu.memref_slice %arg4[%add3A_600, %dma_start3A_605, %dma_start3A_606] : memref<1024x128x64xf32, #tpu.memory_space<hbm>> -> memref<1x128x64xf32, #tpu.memory_space<hbm>>
    %dma_start3A_608 = tpu.memref_squeeze %dma_start3A_607 : memref<1x128x64xf32, #tpu.memory_space<hbm>> -> memref<128x64xf32, #tpu.memory_space<hbm>>
    %dma_start3A_609 = tpu.memref_slice %arg8[%rem3A_540] : memref<3x!tpu.dma_semaphore, #tpu.memory_space<semaphore_mem>> -> memref<1x!tpu.dma_semaphore, #tpu.memory_space<semaphore_mem>>
    %dma_start3A_610 = tpu.memref_squeeze %dma_start3A_609 : memref<1x!tpu.dma_semaphore, #tpu.memory_space<semaphore_mem>> -> memref<!tpu.dma_semaphore, #tpu.memory_space<semaphore_mem>>
    %dma_start3A_611 = arith.constant 0 : i32
    %dma_start3A_612 = arith.constant 0 : i32
    %dma_start3A_613 = tpu.memref_slice %arg4[%add3A_600, %dma_start3A_611, %dma_start3A_612] : memref<1024x128x64xf32, #tpu.memory_space<hbm>> -> memref<1x128x64xf32, #tpu.memory_space<hbm>>
    %dma_start3A_614 = tpu.memref_squeeze %dma_start3A_613 : memref<1x128x64xf32, #tpu.memory_space<hbm>> -> memref<128x64xf32, #tpu.memory_space<hbm>>
    %dma_start3A_615 = arith.constant 0 : i32
    %dma_start3A_616 = arith.constant 0 : i32
    %dma_start3A_617 = tpu.memref_slice %arg6[%add3A_596, %dma_start3A_615, %dma_start3A_616] : memref<12x128x64xf32, #tpu.memory_space<vmem>> -> memref<1x128x64xf32, #tpu.memory_space<vmem>>
    %dma_start3A_618 = tpu.memref_squeeze %dma_start3A_617 : memref<1x128x64xf32, #tpu.memory_space<vmem>> -> memref<128x64xf32, #tpu.memory_space<vmem>>
    tpu.enqueue_dma source(%dma_start3A_618 : memref<128x64xf32, #tpu.memory_space<vmem>>) target(%dma_start3A_614 : memref<128x64xf32, #tpu.memory_space<hbm>>) target_semaphore(%dma_start3A_610 : memref<!tpu.dma_semaphore, #tpu.memory_space<semaphore_mem>>)
    %mul3A_619 = arith.constant 4 : i32
    %mul3A_620 = arith.muli %rem3A_540, %mul3A_619 : i32
    %add3A_621 = arith.constant 3 : i32
    %add3A_622 = arith.addi %mul3A_620, %add3A_621 : i32
    %add3A_623 = arith.constant 24 : i32
    %add3A_624 = arith.addi %mul3A_2, %add3A_623 : i32
    %add3A_625 = arith.constant 3 : i32
    %add3A_626 = arith.addi %add3A_624, %add3A_625 : i32
    %dma_start3A_627 = arith.constant 0 : i32
    %dma_start3A_628 = arith.constant 0 : i32
    %dma_start3A_629 = tpu.memref_slice %arg6[%add3A_622, %dma_start3A_627, %dma_start3A_628] : memref<12x128x64xf32, #tpu.memory_space<vmem>> -> memref<1x128x64xf32, #tpu.memory_space<vmem>>
    %dma_start3A_630 = tpu.memref_squeeze %dma_start3A_629 : memref<1x128x64xf32, #tpu.memory_space<vmem>> -> memref<128x64xf32, #tpu.memory_space<vmem>>
    %dma_start3A_631 = arith.constant 0 : i32
    %dma_start3A_632 = arith.constant 0 : i32
    %dma_start3A_633 = tpu.memref_slice %arg4[%add3A_626, %dma_start3A_631, %dma_start3A_632] : memref<1024x128x64xf32, #tpu.memory_space<hbm>> -> memref<1x128x64xf32, #tpu.memory_space<hbm>>
    %dma_start3A_634 = tpu.memref_squeeze %dma_start3A_633 : memref<1x128x64xf32, #tpu.memory_space<hbm>> -> memref<128x64xf32, #tpu.memory_space<hbm>>
    %dma_start3A_635 = tpu.memref_slice %arg8[%rem3A_540] : memref<3x!tpu.dma_semaphore, #tpu.memory_space<semaphore_mem>> -> memref<1x!tpu.dma_semaphore, #tpu.memory_space<semaphore_mem>>
    %dma_start3A_636 = tpu.memref_squeeze %dma_start3A_635 : memref<1x!tpu.dma_semaphore, #tpu.memory_space<semaphore_mem>> -> memref<!tpu.dma_semaphore, #tpu.memory_space<semaphore_mem>>
    %dma_start3A_637 = arith.constant 0 : i32
    %dma_start3A_638 = arith.constant 0 : i32
    %dma_start3A_639 = tpu.memref_slice %arg4[%add3A_626, %dma_start3A_637, %dma_start3A_638] : memref<1024x128x64xf32, #tpu.memory_space<hbm>> -> memref<1x128x64xf32, #tpu.memory_space<hbm>>
    %dma_start3A_640 = tpu.memref_squeeze %dma_start3A_639 : memref<1x128x64xf32, #tpu.memory_space<hbm>> -> memref<128x64xf32, #tpu.memory_space<hbm>>
    %dma_start3A_641 = arith.constant 0 : i32
    %dma_start3A_642 = arith.constant 0 : i32
    %dma_start3A_643 = tpu.memref_slice %arg6[%add3A_622, %dma_start3A_641, %dma_start3A_642] : memref<12x128x64xf32, #tpu.memory_space<vmem>> -> memref<1x128x64xf32, #tpu.memory_space<vmem>>
    %dma_start3A_644 = tpu.memref_squeeze %dma_start3A_643 : memref<1x128x64xf32, #tpu.memory_space<vmem>> -> memref<128x64xf32, #tpu.memory_space<vmem>>
    tpu.enqueue_dma source(%dma_start3A_644 : memref<128x64xf32, #tpu.memory_space<vmem>>) target(%dma_start3A_640 : memref<128x64xf32, #tpu.memory_space<hbm>>) target_semaphore(%dma_start3A_636 : memref<!tpu.dma_semaphore, #tpu.memory_space<semaphore_mem>>)
    %rem3A_645 = arith.constant 7 : i32
    %rem3A_646 = arith.constant 3 : i32
    %rem3A_647 = arith.remsi %rem3A_645, %rem3A_646 : i32
    %dma_wait3A_648 = arith.constant 0 : i32
    %dma_wait3A_649 = arith.constant 0 : i32
    %dma_wait3A_650 = arith.constant 0 : i32
    %dma_wait3A_651 = tpu.memref_slice %arg6[%dma_wait3A_648, %dma_wait3A_649, %dma_wait3A_650] : memref<12x128x64xf32, #tpu.memory_space<vmem>> -> memref<1x128x64xf32, #tpu.memory_space<vmem>>
    %dma_wait3A_652 = tpu.memref_squeeze %dma_wait3A_651 : memref<1x128x64xf32, #tpu.memory_space<vmem>> -> memref<128x64xf32, #tpu.memory_space<vmem>>
    %dma_wait3A_653 = arith.constant 0 : i32
    %dma_wait3A_654 = arith.constant 0 : i32
    %dma_wait3A_655 = tpu.memref_slice %arg3[%dma_wait3A_653, %dma_wait3A_654] : memref<1015808x64xf32, #tpu.memory_space<hbm>> -> memref<128x64xf32, #tpu.memory_space<hbm>>
    %dma_wait3A_656 = tpu.memref_slice %arg7[%rem3A_647] : memref<3x!tpu.dma_semaphore, #tpu.memory_space<semaphore_mem>> -> memref<1x!tpu.dma_semaphore, #tpu.memory_space<semaphore_mem>>
    %dma_wait3A_657 = tpu.memref_squeeze %dma_wait3A_656 : memref<1x!tpu.dma_semaphore, #tpu.memory_space<semaphore_mem>> -> memref<!tpu.dma_semaphore, #tpu.memory_space<semaphore_mem>>
    %dma_wait3A_658 = arith.constant 0 : i32
    %dma_wait3A_659 = arith.constant 0 : i32
    %dma_wait3A_660 = tpu.memref_slice %arg6[%dma_wait3A_648, %dma_wait3A_658, %dma_wait3A_659] : memref<12x128x64xf32, #tpu.memory_space<vmem>> -> memref<1x128x64xf32, #tpu.memory_space<vmem>>
    %dma_wait3A_661 = tpu.memref_squeeze %dma_wait3A_660 : memref<1x128x64xf32, #tpu.memory_space<vmem>> -> memref<128x64xf32, #tpu.memory_space<vmem>>
    %dma_wait3A_662 = arith.constant 0 : i32
    %dma_wait3A_663 = arith.constant 0 : i32
    %dma_wait3A_664 = tpu.memref_slice %arg3[%dma_wait3A_662, %dma_wait3A_663] : memref<1015808x64xf32, #tpu.memory_space<hbm>> -> memref<128x64xf32, #tpu.memory_space<hbm>>
    tpu.wait_dma2 semaphore(%dma_wait3A_657 : memref<!tpu.dma_semaphore, #tpu.memory_space<semaphore_mem>>) src(%dma_wait3A_664 : memref<128x64xf32, #tpu.memory_space<hbm>>) dst(%dma_wait3A_661 : memref<128x64xf32, #tpu.memory_space<vmem>>)
    %dma_wait3A_665 = arith.constant 0 : i32
    %dma_wait3A_666 = arith.constant 0 : i32
    %dma_wait3A_667 = arith.constant 0 : i32
    %dma_wait3A_668 = tpu.memref_slice %arg6[%dma_wait3A_665, %dma_wait3A_666, %dma_wait3A_667] : memref<12x128x64xf32, #tpu.memory_space<vmem>> -> memref<1x128x64xf32, #tpu.memory_space<vmem>>
    %dma_wait3A_669 = tpu.memref_squeeze %dma_wait3A_668 : memref<1x128x64xf32, #tpu.memory_space<vmem>> -> memref<128x64xf32, #tpu.memory_space<vmem>>
    %dma_wait3A_670 = arith.constant 0 : i32
    %dma_wait3A_671 = arith.constant 0 : i32
    %dma_wait3A_672 = tpu.memref_slice %arg3[%dma_wait3A_670, %dma_wait3A_671] : memref<1015808x64xf32, #tpu.memory_space<hbm>> -> memref<128x64xf32, #tpu.memory_space<hbm>>
    %dma_wait3A_673 = tpu.memref_slice %arg7[%rem3A_647] : memref<3x!tpu.dma_semaphore, #tpu.memory_space<semaphore_mem>> -> memref<1x!tpu.dma_semaphore, #tpu.memory_space<semaphore_mem>>
    %dma_wait3A_674 = tpu.memref_squeeze %dma_wait3A_673 : memref<1x!tpu.dma_semaphore, #tpu.memory_space<semaphore_mem>> -> memref<!tpu.dma_semaphore, #tpu.memory_space<semaphore_mem>>
    %dma_wait3A_675 = arith.constant 0 : i32
    %dma_wait3A_676 = arith.constant 0 : i32
    %dma_wait3A_677 = tpu.memref_slice %arg6[%dma_wait3A_665, %dma_wait3A_675, %dma_wait3A_676] : memref<12x128x64xf32, #tpu.memory_space<vmem>> -> memref<1x128x64xf32, #tpu.memory_space<vmem>>
    %dma_wait3A_678 = tpu.memref_squeeze %dma_wait3A_677 : memref<1x128x64xf32, #tpu.memory_space<vmem>> -> memref<128x64xf32, #tpu.memory_space<vmem>>
    %dma_wait3A_679 = arith.constant 0 : i32
    %dma_wait3A_680 = arith.constant 0 : i32
    %dma_wait3A_681 = tpu.memref_slice %arg3[%dma_wait3A_679, %dma_wait3A_680] : memref<1015808x64xf32, #tpu.memory_space<hbm>> -> memref<128x64xf32, #tpu.memory_space<hbm>>
    tpu.wait_dma2 semaphore(%dma_wait3A_674 : memref<!tpu.dma_semaphore, #tpu.memory_space<semaphore_mem>>) src(%dma_wait3A_681 : memref<128x64xf32, #tpu.memory_space<hbm>>) dst(%dma_wait3A_678 : memref<128x64xf32, #tpu.memory_space<vmem>>)
    %dma_wait3A_682 = arith.constant 0 : i32
    %dma_wait3A_683 = arith.constant 0 : i32
    %dma_wait3A_684 = arith.constant 0 : i32
    %dma_wait3A_685 = tpu.memref_slice %arg6[%dma_wait3A_682, %dma_wait3A_683, %dma_wait3A_684] : memref<12x128x64xf32, #tpu.memory_space<vmem>> -> memref<1x128x64xf32, #tpu.memory_space<vmem>>
    %dma_wait3A_686 = tpu.memref_squeeze %dma_wait3A_685 : memref<1x128x64xf32, #tpu.memory_space<vmem>> -> memref<128x64xf32, #tpu.memory_space<vmem>>
    %dma_wait3A_687 = arith.constant 0 : i32
    %dma_wait3A_688 = arith.constant 0 : i32
    %dma_wait3A_689 = tpu.memref_slice %arg3[%dma_wait3A_687, %dma_wait3A_688] : memref<1015808x64xf32, #tpu.memory_space<hbm>> -> memref<128x64xf32, #tpu.memory_space<hbm>>
    %dma_wait3A_690 = tpu.memref_slice %arg7[%rem3A_647] : memref<3x!tpu.dma_semaphore, #tpu.memory_space<semaphore_mem>> -> memref<1x!tpu.dma_semaphore, #tpu.memory_space<semaphore_mem>>
    %dma_wait3A_691 = tpu.memref_squeeze %dma_wait3A_690 : memref<1x!tpu.dma_semaphore, #tpu.memory_space<semaphore_mem>> -> memref<!tpu.dma_semaphore, #tpu.memory_space<semaphore_mem>>
    %dma_wait3A_692 = arith.constant 0 : i32
    %dma_wait3A_693 = arith.constant 0 : i32
    %dma_wait3A_694 = tpu.memref_slice %arg6[%dma_wait3A_682, %dma_wait3A_692, %dma_wait3A_693] : memref<12x128x64xf32, #tpu.memory_space<vmem>> -> memref<1x128x64xf32, #tpu.memory_space<vmem>>
    %dma_wait3A_695 = tpu.memref_squeeze %dma_wait3A_694 : memref<1x128x64xf32, #tpu.memory_space<vmem>> -> memref<128x64xf32, #tpu.memory_space<vmem>>
    %dma_wait3A_696 = arith.constant 0 : i32
    %dma_wait3A_697 = arith.constant 0 : i32
    %dma_wait3A_698 = tpu.memref_slice %arg3[%dma_wait3A_696, %dma_wait3A_697] : memref<1015808x64xf32, #tpu.memory_space<hbm>> -> memref<128x64xf32, #tpu.memory_space<hbm>>
    tpu.wait_dma2 semaphore(%dma_wait3A_691 : memref<!tpu.dma_semaphore, #tpu.memory_space<semaphore_mem>>) src(%dma_wait3A_698 : memref<128x64xf32, #tpu.memory_space<hbm>>) dst(%dma_wait3A_695 : memref<128x64xf32, #tpu.memory_space<vmem>>)
    %dma_wait3A_699 = arith.constant 0 : i32
    %dma_wait3A_700 = arith.constant 0 : i32
    %dma_wait3A_701 = arith.constant 0 : i32
    %dma_wait3A_702 = tpu.memref_slice %arg6[%dma_wait3A_699, %dma_wait3A_700, %dma_wait3A_701] : memref<12x128x64xf32, #tpu.memory_space<vmem>> -> memref<1x128x64xf32, #tpu.memory_space<vmem>>
    %dma_wait3A_703 = tpu.memref_squeeze %dma_wait3A_702 : memref<1x128x64xf32, #tpu.memory_space<vmem>> -> memref<128x64xf32, #tpu.memory_space<vmem>>
    %dma_wait3A_704 = arith.constant 0 : i32
    %dma_wait3A_705 = arith.constant 0 : i32
    %dma_wait3A_706 = tpu.memref_slice %arg3[%dma_wait3A_704, %dma_wait3A_705] : memref<1015808x64xf32, #tpu.memory_space<hbm>> -> memref<128x64xf32, #tpu.memory_space<hbm>>
    %dma_wait3A_707 = tpu.memref_slice %arg7[%rem3A_647] : memref<3x!tpu.dma_semaphore, #tpu.memory_space<semaphore_mem>> -> memref<1x!tpu.dma_semaphore, #tpu.memory_space<semaphore_mem>>
    %dma_wait3A_708 = tpu.memref_squeeze %dma_wait3A_707 : memref<1x!tpu.dma_semaphore, #tpu.memory_space<semaphore_mem>> -> memref<!tpu.dma_semaphore, #tpu.memory_space<semaphore_mem>>
    %dma_wait3A_709 = arith.constant 0 : i32
    %dma_wait3A_710 = arith.constant 0 : i32
    %dma_wait3A_711 = tpu.memref_slice %arg6[%dma_wait3A_699, %dma_wait3A_709, %dma_wait3A_710] : memref<12x128x64xf32, #tpu.memory_space<vmem>> -> memref<1x128x64xf32, #tpu.memory_space<vmem>>
    %dma_wait3A_712 = tpu.memref_squeeze %dma_wait3A_711 : memref<1x128x64xf32, #tpu.memory_space<vmem>> -> memref<128x64xf32, #tpu.memory_space<vmem>>
    %dma_wait3A_713 = arith.constant 0 : i32
    %dma_wait3A_714 = arith.constant 0 : i32
    %dma_wait3A_715 = tpu.memref_slice %arg3[%dma_wait3A_713, %dma_wait3A_714] : memref<1015808x64xf32, #tpu.memory_space<hbm>> -> memref<128x64xf32, #tpu.memory_space<hbm>>
    tpu.wait_dma2 semaphore(%dma_wait3A_708 : memref<!tpu.dma_semaphore, #tpu.memory_space<semaphore_mem>>) src(%dma_wait3A_715 : memref<128x64xf32, #tpu.memory_space<hbm>>) dst(%dma_wait3A_712 : memref<128x64xf32, #tpu.memory_space<vmem>>)
    %rem3A_716 = arith.constant 6 : i32
    %rem3A_717 = arith.constant 3 : i32
    %rem3A_718 = arith.remsi %rem3A_716, %rem3A_717 : i32
    %dma_wait3A_719 = arith.constant 0 : i32
    %dma_wait3A_720 = arith.constant 0 : i32
    %dma_wait3A_721 = arith.constant 0 : i32
    %dma_wait3A_722 = tpu.memref_slice %arg6[%dma_wait3A_719, %dma_wait3A_720, %dma_wait3A_721] : memref<12x128x64xf32, #tpu.memory_space<vmem>> -> memref<1x128x64xf32, #tpu.memory_space<vmem>>
    %dma_wait3A_723 = tpu.memref_squeeze %dma_wait3A_722 : memref<1x128x64xf32, #tpu.memory_space<vmem>> -> memref<128x64xf32, #tpu.memory_space<vmem>>
    %dma_wait3A_724 = arith.constant 0 : i32
    %dma_wait3A_725 = arith.constant 0 : i32
    %dma_wait3A_726 = tpu.memref_slice %arg3[%dma_wait3A_724, %dma_wait3A_725] : memref<1015808x64xf32, #tpu.memory_space<hbm>> -> memref<128x64xf32, #tpu.memory_space<hbm>>
    %dma_wait3A_727 = tpu.memref_slice %arg8[%rem3A_718] : memref<3x!tpu.dma_semaphore, #tpu.memory_space<semaphore_mem>> -> memref<1x!tpu.dma_semaphore, #tpu.memory_space<semaphore_mem>>
    %dma_wait3A_728 = tpu.memref_squeeze %dma_wait3A_727 : memref<1x!tpu.dma_semaphore, #tpu.memory_space<semaphore_mem>> -> memref<!tpu.dma_semaphore, #tpu.memory_space<semaphore_mem>>
    %dma_wait3A_729 = arith.constant 0 : i32
    %dma_wait3A_730 = arith.constant 0 : i32
    %dma_wait3A_731 = tpu.memref_slice %arg6[%dma_wait3A_719, %dma_wait3A_729, %dma_wait3A_730] : memref<12x128x64xf32, #tpu.memory_space<vmem>> -> memref<1x128x64xf32, #tpu.memory_space<vmem>>
    %dma_wait3A_732 = tpu.memref_squeeze %dma_wait3A_731 : memref<1x128x64xf32, #tpu.memory_space<vmem>> -> memref<128x64xf32, #tpu.memory_space<vmem>>
    %dma_wait3A_733 = arith.constant 0 : i32
    %dma_wait3A_734 = arith.constant 0 : i32
    %dma_wait3A_735 = tpu.memref_slice %arg3[%dma_wait3A_733, %dma_wait3A_734] : memref<1015808x64xf32, #tpu.memory_space<hbm>> -> memref<128x64xf32, #tpu.memory_space<hbm>>
    tpu.wait_dma2 semaphore(%dma_wait3A_728 : memref<!tpu.dma_semaphore, #tpu.memory_space<semaphore_mem>>) src(%dma_wait3A_735 : memref<128x64xf32, #tpu.memory_space<hbm>>) dst(%dma_wait3A_732 : memref<128x64xf32, #tpu.memory_space<vmem>>)
    %dma_wait3A_736 = arith.constant 0 : i32
    %dma_wait3A_737 = arith.constant 0 : i32
    %dma_wait3A_738 = arith.constant 0 : i32
    %dma_wait3A_739 = tpu.memref_slice %arg6[%dma_wait3A_736, %dma_wait3A_737, %dma_wait3A_738] : memref<12x128x64xf32, #tpu.memory_space<vmem>> -> memref<1x128x64xf32, #tpu.memory_space<vmem>>
    %dma_wait3A_740 = tpu.memref_squeeze %dma_wait3A_739 : memref<1x128x64xf32, #tpu.memory_space<vmem>> -> memref<128x64xf32, #tpu.memory_space<vmem>>
    %dma_wait3A_741 = arith.constant 0 : i32
    %dma_wait3A_742 = arith.constant 0 : i32
    %dma_wait3A_743 = tpu.memref_slice %arg3[%dma_wait3A_741, %dma_wait3A_742] : memref<1015808x64xf32, #tpu.memory_space<hbm>> -> memref<128x64xf32, #tpu.memory_space<hbm>>
    %dma_wait3A_744 = tpu.memref_slice %arg8[%rem3A_718] : memref<3x!tpu.dma_semaphore, #tpu.memory_space<semaphore_mem>> -> memref<1x!tpu.dma_semaphore, #tpu.memory_space<semaphore_mem>>
    %dma_wait3A_745 = tpu.memref_squeeze %dma_wait3A_744 : memref<1x!tpu.dma_semaphore, #tpu.memory_space<semaphore_mem>> -> memref<!tpu.dma_semaphore, #tpu.memory_space<semaphore_mem>>
    %dma_wait3A_746 = arith.constant 0 : i32
    %dma_wait3A_747 = arith.constant 0 : i32
    %dma_wait3A_748 = tpu.memref_slice %arg6[%dma_wait3A_736, %dma_wait3A_746, %dma_wait3A_747] : memref<12x128x64xf32, #tpu.memory_space<vmem>> -> memref<1x128x64xf32, #tpu.memory_space<vmem>>
    %dma_wait3A_749 = tpu.memref_squeeze %dma_wait3A_748 : memref<1x128x64xf32, #tpu.memory_space<vmem>> -> memref<128x64xf32, #tpu.memory_space<vmem>>
    %dma_wait3A_750 = arith.constant 0 : i32
    %dma_wait3A_751 = arith.constant 0 : i32
    %dma_wait3A_752 = tpu.memref_slice %arg3[%dma_wait3A_750, %dma_wait3A_751] : memref<1015808x64xf32, #tpu.memory_space<hbm>> -> memref<128x64xf32, #tpu.memory_space<hbm>>
    tpu.wait_dma2 semaphore(%dma_wait3A_745 : memref<!tpu.dma_semaphore, #tpu.memory_space<semaphore_mem>>) src(%dma_wait3A_752 : memref<128x64xf32, #tpu.memory_space<hbm>>) dst(%dma_wait3A_749 : memref<128x64xf32, #tpu.memory_space<vmem>>)
    %dma_wait3A_753 = arith.constant 0 : i32
    %dma_wait3A_754 = arith.constant 0 : i32
    %dma_wait3A_755 = arith.constant 0 : i32
    %dma_wait3A_756 = tpu.memref_slice %arg6[%dma_wait3A_753, %dma_wait3A_754, %dma_wait3A_755] : memref<12x128x64xf32, #tpu.memory_space<vmem>> -> memref<1x128x64xf32, #tpu.memory_space<vmem>>
    %dma_wait3A_757 = tpu.memref_squeeze %dma_wait3A_756 : memref<1x128x64xf32, #tpu.memory_space<vmem>> -> memref<128x64xf32, #tpu.memory_space<vmem>>
    %dma_wait3A_758 = arith.constant 0 : i32
    %dma_wait3A_759 = arith.constant 0 : i32
    %dma_wait3A_760 = tpu.memref_slice %arg3[%dma_wait3A_758, %dma_wait3A_759] : memref<1015808x64xf32, #tpu.memory_space<hbm>> -> memref<128x64xf32, #tpu.memory_space<hbm>>
    %dma_wait3A_761 = tpu.memref_slice %arg8[%rem3A_718] : memref<3x!tpu.dma_semaphore, #tpu.memory_space<semaphore_mem>> -> memref<1x!tpu.dma_semaphore, #tpu.memory_space<semaphore_mem>>
    %dma_wait3A_762 = tpu.memref_squeeze %dma_wait3A_761 : memref<1x!tpu.dma_semaphore, #tpu.memory_space<semaphore_mem>> -> memref<!tpu.dma_semaphore, #tpu.memory_space<semaphore_mem>>
    %dma_wait3A_763 = arith.constant 0 : i32
    %dma_wait3A_764 = arith.constant 0 : i32
    %dma_wait3A_765 = tpu.memref_slice %arg6[%dma_wait3A_753, %dma_wait3A_763, %dma_wait3A_764] : memref<12x128x64xf32, #tpu.memory_space<vmem>> -> memref<1x128x64xf32, #tpu.memory_space<vmem>>
    %dma_wait3A_766 = tpu.memref_squeeze %dma_wait3A_765 : memref<1x128x64xf32, #tpu.memory_space<vmem>> -> memref<128x64xf32, #tpu.memory_space<vmem>>
    %dma_wait3A_767 = arith.constant 0 : i32
    %dma_wait3A_768 = arith.constant 0 : i32
    %dma_wait3A_769 = tpu.memref_slice %arg3[%dma_wait3A_767, %dma_wait3A_768] : memref<1015808x64xf32, #tpu.memory_space<hbm>> -> memref<128x64xf32, #tpu.memory_space<hbm>>
    tpu.wait_dma2 semaphore(%dma_wait3A_762 : memref<!tpu.dma_semaphore, #tpu.memory_space<semaphore_mem>>) src(%dma_wait3A_769 : memref<128x64xf32, #tpu.memory_space<hbm>>) dst(%dma_wait3A_766 : memref<128x64xf32, #tpu.memory_space<vmem>>)
    %dma_wait3A_770 = arith.constant 0 : i32
    %dma_wait3A_771 = arith.constant 0 : i32
    %dma_wait3A_772 = arith.constant 0 : i32
    %dma_wait3A_773 = tpu.memref_slice %arg6[%dma_wait3A_770, %dma_wait3A_771, %dma_wait3A_772] : memref<12x128x64xf32, #tpu.memory_space<vmem>> -> memref<1x128x64xf32, #tpu.memory_space<vmem>>
    %dma_wait3A_774 = tpu.memref_squeeze %dma_wait3A_773 : memref<1x128x64xf32, #tpu.memory_space<vmem>> -> memref<128x64xf32, #tpu.memory_space<vmem>>
    %dma_wait3A_775 = arith.constant 0 : i32
    %dma_wait3A_776 = arith.constant 0 : i32
    %dma_wait3A_777 = tpu.memref_slice %arg3[%dma_wait3A_775, %dma_wait3A_776] : memref<1015808x64xf32, #tpu.memory_space<hbm>> -> memref<128x64xf32, #tpu.memory_space<hbm>>
    %dma_wait3A_778 = tpu.memref_slice %arg8[%rem3A_718] : memref<3x!tpu.dma_semaphore, #tpu.memory_space<semaphore_mem>> -> memref<1x!tpu.dma_semaphore, #tpu.memory_space<semaphore_mem>>
    %dma_wait3A_779 = tpu.memref_squeeze %dma_wait3A_778 : memref<1x!tpu.dma_semaphore, #tpu.memory_space<semaphore_mem>> -> memref<!tpu.dma_semaphore, #tpu.memory_space<semaphore_mem>>
    %dma_wait3A_780 = arith.constant 0 : i32
    %dma_wait3A_781 = arith.constant 0 : i32
    %dma_wait3A_782 = tpu.memref_slice %arg6[%dma_wait3A_770, %dma_wait3A_780, %dma_wait3A_781] : memref<12x128x64xf32, #tpu.memory_space<vmem>> -> memref<1x128x64xf32, #tpu.memory_space<vmem>>
    %dma_wait3A_783 = tpu.memref_squeeze %dma_wait3A_782 : memref<1x128x64xf32, #tpu.memory_space<vmem>> -> memref<128x64xf32, #tpu.memory_space<vmem>>
    %dma_wait3A_784 = arith.constant 0 : i32
    %dma_wait3A_785 = arith.constant 0 : i32
    %dma_wait3A_786 = tpu.memref_slice %arg3[%dma_wait3A_784, %dma_wait3A_785] : memref<1015808x64xf32, #tpu.memory_space<hbm>> -> memref<128x64xf32, #tpu.memory_space<hbm>>
    tpu.wait_dma2 semaphore(%dma_wait3A_779 : memref<!tpu.dma_semaphore, #tpu.memory_space<semaphore_mem>>) src(%dma_wait3A_786 : memref<128x64xf32, #tpu.memory_space<hbm>>) dst(%dma_wait3A_783 : memref<128x64xf32, #tpu.memory_space<vmem>>)
    %rem3A_787 = arith.constant 7 : i32
    %rem3A_788 = arith.constant 3 : i32
    %rem3A_789 = arith.remsi %rem3A_787, %rem3A_788 : i32
    %mul3A_790 = arith.constant 4 : i32
    %mul3A_791 = arith.muli %rem3A_789, %mul3A_790 : i32
    %add3A_792 = arith.constant 0 : i32
    %add3A_793 = arith.addi %mul3A_791, %add3A_792 : i32
    %add3A_794 = arith.constant 28 : i32
    %add3A_795 = arith.addi %mul3A_2, %add3A_794 : i32
    %add3A_796 = arith.constant 0 : i32
    %add3A_797 = arith.addi %add3A_795, %add3A_796 : i32
    %dma_start3A_798 = arith.constant 0 : i32
    %dma_start3A_799 = arith.constant 0 : i32
    %dma_start3A_800 = tpu.memref_slice %arg6[%add3A_793, %dma_start3A_798, %dma_start3A_799] : memref<12x128x64xf32, #tpu.memory_space<vmem>> -> memref<1x128x64xf32, #tpu.memory_space<vmem>>
    %dma_start3A_801 = tpu.memref_squeeze %dma_start3A_800 : memref<1x128x64xf32, #tpu.memory_space<vmem>> -> memref<128x64xf32, #tpu.memory_space<vmem>>
    %dma_start3A_802 = arith.constant 0 : i32
    %dma_start3A_803 = arith.constant 0 : i32
    %dma_start3A_804 = tpu.memref_slice %arg4[%add3A_797, %dma_start3A_802, %dma_start3A_803] : memref<1024x128x64xf32, #tpu.memory_space<hbm>> -> memref<1x128x64xf32, #tpu.memory_space<hbm>>
    %dma_start3A_805 = tpu.memref_squeeze %dma_start3A_804 : memref<1x128x64xf32, #tpu.memory_space<hbm>> -> memref<128x64xf32, #tpu.memory_space<hbm>>
    %dma_start3A_806 = tpu.memref_slice %arg8[%rem3A_789] : memref<3x!tpu.dma_semaphore, #tpu.memory_space<semaphore_mem>> -> memref<1x!tpu.dma_semaphore, #tpu.memory_space<semaphore_mem>>
    %dma_start3A_807 = tpu.memref_squeeze %dma_start3A_806 : memref<1x!tpu.dma_semaphore, #tpu.memory_space<semaphore_mem>> -> memref<!tpu.dma_semaphore, #tpu.memory_space<semaphore_mem>>
    %dma_start3A_808 = arith.constant 0 : i32
    %dma_start3A_809 = arith.constant 0 : i32
    %dma_start3A_810 = tpu.memref_slice %arg4[%add3A_797, %dma_start3A_808, %dma_start3A_809] : memref<1024x128x64xf32, #tpu.memory_space<hbm>> -> memref<1x128x64xf32, #tpu.memory_space<hbm>>
    %dma_start3A_811 = tpu.memref_squeeze %dma_start3A_810 : memref<1x128x64xf32, #tpu.memory_space<hbm>> -> memref<128x64xf32, #tpu.memory_space<hbm>>
    %dma_start3A_812 = arith.constant 0 : i32
    %dma_start3A_813 = arith.constant 0 : i32
    %dma_start3A_814 = tpu.memref_slice %arg6[%add3A_793, %dma_start3A_812, %dma_start3A_813] : memref<12x128x64xf32, #tpu.memory_space<vmem>> -> memref<1x128x64xf32, #tpu.memory_space<vmem>>
    %dma_start3A_815 = tpu.memref_squeeze %dma_start3A_814 : memref<1x128x64xf32, #tpu.memory_space<vmem>> -> memref<128x64xf32, #tpu.memory_space<vmem>>
    tpu.enqueue_dma source(%dma_start3A_815 : memref<128x64xf32, #tpu.memory_space<vmem>>) target(%dma_start3A_811 : memref<128x64xf32, #tpu.memory_space<hbm>>) target_semaphore(%dma_start3A_807 : memref<!tpu.dma_semaphore, #tpu.memory_space<semaphore_mem>>)
    %mul3A_816 = arith.constant 4 : i32
    %mul3A_817 = arith.muli %rem3A_789, %mul3A_816 : i32
    %add3A_818 = arith.constant 1 : i32
    %add3A_819 = arith.addi %mul3A_817, %add3A_818 : i32
    %add3A_820 = arith.constant 28 : i32
    %add3A_821 = arith.addi %mul3A_2, %add3A_820 : i32
    %add3A_822 = arith.constant 1 : i32
    %add3A_823 = arith.addi %add3A_821, %add3A_822 : i32
    %dma_start3A_824 = arith.constant 0 : i32
    %dma_start3A_825 = arith.constant 0 : i32
    %dma_start3A_826 = tpu.memref_slice %arg6[%add3A_819, %dma_start3A_824, %dma_start3A_825] : memref<12x128x64xf32, #tpu.memory_space<vmem>> -> memref<1x128x64xf32, #tpu.memory_space<vmem>>
    %dma_start3A_827 = tpu.memref_squeeze %dma_start3A_826 : memref<1x128x64xf32, #tpu.memory_space<vmem>> -> memref<128x64xf32, #tpu.memory_space<vmem>>
    %dma_start3A_828 = arith.constant 0 : i32
    %dma_start3A_829 = arith.constant 0 : i32
    %dma_start3A_830 = tpu.memref_slice %arg4[%add3A_823, %dma_start3A_828, %dma_start3A_829] : memref<1024x128x64xf32, #tpu.memory_space<hbm>> -> memref<1x128x64xf32, #tpu.memory_space<hbm>>
    %dma_start3A_831 = tpu.memref_squeeze %dma_start3A_830 : memref<1x128x64xf32, #tpu.memory_space<hbm>> -> memref<128x64xf32, #tpu.memory_space<hbm>>
    %dma_start3A_832 = tpu.memref_slice %arg8[%rem3A_789] : memref<3x!tpu.dma_semaphore, #tpu.memory_space<semaphore_mem>> -> memref<1x!tpu.dma_semaphore, #tpu.memory_space<semaphore_mem>>
    %dma_start3A_833 = tpu.memref_squeeze %dma_start3A_832 : memref<1x!tpu.dma_semaphore, #tpu.memory_space<semaphore_mem>> -> memref<!tpu.dma_semaphore, #tpu.memory_space<semaphore_mem>>
    %dma_start3A_834 = arith.constant 0 : i32
    %dma_start3A_835 = arith.constant 0 : i32
    %dma_start3A_836 = tpu.memref_slice %arg4[%add3A_823, %dma_start3A_834, %dma_start3A_835] : memref<1024x128x64xf32, #tpu.memory_space<hbm>> -> memref<1x128x64xf32, #tpu.memory_space<hbm>>
    %dma_start3A_837 = tpu.memref_squeeze %dma_start3A_836 : memref<1x128x64xf32, #tpu.memory_space<hbm>> -> memref<128x64xf32, #tpu.memory_space<hbm>>
    %dma_start3A_838 = arith.constant 0 : i32
    %dma_start3A_839 = arith.constant 0 : i32
    %dma_start3A_840 = tpu.memref_slice %arg6[%add3A_819, %dma_start3A_838, %dma_start3A_839] : memref<12x128x64xf32, #tpu.memory_space<vmem>> -> memref<1x128x64xf32, #tpu.memory_space<vmem>>
    %dma_start3A_841 = tpu.memref_squeeze %dma_start3A_840 : memref<1x128x64xf32, #tpu.memory_space<vmem>> -> memref<128x64xf32, #tpu.memory_space<vmem>>
    tpu.enqueue_dma source(%dma_start3A_841 : memref<128x64xf32, #tpu.memory_space<vmem>>) target(%dma_start3A_837 : memref<128x64xf32, #tpu.memory_space<hbm>>) target_semaphore(%dma_start3A_833 : memref<!tpu.dma_semaphore, #tpu.memory_space<semaphore_mem>>)
    %mul3A_842 = arith.constant 4 : i32
    %mul3A_843 = arith.muli %rem3A_789, %mul3A_842 : i32
    %add3A_844 = arith.constant 2 : i32
    %add3A_845 = arith.addi %mul3A_843, %add3A_844 : i32
    %add3A_846 = arith.constant 28 : i32
    %add3A_847 = arith.addi %mul3A_2, %add3A_846 : i32
    %add3A_848 = arith.constant 2 : i32
    %add3A_849 = arith.addi %add3A_847, %add3A_848 : i32
    %dma_start3A_850 = arith.constant 0 : i32
    %dma_start3A_851 = arith.constant 0 : i32
    %dma_start3A_852 = tpu.memref_slice %arg6[%add3A_845, %dma_start3A_850, %dma_start3A_851] : memref<12x128x64xf32, #tpu.memory_space<vmem>> -> memref<1x128x64xf32, #tpu.memory_space<vmem>>
    %dma_start3A_853 = tpu.memref_squeeze %dma_start3A_852 : memref<1x128x64xf32, #tpu.memory_space<vmem>> -> memref<128x64xf32, #tpu.memory_space<vmem>>
    %dma_start3A_854 = arith.constant 0 : i32
    %dma_start3A_855 = arith.constant 0 : i32
    %dma_start3A_856 = tpu.memref_slice %arg4[%add3A_849, %dma_start3A_854, %dma_start3A_855] : memref<1024x128x64xf32, #tpu.memory_space<hbm>> -> memref<1x128x64xf32, #tpu.memory_space<hbm>>
    %dma_start3A_857 = tpu.memref_squeeze %dma_start3A_856 : memref<1x128x64xf32, #tpu.memory_space<hbm>> -> memref<128x64xf32, #tpu.memory_space<hbm>>
    %dma_start3A_858 = tpu.memref_slice %arg8[%rem3A_789] : memref<3x!tpu.dma_semaphore, #tpu.memory_space<semaphore_mem>> -> memref<1x!tpu.dma_semaphore, #tpu.memory_space<semaphore_mem>>
    %dma_start3A_859 = tpu.memref_squeeze %dma_start3A_858 : memref<1x!tpu.dma_semaphore, #tpu.memory_space<semaphore_mem>> -> memref<!tpu.dma_semaphore, #tpu.memory_space<semaphore_mem>>
    %dma_start3A_860 = arith.constant 0 : i32
    %dma_start3A_861 = arith.constant 0 : i32
    %dma_start3A_862 = tpu.memref_slice %arg4[%add3A_849, %dma_start3A_860, %dma_start3A_861] : memref<1024x128x64xf32, #tpu.memory_space<hbm>> -> memref<1x128x64xf32, #tpu.memory_space<hbm>>
    %dma_start3A_863 = tpu.memref_squeeze %dma_start3A_862 : memref<1x128x64xf32, #tpu.memory_space<hbm>> -> memref<128x64xf32, #tpu.memory_space<hbm>>
    %dma_start3A_864 = arith.constant 0 : i32
    %dma_start3A_865 = arith.constant 0 : i32
    %dma_start3A_866 = tpu.memref_slice %arg6[%add3A_845, %dma_start3A_864, %dma_start3A_865] : memref<12x128x64xf32, #tpu.memory_space<vmem>> -> memref<1x128x64xf32, #tpu.memory_space<vmem>>
    %dma_start3A_867 = tpu.memref_squeeze %dma_start3A_866 : memref<1x128x64xf32, #tpu.memory_space<vmem>> -> memref<128x64xf32, #tpu.memory_space<vmem>>
    tpu.enqueue_dma source(%dma_start3A_867 : memref<128x64xf32, #tpu.memory_space<vmem>>) target(%dma_start3A_863 : memref<128x64xf32, #tpu.memory_space<hbm>>) target_semaphore(%dma_start3A_859 : memref<!tpu.dma_semaphore, #tpu.memory_space<semaphore_mem>>)
    %mul3A_868 = arith.constant 4 : i32
    %mul3A_869 = arith.muli %rem3A_789, %mul3A_868 : i32
    %add3A_870 = arith.constant 3 : i32
    %add3A_871 = arith.addi %mul3A_869, %add3A_870 : i32
    %add3A_872 = arith.constant 28 : i32
    %add3A_873 = arith.addi %mul3A_2, %add3A_872 : i32
    %add3A_874 = arith.constant 3 : i32
    %add3A_875 = arith.addi %add3A_873, %add3A_874 : i32
    %dma_start3A_876 = arith.constant 0 : i32
    %dma_start3A_877 = arith.constant 0 : i32
    %dma_start3A_878 = tpu.memref_slice %arg6[%add3A_871, %dma_start3A_876, %dma_start3A_877] : memref<12x128x64xf32, #tpu.memory_space<vmem>> -> memref<1x128x64xf32, #tpu.memory_space<vmem>>
    %dma_start3A_879 = tpu.memref_squeeze %dma_start3A_878 : memref<1x128x64xf32, #tpu.memory_space<vmem>> -> memref<128x64xf32, #tpu.memory_space<vmem>>
    %dma_start3A_880 = arith.constant 0 : i32
    %dma_start3A_881 = arith.constant 0 : i32
    %dma_start3A_882 = tpu.memref_slice %arg4[%add3A_875, %dma_start3A_880, %dma_start3A_881] : memref<1024x128x64xf32, #tpu.memory_space<hbm>> -> memref<1x128x64xf32, #tpu.memory_space<hbm>>
    %dma_start3A_883 = tpu.memref_squeeze %dma_start3A_882 : memref<1x128x64xf32, #tpu.memory_space<hbm>> -> memref<128x64xf32, #tpu.memory_space<hbm>>
    %dma_start3A_884 = tpu.memref_slice %arg8[%rem3A_789] : memref<3x!tpu.dma_semaphore, #tpu.memory_space<semaphore_mem>> -> memref<1x!tpu.dma_semaphore, #tpu.memory_space<semaphore_mem>>
    %dma_start3A_885 = tpu.memref_squeeze %dma_start3A_884 : memref<1x!tpu.dma_semaphore, #tpu.memory_space<semaphore_mem>> -> memref<!tpu.dma_semaphore, #tpu.memory_space<semaphore_mem>>
    %dma_start3A_886 = arith.constant 0 : i32
    %dma_start3A_887 = arith.constant 0 : i32
    %dma_start3A_888 = tpu.memref_slice %arg4[%add3A_875, %dma_start3A_886, %dma_start3A_887] : memref<1024x128x64xf32, #tpu.memory_space<hbm>> -> memref<1x128x64xf32, #tpu.memory_space<hbm>>
    %dma_start3A_889 = tpu.memref_squeeze %dma_start3A_888 : memref<1x128x64xf32, #tpu.memory_space<hbm>> -> memref<128x64xf32, #tpu.memory_space<hbm>>
    %dma_start3A_890 = arith.constant 0 : i32
    %dma_start3A_891 = arith.constant 0 : i32
    %dma_start3A_892 = tpu.memref_slice %arg6[%add3A_871, %dma_start3A_890, %dma_start3A_891] : memref<12x128x64xf32, #tpu.memory_space<vmem>> -> memref<1x128x64xf32, #tpu.memory_space<vmem>>
    %dma_start3A_893 = tpu.memref_squeeze %dma_start3A_892 : memref<1x128x64xf32, #tpu.memory_space<vmem>> -> memref<128x64xf32, #tpu.memory_space<vmem>>
    tpu.enqueue_dma source(%dma_start3A_893 : memref<128x64xf32, #tpu.memory_space<vmem>>) target(%dma_start3A_889 : memref<128x64xf32, #tpu.memory_space<hbm>>) target_semaphore(%dma_start3A_885 : memref<!tpu.dma_semaphore, #tpu.memory_space<semaphore_mem>>)
    %rem3A_894 = arith.constant 7 : i32
    %rem3A_895 = arith.constant 3 : i32
    %rem3A_896 = arith.remsi %rem3A_894, %rem3A_895 : i32
    %dma_wait3A_897 = arith.constant 0 : i32
    %dma_wait3A_898 = arith.constant 0 : i32
    %dma_wait3A_899 = arith.constant 0 : i32
    %dma_wait3A_900 = tpu.memref_slice %arg6[%dma_wait3A_897, %dma_wait3A_898, %dma_wait3A_899] : memref<12x128x64xf32, #tpu.memory_space<vmem>> -> memref<1x128x64xf32, #tpu.memory_space<vmem>>
    %dma_wait3A_901 = tpu.memref_squeeze %dma_wait3A_900 : memref<1x128x64xf32, #tpu.memory_space<vmem>> -> memref<128x64xf32, #tpu.memory_space<vmem>>
    %dma_wait3A_902 = arith.constant 0 : i32
    %dma_wait3A_903 = arith.constant 0 : i32
    %dma_wait3A_904 = tpu.memref_slice %arg3[%dma_wait3A_902, %dma_wait3A_903] : memref<1015808x64xf32, #tpu.memory_space<hbm>> -> memref<128x64xf32, #tpu.memory_space<hbm>>
    %dma_wait3A_905 = tpu.memref_slice %arg8[%rem3A_896] : memref<3x!tpu.dma_semaphore, #tpu.memory_space<semaphore_mem>> -> memref<1x!tpu.dma_semaphore, #tpu.memory_space<semaphore_mem>>
    %dma_wait3A_906 = tpu.memref_squeeze %dma_wait3A_905 : memref<1x!tpu.dma_semaphore, #tpu.memory_space<semaphore_mem>> -> memref<!tpu.dma_semaphore, #tpu.memory_space<semaphore_mem>>
    %dma_wait3A_907 = arith.constant 0 : i32
    %dma_wait3A_908 = arith.constant 0 : i32
    %dma_wait3A_909 = tpu.memref_slice %arg6[%dma_wait3A_897, %dma_wait3A_907, %dma_wait3A_908] : memref<12x128x64xf32, #tpu.memory_space<vmem>> -> memref<1x128x64xf32, #tpu.memory_space<vmem>>
    %dma_wait3A_910 = tpu.memref_squeeze %dma_wait3A_909 : memref<1x128x64xf32, #tpu.memory_space<vmem>> -> memref<128x64xf32, #tpu.memory_space<vmem>>
    %dma_wait3A_911 = arith.constant 0 : i32
    %dma_wait3A_912 = arith.constant 0 : i32
    %dma_wait3A_913 = tpu.memref_slice %arg3[%dma_wait3A_911, %dma_wait3A_912] : memref<1015808x64xf32, #tpu.memory_space<hbm>> -> memref<128x64xf32, #tpu.memory_space<hbm>>
    tpu.wait_dma2 semaphore(%dma_wait3A_906 : memref<!tpu.dma_semaphore, #tpu.memory_space<semaphore_mem>>) src(%dma_wait3A_913 : memref<128x64xf32, #tpu.memory_space<hbm>>) dst(%dma_wait3A_910 : memref<128x64xf32, #tpu.memory_space<vmem>>)
    %dma_wait3A_914 = arith.constant 0 : i32
    %dma_wait3A_915 = arith.constant 0 : i32
    %dma_wait3A_916 = arith.constant 0 : i32
    %dma_wait3A_917 = tpu.memref_slice %arg6[%dma_wait3A_914, %dma_wait3A_915, %dma_wait3A_916] : memref<12x128x64xf32, #tpu.memory_space<vmem>> -> memref<1x128x64xf32, #tpu.memory_space<vmem>>
    %dma_wait3A_918 = tpu.memref_squeeze %dma_wait3A_917 : memref<1x128x64xf32, #tpu.memory_space<vmem>> -> memref<128x64xf32, #tpu.memory_space<vmem>>
    %dma_wait3A_919 = arith.constant 0 : i32
    %dma_wait3A_920 = arith.constant 0 : i32
    %dma_wait3A_921 = tpu.memref_slice %arg3[%dma_wait3A_919, %dma_wait3A_920] : memref<1015808x64xf32, #tpu.memory_space<hbm>> -> memref<128x64xf32, #tpu.memory_space<hbm>>
    %dma_wait3A_922 = tpu.memref_slice %arg8[%rem3A_896] : memref<3x!tpu.dma_semaphore, #tpu.memory_space<semaphore_mem>> -> memref<1x!tpu.dma_semaphore, #tpu.memory_space<semaphore_mem>>
    %dma_wait3A_923 = tpu.memref_squeeze %dma_wait3A_922 : memref<1x!tpu.dma_semaphore, #tpu.memory_space<semaphore_mem>> -> memref<!tpu.dma_semaphore, #tpu.memory_space<semaphore_mem>>
    %dma_wait3A_924 = arith.constant 0 : i32
    %dma_wait3A_925 = arith.constant 0 : i32
    %dma_wait3A_926 = tpu.memref_slice %arg6[%dma_wait3A_914, %dma_wait3A_924, %dma_wait3A_925] : memref<12x128x64xf32, #tpu.memory_space<vmem>> -> memref<1x128x64xf32, #tpu.memory_space<vmem>>
    %dma_wait3A_927 = tpu.memref_squeeze %dma_wait3A_926 : memref<1x128x64xf32, #tpu.memory_space<vmem>> -> memref<128x64xf32, #tpu.memory_space<vmem>>
    %dma_wait3A_928 = arith.constant 0 : i32
    %dma_wait3A_929 = arith.constant 0 : i32
    %dma_wait3A_930 = tpu.memref_slice %arg3[%dma_wait3A_928, %dma_wait3A_929] : memref<1015808x64xf32, #tpu.memory_space<hbm>> -> memref<128x64xf32, #tpu.memory_space<hbm>>
    tpu.wait_dma2 semaphore(%dma_wait3A_923 : memref<!tpu.dma_semaphore, #tpu.memory_space<semaphore_mem>>) src(%dma_wait3A_930 : memref<128x64xf32, #tpu.memory_space<hbm>>) dst(%dma_wait3A_927 : memref<128x64xf32, #tpu.memory_space<vmem>>)
    %dma_wait3A_931 = arith.constant 0 : i32
    %dma_wait3A_932 = arith.constant 0 : i32
    %dma_wait3A_933 = arith.constant 0 : i32
    %dma_wait3A_934 = tpu.memref_slice %arg6[%dma_wait3A_931, %dma_wait3A_932, %dma_wait3A_933] : memref<12x128x64xf32, #tpu.memory_space<vmem>> -> memref<1x128x64xf32, #tpu.memory_space<vmem>>
    %dma_wait3A_935 = tpu.memref_squeeze %dma_wait3A_934 : memref<1x128x64xf32, #tpu.memory_space<vmem>> -> memref<128x64xf32, #tpu.memory_space<vmem>>
    %dma_wait3A_936 = arith.constant 0 : i32
    %dma_wait3A_937 = arith.constant 0 : i32
    %dma_wait3A_938 = tpu.memref_slice %arg3[%dma_wait3A_936, %dma_wait3A_937] : memref<1015808x64xf32, #tpu.memory_space<hbm>> -> memref<128x64xf32, #tpu.memory_space<hbm>>
    %dma_wait3A_939 = tpu.memref_slice %arg8[%rem3A_896] : memref<3x!tpu.dma_semaphore, #tpu.memory_space<semaphore_mem>> -> memref<1x!tpu.dma_semaphore, #tpu.memory_space<semaphore_mem>>
    %dma_wait3A_940 = tpu.memref_squeeze %dma_wait3A_939 : memref<1x!tpu.dma_semaphore, #tpu.memory_space<semaphore_mem>> -> memref<!tpu.dma_semaphore, #tpu.memory_space<semaphore_mem>>
    %dma_wait3A_941 = arith.constant 0 : i32
    %dma_wait3A_942 = arith.constant 0 : i32
    %dma_wait3A_943 = tpu.memref_slice %arg6[%dma_wait3A_931, %dma_wait3A_941, %dma_wait3A_942] : memref<12x128x64xf32, #tpu.memory_space<vmem>> -> memref<1x128x64xf32, #tpu.memory_space<vmem>>
    %dma_wait3A_944 = tpu.memref_squeeze %dma_wait3A_943 : memref<1x128x64xf32, #tpu.memory_space<vmem>> -> memref<128x64xf32, #tpu.memory_space<vmem>>
    %dma_wait3A_945 = arith.constant 0 : i32
    %dma_wait3A_946 = arith.constant 0 : i32
    %dma_wait3A_947 = tpu.memref_slice %arg3[%dma_wait3A_945, %dma_wait3A_946] : memref<1015808x64xf32, #tpu.memory_space<hbm>> -> memref<128x64xf32, #tpu.memory_space<hbm>>
    tpu.wait_dma2 semaphore(%dma_wait3A_940 : memref<!tpu.dma_semaphore, #tpu.memory_space<semaphore_mem>>) src(%dma_wait3A_947 : memref<128x64xf32, #tpu.memory_space<hbm>>) dst(%dma_wait3A_944 : memref<128x64xf32, #tpu.memory_space<vmem>>)
    %dma_wait3A_948 = arith.constant 0 : i32
    %dma_wait3A_949 = arith.constant 0 : i32
    %dma_wait3A_950 = arith.constant 0 : i32
    %dma_wait3A_951 = tpu.memref_slice %arg6[%dma_wait3A_948, %dma_wait3A_949, %dma_wait3A_950] : memref<12x128x64xf32, #tpu.memory_space<vmem>> -> memref<1x128x64xf32, #tpu.memory_space<vmem>>
    %dma_wait3A_952 = tpu.memref_squeeze %dma_wait3A_951 : memref<1x128x64xf32, #tpu.memory_space<vmem>> -> memref<128x64xf32, #tpu.memory_space<vmem>>
    %dma_wait3A_953 = arith.constant 0 : i32
    %dma_wait3A_954 = arith.constant 0 : i32
    %dma_wait3A_955 = tpu.memref_slice %arg3[%dma_wait3A_953, %dma_wait3A_954] : memref<1015808x64xf32, #tpu.memory_space<hbm>> -> memref<128x64xf32, #tpu.memory_space<hbm>>
    %dma_wait3A_956 = tpu.memref_slice %arg8[%rem3A_896] : memref<3x!tpu.dma_semaphore, #tpu.memory_space<semaphore_mem>> -> memref<1x!tpu.dma_semaphore, #tpu.memory_space<semaphore_mem>>
    %dma_wait3A_957 = tpu.memref_squeeze %dma_wait3A_956 : memref<1x!tpu.dma_semaphore, #tpu.memory_space<semaphore_mem>> -> memref<!tpu.dma_semaphore, #tpu.memory_space<semaphore_mem>>
    %dma_wait3A_958 = arith.constant 0 : i32
    %dma_wait3A_959 = arith.constant 0 : i32
    %dma_wait3A_960 = tpu.memref_slice %arg6[%dma_wait3A_948, %dma_wait3A_958, %dma_wait3A_959] : memref<12x128x64xf32, #tpu.memory_space<vmem>> -> memref<1x128x64xf32, #tpu.memory_space<vmem>>
    %dma_wait3A_961 = tpu.memref_squeeze %dma_wait3A_960 : memref<1x128x64xf32, #tpu.memory_space<vmem>> -> memref<128x64xf32, #tpu.memory_space<vmem>>
    %dma_wait3A_962 = arith.constant 0 : i32
    %dma_wait3A_963 = arith.constant 0 : i32
    %dma_wait3A_964 = tpu.memref_slice %arg3[%dma_wait3A_962, %dma_wait3A_963] : memref<1015808x64xf32, #tpu.memory_space<hbm>> -> memref<128x64xf32, #tpu.memory_space<hbm>>
    tpu.wait_dma2 semaphore(%dma_wait3A_957 : memref<!tpu.dma_semaphore, #tpu.memory_space<semaphore_mem>>) src(%dma_wait3A_964 : memref<128x64xf32, #tpu.memory_space<hbm>>) dst(%dma_wait3A_961 : memref<128x64xf32, #tpu.memory_space<vmem>>)
    return
  }
}

module attributes {stable_mosaic.version = 14 : i64} {
  func.func @_transpose_block(%arg0: i32, %arg1: memref<64x16384xf32, #tpu.memory_space<vmem>>, %arg2: memref<8192x128xf32, #tpu.memory_space<vmem>>) attributes {dimension_semantics = [#tpu.dimension_semantics<arbitrary>], iteration_bounds = array<i64: 62>, scalar_prefetch = 0 : i64, scratch_operands = 0 : i64, tpu.core_type = #tpu.core_type<tc>, window_params = [{transform_indices = @transform_0, window_bounds = array<i64: 64, 16384>}, {transform_indices = @transform_1, window_bounds = array<i64: 8192, 128>}]} {
    %get3A = arith.constant 0 : index
    %get3A_0 = arith.constant 0 : index
    %get3A_1 = vector.load %arg1[%get3A, %get3A_0] : memref<64x16384xf32, #tpu.memory_space<vmem>>, vector<64x16384xf32>
    %transpose3A = tpu.transpose %get3A_1, [1, 0] : vector<64x16384xf32> -> vector<16384x64xf32>
    %slice3A = vector.extract_strided_slice %transpose3A {offsets = [0, 0], sizes = [8192, 64], strides = [1, 1]} : vector<16384x64xf32> to vector<8192x64xf32>
    %slice3A_2 = vector.extract_strided_slice %transpose3A {offsets = [8192, 0], sizes = [8192, 64], strides = [1, 1]} : vector<16384x64xf32> to vector<8192x64xf32>
    %concatenate3A = tpu.concatenate %slice3A, %slice3A_2 in 1 : vector<8192x64xf32>, vector<8192x64xf32> -> vector<8192x128xf32>
    %swap3A = arith.constant 0 : index
    %swap3A_3 = arith.constant 0 : index
    %swap3A_4 = vector.load %arg2[%swap3A, %swap3A_3] : memref<8192x128xf32, #tpu.memory_space<vmem>>, vector<8192x128xf32>
    tpu.vector_store %arg2[%swap3A, %swap3A_3], %concatenate3A {strides = array<i32>} : memref<8192x128xf32, #tpu.memory_space<vmem>>, vector<8192x128xf32>,
    return
  }
  func.func @transform_0(%arg0: i32) -> (i32, i32) {
    %c0_i32 = arith.constant 0 : i32
    %c0_i32_0 = arith.constant 0 : i32
    return %c0_i32, %arg0 : i32, i32
  }
  func.func @transform_1(%arg0: i32) -> (i32, i32) {
    %c0_i32 = arith.constant 0 : i32
    %c0_i32_0 = arith.constant 0 : i32
    return %arg0, %c0_i32 : i32, i32
  }
}

module attributes {stable_mosaic.version = 14 : i64} {
  func.func @_dense_block(%arg0: i32, %arg1: memref<6400x128xf32, #tpu.memory_space<vmem>>, %arg2: memref<1600x128xf32, #tpu.memory_space<vmem>>, %arg3: memref<128x128xf32, #tpu.memory_space<vmem>>, %arg4: memref<128x2xf32, #tpu.memory_space<vmem>>, %arg5: memref<128x128xf32, #tpu.memory_space<vmem>>, %arg6: memref<2x128xf32, #tpu.memory_space<vmem>>, %arg7: memref<64x25xf32, #tpu.memory_space<vmem>>, %arg8: memref<64x25xf32, #tpu.memory_space<vmem>>) attributes {dimension_semantics = [#tpu.dimension_semantics<arbitrary>], iteration_bounds = array<i64: 8>, scalar_prefetch = 0 : i64, scratch_operands = 0 : i64, tpu.core_type = #tpu.core_type<tc>, window_params = [{transform_indices = @transform_0, window_bounds = array<i64: 6400, 128>}, {transform_indices = @transform_1, window_bounds = array<i64: 1600, 128>}, {pipeline_mode = #tpu.pipeline_mode<synchronous>, transform_indices = @transform_2, window_bounds = array<i64: 128, 128>}, {pipeline_mode = #tpu.pipeline_mode<synchronous>, transform_indices = @transform_3, window_bounds = array<i64: 128, 2>}, {pipeline_mode = #tpu.pipeline_mode<synchronous>, transform_indices = @transform_4, window_bounds = array<i64: 128, 128>}, {pipeline_mode = #tpu.pipeline_mode<synchronous>, transform_indices = @transform_5, window_bounds = array<i64: 2, 128>}, {transform_indices = @transform_6, window_bounds = array<i64: 64, 25>}, {transform_indices = @transform_7, window_bounds = array<i64: 64, 25>}]} {
    %get3A = arith.constant 0 : index
    %get3A_0 = arith.constant 0 : index
    %get3A_1 = vector.load %arg1[%get3A, %get3A_0] : memref<6400x128xf32, #tpu.memory_space<vmem>>, vector<6400x128xf32>
    %get3A_2 = arith.constant 0 : index
    %get3A_3 = arith.constant 0 : index
    %get3A_4 = vector.load %arg3[%get3A_2, %get3A_3] : memref<128x128xf32, #tpu.memory_space<vmem>>, vector<128x128xf32>
    %dot_general3A = arith.constant dense<0.000000e+00> : vector<6400x128xf32>
    %dot_general3A_5 = tpu.matmul %get3A_1, %get3A_4, %dot_general3A {dimension_numbers = #tpu.dot_dimension_numbers<[1], [0], [0], [1], [0, 0, 1, 1], [], []>, transpose_lhs_hint = false} : vector<6400x128xf32>, vector<128x128xf32>, vector<6400x128xf32> -> vector<6400x128xf32>
    %tanh3A = math.tanh %dot_general3A_5 : vector<6400x128xf32>
    %get3A_6 = arith.constant 0 : index
    %get3A_7 = arith.constant 0 : index
    %get3A_8 = vector.load %arg4[%get3A_6, %get3A_7] : memref<128x2xf32, #tpu.memory_space<vmem>>, vector<128x2xf32>
    %dot_general3A_9 = arith.constant dense<0.000000e+00> : vector<6400x2xf32>
    %dot_general3A_10 = tpu.matmul %tanh3A, %get3A_8, %dot_general3A_9 {dimension_numbers = #tpu.dot_dimension_numbers<[1], [0], [0], [1], [0, 0, 1, 1], [], []>, transpose_lhs_hint = false} : vector<6400x128xf32>, vector<128x2xf32>, vector<6400x2xf32> -> vector<6400x2xf32>
    %reshape3A = vector.shape_cast %dot_general3A_10 : vector<6400x2xf32> to vector<64x100x2xf32>
    %reduce_max3A = arith.constant dense<0xFF800000> : vector<64x2xf32>
    %reduce_max3A_11 = vector.multi_reduction <maximumf>, %reshape3A, %reduce_max3A [1] : vector<64x100x2xf32> to vector<64x2xf32>
    %broadcast_in_dim3A = vector.shape_cast %reduce_max3A_11 : vector<64x2xf32> to vector<64x1x2xf32>
    %reduce_max3A_12 = arith.constant dense<0xFF800000> : vector<64x1xf32>
    %reduce_max3A_13 = vector.multi_reduction <maximumf>, %broadcast_in_dim3A, %reduce_max3A_12 [2] : vector<64x1x2xf32> to vector<64x1xf32>
    %broadcast_in_dim3A_14 = vector.shape_cast %reduce_max3A_13 : vector<64x1xf32> to vector<64x1x1xf32>
    %sub3A = vector.broadcast %broadcast_in_dim3A_14 : vector<64x1x1xf32> to vector<64x100x2xf32>
    %sub3A_15 = arith.subf %reshape3A, %sub3A : vector<64x100x2xf32>
    %exp3A = math.exp %sub3A_15 : vector<64x100x2xf32>
    %reduce_sum3A = arith.constant dense<0.000000e+00> : vector<64x2xf32>
    %reduce_sum3A_16 = vector.multi_reduction <add>, %exp3A, %reduce_sum3A [1] : vector<64x100x2xf32> to vector<64x2xf32>
    %broadcast_in_dim3A_17 = vector.shape_cast %reduce_sum3A_16 : vector<64x2xf32> to vector<64x1x2xf32>
    %reduce_sum3A_18 = arith.constant dense<0.000000e+00> : vector<64x1xf32>
    %reduce_sum3A_19 = vector.multi_reduction <add>, %broadcast_in_dim3A_17, %reduce_sum3A_18 [2] : vector<64x1x2xf32> to vector<64x1xf32>
    %broadcast_in_dim3A_20 = vector.shape_cast %reduce_sum3A_19 : vector<64x1xf32> to vector<64x1x1xf32>
    %div3A = vector.broadcast %broadcast_in_dim3A_20 : vector<64x1x1xf32> to vector<64x100x2xf32>
    %div3A_21 = arith.divf %exp3A, %div3A : vector<64x100x2xf32>
    %reshape3A_22 = vector.shape_cast %div3A_21 : vector<64x100x2xf32> to vector<6400x2xf32>
    %get3A_23 = arith.constant 0 : index
    %get3A_24 = arith.constant 0 : index
    %get3A_25 = vector.load %arg6[%get3A_23, %get3A_24] : memref<2x128xf32, #tpu.memory_space<vmem>>, vector<2x128xf32>
    %dot_general3A_26 = arith.constant dense<0.000000e+00> : vector<6400x128xf32>
    %dot_general3A_27 = tpu.matmul %reshape3A_22, %get3A_25, %dot_general3A_26 {dimension_numbers = #tpu.dot_dimension_numbers<[1], [0], [0], [1], [0, 0, 1, 1], [], []>, transpose_lhs_hint = false} : vector<6400x2xf32>, vector<2x128xf32>, vector<6400x128xf32> -> vector<6400x128xf32>
    %mul3A = arith.mulf %tanh3A, %dot_general3A_27 : vector<6400x128xf32>
    %reshape3A_28 = vector.shape_cast %mul3A : vector<6400x128xf32> to vector<64x100x128xf32>
    %reduce_sum3A_29 = arith.constant dense<0.000000e+00> : vector<64x128xf32>
    %reduce_sum3A_30 = vector.multi_reduction <add>, %reshape3A_28, %reduce_sum3A_29 [1] : vector<64x100x128xf32> to vector<64x128xf32>
    %slice3A = vector.extract_strided_slice %reduce_sum3A_30 {offsets = [0, 0], sizes = [64, 64], strides = [1, 1]} : vector<64x128xf32> to vector<64x64xf32>
    %slice3A_31 = vector.extract_strided_slice %reduce_sum3A_30 {offsets = [0, 64], sizes = [64, 64], strides = [1, 1]} : vector<64x128xf32> to vector<64x64xf32>
    %add3A = arith.addf %slice3A, %slice3A_31 : vector<64x64xf32>
    %get3A_32 = arith.constant 0 : index
    %get3A_33 = arith.constant 0 : index
    %get3A_34 = vector.load %arg2[%get3A_32, %get3A_33] : memref<1600x128xf32, #tpu.memory_space<vmem>>, vector<1600x128xf32>
    %get3A_35 = arith.constant 0 : index
    %get3A_36 = arith.constant 0 : index
    %get3A_37 = vector.load %arg5[%get3A_35, %get3A_36] : memref<128x128xf32, #tpu.memory_space<vmem>>, vector<128x128xf32>
    %dot_general3A_38 = arith.constant dense<0.000000e+00> : vector<1600x128xf32>
    %dot_general3A_39 = tpu.matmul %get3A_34, %get3A_37, %dot_general3A_38 {dimension_numbers = #tpu.dot_dimension_numbers<[1], [0], [0], [1], [0, 0, 1, 1], [], []>, transpose_lhs_hint = false} : vector<1600x128xf32>, vector<128x128xf32>, vector<1600x128xf32> -> vector<1600x128xf32>
    %tanh3A_40 = math.tanh %dot_general3A_39 : vector<1600x128xf32>
    %concatenate3A = tpu.concatenate %add3A, %add3A in 1 : vector<64x64xf32>, vector<64x64xf32> -> vector<64x128xf32>
    %reshape3A_41 = vector.shape_cast %tanh3A_40 : vector<1600x128xf32> to vector<64x25x128xf32>
    %reshape3A_42 = vector.shape_cast %concatenate3A : vector<64x128xf32> to vector<64x1x128xf32>
    %broadcast_in_dim3A_43 = vector.shape_cast %reshape3A_42 : vector<64x1x128xf32> to vector<64x1x128xf32>
    %broadcast_in_dim3A_44 = vector.broadcast %broadcast_in_dim3A_43 : vector<64x1x128xf32> to vector<64x25x128xf32>
    %mul3A_45 = arith.mulf %reshape3A_41, %broadcast_in_dim3A_44 : vector<64x25x128xf32>
    %slice3A_46 = vector.extract_strided_slice %mul3A_45 {offsets = [0, 0, 0], sizes = [64, 25, 64], strides = [1, 1, 1]} : vector<64x25x128xf32> to vector<64x25x64xf32>
    %reduce_sum3A_47 = arith.constant dense<0.000000e+00> : vector<64x25xf32>
    %reduce_sum3A_48 = vector.multi_reduction <add>, %slice3A_46, %reduce_sum3A_47 [2] : vector<64x25x64xf32> to vector<64x25xf32>
    %swap3A = arith.constant 0 : index
    %swap3A_49 = arith.constant 0 : index
    %swap3A_50 = vector.load %arg7[%swap3A, %swap3A_49] : memref<64x25xf32, #tpu.memory_space<vmem>>, vector<64x25xf32>
    tpu.vector_store %arg7[%swap3A, %swap3A_49], %reduce_sum3A_48 {strides = array<i32>} : memref<64x25xf32, #tpu.memory_space<vmem>>, vector<64x25xf32>,
    %slice3A_51 = vector.extract_strided_slice %mul3A_45 {offsets = [0, 0, 64], sizes = [64, 25, 64], strides = [1, 1, 1]} : vector<64x25x128xf32> to vector<64x25x64xf32>
    %reduce_sum3A_52 = arith.constant dense<0.000000e+00> : vector<64x25xf32>
    %reduce_sum3A_53 = vector.multi_reduction <add>, %slice3A_51, %reduce_sum3A_52 [2] : vector<64x25x64xf32> to vector<64x25xf32>
    %swap3A_54 = arith.constant 0 : index
    %swap3A_55 = arith.constant 0 : index
    %swap3A_56 = vector.load %arg8[%swap3A_54, %swap3A_55] : memref<64x25xf32, #tpu.memory_space<vmem>>, vector<64x25xf32>
    tpu.vector_store %arg8[%swap3A_54, %swap3A_55], %reduce_sum3A_53 {strides = array<i32>} : memref<64x25xf32, #tpu.memory_space<vmem>>, vector<64x25xf32>,
    return
  }
  func.func @transform_0(%arg0: i32) -> (i32, i32) {
    %c0_i32 = arith.constant 0 : i32
    %c0_i32_0 = arith.constant 0 : i32
    return %arg0, %c0_i32 : i32, i32
  }
  func.func @transform_1(%arg0: i32) -> (i32, i32) {
    %add3A = arith.constant 32 : i32
    %add3A_0 = arith.addi %add3A, %arg0 : i32
    %c0_i32 = arith.constant 0 : i32
    %c0_i32_1 = arith.constant 0 : i32
    return %add3A_0, %c0_i32 : i32, i32
  }
  func.func @transform_2(%arg0: i32) -> (i32, i32) {
    %c0_i32 = arith.constant 0 : i32
    %c0_i32_0 = arith.constant 0 : i32
    %c0_i32_1 = arith.constant 0 : i32
    return %c0_i32, %c0_i32_0 : i32, i32
  }
  func.func @transform_3(%arg0: i32) -> (i32, i32) {
    %c0_i32 = arith.constant 0 : i32
    %c0_i32_0 = arith.constant 0 : i32
    %c0_i32_1 = arith.constant 0 : i32
    return %c0_i32, %c0_i32_0 : i32, i32
  }
  func.func @transform_4(%arg0: i32) -> (i32, i32) {
    %c0_i32 = arith.constant 0 : i32
    %c0_i32_0 = arith.constant 0 : i32
    %c0_i32_1 = arith.constant 0 : i32
    return %c0_i32, %c0_i32_0 : i32, i32
  }
  func.func @transform_5(%arg0: i32) -> (i32, i32) {
    %c0_i32 = arith.constant 0 : i32
    %c0_i32_0 = arith.constant 0 : i32
    %c0_i32_1 = arith.constant 0 : i32
    return %c0_i32, %c0_i32_0 : i32, i32
  }
  func.func @transform_6(%arg0: i32) -> (i32, i32) {
    %c0_i32 = arith.constant 0 : i32
    %c0_i32_0 = arith.constant 0 : i32
    return %arg0, %c0_i32 : i32, i32
  }
  func.func @transform_7(%arg0: i32) -> (i32, i32) {
    %c0_i32 = arith.constant 0 : i32
    %c0_i32_0 = arith.constant 0 : i32
    return %arg0, %c0_i32 : i32, i32
  }
}

</mosaic_0001>

<sc_bundles>
// kernel: kernel.10.cloned.1.call-start
scs
__scs_entry_jumppad:
0x0: {  	(pc) =	sbr.rel $0x88, $3  }
0x1: {  	(tag) =	ssettag $0x0;
	lr =	simm.s32 $0x1  }
0x2: {  	[smem:$0x3F9B] =	sst lr;
	_ =	strace $0xD0000000  }
0x3: {  	_ = 	snop  }
0x4: {  	_ = 	snop  }
0x5: {  	_ = 	snop  }
0x6: {  	_ = 	snop  }
0x7: {  	_ = 	snop  }
__scs_overlays_trampoline_lowered:
0x8: {  	[smem:$0x3FAA] =	sst s0  }
0x9: {  	[smem:$0x3FAB] =	sst s1  }
0xa: {  	[smem:$0x3FAC] =	sst s2  }
0xb: {  	[smem:$0x3FAD] =	sst s3  }
0xc: {  	[smem:$0x3FAE] =	sst s4  }
0xd: {  	[smem:$0x3FAF] =	sst s5  }
0xe: {  	[smem:$0x3FB0] =	sst s6  }
0xf: {  	[smem:$0x3FB1] =	sst s7  }
0x10: {  	[smem:$0x3FB2] =	sst s8  }
0x11: {  	[smem:$0x3FB3] =	sst s9;
	s0 =	simm.s32 @!p0 $0x0  }
0x12: {  	s1 =	sld [smem:$0x3F99];
	s0 =	simm.s32 @p0 $0x1  }
0x13: {  	[smem:$0x3FB4] =	sst s0;
	s0 =	simm.s32 @!p1 $0x0  }
0x14: {  	s2 =	sld [smem:$0x3F98];
	s0 =	simm.s32 @p1 $0x1  }
0x15: {  	[smem:$0x3FB5] =	sst s0;
	s0 =	simm.s32 @!p2 $0x0  }
0x16: {  	s3 =	sld [smem:$0x3FDB];
	s0 =	simm.s32 @p2 $0x1  }
0x17: {  	s4 =	simm.s32 $0x1BF5;
	[smem:$0x3FB7] =	sst s0  }
0x18: {  	s0 =	sld [smem:$0x3F9A];
	_ =	swait.ge [sflag:s4], $0x0  }
0x19: {  	s7 =	sld [smem:$0x3F9B]  }
0x1a: {  	s8 =	sadd.s32 $0xFFFFE003, lr  }
0x1b: {  	s9 =	sadd.s32 $0xFFFFFEF7, lr;
	s5 =	simm.s32 $0xFFFFFFFF;
	p2 =	slt.u32 s8, $0xFFFFF086  }
0x1c: {  	p1 =	slt.u32 s9, $0xF7A;
	s5 =	simm.s32 @!p2 $0x0  }
0x1d: {  	s5 =	simm.s32 @p1 $0x1;
	p0 =	seq.s32 s7, s2  }
0x1e: {  	s7 =	smul.u32 @!p0 $0xF7A, s2;
	p2 =	seq.s32 @!p0 s5, $0x0  }
0x1f: {  	s9 =	smul.u32 $0xF7A, s1;
	s8 =	simm.s32 @!p0 $0x1BF5;
	p2 =	por !p2, p0  }
0x20: {  	[sflag:s8] =	ssyncset.s32 @!p0 $0xFFFFF086;
	s6 =	sadd.s32 @!p0 s3, s7;
	s7 =	simm.s32 @!p0 $0x108  }
0x21: {  	s3 =	sadd.s32 s3, s9;
	s6 =	sadd.s32 @!p0 $0x88, s6;
	s7 =	simm.s32 @p2 $0x1082  }
0x22: {  	[simem:s7], [sflag:s8] =	dma.local @!p0 [hbm:s6], $0xF7A  }
0x23: {  	s9 =	sor.u32 $0xD0000000, s2;
	s6 =	simm.s32 $0x108;
	_ =	swait.ge @!p0 [sflag:s8], $0x0  }
0x24: {  	s3 =	sadd.s32 $0x88, s3;
	s6 =	simm.s32 @!p1 $0x1082;
	[sflag:s4] =	ssyncset.s32 $0xFFFFF086  }
0x25: {  	[simem:s6], [sflag:s4] =	dma.local [hbm:s3], $0xF7A  }
0x26: {  	[smem:$0x3F9B] =	sst s1;
	(tag) =	ssettag s2;
	_ =	strace s9  }
0x27: {  	s1 =	sld [smem:$0x3FAB]  }
0x28: {  	s2 =	sld [smem:$0x3FAC]  }
0x29: {  	s4 =	sld [smem:$0x3FAE]  }
0x2a: {  	p0 =	seq.s32 s5, $0x0;
	s5 =	sld [smem:$0x3FAF]  }
0x2b: {  	s6 =	sld [smem:$0x3FB0]  }
0x2c: {  	s7 =	sld [smem:$0x3FB1]  }
0x2d: {  	s3 =	simm.s32 $0x108;
	s8 =	sld [smem:$0x3FB2]  }
0x2e: {  	s3 =	simm.s32 @!p0 $0x1082;
	s9 =	sld [smem:$0x3FB3]  }
0x2f: {  	lr =	sadd.s32 s0, s3;
	s0 =	sld [smem:$0x3FAA]  }
0x30: {  	s3 =	sld [smem:$0x3FAD]  }
0x31: {  	[smem:$0x3FB6] =	sst s10  }
0x32: {  	s10 =	sld [smem:$0x3FB4];
	_ =	sdelay $0x3  }
0x33: {  	p0 =	seq.s32 s10, $0x1;
	s10 =	sld [smem:$0x3FB6];
	_ =	sdelay $0x3  }
0x34: {  	[smem:$0x3FB6] =	sst s10  }
0x35: {  	s10 =	sld [smem:$0x3FB5];
	_ =	sdelay $0x3  }
0x36: {  	p1 =	seq.s32 s10, $0x1;
	s10 =	sld [smem:$0x3FB6];
	_ =	sdelay $0x3  }
0x37: {  	[smem:$0x3FB6] =	sst s10  }
0x38: {  	s10 =	sld [smem:$0x3FB7]  }
0x39: {  	_ = 	snop;
	(pc) =	sbr.ind lr, $3  }
0x3a: {  	_ = 	snop  }
0x3b: {  	_ = 	snop  }
0x3c: {  	p2 =	seq.s32 s10, $0x1;
	s10 =	sld [smem:$0x3FB6]  }
0x3d: {  	_ =	shalt  }
0x3e: {  	_ =	shalt  }
0x3f: {  	_ =	shalt  }
0x40: {  	_ =	shalt  }
0x41: {  	_ =	shalt  }
0x42: {  	_ =	shalt  }
0x43: {  	_ =	shalt  }
0x44: {  	_ =	shalt  }
0x45: {  	_ =	shalt  }
0x46: {  	_ =	shalt  }
0x47: {  	_ =	shalt  }
0x48: {  	_ =	shalt  }
0x49: {  	_ =	shalt  }
0x4a: {  	_ =	shalt  }
0x4b: {  	_ =	shalt  }
0x4c: {  	_ =	shalt  }
0x4d: {  	_ =	shalt  }
0x4e: {  	_ =	shalt  }
0x4f: {  	_ =	shalt  }
0x50: {  	_ =	shalt  }
0x51: {  	_ =	shalt  }
0x52: {  	_ =	shalt  }
0x53: {  	_ =	shalt  }
0x54: {  	_ =	shalt  }
0x55: {  	_ =	shalt  }
0x56: {  	_ =	shalt  }
0x57: {  	_ =	shalt  }
0x58: {  	_ =	shalt  }
0x59: {  	_ =	shalt  }
0x5a: {  	_ =	shalt  }
0x5b: {  	_ =	shalt  }
0x5c: {  	_ =	shalt  }
0x5d: {  	_ =	shalt  }
0x5e: {  	_ =	shalt  }
0x5f: {  	_ =	shalt  }
0x60: {  	_ =	shalt  }
0x61: {  	_ =	shalt  }
0x62: {  	_ =	shalt  }
0x63: {  	_ =	shalt  }
0x64: {  	_ =	shalt  }
0x65: {  	_ =	shalt  }
0x66: {  	_ =	shalt  }
0x67: {  	_ =	shalt  }
0x68: {  	_ =	shalt  }
0x69: {  	_ =	shalt  }
0x6a: {  	_ =	shalt  }
0x6b: {  	_ =	shalt  }
0x6c: {  	_ =	shalt  }
0x6d: {  	_ =	shalt  }
0x6e: {  	_ =	shalt  }
0x6f: {  	_ =	shalt  }
0x70: {  	_ =	shalt  }
0x71: {  	_ =	shalt  }
0x72: {  	_ =	shalt  }
0x73: {  	_ =	shalt  }
0x74: {  	_ =	shalt  }
0x75: {  	_ =	shalt  }
0x76: {  	_ =	shalt  }
0x77: {  	_ =	shalt  }
0x78: {  	_ =	shalt  }
0x79: {  	_ =	shalt  }
0x7a: {  	_ =	shalt  }
0x7b: {  	_ =	shalt  }
0x7c: {  	_ =	shalt  }
0x7d: {  	_ =	shalt  }
0x7e: {  	_ =	shalt  }
0x7f: {  	_ =	shalt  }
0x80: {  	_ =	shalt  }
0x81: {  	_ =	shalt  }
0x82: {  	_ =	shalt  }
0x83: {  	_ =	shalt  }
0x84: {  	_ =	shalt  }
0x85: {  	_ =	shalt  }
0x86: {  	_ =	shalt  }
0x87: {  	_ =	shalt  }
.Lfunc_end0:
.L_simem_size_0:
called_computation.1_lowered:
.L_overlay_start_0:
0x88: {  	s2 =	sld [smem:$0x3FD9]  }
0x89: {  	s3 =	sld [smem:$0x3FFE];
	_ =	sdelay $0x1  }
0x8a: {  	s1 =	srdreg.scid  }
0x8b: {  	s0 =	sand.u32 $0x1, s1  }
0x8c: {  	s17 =	sshll.u32 s0, $0xA;
	s2 =	sadd.s32 s3, s2  }
0x8d: {  	s2 =	sadd.s32 s2, s17  }
0x8e: {  	[smem:$0x3FC2] =	sst s2  }
0x8f: {  	_ = 	snop  }
0x90: {  	(tm) =	ssettm $0x1  }
0x91: {  	s18 =	sld [smem:$0x3FFB];
	_ =	sdelay $0x3  }
0x92: {  	_ =	strace s18  }
0x93: {  	s2 =	sld [smem:$0x3FFC];
	_ =	sdelay $0x3  }
0x94: {  	_ =	strace s2  }
0x95: {  	s2 =	sld [smem:$0x3FFD];
	_ =	sdelay $0x3  }
0x96: {  	_ =	strace s2  }
0x97: {  	_ =	strace $0x8FFFFFFF  }
0x98: {  	s19 =	sld [smem:$0x3FDB];
	_ =	sdelay $0x1  }
0x99: {  	s20 =	simm.s32 $_scs_section_size  }
0x9a: {  	s4 =	simm.s32 $_size__tile_overlayer_lowered;
	s5 =	simm.s32 $_tile_overlayer_lowered  }
0x9b: {  	s6 =	simm.s32 $0x1BFF;
	s21 =	sshll.u32 s5, $0x1;
	s3 =	sadd.s32 s20, s19  }
0x9c: {  	s22 =	simm.s32 $0x0;
	s4 =	sshll.u32 s4, $0x1;
	s5 =	sadd.s32 s21, s3  }
0x9d: {  	[timem:s22], [sflag:s6] =	dma.local [hbm:s5], s4  }
0x9e: {  	_ =	swait.ge [sflag:s6], s4  }
0x9f: {  	s4 =	ssub.s32 $0x0, s4;
	[sflag:s6] =	ssyncset.done $0x0  }
0xa0: {  	[sflag:s6] =	ssyncadd.s32 s4;
	_ =	sdelay $0x1  }
0xa1: {  	s23 =	simm.s32 $0x1B8B  }
0xa2: {  	_ =	swait.ge [sflag:s23], $0x1  }
0xa3: {  	[sflag:s23] =	ssyncset.done $0x0  }
0xa4: {  	[sflag:s23] =	ssyncadd.s32 $0xFFFFFFFF  }
0xa5: {  	s4 =	sld [smem:$0x0]  }
0xa6: {  	s5 =	sand.u32 $0xFFFFFFFE, s1  }
0xa7: {  	p0 =	sne.s32 s1, s5  }
0xa8: {  	s5 =	sshll.u32 @p0 s5, $0xE  }
0xa9: {  	s5 =	sadd.s32 @p0 $0x11B8D, s5;
	s6 =	sshll.u32 @p0 s4, $0x11  }
0xaa: {  	s5 =	sor.u32 @p0 s6, s5  }
0xab: {  	[sflag:s5] =	ssyncadd.remote.s32 @p0 $0x1;
	_ =	sdelay $0x1  }
0xac: {  	s5 =	simm.s32 @p0 $0x1B8D  }
0xad: {  	_ =	swait.eq @p0 [sflag:s5], $0x1  }
0xae: {  	[sflag:s5] =	ssyncadd.s32 @p0 $0xFFFFFFFF  }
0xaf: {  	s6 =	sshll.u32 @!p0 s1, $0xE  }
0xb0: {  	s6 =	sor.u32 @!p0 $0x4000, s6;
	s5 =	simm.s32 @!p0 $0x1B8D  }
0xb1: {  	s4 =	sshll.u32 @!p0 s4, $0x11;
	s6 =	sadd.s32 @!p0 $0x11B8D, s6;
	_ =	swait.eq @!p0 [sflag:s5], $0x1  }
0xb2: {  	s4 =	sor.u32 @!p0 s4, s6;
	[sflag:s5] =	ssyncadd.s32 @!p0 $0xFFFFFFFF  }
0xb3: {  	s25 =	simm.s32 $0x1B8E;
	s24 =	sld [smem:$0x3FFE];
	[sflag:s4] =	ssyncadd.remote.s32 @!p0 $0x1  }
0xb4: {  	s26 =	simm.s32 $execute0_lowered;
	[smem:$0x3FD2] =	sst s25  }
0xb5: {  	s5 =	sshll.u32 s26, $0x1;
	_ =	strace $0x80000049;
	[dreg:$0x1] =	wrdreg $0xFFFFFFFF  }
0xb6: {  	s28 =	simm.s32 $_size_execute0_lowered;
	s3 =	sadd.s32 s3, s5;
	[dreg:$0x0] =	wrdreg $0x0  }
0xb7: {  	s5 =	sshll.u32 s28, $0x1;
	[dreg:$0x2] =	wrdreg s3  }
0xb8: {  	[dreg:$0x3] =	wrdreg s5  }
0xb9: {  	[dreg:$0x4] =	wrdreg $0xC0  }
0xba: {  	_ =	task [dreg:s22], $0x5FFFF  }
0xbb: {  	[dreg:$0x1] =	wrdreg $0xFFFFFFFF  }
0xbc: {  	[dreg:$0x0] =	wrdreg $0x60  }
0xbd: {  	[dreg:$0x2] =	wrdreg s24  }
0xbe: {  	[dreg:$0x3] =	wrdreg $0xA  }
0xbf: {  	_ =	task.clear_ibuf [dreg:s22], $0x4FFFF;
	_ =	strace $0x90000049  }
0xc0: {  	s29 =	simm.s32 $0xA;
	_ =	strace $0x8000004B  }
0xc1: {  	_ =	swait.ge [sflag:s29], $0x1  }
0xc2: {  	[sflag:s29] =	ssyncadd.s32 $0xFFFFFFFF  }
0xc3: {  	_ =	strace $0x9000004B  }
0xc4: {  	_ =	sfence  }
0xc5: {  	s30 =	sld [smem:$0x0];
	_ =	sdelay $0x2  }
0xc6: {  	s31 =	sshll.u32 s1, $0xD;
	s1 =	sshrl.u32 s1, $0x2  }
0xc7: {  	s4 =	sand.u32 $0x4000, s31;
	s1 =	sadd.s32 s1, s30  }
0xc8: {  	s0 =	sor.u32 s4, s0;
	s1 =	sshll.u32 s1, $0x11  }
0xc9: {  	s0 =	sor.u32 s1, s0  }
0xca: {  	s0 =	sadd.s32 $0x8F2B, s0  }
0xcb: {  	[sflag:s0] =	ssyncadd.remote.s32 $0x1  }
0xcc: {  	_ =	sfence.sel $0xFFFF  }
0xcd: {  	[dreg:$0x0] =	wrdreg $0xFFFFFFFF;
	(pc) =	sbr.abs _section_cstart, $3  }
0xce: {  	[dreg:$0x1] =	wrdreg $0xFFFFFFFF  }
0xcf: {  	_ =	task.clear_ibuf [dreg:s22], $0x2FFFF;
	_ =	strace $0x9FFFFFFF  }
0xd0: {  	(tm) =	ssettm $0x7FFFFFFF  }
0xd1: {  	_ =	shalt  }
tec
execute0_lowered:
.L_overlay_start_1:
0x0: {  	(tag) =	ssettag $0x1  }
0x1: {  	s0 =	srdreg.scid  }
0x2: {  	s22 =	stileid.u32;
	s3 =	rddreg [dreg:$0x0]  }
0x3: {  	s2 =	simm.s32 $0x0;
	s1 =	sand.u32 $0x1, s0;
	s9 =	sshll.u32 s22, $0x1  }
0x4: {  	[smem:$0x7FF] =	sst s2;
	s7 =	sadd.s32 $0x8CDC00, s3;
	s0 =	sor.u32 s1, s9  }
0x5: {  	_ =	strace $0x8000004A;
	s4 =	sshll.u32 s0, $0x9;
	s8 =	sshll.u32 s0, $0xF  }
0x6: {  	s5 =	sadd.s32 s4, s3;
	s4 =	sadd.s32 $0x8CD000, s3;
	s11 =	sadd.s32 s8, s7  }
0x7: {  	s9 =	sor.u32 $0x1000, s8;
	s6 =	sadd.s32 $0x8C9000, s5;
	[dreg:$0x5] =	wrdreg s11  }
0x8: {  	s20 =	sadd.s32 s4, s9;
	[dreg:$0x2] =	wrdreg s6  }
0x9: {  	s25 =	sor.u32 $0x2000, s8;
	s24 =	sadd.s32 s9, s7;
	[dreg:$0xe] =	wrdreg s20  }
0xa: {  	s5 =	sadd.s32 $0x8CD400, s3;
	s26 =	sadd.s32 s4, s25;
	[dreg:$0x11] =	wrdreg s24  }
0xb: {  	s30 =	sadd.s32 s4, s8;
	s0 =	sadd.s32 s8, s5;
	[dreg:$0x12] =	wrdreg s26  }
0xc: {  	s12 =	sadd.s32 $0x6000, s30;
	[dreg:$0x3] =	wrdreg s0  }
0xd: {  	s13 =	sadd.s32 $0x6400, s30;
	[dreg:$0x6] =	wrdreg s12  }
0xe: {  	s14 =	sadd.s32 $0x6800, s30;
	[dreg:$0x7] =	wrdreg s13  }
0xf: {  	s15 =	sadd.s32 $0x6C00, s30;
	[dreg:$0x8] =	wrdreg s14  }
0x10: {  	s16 =	sadd.s32 $0x7000, s30;
	[dreg:$0x9] =	wrdreg s15  }
0x11: {  	s17 =	sadd.s32 $0x7400, s30;
	[dreg:$0xa] =	wrdreg s16  }
0x12: {  	s18 =	sadd.s32 $0x7800, s30;
	[dreg:$0xb] =	wrdreg s17  }
0x13: {  	s19 =	sadd.s32 $0x7C00, s30;
	[dreg:$0xc] =	wrdreg s18  }
0x14: {  	s21 =	sadd.s32 s9, s5;
	[dreg:$0xd] =	wrdreg s19  }
0x15: {  	s6 =	sadd.s32 $0x8CD800, s3;
	[dreg:$0xf] =	wrdreg s21  }
0x16: {  	s10 =	sadd.s32 s8, s6;
	s0 =	rddreg [dreg:$0x2]  }
0x17: {  	s23 =	sadd.s32 s9, s6;
	[dreg:$0x4] =	wrdreg s10  }
0x18: {  	s11 =	sadd.s32 s25, s6;
	[dreg:$0x10] =	wrdreg s23  }
0x19: {  	s12 =	sadd.s32 s25, s7;
	[dreg:$0x14] =	wrdreg s11  }
0x1a: {  	s9 =	simm.s32 $0x280;
	[dreg:$0x15] =	wrdreg s12  }
0x1b: {  	s13 =	sor.u32 $0x3000, s8;
	s10 =	sadd.s32 s25, s5;
	[smem:$0x7E9] =	sst s9  }
0x1c: {  	s14 =	sadd.s32 s4, s13;
	[dreg:$0x13] =	wrdreg s10  }
0x1d: {  	s15 =	sadd.s32 s13, s5;
	[dreg:$0x16] =	wrdreg s14  }
0x1e: {  	s16 =	sadd.s32 s13, s6;
	[dreg:$0x17] =	wrdreg s15  }
0x1f: {  	s18 =	sor.u32 $0x4000, s8;
	s17 =	sadd.s32 s13, s7;
	[dreg:$0x18] =	wrdreg s16  }
0x20: {  	s19 =	sadd.s32 s4, s18;
	[dreg:$0x19] =	wrdreg s17  }
0x21: {  	s20 =	sadd.s32 s18, s5;
	[dreg:$0x1a] =	wrdreg s19  }
0x22: {  	s21 =	sadd.s32 s18, s6;
	[dreg:$0x1b] =	wrdreg s20  }
0x23: {  	s8 =	sor.u32 $0x5000, s8;
	s23 =	sadd.s32 s18, s7;
	[dreg:$0x1c] =	wrdreg s21  }
0x24: {  	s24 =	sadd.s32 s4, s8;
	[dreg:$0x1d] =	wrdreg s23  }
0x25: {  	s31 =	simm.s32 $0x7;
	s25 =	sadd.s32 s8, s5;
	[dreg:$0x1e] =	wrdreg s24  }
0x26: {  	p0 =	por $0x0, $0x0;
	s26 =	sadd.s32 s8, s6;
	[dreg:$0x1f] =	wrdreg s25  }
0x27: {  	s29 =	simm.s32 $0xD00;
	s4 =	sadd.s32 s8, s7;
	[smem:$0x7E4] =	sst s26  }
0x28: {  	s28 =	simm.s32 $0xF80;
	s5 =	simm.s32 $0x100;
	[smem:$0x7E5] =	sst s4  }
0x29: {  	s1 =	ssub.s32 $0x2, s1;
	s6 =	simm.s32 $0x180;
	[smem:$0x7E6] =	sst s5  }
0x2a: {  	s12 =	sadd.s32 $0x5000, s3;
	s8 =	simm.s32 $0x200;
	[smem:$0x7E7] =	sst s6  }
0x2b: {  	s7 =	sshrl.u32 s1, $0x1;
	s11 =	simm.s32 $0x380;
	[smem:$0x7E8] =	sst s8  }
0x2c: {  	s13 =	simm.s32 $0x400;
	s9 =	simm.s32 $0x3000;
	[smem:$0x7EB] =	sst s11  }
0x2d: {  	s18 =	simm.s32 $0x600;
	s3 =	simm.s32 $0x9000;
	[smem:$0x7EC] =	sst s13  }
0x2e: {  	s1 =	ssub.s32 s1, s7;
	s10 =	simm.s32 $0x300;
	[smem:$0x7F0] =	sst s18  }
0x2f: {  	s15 =	simm.s32 $0x80;
	s14 =	simm.s32 $0x480;
	[smem:$0x7EA] =	sst s10  }
0x30: {  	s8 =	simm.s32 $0x1000;
	s16 =	simm.s32 $0x500;
	[smem:$0x7ED] =	sst s14  }
0x31: {  	s17 =	simm.s32 $0x580;
	s11 =	simm.s32 $0x7000;
	[smem:$0x7EE] =	sst s16  }
0x32: {  	s19 =	simm.s32 $0x680;
	s4 =	simm.s32 $0xB000;
	[smem:$0x7EF] =	sst s17  }
0x33: {  	s20 =	simm.s32 $0x700;
	s5 =	simm.s32 $0xD000;
	[smem:$0x7F1] =	sst s19  }
0x34: {  	s21 =	simm.s32 $0x780;
	s6 =	simm.s32 $0xF000;
	[smem:$0x7F2] =	sst s20  }
0x35: {  	s23 =	simm.s32 $0x800;
	s24 =	simm.s32 $0x880;
	[smem:$0x7F3] =	sst s21  }
0x36: {  	s18 =	simm.s32 $0x11000;
	s25 =	simm.s32 $0x900;
	[smem:$0x7F4] =	sst s23  }
0x37: {  	s26 =	simm.s32 $0x980;
	s7 =	simm.s32 $0xA00;
	[smem:$0x7F5] =	sst s24  }
0x38: {  	s13 =	simm.s32 $0xA80;
	s1 =	smax.u32 s1, $0x1;
	[smem:$0x7F6] =	sst s25  }
0x39: {  	s10 =	simm.s32 $0x5000;
	s16 =	simm.s32 $0x1;
	[smem:$0x7F7] =	sst s26  }
0x3a: {  	s19 =	simm.s32 $0x13000;
	s20 =	simm.s32 $0x15000;
	[smem:$0x7F8] =	sst s7  }
0x3b: {  	s21 =	simm.s32 $0x17000;
	s14 =	simm.s32 $0x2;
	[smem:$0x7F9] =	sst s13  }
0x3c: {  	s17 =	simm.s32 $0xB00;
	s13 =	simm.s32 $0x4;
	p1 =	sne.s32 s1, $0x1  }
.Ltmp0:
0x3d: {  	s23 =	simm.s32 $0xB80;
	[smem:$0x7FA] =	sst s17;
	(pc) =	sbr.rel @!p1 .LBB2_1-.Ltmp0, $4  }
0x3e: {  	s26 =	simm.s32 $0x3;
	s24 =	simm.s32 $0xC00;
	[smem:$0x7FB] =	sst s23  }
0x3f: {  	s7 =	simm.s32 $0x5;
	s25 =	simm.s32 $0xC80;
	[smem:$0x7FC] =	sst s24  }
0x40: {  	[smem:$0x7FD] =	sst s25;
	s17 =	simm.s32 $0x6;
	s1 =	sadd.s32 $0xFFFFFFFF, s1  }
0x41: {  	s23 =	simm.s32 $0xD80;
	s24 =	simm.s32 $0xE80;
	s25 =	simm.s32 $0xF00  }
0x42: {  	[tilespmem:s2], [sflag:$0x7] =	stream.linear.gather [hbm4b:s0+s2], $0x1000, $0x38;
	[tilespmem:$0x19000] =	vst v63  }
0x43: {  	_ =	swait.ge [sflag:s31], $0x1000  }
0x44: {  	[sflag:s31] =	ssyncset.done $0x0  }
0x45: {  	[sflag:s31] =	ssyncadd.s32 $0xFFFFF000  }
0x46: {  	[tilespmem:s8], [sflag:$0x1] =	stream.indirect.gather [hbm4b:s12+s15], $0x40, s2, s15, $0xb8;
	[tilespmem:$0x19000] =	vst v63  }
0x47: {  	s0 =	sld [smem:$0x7E6]  }
0x48: {  	[tilespmem:s9], [sflag:$0x1] =	stream.indirect.gather [hbm4b:s12+s15], $0x40, s15, s15, $0xb8;
	[tilespmem:$0x19000] =	vst v63  }
0x49: {  	s22 =	smov.u32 s1;
	s1 =	sld [smem:$0x7E7]  }
0x4a: {  	[tilespmem:s10], [sflag:$0x1] =	stream.indirect.gather [hbm4b:s12+s15], $0x40, s0, s15, $0xb8;
	[tilespmem:$0x19000] =	vst v63  }
0x4b: {  	s0 =	sld [smem:$0x7E8]  }
0x4c: {  	[tilespmem:s11], [sflag:$0x1] =	stream.indirect.gather [hbm4b:s12+s15], $0x40, s1, s15, $0xb8;
	[tilespmem:$0x19000] =	vst v63  }
0x4d: {  	s1 =	sld [smem:$0x7E9]  }
0x4e: {  	[tilespmem:s3], [sflag:$0x2] =	stream.indirect.gather [hbm4b:s12+s15], $0x40, s0, s15, $0xb8;
	[tilespmem:$0x19000] =	vst v63  }
0x4f: {  	s0 =	sld [smem:$0x7EA]  }
0x50: {  	[tilespmem:s4], [sflag:$0x2] =	stream.indirect.gather [hbm4b:s12+s15], $0x40, s1, s15, $0xb8;
	[tilespmem:$0x19000] =	vst v63  }
0x51: {  	s1 =	sld [smem:$0x7EB]  }
0x52: {  	[tilespmem:s5], [sflag:$0x2] =	stream.indirect.gather [hbm4b:s12+s15], $0x40, s0, s15, $0xb8;
	[tilespmem:$0x19000] =	vst v63  }
0x53: {  	_ = 	snop  }
0x54: {  	[tilespmem:s6], [sflag:$0x2] =	stream.indirect.gather [hbm4b:s12+s15], $0x40, s1, s15, $0xb8;
	[tilespmem:$0x19000] =	vst v63  }
0x55: {  	_ =	swait.ge [sflag:s16], $0x2000  }
0x56: {  	[sflag:s16] =	ssyncset.done $0x0  }
0x57: {  	[sflag:s16] =	ssyncadd.s32 $0xFFFFE000  }
0x58: {  	_ =	swait.ge [sflag:s16], $0x2000  }
0x59: {  	[sflag:s16] =	ssyncset.done $0x0  }
0x5a: {  	[sflag:s16] =	ssyncadd.s32 $0xFFFFE000  }
0x5b: {  	_ =	swait.ge [sflag:s16], $0x2000  }
0x5c: {  	[sflag:s16] =	ssyncset.done $0x0  }
0x5d: {  	[sflag:s16] =	ssyncadd.s32 $0xFFFFE000  }
0x5e: {  	_ =	swait.ge [sflag:s16], $0x2000  }
0x5f: {  	[sflag:s16] =	ssyncset.done $0x0  }
0x60: {  	s0 =	rddreg [dreg:$0x3];
	[sflag:s16] =	ssyncadd.s32 $0xFFFFE000  }
0x61: {  	[hbm4b:s30+s2] =	stream.linear.scatter [tilespmem:s8], [sflag:$0x4], $0x2000, $0x38;
	[tilespmem:$0x19000] =	vst v63  }
0x62: {  	s1 =	rddreg [dreg:$0x4]  }
0x63: {  	[hbm4b:s0+s2] =	stream.linear.scatter [tilespmem:s9], [sflag:$0x4], $0x2000, $0x38;
	[tilespmem:$0x19000] =	vst v63  }
0x64: {  	s0 =	rddreg [dreg:$0x5]  }
0x65: {  	[hbm4b:s1+s2] =	stream.linear.scatter [tilespmem:s10], [sflag:$0x4], $0x2000, $0x38;
	[tilespmem:$0x19000] =	vst v63  }
0x66: {  	s1 =	sld [smem:$0x7EC]  }
0x67: {  	[hbm4b:s0+s2] =	stream.linear.scatter [tilespmem:s11], [sflag:$0x4], $0x2000, $0x38;
	[tilespmem:$0x19000] =	vst v63  }
0x68: {  	s0 =	sld [smem:$0x7ED]  }
0x69: {  	[tilespmem:s18], [sflag:$0x3] =	stream.indirect.gather [hbm4b:s12+s15], $0x40, s1, s15, $0xb8;
	[tilespmem:$0x19000] =	vst v63  }
0x6a: {  	s1 =	sld [smem:$0x7EE]  }
0x6b: {  	[tilespmem:s19], [sflag:$0x3] =	stream.indirect.gather [hbm4b:s12+s15], $0x40, s0, s15, $0xb8;
	[tilespmem:$0x19000] =	vst v63  }
0x6c: {  	s0 =	sld [smem:$0x7EF]  }
0x6d: {  	[tilespmem:s20], [sflag:$0x3] =	stream.indirect.gather [hbm4b:s12+s15], $0x40, s1, s15, $0xb8;
	[tilespmem:$0x19000] =	vst v63  }
0x6e: {  	_ = 	snop  }
0x6f: {  	[tilespmem:s21], [sflag:$0x3] =	stream.indirect.gather [hbm4b:s12+s15], $0x40, s0, s15, $0xb8;
	[tilespmem:$0x19000] =	vst v63  }
0x70: {  	_ =	swait.ge [sflag:s14], $0x2000  }
0x71: {  	[sflag:s14] =	ssyncset.done $0x0  }
0x72: {  	[sflag:s14] =	ssyncadd.s32 $0xFFFFE000  }
0x73: {  	_ =	swait.ge [sflag:s14], $0x2000  }
0x74: {  	[sflag:s14] =	ssyncset.done $0x0  }
0x75: {  	[sflag:s14] =	ssyncadd.s32 $0xFFFFE000  }
0x76: {  	_ =	swait.ge [sflag:s14], $0x2000  }
0x77: {  	[sflag:s14] =	ssyncset.done $0x0  }
0x78: {  	[sflag:s14] =	ssyncadd.s32 $0xFFFFE000  }
0x79: {  	_ =	swait.ge [sflag:s14], $0x2000  }
0x7a: {  	[sflag:s14] =	ssyncset.done $0x0  }
0x7b: {  	[sflag:s14] =	ssyncadd.s32 $0xFFFFE000  }
0x7c: {  	_ =	swait.ge [sflag:s13], $0x2000  }
0x7d: {  	[sflag:s13] =	ssyncset.done $0x0  }
0x7e: {  	[sflag:s13] =	ssyncadd.s32 $0xFFFFE000  }
0x7f: {  	_ =	swait.ge [sflag:s13], $0x2000  }
0x80: {  	[sflag:s13] =	ssyncset.done $0x0  }
0x81: {  	[sflag:s13] =	ssyncadd.s32 $0xFFFFE000  }
0x82: {  	_ =	swait.ge [sflag:s13], $0x2000  }
0x83: {  	[sflag:s13] =	ssyncset.done $0x0  }
0x84: {  	[sflag:s13] =	ssyncadd.s32 $0xFFFFE000  }
0x85: {  	_ =	swait.ge [sflag:s13], $0x2000  }
0x86: {  	s0 =	rddreg [dreg:$0xe];
	[sflag:s13] =	ssyncset.done $0x0  }
0x87: {  	s1 =	rddreg [dreg:$0xf];
	[sflag:s13] =	ssyncadd.s32 $0xFFFFE000  }
0x88: {  	[hbm4b:s0+s2] =	stream.linear.scatter [tilespmem:s3], [sflag:$0x5], $0x2000, $0x38;
	[tilespmem:$0x19000] =	vst v63  }
0x89: {  	s0 =	rddreg [dreg:$0x10]  }
0x8a: {  	[hbm4b:s1+s2] =	stream.linear.scatter [tilespmem:s4], [sflag:$0x5], $0x2000, $0x38;
	[tilespmem:$0x19000] =	vst v63  }
0x8b: {  	s1 =	rddreg [dreg:$0x11]  }
0x8c: {  	[hbm4b:s0+s2] =	stream.linear.scatter [tilespmem:s5], [sflag:$0x5], $0x2000, $0x38;
	[tilespmem:$0x19000] =	vst v63  }
0x8d: {  	s0 =	sld [smem:$0x7F0]  }
0x8e: {  	[hbm4b:s1+s2] =	stream.linear.scatter [tilespmem:s6], [sflag:$0x5], $0x2000, $0x38;
	[tilespmem:$0x19000] =	vst v63  }
0x8f: {  	s1 =	sld [smem:$0x7F1]  }
0x90: {  	[tilespmem:s8], [sflag:$0x1] =	stream.indirect.gather [hbm4b:s12+s15], $0x40, s0, s15, $0xb8;
	[tilespmem:$0x19000] =	vst v63  }
0x91: {  	s0 =	sld [smem:$0x7F2]  }
0x92: {  	[tilespmem:s9], [sflag:$0x1] =	stream.indirect.gather [hbm4b:s12+s15], $0x40, s1, s15, $0xb8;
	[tilespmem:$0x19000] =	vst v63  }
0x93: {  	s1 =	sld [smem:$0x7F3]  }
0x94: {  	[tilespmem:s10], [sflag:$0x1] =	stream.indirect.gather [hbm4b:s12+s15], $0x40, s0, s15, $0xb8;
	[tilespmem:$0x19000] =	vst v63  }
0x95: {  	_ = 	snop  }
0x96: {  	[tilespmem:s11], [sflag:$0x1] =	stream.indirect.gather [hbm4b:s12+s15], $0x40, s1, s15, $0xb8;
	[tilespmem:$0x19000] =	vst v63  }
0x97: {  	_ =	swait.ge [sflag:s26], $0x2000  }
0x98: {  	[sflag:s26] =	ssyncset.done $0x0  }
0x99: {  	[sflag:s26] =	ssyncadd.s32 $0xFFFFE000  }
0x9a: {  	_ =	swait.ge [sflag:s26], $0x2000  }
0x9b: {  	[sflag:s26] =	ssyncset.done $0x0  }
0x9c: {  	[sflag:s26] =	ssyncadd.s32 $0xFFFFE000  }
0x9d: {  	_ =	swait.ge [sflag:s26], $0x2000  }
0x9e: {  	[sflag:s26] =	ssyncset.done $0x0  }
0x9f: {  	[sflag:s26] =	ssyncadd.s32 $0xFFFFE000  }
0xa0: {  	_ =	swait.ge [sflag:s26], $0x2000  }
0xa1: {  	[sflag:s26] =	ssyncset.done $0x0  }
0xa2: {  	[sflag:s26] =	ssyncadd.s32 $0xFFFFE000  }
0xa3: {  	_ =	swait.ge [sflag:s7], $0x2000  }
0xa4: {  	[sflag:s7] =	ssyncset.done $0x0  }
0xa5: {  	[sflag:s7] =	ssyncadd.s32 $0xFFFFE000  }
0xa6: {  	_ =	swait.ge [sflag:s7], $0x2000  }
0xa7: {  	[sflag:s7] =	ssyncset.done $0x0  }
0xa8: {  	[sflag:s7] =	ssyncadd.s32 $0xFFFFE000  }
0xa9: {  	_ =	swait.ge [sflag:s7], $0x2000  }
0xaa: {  	[sflag:s7] =	ssyncset.done $0x0  }
0xab: {  	[sflag:s7] =	ssyncadd.s32 $0xFFFFE000  }
0xac: {  	_ =	swait.ge [sflag:s7], $0x2000  }
0xad: {  	s0 =	rddreg [dreg:$0x12];
	[sflag:s7] =	ssyncset.done $0x0  }
0xae: {  	s1 =	rddreg [dreg:$0x13];
	[sflag:s7] =	ssyncadd.s32 $0xFFFFE000  }
0xaf: {  	[hbm4b:s0+s2] =	stream.linear.scatter [tilespmem:s18], [sflag:$0x6], $0x2000, $0x38;
	[tilespmem:$0x19000] =	vst v63  }
0xb0: {  	s0 =	rddreg [dreg:$0x14]  }
0xb1: {  	[hbm4b:s1+s2] =	stream.linear.scatter [tilespmem:s19], [sflag:$0x6], $0x2000, $0x38;
	[tilespmem:$0x19000] =	vst v63  }
0xb2: {  	s1 =	rddreg [dreg:$0x15]  }
0xb3: {  	[hbm4b:s0+s2] =	stream.linear.scatter [tilespmem:s20], [sflag:$0x6], $0x2000, $0x38;
	[tilespmem:$0x19000] =	vst v63  }
0xb4: {  	s0 =	sld [smem:$0x7F4]  }
0xb5: {  	[hbm4b:s1+s2] =	stream.linear.scatter [tilespmem:s21], [sflag:$0x6], $0x2000, $0x38;
	[tilespmem:$0x19000] =	vst v63  }
0xb6: {  	s1 =	sld [smem:$0x7F5]  }
0xb7: {  	[tilespmem:s3], [sflag:$0x2] =	stream.indirect.gather [hbm4b:s12+s15], $0x40, s0, s15, $0xb8;
	[tilespmem:$0x19000] =	vst v63  }
0xb8: {  	s0 =	sld [smem:$0x7F6]  }
0xb9: {  	[tilespmem:s4], [sflag:$0x2] =	stream.indirect.gather [hbm4b:s12+s15], $0x40, s1, s15, $0xb8;
	[tilespmem:$0x19000] =	vst v63  }
0xba: {  	s1 =	sld [smem:$0x7F7]  }
0xbb: {  	[tilespmem:s5], [sflag:$0x2] =	stream.indirect.gather [hbm4b:s12+s15], $0x40, s0, s15, $0xb8;
	[tilespmem:$0x19000] =	vst v63  }
0xbc: {  	_ = 	snop  }
0xbd: {  	[tilespmem:s6], [sflag:$0x2] =	stream.indirect.gather [hbm4b:s12+s15], $0x40, s1, s15, $0xb8;
	[tilespmem:$0x19000] =	vst v63  }
0xbe: {  	_ =	swait.ge [sflag:s16], $0x2000  }
0xbf: {  	[sflag:s16] =	ssyncset.done $0x0  }
0xc0: {  	[sflag:s16] =	ssyncadd.s32 $0xFFFFE000  }
0xc1: {  	_ =	swait.ge [sflag:s16], $0x2000  }
0xc2: {  	[sflag:s16] =	ssyncset.done $0x0  }
0xc3: {  	[sflag:s16] =	ssyncadd.s32 $0xFFFFE000  }
0xc4: {  	_ =	swait.ge [sflag:s16], $0x2000  }
0xc5: {  	[sflag:s16] =	ssyncset.done $0x0  }
0xc6: {  	[sflag:s16] =	ssyncadd.s32 $0xFFFFE000  }
0xc7: {  	_ =	swait.ge [sflag:s16], $0x2000  }
0xc8: {  	[sflag:s16] =	ssyncset.done $0x0  }
0xc9: {  	[sflag:s16] =	ssyncadd.s32 $0xFFFFE000  }
0xca: {  	_ =	swait.ge [sflag:s17], $0x2000  }
0xcb: {  	[sflag:s17] =	ssyncset.done $0x0  }
0xcc: {  	[sflag:s17] =	ssyncadd.s32 $0xFFFFE000  }
0xcd: {  	_ =	swait.ge [sflag:s17], $0x2000  }
0xce: {  	[sflag:s17] =	ssyncset.done $0x0  }
0xcf: {  	[sflag:s17] =	ssyncadd.s32 $0xFFFFE000  }
0xd0: {  	_ =	swait.ge [sflag:s17], $0x2000  }
0xd1: {  	[sflag:s17] =	ssyncset.done $0x0  }
0xd2: {  	[sflag:s17] =	ssyncadd.s32 $0xFFFFE000  }
0xd3: {  	_ =	swait.ge [sflag:s17], $0x2000  }
0xd4: {  	s0 =	rddreg [dreg:$0x16];
	[sflag:s17] =	ssyncset.done $0x0  }
0xd5: {  	s1 =	rddreg [dreg:$0x17];
	[sflag:s17] =	ssyncadd.s32 $0xFFFFE000  }
0xd6: {  	[hbm4b:s0+s2] =	stream.linear.scatter [tilespmem:s8], [sflag:$0x4], $0x2000, $0x38;
	[tilespmem:$0x19000] =	vst v63  }
0xd7: {  	s0 =	rddreg [dreg:$0x18]  }
0xd8: {  	[hbm4b:s1+s2] =	stream.linear.scatter [tilespmem:s9], [sflag:$0x4], $0x2000, $0x38;
	[tilespmem:$0x19000] =	vst v63  }
0xd9: {  	s1 =	rddreg [dreg:$0x19]  }
0xda: {  	[hbm4b:s0+s2] =	stream.linear.scatter [tilespmem:s10], [sflag:$0x4], $0x2000, $0x38;
	[tilespmem:$0x19000] =	vst v63  }
0xdb: {  	s0 =	sld [smem:$0x7F8]  }
0xdc: {  	[hbm4b:s1+s2] =	stream.linear.scatter [tilespmem:s11], [sflag:$0x4], $0x2000, $0x38;
	[tilespmem:$0x19000] =	vst v63  }
0xdd: {  	s1 =	sld [smem:$0x7F9]  }
0xde: {  	[tilespmem:s18], [sflag:$0x3] =	stream.indirect.gather [hbm4b:s12+s15], $0x40, s0, s15, $0xb8;
	[tilespmem:$0x19000] =	vst v63  }
0xdf: {  	s0 =	sld [smem:$0x7FA]  }
0xe0: {  	[tilespmem:s19], [sflag:$0x3] =	stream.indirect.gather [hbm4b:s12+s15], $0x40, s1, s15, $0xb8;
	[tilespmem:$0x19000] =	vst v63  }
0xe1: {  	s1 =	sld [smem:$0x7FB]  }
0xe2: {  	[tilespmem:s20], [sflag:$0x3] =	stream.indirect.gather [hbm4b:s12+s15], $0x40, s0, s15, $0xb8;
	[tilespmem:$0x19000] =	vst v63  }
0xe3: {  	_ = 	snop  }
0xe4: {  	[tilespmem:s21], [sflag:$0x3] =	stream.indirect.gather [hbm4b:s12+s15], $0x40, s1, s15, $0xb8;
	[tilespmem:$0x19000] =	vst v63  }
0xe5: {  	_ =	swait.ge [sflag:s14], $0x2000  }
0xe6: {  	[sflag:s14] =	ssyncset.done $0x0  }
0xe7: {  	[sflag:s14] =	ssyncadd.s32 $0xFFFFE000  }
0xe8: {  	_ =	swait.ge [sflag:s14], $0x2000  }
0xe9: {  	[sflag:s14] =	ssyncset.done $0x0  }
0xea: {  	[sflag:s14] =	ssyncadd.s32 $0xFFFFE000  }
0xeb: {  	_ =	swait.ge [sflag:s14], $0x2000  }
0xec: {  	[sflag:s14] =	ssyncset.done $0x0  }
0xed: {  	[sflag:s14] =	ssyncadd.s32 $0xFFFFE000  }
0xee: {  	_ =	swait.ge [sflag:s14], $0x2000  }
0xef: {  	[sflag:s14] =	ssyncset.done $0x0  }
0xf0: {  	[sflag:s14] =	ssyncadd.s32 $0xFFFFE000  }
0xf1: {  	_ =	swait.ge [sflag:s13], $0x2000  }
0xf2: {  	[sflag:s13] =	ssyncset.done $0x0  }
0xf3: {  	[sflag:s13] =	ssyncadd.s32 $0xFFFFE000  }
0xf4: {  	_ =	swait.ge [sflag:s13], $0x2000  }
0xf5: {  	[sflag:s13] =	ssyncset.done $0x0  }
0xf6: {  	[sflag:s13] =	ssyncadd.s32 $0xFFFFE000  }
0xf7: {  	_ =	swait.ge [sflag:s13], $0x2000  }
0xf8: {  	[sflag:s13] =	ssyncset.done $0x0  }
0xf9: {  	[sflag:s13] =	ssyncadd.s32 $0xFFFFE000  }
0xfa: {  	_ =	swait.ge [sflag:s13], $0x2000  }
0xfb: {  	s0 =	rddreg [dreg:$0x1a];
	[sflag:s13] =	ssyncset.done $0x0  }
0xfc: {  	s1 =	rddreg [dreg:$0x1b];
	[sflag:s13] =	ssyncadd.s32 $0xFFFFE000  }
0xfd: {  	[hbm4b:s0+s2] =	stream.linear.scatter [tilespmem:s3], [sflag:$0x5], $0x2000, $0x38;
	[tilespmem:$0x19000] =	vst v63  }
0xfe: {  	s0 =	rddreg [dreg:$0x1c]  }
0xff: {  	[hbm4b:s1+s2] =	stream.linear.scatter [tilespmem:s4], [sflag:$0x5], $0x2000, $0x38;
	[tilespmem:$0x19000] =	vst v63  }
0x100: {  	s1 =	rddreg [dreg:$0x1d]  }
0x101: {  	[hbm4b:s0+s2] =	stream.linear.scatter [tilespmem:s5], [sflag:$0x5], $0x2000, $0x38;
	[tilespmem:$0x19000] =	vst v63  }
0x102: {  	s0 =	sld [smem:$0x7FC]  }
0x103: {  	[hbm4b:s1+s2] =	stream.linear.scatter [tilespmem:s6], [sflag:$0x5], $0x2000, $0x38;
	[tilespmem:$0x19000] =	vst v63  }
0x104: {  	s1 =	sld [smem:$0x7FD]  }
0x105: {  	[tilespmem:s8], [sflag:$0x1] =	stream.indirect.gather [hbm4b:s12+s15], $0x40, s0, s15, $0xb8;
	[tilespmem:$0x19000] =	vst v63  }
0x106: {  	_ = 	snop  }
0x107: {  	[tilespmem:s9], [sflag:$0x1] =	stream.indirect.gather [hbm4b:s12+s15], $0x40, s1, s15, $0xb8;
	[tilespmem:$0x19000] =	vst v63  }
0x108: {  	_ = 	snop  }
0x109: {  	[tilespmem:s10], [sflag:$0x1] =	stream.indirect.gather [hbm4b:s12+s15], $0x40, s29, s15, $0xb8;
	[tilespmem:$0x19000] =	vst v63  }
0x10a: {  	_ = 	snop  }
0x10b: {  	[tilespmem:s11], [sflag:$0x1] =	stream.indirect.gather [hbm4b:s12+s15], $0x40, s23, s15, $0xb8;
	[tilespmem:$0x19000] =	vst v63  }
0x10c: {  	_ =	swait.ge [sflag:s26], $0x2000  }
0x10d: {  	[sflag:s26] =	ssyncset.done $0x0  }
0x10e: {  	[sflag:s26] =	ssyncadd.s32 $0xFFFFE000  }
0x10f: {  	_ =	swait.ge [sflag:s26], $0x2000  }
0x110: {  	[sflag:s26] =	ssyncset.done $0x0  }
0x111: {  	[sflag:s26] =	ssyncadd.s32 $0xFFFFE000  }
0x112: {  	_ =	swait.ge [sflag:s26], $0x2000  }
0x113: {  	[sflag:s26] =	ssyncset.done $0x0  }
0x114: {  	[sflag:s26] =	ssyncadd.s32 $0xFFFFE000  }
0x115: {  	_ =	swait.ge [sflag:s26], $0x2000  }
0x116: {  	[sflag:s26] =	ssyncset.done $0x0  }
0x117: {  	[sflag:s26] =	ssyncadd.s32 $0xFFFFE000  }
0x118: {  	_ =	swait.ge [sflag:s7], $0x2000  }
0x119: {  	[sflag:s7] =	ssyncset.done $0x0  }
0x11a: {  	[sflag:s7] =	ssyncadd.s32 $0xFFFFE000  }
0x11b: {  	_ =	swait.ge [sflag:s7], $0x2000  }
0x11c: {  	[sflag:s7] =	ssyncset.done $0x0  }
0x11d: {  	[sflag:s7] =	ssyncadd.s32 $0xFFFFE000  }
0x11e: {  	_ =	swait.ge [sflag:s7], $0x2000  }
0x11f: {  	[sflag:s7] =	ssyncset.done $0x0  }
0x120: {  	[sflag:s7] =	ssyncadd.s32 $0xFFFFE000  }
0x121: {  	_ =	swait.ge [sflag:s7], $0x2000  }
0x122: {  	s0 =	rddreg [dreg:$0x1e];
	[sflag:s7] =	ssyncset.done $0x0  }
0x123: {  	s1 =	rddreg [dreg:$0x1f];
	[sflag:s7] =	ssyncadd.s32 $0xFFFFE000  }
0x124: {  	[hbm4b:s0+s2] =	stream.linear.scatter [tilespmem:s18], [sflag:$0x6], $0x2000, $0x38;
	[tilespmem:$0x19000] =	vst v63  }
0x125: {  	s0 =	sld [smem:$0x7E4]  }
0x126: {  	[hbm4b:s1+s2] =	stream.linear.scatter [tilespmem:s19], [sflag:$0x6], $0x2000, $0x38;
	[tilespmem:$0x19000] =	vst v63  }
0x127: {  	s1 =	sld [smem:$0x7E5]  }
0x128: {  	[hbm4b:s0+s2] =	stream.linear.scatter [tilespmem:s20], [sflag:$0x6], $0x2000, $0x38;
	[tilespmem:$0x19000] =	vst v63  }
0x129: {  	_ = 	snop  }
0x12a: {  	[hbm4b:s1+s2] =	stream.linear.scatter [tilespmem:s21], [sflag:$0x6], $0x2000, $0x38;
	[tilespmem:$0x19000] =	vst v63  }
0x12b: {  	s1 =	simm.s32 $0xE00  }
0x12c: {  	[tilespmem:s3], [sflag:$0x2] =	stream.indirect.gather [hbm4b:s12+s15], $0x40, s1, s15, $0xb8;
	[tilespmem:$0x19000] =	vst v63  }
0x12d: {  	_ = 	snop  }
0x12e: {  	[tilespmem:s4], [sflag:$0x2] =	stream.indirect.gather [hbm4b:s12+s15], $0x40, s24, s15, $0xb8;
	[tilespmem:$0x19000] =	vst v63  }
0x12f: {  	_ = 	snop  }
0x130: {  	[tilespmem:s5], [sflag:$0x2] =	stream.indirect.gather [hbm4b:s12+s15], $0x40, s25, s15, $0xb8;
	[tilespmem:$0x19000] =	vst v63  }
0x131: {  	_ = 	snop  }
0x132: {  	[tilespmem:s6], [sflag:$0x2] =	stream.indirect.gather [hbm4b:s12+s15], $0x40, s28, s15, $0xb8;
	[tilespmem:$0x19000] =	vst v63  }
0x133: {  	_ =	swait.ge [sflag:s16], $0x2000  }
0x134: {  	[sflag:s16] =	ssyncset.done $0x0  }
0x135: {  	[sflag:s16] =	ssyncadd.s32 $0xFFFFE000  }
0x136: {  	_ =	swait.ge [sflag:s16], $0x2000  }
0x137: {  	[sflag:s16] =	ssyncset.done $0x0  }
0x138: {  	[sflag:s16] =	ssyncadd.s32 $0xFFFFE000  }
0x139: {  	_ =	swait.ge [sflag:s16], $0x2000  }
0x13a: {  	[sflag:s16] =	ssyncset.done $0x0  }
0x13b: {  	[sflag:s16] =	ssyncadd.s32 $0xFFFFE000  }
0x13c: {  	_ =	swait.ge [sflag:s16], $0x2000  }
0x13d: {  	[sflag:s16] =	ssyncset.done $0x0  }
0x13e: {  	[sflag:s16] =	ssyncadd.s32 $0xFFFFE000  }
0x13f: {  	_ =	swait.ge [sflag:s17], $0x2000  }
0x140: {  	[sflag:s17] =	ssyncset.done $0x0  }
0x141: {  	[sflag:s17] =	ssyncadd.s32 $0xFFFFE000  }
0x142: {  	_ =	swait.ge [sflag:s17], $0x2000  }
0x143: {  	[sflag:s17] =	ssyncset.done $0x0  }
0x144: {  	[sflag:s17] =	ssyncadd.s32 $0xFFFFE000  }
0x145: {  	_ =	swait.ge [sflag:s17], $0x2000  }
0x146: {  	[sflag:s17] =	ssyncset.done $0x0  }
0x147: {  	[sflag:s17] =	ssyncadd.s32 $0xFFFFE000  }
0x148: {  	_ =	swait.ge [sflag:s17], $0x2000  }
0x149: {  	[sflag:s17] =	ssyncset.done $0x0  }
0x14a: {  	s0 =	rddreg [dreg:$0x6];
	[sflag:s17] =	ssyncadd.s32 $0xFFFFE000  }
0x14b: {  	[hbm4b:s0+s2] =	stream.linear.scatter [tilespmem:s8], [sflag:$0x4], $0x2000, $0x38;
	[tilespmem:$0x19000] =	vst v63  }
0x14c: {  	s1 =	rddreg [dreg:$0x7]  }
0x14d: {  	[hbm4b:s1+s2] =	stream.linear.scatter [tilespmem:s9], [sflag:$0x4], $0x2000, $0x38;
	[tilespmem:$0x19000] =	vst v63  }
0x14e: {  	s0 =	rddreg [dreg:$0x8]  }
0x14f: {  	[hbm4b:s0+s2] =	stream.linear.scatter [tilespmem:s10], [sflag:$0x4], $0x2000, $0x38;
	[tilespmem:$0x19000] =	vst v63  }
0x150: {  	s1 =	rddreg [dreg:$0x9]  }
0x151: {  	[hbm4b:s1+s2] =	stream.linear.scatter [tilespmem:s11], [sflag:$0x4], $0x2000, $0x38;
	[tilespmem:$0x19000] =	vst v63  }
0x152: {  	_ =	swait.ge [sflag:s14], $0x2000  }
0x153: {  	[sflag:s14] =	ssyncset.done $0x0  }
0x154: {  	[sflag:s14] =	ssyncadd.s32 $0xFFFFE000  }
0x155: {  	_ =	swait.ge [sflag:s14], $0x2000  }
0x156: {  	[sflag:s14] =	ssyncset.done $0x0  }
0x157: {  	[sflag:s14] =	ssyncadd.s32 $0xFFFFE000  }
0x158: {  	_ =	swait.ge [sflag:s14], $0x2000  }
0x159: {  	[sflag:s14] =	ssyncset.done $0x0  }
0x15a: {  	[sflag:s14] =	ssyncadd.s32 $0xFFFFE000  }
0x15b: {  	_ =	swait.ge [sflag:s14], $0x2000  }
0x15c: {  	[sflag:s14] =	ssyncset.done $0x0  }
0x15d: {  	[sflag:s14] =	ssyncadd.s32 $0xFFFFE000  }
0x15e: {  	_ =	swait.ge [sflag:s13], $0x2000  }
0x15f: {  	[sflag:s13] =	ssyncset.done $0x0  }
0x160: {  	[sflag:s13] =	ssyncadd.s32 $0xFFFFE000  }
0x161: {  	_ =	swait.ge [sflag:s13], $0x2000  }
0x162: {  	[sflag:s13] =	ssyncset.done $0x0  }
0x163: {  	[sflag:s13] =	ssyncadd.s32 $0xFFFFE000  }
0x164: {  	_ =	swait.ge [sflag:s13], $0x2000  }
0x165: {  	[sflag:s13] =	ssyncset.done $0x0  }
0x166: {  	[sflag:s13] =	ssyncadd.s32 $0xFFFFE000  }
0x167: {  	_ =	swait.ge [sflag:s13], $0x2000  }
0x168: {  	[sflag:s13] =	ssyncset.done $0x0  }
0x169: {  	s0 =	rddreg [dreg:$0xa];
	[sflag:s13] =	ssyncadd.s32 $0xFFFFE000  }
0x16a: {  	[hbm4b:s0+s2] =	stream.linear.scatter [tilespmem:s3], [sflag:$0x5], $0x2000, $0x38;
	[tilespmem:$0x19000] =	vst v63  }
0x16b: {  	s1 =	rddreg [dreg:$0xb]  }
0x16c: {  	[hbm4b:s1+s2] =	stream.linear.scatter [tilespmem:s4], [sflag:$0x5], $0x2000, $0x38;
	[tilespmem:$0x19000] =	vst v63  }
0x16d: {  	s0 =	rddreg [dreg:$0xc]  }
0x16e: {  	[hbm4b:s0+s2] =	stream.linear.scatter [tilespmem:s5], [sflag:$0x5], $0x2000, $0x38;
	[tilespmem:$0x19000] =	vst v63  }
0x16f: {  	s1 =	rddreg [dreg:$0xd]  }
0x170: {  	[hbm4b:s1+s2] =	stream.linear.scatter [tilespmem:s6], [sflag:$0x5], $0x2000, $0x38;
	[tilespmem:$0x19000] =	vst v63  }
0x171: {  	_ =	swait.ge [sflag:s7], $0x2000  }
0x172: {  	[sflag:s7] =	ssyncset.done $0x0  }
0x173: {  	[sflag:s7] =	ssyncadd.s32 $0xFFFFE000  }
0x174: {  	_ =	swait.ge [sflag:s7], $0x2000  }
0x175: {  	[sflag:s7] =	ssyncset.done $0x0  }
0x176: {  	p1 =	sne.s32 s22, $0x1;
	[sflag:s7] =	ssyncadd.s32 $0xFFFFE000  }
.Ltmp1:
0x177: {  	_ =	swait.ge [sflag:s7], $0x2000;
	(pc) =	sbr.rel @!p1 .LBB2_3-.Ltmp1, $4  }
0x178: {  	[sflag:s7] =	ssyncset.done $0x0  }
0x179: {  	[sflag:s7] =	ssyncadd.s32 $0xFFFFE000  }
0x17a: {  	p0 =	por $0x1, $0x1;
	_ =	swait.ge [sflag:s7], $0x2000  }
0x17b: {  	s1 =	sadd.s32 $0xFFFFFFFF, s22;
	s0 =	rddreg [dreg:$0x2];
	[sflag:s7] =	ssyncset.done $0x0  }
.LBB2_4:
0x17c: {  	[sflag:s7] =	ssyncadd.s32 $0xFFFFE000  }
0x17d: {  	[tilespmem:s2], [sflag:$0x7] =	stream.linear.gather [hbm4b:s0+s2], $0x1000, $0x38;
	[tilespmem:$0x19000] =	vst v63  }
0x17e: {  	_ =	swait.ge [sflag:s31], $0x1000  }
0x17f: {  	[sflag:s31] =	ssyncset.done $0x0  }
0x180: {  	[sflag:s31] =	ssyncadd.s32 $0xFFFFF000  }
0x181: {  	[tilespmem:s8], [sflag:$0x1] =	stream.indirect.gather [hbm4b:s12+s15], $0x40, s2, s15, $0xb8;
	[tilespmem:$0x19000] =	vst v63  }
0x182: {  	s0 =	sld [smem:$0x7E6]  }
0x183: {  	[tilespmem:s9], [sflag:$0x1] =	stream.indirect.gather [hbm4b:s12+s15], $0x40, s15, s15, $0xb8;
	[tilespmem:$0x19000] =	vst v63  }
0x184: {  	s22 =	sld [smem:$0x7E7]  }
0x185: {  	[tilespmem:s10], [sflag:$0x1] =	stream.indirect.gather [hbm4b:s12+s15], $0x40, s0, s15, $0xb8;
	[tilespmem:$0x19000] =	vst v63  }
0x186: {  	s0 =	sld [smem:$0x7E8]  }
0x187: {  	[tilespmem:s11], [sflag:$0x1] =	stream.indirect.gather [hbm4b:s12+s15], $0x40, s22, s15, $0xb8;
	[tilespmem:$0x19000] =	vst v63  }
0x188: {  	s22 =	sld [smem:$0x7E9]  }
0x189: {  	[tilespmem:s3], [sflag:$0x2] =	stream.indirect.gather [hbm4b:s12+s15], $0x40, s0, s15, $0xb8;
	[tilespmem:$0x19000] =	vst v63  }
0x18a: {  	s0 =	sld [smem:$0x7EA]  }
0x18b: {  	[tilespmem:s4], [sflag:$0x2] =	stream.indirect.gather [hbm4b:s12+s15], $0x40, s22, s15, $0xb8;
	[tilespmem:$0x19000] =	vst v63  }
0x18c: {  	s22 =	sld [smem:$0x7EB]  }
0x18d: {  	[tilespmem:s5], [sflag:$0x2] =	stream.indirect.gather [hbm4b:s12+s15], $0x40, s0, s15, $0xb8;
	[tilespmem:$0x19000] =	vst v63  }
0x18e: {  	_ = 	snop  }
0x18f: {  	[tilespmem:s6], [sflag:$0x2] =	stream.indirect.gather [hbm4b:s12+s15], $0x40, s22, s15, $0xb8;
	[tilespmem:$0x19000] =	vst v63  }
0x190: {  	_ =	swait.ge [sflag:s16], $0x2000  }
0x191: {  	[sflag:s16] =	ssyncset.done $0x0  }
0x192: {  	[sflag:s16] =	ssyncadd.s32 $0xFFFFE000  }
0x193: {  	_ =	swait.ge [sflag:s16], $0x2000  }
0x194: {  	[sflag:s16] =	ssyncset.done $0x0  }
0x195: {  	[sflag:s16] =	ssyncadd.s32 $0xFFFFE000  }
0x196: {  	_ =	swait.ge [sflag:s16], $0x2000  }
0x197: {  	[sflag:s16] =	ssyncset.done $0x0  }
0x198: {  	[sflag:s16] =	ssyncadd.s32 $0xFFFFE000  }
0x199: {  	_ =	swait.ge [sflag:s16], $0x2000  }
0x19a: {  	[sflag:s16] =	ssyncset.done $0x0  }
0x19b: {  	s0 =	rddreg [dreg:$0x3];
	[sflag:s16] =	ssyncadd.s32 $0xFFFFE000  }
0x19c: {  	[hbm4b:s30+s2] =	stream.linear.scatter [tilespmem:s8], [sflag:$0x4], $0x2000, $0x38;
	[tilespmem:$0x19000] =	vst v63  }
0x19d: {  	s22 =	rddreg [dreg:$0x4]  }
0x19e: {  	[hbm4b:s0+s2] =	stream.linear.scatter [tilespmem:s9], [sflag:$0x4], $0x2000, $0x38;
	[tilespmem:$0x19000] =	vst v63  }
0x19f: {  	s0 =	rddreg [dreg:$0x5]  }
0x1a0: {  	[hbm4b:s22+s2] =	stream.linear.scatter [tilespmem:s10], [sflag:$0x4], $0x2000, $0x38;
	[tilespmem:$0x19000] =	vst v63  }
0x1a1: {  	s22 =	sld [smem:$0x7EC]  }
0x1a2: {  	[hbm4b:s0+s2] =	stream.linear.scatter [tilespmem:s11], [sflag:$0x4], $0x2000, $0x38;
	[tilespmem:$0x19000] =	vst v63  }
0x1a3: {  	s0 =	sld [smem:$0x7ED]  }
0x1a4: {  	[tilespmem:s18], [sflag:$0x3] =	stream.indirect.gather [hbm4b:s12+s15], $0x40, s22, s15, $0xb8;
	[tilespmem:$0x19000] =	vst v63  }
0x1a5: {  	s22 =	sld [smem:$0x7EE]  }
0x1a6: {  	[tilespmem:s19], [sflag:$0x3] =	stream.indirect.gather [hbm4b:s12+s15], $0x40, s0, s15, $0xb8;
	[tilespmem:$0x19000] =	vst v63  }
0x1a7: {  	s0 =	sld [smem:$0x7EF]  }
0x1a8: {  	[tilespmem:s20], [sflag:$0x3] =	stream.indirect.gather [hbm4b:s12+s15], $0x40, s22, s15, $0xb8;
	[tilespmem:$0x19000] =	vst v63  }
0x1a9: {  	_ = 	snop  }
0x1aa: {  	[tilespmem:s21], [sflag:$0x3] =	stream.indirect.gather [hbm4b:s12+s15], $0x40, s0, s15, $0xb8;
	[tilespmem:$0x19000] =	vst v63  }
0x1ab: {  	_ =	swait.ge [sflag:s14], $0x2000  }
0x1ac: {  	[sflag:s14] =	ssyncset.done $0x0  }
0x1ad: {  	[sflag:s14] =	ssyncadd.s32 $0xFFFFE000  }
0x1ae: {  	_ =	swait.ge [sflag:s14], $0x2000  }
0x1af: {  	[sflag:s14] =	ssyncset.done $0x0  }
0x1b0: {  	[sflag:s14] =	ssyncadd.s32 $0xFFFFE000  }
0x1b1: {  	_ =	swait.ge [sflag:s14], $0x2000  }
0x1b2: {  	[sflag:s14] =	ssyncset.done $0x0  }
0x1b3: {  	[sflag:s14] =	ssyncadd.s32 $0xFFFFE000  }
0x1b4: {  	_ =	swait.ge [sflag:s14], $0x2000  }
0x1b5: {  	[sflag:s14] =	ssyncset.done $0x0  }
0x1b6: {  	[sflag:s14] =	ssyncadd.s32 $0xFFFFE000  }
0x1b7: {  	_ =	swait.ge [sflag:s13], $0x2000  }
0x1b8: {  	[sflag:s13] =	ssyncset.done $0x0  }
0x1b9: {  	[sflag:s13] =	ssyncadd.s32 $0xFFFFE000  }
0x1ba: {  	_ =	swait.ge [sflag:s13], $0x2000  }
0x1bb: {  	[sflag:s13] =	ssyncset.done $0x0  }
0x1bc: {  	[sflag:s13] =	ssyncadd.s32 $0xFFFFE000  }
0x1bd: {  	_ =	swait.ge [sflag:s13], $0x2000  }
0x1be: {  	[sflag:s13] =	ssyncset.done $0x0  }
0x1bf: {  	[sflag:s13] =	ssyncadd.s32 $0xFFFFE000  }
0x1c0: {  	_ =	swait.ge [sflag:s13], $0x2000  }
0x1c1: {  	s0 =	rddreg [dreg:$0xe];
	[sflag:s13] =	ssyncset.done $0x0  }
0x1c2: {  	s22 =	rddreg [dreg:$0xf];
	[sflag:s13] =	ssyncadd.s32 $0xFFFFE000  }
0x1c3: {  	[hbm4b:s0+s2] =	stream.linear.scatter [tilespmem:s3], [sflag:$0x5], $0x2000, $0x38;
	[tilespmem:$0x19000] =	vst v63  }
0x1c4: {  	s0 =	rddreg [dreg:$0x10]  }
0x1c5: {  	[hbm4b:s22+s2] =	stream.linear.scatter [tilespmem:s4], [sflag:$0x5], $0x2000, $0x38;
	[tilespmem:$0x19000] =	vst v63  }
0x1c6: {  	s22 =	rddreg [dreg:$0x11]  }
0x1c7: {  	[hbm4b:s0+s2] =	stream.linear.scatter [tilespmem:s5], [sflag:$0x5], $0x2000, $0x38;
	[tilespmem:$0x19000] =	vst v63  }
0x1c8: {  	s0 =	sld [smem:$0x7F0]  }
0x1c9: {  	[hbm4b:s22+s2] =	stream.linear.scatter [tilespmem:s6], [sflag:$0x5], $0x2000, $0x38;
	[tilespmem:$0x19000] =	vst v63  }
0x1ca: {  	s22 =	sld [smem:$0x7F1]  }
0x1cb: {  	[tilespmem:s8], [sflag:$0x1] =	stream.indirect.gather [hbm4b:s12+s15], $0x40, s0, s15, $0xb8;
	[tilespmem:$0x19000] =	vst v63  }
0x1cc: {  	s0 =	sld [smem:$0x7F2]  }
0x1cd: {  	[tilespmem:s9], [sflag:$0x1] =	stream.indirect.gather [hbm4b:s12+s15], $0x40, s22, s15, $0xb8;
	[tilespmem:$0x19000] =	vst v63  }
0x1ce: {  	s22 =	sld [smem:$0x7F3]  }
0x1cf: {  	[tilespmem:s10], [sflag:$0x1] =	stream.indirect.gather [hbm4b:s12+s15], $0x40, s0, s15, $0xb8;
	[tilespmem:$0x19000] =	vst v63  }
0x1d0: {  	_ = 	snop  }
0x1d1: {  	[tilespmem:s11], [sflag:$0x1] =	stream.indirect.gather [hbm4b:s12+s15], $0x40, s22, s15, $0xb8;
	[tilespmem:$0x19000] =	vst v63  }
0x1d2: {  	_ =	swait.ge [sflag:s26], $0x2000  }
0x1d3: {  	[sflag:s26] =	ssyncset.done $0x0  }
0x1d4: {  	[sflag:s26] =	ssyncadd.s32 $0xFFFFE000  }
0x1d5: {  	_ =	swait.ge [sflag:s26], $0x2000  }
0x1d6: {  	[sflag:s26] =	ssyncset.done $0x0  }
0x1d7: {  	[sflag:s26] =	ssyncadd.s32 $0xFFFFE000  }
0x1d8: {  	_ =	swait.ge [sflag:s26], $0x2000  }
0x1d9: {  	[sflag:s26] =	ssyncset.done $0x0  }
0x1da: {  	[sflag:s26] =	ssyncadd.s32 $0xFFFFE000  }
0x1db: {  	_ =	swait.ge [sflag:s26], $0x2000  }
0x1dc: {  	[sflag:s26] =	ssyncset.done $0x0  }
0x1dd: {  	[sflag:s26] =	ssyncadd.s32 $0xFFFFE000  }
0x1de: {  	_ =	swait.ge [sflag:s7], $0x2000  }
0x1df: {  	[sflag:s7] =	ssyncset.done $0x0  }
0x1e0: {  	[sflag:s7] =	ssyncadd.s32 $0xFFFFE000  }
0x1e1: {  	_ =	swait.ge [sflag:s7], $0x2000  }
0x1e2: {  	[sflag:s7] =	ssyncset.done $0x0  }
0x1e3: {  	[sflag:s7] =	ssyncadd.s32 $0xFFFFE000  }
0x1e4: {  	_ =	swait.ge [sflag:s7], $0x2000  }
0x1e5: {  	[sflag:s7] =	ssyncset.done $0x0  }
0x1e6: {  	[sflag:s7] =	ssyncadd.s32 $0xFFFFE000  }
0x1e7: {  	_ =	swait.ge [sflag:s7], $0x2000  }
0x1e8: {  	s0 =	rddreg [dreg:$0x12];
	[sflag:s7] =	ssyncset.done $0x0  }
0x1e9: {  	s22 =	rddreg [dreg:$0x13];
	[sflag:s7] =	ssyncadd.s32 $0xFFFFE000  }
0x1ea: {  	[hbm4b:s0+s2] =	stream.linear.scatter [tilespmem:s18], [sflag:$0x6], $0x2000, $0x38;
	[tilespmem:$0x19000] =	vst v63  }
0x1eb: {  	s0 =	rddreg [dreg:$0x14]  }
0x1ec: {  	[hbm4b:s22+s2] =	stream.linear.scatter [tilespmem:s19], [sflag:$0x6], $0x2000, $0x38;
	[tilespmem:$0x19000] =	vst v63  }
0x1ed: {  	s22 =	rddreg [dreg:$0x15]  }
0x1ee: {  	[hbm4b:s0+s2] =	stream.linear.scatter [tilespmem:s20], [sflag:$0x6], $0x2000, $0x38;
	[tilespmem:$0x19000] =	vst v63  }
0x1ef: {  	s0 =	sld [smem:$0x7F4]  }
0x1f0: {  	[hbm4b:s22+s2] =	stream.linear.scatter [tilespmem:s21], [sflag:$0x6], $0x2000, $0x38;
	[tilespmem:$0x19000] =	vst v63  }
0x1f1: {  	s22 =	sld [smem:$0x7F5]  }
0x1f2: {  	[tilespmem:s3], [sflag:$0x2] =	stream.indirect.gather [hbm4b:s12+s15], $0x40, s0, s15, $0xb8;
	[tilespmem:$0x19000] =	vst v63  }
0x1f3: {  	s0 =	sld [smem:$0x7F6]  }
0x1f4: {  	[tilespmem:s4], [sflag:$0x2] =	stream.indirect.gather [hbm4b:s12+s15], $0x40, s22, s15, $0xb8;
	[tilespmem:$0x19000] =	vst v63  }
0x1f5: {  	s22 =	sld [smem:$0x7F7]  }
0x1f6: {  	[tilespmem:s5], [sflag:$0x2] =	stream.indirect.gather [hbm4b:s12+s15], $0x40, s0, s15, $0xb8;
	[tilespmem:$0x19000] =	vst v63  }
0x1f7: {  	_ = 	snop  }
0x1f8: {  	[tilespmem:s6], [sflag:$0x2] =	stream.indirect.gather [hbm4b:s12+s15], $0x40, s22, s15, $0xb8;
	[tilespmem:$0x19000] =	vst v63  }
0x1f9: {  	_ =	swait.ge [sflag:s16], $0x2000  }
0x1fa: {  	[sflag:s16] =	ssyncset.done $0x0  }
0x1fb: {  	[sflag:s16] =	ssyncadd.s32 $0xFFFFE000  }
0x1fc: {  	_ =	swait.ge [sflag:s16], $0x2000  }
0x1fd: {  	[sflag:s16] =	ssyncset.done $0x0  }
0x1fe: {  	[sflag:s16] =	ssyncadd.s32 $0xFFFFE000  }
0x1ff: {  	_ =	swait.ge [sflag:s16], $0x2000  }
0x200: {  	[sflag:s16] =	ssyncset.done $0x0  }
0x201: {  	[sflag:s16] =	ssyncadd.s32 $0xFFFFE000  }
0x202: {  	_ =	swait.ge [sflag:s16], $0x2000  }
0x203: {  	[sflag:s16] =	ssyncset.done $0x0  }
0x204: {  	[sflag:s16] =	ssyncadd.s32 $0xFFFFE000  }
0x205: {  	_ =	swait.ge [sflag:s17], $0x2000  }
0x206: {  	[sflag:s17] =	ssyncset.done $0x0  }
0x207: {  	[sflag:s17] =	ssyncadd.s32 $0xFFFFE000  }
0x208: {  	_ =	swait.ge [sflag:s17], $0x2000  }
0x209: {  	[sflag:s17] =	ssyncset.done $0x0  }
0x20a: {  	[sflag:s17] =	ssyncadd.s32 $0xFFFFE000  }
0x20b: {  	_ =	swait.ge [sflag:s17], $0x2000  }
0x20c: {  	[sflag:s17] =	ssyncset.done $0x0  }
0x20d: {  	[sflag:s17] =	ssyncadd.s32 $0xFFFFE000  }
0x20e: {  	_ =	swait.ge [sflag:s17], $0x2000  }
0x20f: {  	s0 =	rddreg [dreg:$0x16];
	[sflag:s17] =	ssyncset.done $0x0  }
0x210: {  	s22 =	rddreg [dreg:$0x17];
	[sflag:s17] =	ssyncadd.s32 $0xFFFFE000  }
0x211: {  	[hbm4b:s0+s2] =	stream.linear.scatter [tilespmem:s8], [sflag:$0x4], $0x2000, $0x38;
	[tilespmem:$0x19000] =	vst v63  }
0x212: {  	s0 =	rddreg [dreg:$0x18]  }
0x213: {  	[hbm4b:s22+s2] =	stream.linear.scatter [tilespmem:s9], [sflag:$0x4], $0x2000, $0x38;
	[tilespmem:$0x19000] =	vst v63  }
0x214: {  	s22 =	rddreg [dreg:$0x19]  }
0x215: {  	[hbm4b:s0+s2] =	stream.linear.scatter [tilespmem:s10], [sflag:$0x4], $0x2000, $0x38;
	[tilespmem:$0x19000] =	vst v63  }
0x216: {  	s0 =	sld [smem:$0x7F8]  }
0x217: {  	[hbm4b:s22+s2] =	stream.linear.scatter [tilespmem:s11], [sflag:$0x4], $0x2000, $0x38;
	[tilespmem:$0x19000] =	vst v63  }
0x218: {  	s22 =	sld [smem:$0x7F9]  }
0x219: {  	[tilespmem:s18], [sflag:$0x3] =	stream.indirect.gather [hbm4b:s12+s15], $0x40, s0, s15, $0xb8;
	[tilespmem:$0x19000] =	vst v63  }
0x21a: {  	s0 =	sld [smem:$0x7FA]  }
0x21b: {  	[tilespmem:s19], [sflag:$0x3] =	stream.indirect.gather [hbm4b:s12+s15], $0x40, s22, s15, $0xb8;
	[tilespmem:$0x19000] =	vst v63  }
0x21c: {  	s22 =	sld [smem:$0x7FB]  }
0x21d: {  	[tilespmem:s20], [sflag:$0x3] =	stream.indirect.gather [hbm4b:s12+s15], $0x40, s0, s15, $0xb8;
	[tilespmem:$0x19000] =	vst v63  }
0x21e: {  	_ = 	snop  }
0x21f: {  	[tilespmem:s21], [sflag:$0x3] =	stream.indirect.gather [hbm4b:s12+s15], $0x40, s22, s15, $0xb8;
	[tilespmem:$0x19000] =	vst v63  }
0x220: {  	_ =	swait.ge [sflag:s14], $0x2000  }
0x221: {  	[sflag:s14] =	ssyncset.done $0x0  }
0x222: {  	[sflag:s14] =	ssyncadd.s32 $0xFFFFE000  }
0x223: {  	_ =	swait.ge [sflag:s14], $0x2000  }
0x224: {  	[sflag:s14] =	ssyncset.done $0x0  }
0x225: {  	[sflag:s14] =	ssyncadd.s32 $0xFFFFE000  }
0x226: {  	_ =	swait.ge [sflag:s14], $0x2000  }
0x227: {  	[sflag:s14] =	ssyncset.done $0x0  }
0x228: {  	[sflag:s14] =	ssyncadd.s32 $0xFFFFE000  }
0x229: {  	_ =	swait.ge [sflag:s14], $0x2000  }
0x22a: {  	[sflag:s14] =	ssyncset.done $0x0  }
0x22b: {  	[sflag:s14] =	ssyncadd.s32 $0xFFFFE000  }
0x22c: {  	_ =	swait.ge [sflag:s13], $0x2000  }
0x22d: {  	[sflag:s13] =	ssyncset.done $0x0  }
0x22e: {  	[sflag:s13] =	ssyncadd.s32 $0xFFFFE000  }
0x22f: {  	_ =	swait.ge [sflag:s13], $0x2000  }
0x230: {  	[sflag:s13] =	ssyncset.done $0x0  }
0x231: {  	[sflag:s13] =	ssyncadd.s32 $0xFFFFE000  }
0x232: {  	_ =	swait.ge [sflag:s13], $0x2000  }
0x233: {  	[sflag:s13] =	ssyncset.done $0x0  }
0x234: {  	[sflag:s13] =	ssyncadd.s32 $0xFFFFE000  }
0x235: {  	_ =	swait.ge [sflag:s13], $0x2000  }
0x236: {  	s0 =	rddreg [dreg:$0x1a];
	[sflag:s13] =	ssyncset.done $0x0  }
0x237: {  	s22 =	rddreg [dreg:$0x1b];
	[sflag:s13] =	ssyncadd.s32 $0xFFFFE000  }
0x238: {  	[hbm4b:s0+s2] =	stream.linear.scatter [tilespmem:s3], [sflag:$0x5], $0x2000, $0x38;
	[tilespmem:$0x19000] =	vst v63  }
0x239: {  	s0 =	rddreg [dreg:$0x1c]  }
0x23a: {  	[hbm4b:s22+s2] =	stream.linear.scatter [tilespmem:s4], [sflag:$0x5], $0x2000, $0x38;
	[tilespmem:$0x19000] =	vst v63  }
0x23b: {  	s22 =	rddreg [dreg:$0x1d]  }
0x23c: {  	[hbm4b:s0+s2] =	stream.linear.scatter [tilespmem:s5], [sflag:$0x5], $0x2000, $0x38;
	[tilespmem:$0x19000] =	vst v63  }
0x23d: {  	s0 =	sld [smem:$0x7FC]  }
0x23e: {  	[hbm4b:s22+s2] =	stream.linear.scatter [tilespmem:s6], [sflag:$0x5], $0x2000, $0x38;
	[tilespmem:$0x19000] =	vst v63  }
0x23f: {  	s22 =	sld [smem:$0x7FD]  }
0x240: {  	[tilespmem:s8], [sflag:$0x1] =	stream.indirect.gather [hbm4b:s12+s15], $0x40, s0, s15, $0xb8;
	[tilespmem:$0x19000] =	vst v63  }
0x241: {  	_ = 	snop  }
0x242: {  	[tilespmem:s9], [sflag:$0x1] =	stream.indirect.gather [hbm4b:s12+s15], $0x40, s22, s15, $0xb8;
	[tilespmem:$0x19000] =	vst v63  }
0x243: {  	_ = 	snop  }
0x244: {  	[tilespmem:s10], [sflag:$0x1] =	stream.indirect.gather [hbm4b:s12+s15], $0x40, s29, s15, $0xb8;
	[tilespmem:$0x19000] =	vst v63  }
0x245: {  	_ = 	snop  }
0x246: {  	[tilespmem:s11], [sflag:$0x1] =	stream.indirect.gather [hbm4b:s12+s15], $0x40, s23, s15, $0xb8;
	[tilespmem:$0x19000] =	vst v63  }
0x247: {  	_ =	swait.ge [sflag:s26], $0x2000  }
0x248: {  	[sflag:s26] =	ssyncset.done $0x0  }
0x249: {  	[sflag:s26] =	ssyncadd.s32 $0xFFFFE000  }
0x24a: {  	_ =	swait.ge [sflag:s26], $0x2000  }
0x24b: {  	[sflag:s26] =	ssyncset.done $0x0  }
0x24c: {  	[sflag:s26] =	ssyncadd.s32 $0xFFFFE000  }
0x24d: {  	_ =	swait.ge [sflag:s26], $0x2000  }
0x24e: {  	[sflag:s26] =	ssyncset.done $0x0  }
0x24f: {  	[sflag:s26] =	ssyncadd.s32 $0xFFFFE000  }
0x250: {  	_ =	swait.ge [sflag:s26], $0x2000  }
0x251: {  	[sflag:s26] =	ssyncset.done $0x0  }
0x252: {  	[sflag:s26] =	ssyncadd.s32 $0xFFFFE000  }
0x253: {  	_ =	swait.ge [sflag:s7], $0x2000  }
0x254: {  	[sflag:s7] =	ssyncset.done $0x0  }
0x255: {  	[sflag:s7] =	ssyncadd.s32 $0xFFFFE000  }
0x256: {  	_ =	swait.ge [sflag:s7], $0x2000  }
0x257: {  	[sflag:s7] =	ssyncset.done $0x0  }
0x258: {  	[sflag:s7] =	ssyncadd.s32 $0xFFFFE000  }
0x259: {  	_ =	swait.ge [sflag:s7], $0x2000  }
0x25a: {  	[sflag:s7] =	ssyncset.done $0x0  }
0x25b: {  	[sflag:s7] =	ssyncadd.s32 $0xFFFFE000  }
0x25c: {  	_ =	swait.ge [sflag:s7], $0x2000  }
0x25d: {  	s0 =	rddreg [dreg:$0x1e];
	[sflag:s7] =	ssyncset.done $0x0  }
0x25e: {  	s22 =	rddreg [dreg:$0x1f];
	[sflag:s7] =	ssyncadd.s32 $0xFFFFE000  }
0x25f: {  	[hbm4b:s0+s2] =	stream.linear.scatter [tilespmem:s18], [sflag:$0x6], $0x2000, $0x38;
	[tilespmem:$0x19000] =	vst v63  }
0x260: {  	s0 =	sld [smem:$0x7E4]  }
0x261: {  	[hbm4b:s22+s2] =	stream.linear.scatter [tilespmem:s19], [sflag:$0x6], $0x2000, $0x38;
	[tilespmem:$0x19000] =	vst v63  }
0x262: {  	s22 =	sld [smem:$0x7E5]  }
0x263: {  	[hbm4b:s0+s2] =	stream.linear.scatter [tilespmem:s20], [sflag:$0x6], $0x2000, $0x38;
	[tilespmem:$0x19000] =	vst v63  }
0x264: {  	_ = 	snop  }
0x265: {  	[hbm4b:s22+s2] =	stream.linear.scatter [tilespmem:s21], [sflag:$0x6], $0x2000, $0x38;
	[tilespmem:$0x19000] =	vst v63  }
0x266: {  	s22 =	simm.s32 $0xE00  }
0x267: {  	[tilespmem:s3], [sflag:$0x2] =	stream.indirect.gather [hbm4b:s12+s15], $0x40, s22, s15, $0xb8;
	[tilespmem:$0x19000] =	vst v63  }
0x268: {  	_ = 	snop  }
0x269: {  	[tilespmem:s4], [sflag:$0x2] =	stream.indirect.gather [hbm4b:s12+s15], $0x40, s24, s15, $0xb8;
	[tilespmem:$0x19000] =	vst v63  }
0x26a: {  	_ = 	snop  }
0x26b: {  	[tilespmem:s5], [sflag:$0x2] =	stream.indirect.gather [hbm4b:s12+s15], $0x40, s25, s15, $0xb8;
	[tilespmem:$0x19000] =	vst v63  }
0x26c: {  	_ = 	snop  }
0x26d: {  	[tilespmem:s6], [sflag:$0x2] =	stream.indirect.gather [hbm4b:s12+s15], $0x40, s28, s15, $0xb8;
	[tilespmem:$0x19000] =	vst v63  }
0x26e: {  	_ =	swait.ge [sflag:s16], $0x2000  }
0x26f: {  	[sflag:s16] =	ssyncset.done $0x0  }
0x270: {  	[sflag:s16] =	ssyncadd.s32 $0xFFFFE000  }
0x271: {  	_ =	swait.ge [sflag:s16], $0x2000  }
0x272: {  	[sflag:s16] =	ssyncset.done $0x0  }
0x273: {  	[sflag:s16] =	ssyncadd.s32 $0xFFFFE000  }
0x274: {  	_ =	swait.ge [sflag:s16], $0x2000  }
0x275: {  	[sflag:s16] =	ssyncset.done $0x0  }
0x276: {  	[sflag:s16] =	ssyncadd.s32 $0xFFFFE000  }
0x277: {  	_ =	swait.ge [sflag:s16], $0x2000  }
0x278: {  	[sflag:s16] =	ssyncset.done $0x0  }
0x279: {  	[sflag:s16] =	ssyncadd.s32 $0xFFFFE000  }
0x27a: {  	_ =	swait.ge [sflag:s17], $0x2000  }
0x27b: {  	[sflag:s17] =	ssyncset.done $0x0  }
0x27c: {  	[sflag:s17] =	ssyncadd.s32 $0xFFFFE000  }
0x27d: {  	_ =	swait.ge [sflag:s17], $0x2000  }
0x27e: {  	[sflag:s17] =	ssyncset.done $0x0  }
0x27f: {  	[sflag:s17] =	ssyncadd.s32 $0xFFFFE000  }
0x280: {  	_ =	swait.ge [sflag:s17], $0x2000  }
0x281: {  	[sflag:s17] =	ssyncset.done $0x0  }
0x282: {  	[sflag:s17] =	ssyncadd.s32 $0xFFFFE000  }
0x283: {  	_ =	swait.ge [sflag:s17], $0x2000  }
0x284: {  	[sflag:s17] =	ssyncset.done $0x0  }
0x285: {  	s0 =	rddreg [dreg:$0x6];
	[sflag:s17] =	ssyncadd.s32 $0xFFFFE000  }
0x286: {  	[hbm4b:s0+s2] =	stream.linear.scatter [tilespmem:s8], [sflag:$0x4], $0x2000, $0x38;
	[tilespmem:$0x19000] =	vst v63  }
0x287: {  	s22 =	rddreg [dreg:$0x7]  }
0x288: {  	[hbm4b:s22+s2] =	stream.linear.scatter [tilespmem:s9], [sflag:$0x4], $0x2000, $0x38;
	[tilespmem:$0x19000] =	vst v63  }
0x289: {  	s0 =	rddreg [dreg:$0x8]  }
0x28a: {  	[hbm4b:s0+s2] =	stream.linear.scatter [tilespmem:s10], [sflag:$0x4], $0x2000, $0x38;
	[tilespmem:$0x19000] =	vst v63  }
0x28b: {  	s22 =	rddreg [dreg:$0x9]  }
0x28c: {  	[hbm4b:s22+s2] =	stream.linear.scatter [tilespmem:s11], [sflag:$0x4], $0x2000, $0x38;
	[tilespmem:$0x19000] =	vst v63  }
0x28d: {  	_ =	swait.ge [sflag:s14], $0x2000  }
0x28e: {  	[sflag:s14] =	ssyncset.done $0x0  }
0x28f: {  	[sflag:s14] =	ssyncadd.s32 $0xFFFFE000  }
0x290: {  	_ =	swait.ge [sflag:s14], $0x2000  }
0x291: {  	[sflag:s14] =	ssyncset.done $0x0  }
0x292: {  	[sflag:s14] =	ssyncadd.s32 $0xFFFFE000  }
0x293: {  	_ =	swait.ge [sflag:s14], $0x2000  }
0x294: {  	[sflag:s14] =	ssyncset.done $0x0  }
0x295: {  	[sflag:s14] =	ssyncadd.s32 $0xFFFFE000  }
0x296: {  	_ =	swait.ge [sflag:s14], $0x2000  }
0x297: {  	[sflag:s14] =	ssyncset.done $0x0  }
0x298: {  	[sflag:s14] =	ssyncadd.s32 $0xFFFFE000  }
0x299: {  	_ =	swait.ge [sflag:s13], $0x2000  }
0x29a: {  	[sflag:s13] =	ssyncset.done $0x0  }
0x29b: {  	[sflag:s13] =	ssyncadd.s32 $0xFFFFE000  }
0x29c: {  	_ =	swait.ge [sflag:s13], $0x2000  }
0x29d: {  	[sflag:s13] =	ssyncset.done $0x0  }
0x29e: {  	[sflag:s13] =	ssyncadd.s32 $0xFFFFE000  }
0x29f: {  	_ =	swait.ge [sflag:s13], $0x2000  }
0x2a0: {  	[sflag:s13] =	ssyncset.done $0x0  }
0x2a1: {  	[sflag:s13] =	ssyncadd.s32 $0xFFFFE000  }
0x2a2: {  	_ =	swait.ge [sflag:s13], $0x2000  }
0x2a3: {  	[sflag:s13] =	ssyncset.done $0x0  }
0x2a4: {  	s0 =	rddreg [dreg:$0xa];
	[sflag:s13] =	ssyncadd.s32 $0xFFFFE000  }
0x2a5: {  	[hbm4b:s0+s2] =	stream.linear.scatter [tilespmem:s3], [sflag:$0x5], $0x2000, $0x38;
	[tilespmem:$0x19000] =	vst v63  }
0x2a6: {  	s22 =	rddreg [dreg:$0xb]  }
0x2a7: {  	[hbm4b:s22+s2] =	stream.linear.scatter [tilespmem:s4], [sflag:$0x5], $0x2000, $0x38;
	[tilespmem:$0x19000] =	vst v63  }
0x2a8: {  	s0 =	rddreg [dreg:$0xc]  }
0x2a9: {  	[hbm4b:s0+s2] =	stream.linear.scatter [tilespmem:s5], [sflag:$0x5], $0x2000, $0x38;
	[tilespmem:$0x19000] =	vst v63  }
0x2aa: {  	s22 =	rddreg [dreg:$0xd]  }
0x2ab: {  	[hbm4b:s22+s2] =	stream.linear.scatter [tilespmem:s6], [sflag:$0x5], $0x2000, $0x38;
	[tilespmem:$0x19000] =	vst v63  }
0x2ac: {  	_ =	swait.ge [sflag:s7], $0x2000  }
0x2ad: {  	[sflag:s7] =	ssyncset.done $0x0  }
0x2ae: {  	[sflag:s7] =	ssyncadd.s32 $0xFFFFE000  }
0x2af: {  	_ =	swait.ge [sflag:s7], $0x2000  }
0x2b0: {  	[sflag:s7] =	ssyncset.done $0x0  }
0x2b1: {  	p1 =	sne.s32 s1, $0x1;
	[sflag:s7] =	ssyncadd.s32 $0xFFFFE000  }
.Ltmp2:
0x2b2: {  	_ =	swait.ge [sflag:s7], $0x2000;
	(pc) =	sbr.rel @p1 .LBB2_4-.Ltmp2, $4  }
0x2b3: {  	[sflag:s7] =	ssyncset.done $0x0  }
0x2b4: {  	[sflag:s7] =	ssyncadd.s32 $0xFFFFE000  }
0x2b5: {  	_ =	swait.ge [sflag:s7], $0x2000  }
0x2b6: {  	s1 =	sadd.s32 $0xFFFFFFFF, s1;
	s0 =	rddreg [dreg:$0x2];
	[sflag:s7] =	ssyncset.done $0x0  }
0x2b7: {  	s28 =	simm.s32 $0xD80;
	s29 =	simm.s32 $0xD00;
	s25 =	simm.s32 $0xF00  }
0x2b8: {  	s24 =	simm.s32 $0xE80;
	s23 =	simm.s32 $0xE00;
	s22 =	stileid.u32  }
.LBB2_6:
0x2b9: {  	[sflag:s7] =	ssyncadd.s32 @p0 $0xFFFFE000  }
0x2ba: {  	[tilespmem:s2], [sflag:$0x7] =	stream.linear.gather [hbm4b:s0+s2], $0x1000, $0x38;
	[tilespmem:$0x19000] =	vst v63  }
0x2bb: {  	_ =	swait.ge [sflag:s31], $0x1000  }
0x2bc: {  	[sflag:s31] =	ssyncset.done $0x0  }
0x2bd: {  	[sflag:s31] =	ssyncadd.s32 $0xFFFFF000  }
0x2be: {  	[tilespmem:s8], [sflag:$0x1] =	stream.indirect.gather [hbm4b:s12+s15], $0x40, s2, s15, $0xb8;
	[tilespmem:$0x19000] =	vst v63  }
0x2bf: {  	s31 =	sld [smem:$0x7E6]  }
0x2c0: {  	[tilespmem:s9], [sflag:$0x1] =	stream.indirect.gather [hbm4b:s12+s15], $0x40, s15, s15, $0xb8;
	[tilespmem:$0x19000] =	vst v63  }
0x2c1: {  	s1 =	sld [smem:$0x7E7]  }
0x2c2: {  	[tilespmem:s10], [sflag:$0x1] =	stream.indirect.gather [hbm4b:s12+s15], $0x40, s31, s15, $0xb8;
	[tilespmem:$0x19000] =	vst v63  }
0x2c3: {  	s0 =	sld [smem:$0x7E8]  }
0x2c4: {  	[tilespmem:s11], [sflag:$0x1] =	stream.indirect.gather [hbm4b:s12+s15], $0x40, s1, s15, $0xb8;
	[tilespmem:$0x19000] =	vst v63  }
0x2c5: {  	s31 =	sld [smem:$0x7E9]  }
0x2c6: {  	[tilespmem:s3], [sflag:$0x2] =	stream.indirect.gather [hbm4b:s12+s15], $0x40, s0, s15, $0xb8;
	[tilespmem:$0x19000] =	vst v63  }
0x2c7: {  	s0 =	sld [smem:$0x7EA]  }
0x2c8: {  	[tilespmem:s4], [sflag:$0x2] =	stream.indirect.gather [hbm4b:s12+s15], $0x40, s31, s15, $0xb8;
	[tilespmem:$0x19000] =	vst v63  }
0x2c9: {  	s31 =	sld [smem:$0x7EB]  }
0x2ca: {  	[tilespmem:s5], [sflag:$0x2] =	stream.indirect.gather [hbm4b:s12+s15], $0x40, s0, s15, $0xb8;
	[tilespmem:$0x19000] =	vst v63  }
0x2cb: {  	_ = 	snop  }
0x2cc: {  	[tilespmem:s6], [sflag:$0x2] =	stream.indirect.gather [hbm4b:s12+s15], $0x40, s31, s15, $0xb8;
	[tilespmem:$0x19000] =	vst v63  }
0x2cd: {  	_ =	swait.ge [sflag:s16], $0x2000  }
0x2ce: {  	[sflag:s16] =	ssyncset.done $0x0  }
0x2cf: {  	[sflag:s16] =	ssyncadd.s32 $0xFFFFE000  }
0x2d0: {  	_ =	swait.ge [sflag:s16], $0x2000  }
0x2d1: {  	[sflag:s16] =	ssyncset.done $0x0  }
0x2d2: {  	[sflag:s16] =	ssyncadd.s32 $0xFFFFE000  }
0x2d3: {  	_ =	swait.ge [sflag:s16], $0x2000  }
0x2d4: {  	[sflag:s16] =	ssyncset.done $0x0  }
0x2d5: {  	[sflag:s16] =	ssyncadd.s32 $0xFFFFE000  }
0x2d6: {  	_ =	swait.ge [sflag:s16], $0x2000  }
0x2d7: {  	[sflag:s16] =	ssyncset.done $0x0  }
0x2d8: {  	s1 =	rddreg [dreg:$0x3];
	[sflag:s16] =	ssyncadd.s32 $0xFFFFE000  }
0x2d9: {  	[hbm4b:s30+s2] =	stream.linear.scatter [tilespmem:s8], [sflag:$0x4], $0x2000, $0x38;
	[tilespmem:$0x19000] =	vst v63  }
0x2da: {  	s31 =	rddreg [dreg:$0x5]  }
0x2db: {  	[hbm4b:s1+s2] =	stream.linear.scatter [tilespmem:s9], [sflag:$0x4], $0x2000, $0x38;
	[tilespmem:$0x19000] =	vst v63  }
0x2dc: {  	s30 =	rddreg [dreg:$0x4]  }
0x2dd: {  	[hbm4b:s30+s2] =	stream.linear.scatter [tilespmem:s10], [sflag:$0x4], $0x2000, $0x38;
	[tilespmem:$0x19000] =	vst v63  }
0x2de: {  	s30 =	sld [smem:$0x7EC]  }
0x2df: {  	[hbm4b:s31+s2] =	stream.linear.scatter [tilespmem:s11], [sflag:$0x4], $0x2000, $0x38;
	[tilespmem:$0x19000] =	vst v63  }
0x2e0: {  	s31 =	sld [smem:$0x7ED]  }
0x2e1: {  	[tilespmem:s18], [sflag:$0x3] =	stream.indirect.gather [hbm4b:s12+s15], $0x40, s30, s15, $0xb8;
	[tilespmem:$0x19000] =	vst v63  }
0x2e2: {  	s30 =	sld [smem:$0x7EE]  }
0x2e3: {  	[tilespmem:s19], [sflag:$0x3] =	stream.indirect.gather [hbm4b:s12+s15], $0x40, s31, s15, $0xb8;
	[tilespmem:$0x19000] =	vst v63  }
0x2e4: {  	s31 =	sld [smem:$0x7EF]  }
0x2e5: {  	[tilespmem:s20], [sflag:$0x3] =	stream.indirect.gather [hbm4b:s12+s15], $0x40, s30, s15, $0xb8;
	[tilespmem:$0x19000] =	vst v63  }
0x2e6: {  	_ = 	snop  }
0x2e7: {  	[tilespmem:s21], [sflag:$0x3] =	stream.indirect.gather [hbm4b:s12+s15], $0x40, s31, s15, $0xb8;
	[tilespmem:$0x19000] =	vst v63  }
0x2e8: {  	_ =	swait.ge [sflag:s14], $0x2000  }
0x2e9: {  	[sflag:s14] =	ssyncset.done $0x0  }
0x2ea: {  	[sflag:s14] =	ssyncadd.s32 $0xFFFFE000  }
0x2eb: {  	_ =	swait.ge [sflag:s14], $0x2000  }
0x2ec: {  	[sflag:s14] =	ssyncset.done $0x0  }
0x2ed: {  	[sflag:s14] =	ssyncadd.s32 $0xFFFFE000  }
0x2ee: {  	_ =	swait.ge [sflag:s14], $0x2000  }
0x2ef: {  	[sflag:s14] =	ssyncset.done $0x0  }
0x2f0: {  	[sflag:s14] =	ssyncadd.s32 $0xFFFFE000  }
0x2f1: {  	_ =	swait.ge [sflag:s14], $0x2000  }
0x2f2: {  	[sflag:s14] =	ssyncset.done $0x0  }
0x2f3: {  	[sflag:s14] =	ssyncadd.s32 $0xFFFFE000  }
0x2f4: {  	_ =	swait.ge [sflag:s13], $0x2000  }
0x2f5: {  	[sflag:s13] =	ssyncset.done $0x0  }
0x2f6: {  	[sflag:s13] =	ssyncadd.s32 $0xFFFFE000  }
0x2f7: {  	_ =	swait.ge [sflag:s13], $0x2000  }
0x2f8: {  	[sflag:s13] =	ssyncset.done $0x0  }
0x2f9: {  	[sflag:s13] =	ssyncadd.s32 $0xFFFFE000  }
0x2fa: {  	_ =	swait.ge [sflag:s13], $0x2000  }
0x2fb: {  	[sflag:s13] =	ssyncset.done $0x0  }
0x2fc: {  	[sflag:s13] =	ssyncadd.s32 $0xFFFFE000  }
0x2fd: {  	_ =	swait.ge [sflag:s13], $0x2000  }
0x2fe: {  	s30 =	rddreg [dreg:$0xe];
	[sflag:s13] =	ssyncset.done $0x0  }
0x2ff: {  	s31 =	rddreg [dreg:$0xf];
	[sflag:s13] =	ssyncadd.s32 $0xFFFFE000  }
0x300: {  	[hbm4b:s30+s2] =	stream.linear.scatter [tilespmem:s3], [sflag:$0x5], $0x2000, $0x38;
	[tilespmem:$0x19000] =	vst v63  }
0x301: {  	s30 =	rddreg [dreg:$0x10]  }
0x302: {  	[hbm4b:s31+s2] =	stream.linear.scatter [tilespmem:s4], [sflag:$0x5], $0x2000, $0x38;
	[tilespmem:$0x19000] =	vst v63  }
0x303: {  	s31 =	rddreg [dreg:$0x11]  }
0x304: {  	[hbm4b:s30+s2] =	stream.linear.scatter [tilespmem:s5], [sflag:$0x5], $0x2000, $0x38;
	[tilespmem:$0x19000] =	vst v63  }
0x305: {  	s30 =	sld [smem:$0x7F0]  }
0x306: {  	[hbm4b:s31+s2] =	stream.linear.scatter [tilespmem:s6], [sflag:$0x5], $0x2000, $0x38;
	[tilespmem:$0x19000] =	vst v63  }
0x307: {  	s31 =	sld [smem:$0x7F1]  }
0x308: {  	[tilespmem:s8], [sflag:$0x1] =	stream.indirect.gather [hbm4b:s12+s15], $0x40, s30, s15, $0xb8;
	[tilespmem:$0x19000] =	vst v63  }
0x309: {  	s30 =	sld [smem:$0x7F2]  }
0x30a: {  	[tilespmem:s9], [sflag:$0x1] =	stream.indirect.gather [hbm4b:s12+s15], $0x40, s31, s15, $0xb8;
	[tilespmem:$0x19000] =	vst v63  }
0x30b: {  	s31 =	sld [smem:$0x7F3]  }
0x30c: {  	[tilespmem:s10], [sflag:$0x1] =	stream.indirect.gather [hbm4b:s12+s15], $0x40, s30, s15, $0xb8;
	[tilespmem:$0x19000] =	vst v63  }
0x30d: {  	_ = 	snop  }
0x30e: {  	[tilespmem:s11], [sflag:$0x1] =	stream.indirect.gather [hbm4b:s12+s15], $0x40, s31, s15, $0xb8;
	[tilespmem:$0x19000] =	vst v63  }
0x30f: {  	_ =	swait.ge [sflag:s26], $0x2000  }
0x310: {  	[sflag:s26] =	ssyncset.done $0x0  }
0x311: {  	[sflag:s26] =	ssyncadd.s32 $0xFFFFE000  }
0x312: {  	_ =	swait.ge [sflag:s26], $0x2000  }
0x313: {  	[sflag:s26] =	ssyncset.done $0x0  }
0x314: {  	[sflag:s26] =	ssyncadd.s32 $0xFFFFE000  }
0x315: {  	_ =	swait.ge [sflag:s26], $0x2000  }
0x316: {  	[sflag:s26] =	ssyncset.done $0x0  }
0x317: {  	[sflag:s26] =	ssyncadd.s32 $0xFFFFE000  }
0x318: {  	_ =	swait.ge [sflag:s26], $0x2000  }
0x319: {  	[sflag:s26] =	ssyncset.done $0x0  }
0x31a: {  	[sflag:s26] =	ssyncadd.s32 $0xFFFFE000  }
0x31b: {  	_ =	swait.ge [sflag:s7], $0x2000  }
0x31c: {  	[sflag:s7] =	ssyncset.done $0x0  }
0x31d: {  	[sflag:s7] =	ssyncadd.s32 $0xFFFFE000  }
0x31e: {  	_ =	swait.ge [sflag:s7], $0x2000  }
0x31f: {  	[sflag:s7] =	ssyncset.done $0x0  }
0x320: {  	[sflag:s7] =	ssyncadd.s32 $0xFFFFE000  }
0x321: {  	_ =	swait.ge [sflag:s7], $0x2000  }
0x322: {  	[sflag:s7] =	ssyncset.done $0x0  }
0x323: {  	[sflag:s7] =	ssyncadd.s32 $0xFFFFE000  }
0x324: {  	_ =	swait.ge [sflag:s7], $0x2000  }
0x325: {  	s30 =	rddreg [dreg:$0x12];
	[sflag:s7] =	ssyncset.done $0x0  }
0x326: {  	s31 =	rddreg [dreg:$0x13];
	[sflag:s7] =	ssyncadd.s32 $0xFFFFE000  }
0x327: {  	[hbm4b:s30+s2] =	stream.linear.scatter [tilespmem:s18], [sflag:$0x6], $0x2000, $0x38;
	[tilespmem:$0x19000] =	vst v63  }
0x328: {  	s30 =	rddreg [dreg:$0x14]  }
0x329: {  	[hbm4b:s31+s2] =	stream.linear.scatter [tilespmem:s19], [sflag:$0x6], $0x2000, $0x38;
	[tilespmem:$0x19000] =	vst v63  }
0x32a: {  	s31 =	rddreg [dreg:$0x15]  }
0x32b: {  	[hbm4b:s30+s2] =	stream.linear.scatter [tilespmem:s20], [sflag:$0x6], $0x2000, $0x38;
	[tilespmem:$0x19000] =	vst v63  }
0x32c: {  	s30 =	sld [smem:$0x7F4]  }
0x32d: {  	[hbm4b:s31+s2] =	stream.linear.scatter [tilespmem:s21], [sflag:$0x6], $0x2000, $0x38;
	[tilespmem:$0x19000] =	vst v63  }
0x32e: {  	s31 =	sld [smem:$0x7F5]  }
0x32f: {  	[tilespmem:s3], [sflag:$0x2] =	stream.indirect.gather [hbm4b:s12+s15], $0x40, s30, s15, $0xb8;
	[tilespmem:$0x19000] =	vst v63  }
0x330: {  	s30 =	sld [smem:$0x7F6]  }
0x331: {  	[tilespmem:s4], [sflag:$0x2] =	stream.indirect.gather [hbm4b:s12+s15], $0x40, s31, s15, $0xb8;
	[tilespmem:$0x19000] =	vst v63  }
0x332: {  	s31 =	sld [smem:$0x7F7]  }
0x333: {  	[tilespmem:s5], [sflag:$0x2] =	stream.indirect.gather [hbm4b:s12+s15], $0x40, s30, s15, $0xb8;
	[tilespmem:$0x19000] =	vst v63  }
0x334: {  	_ = 	snop  }
0x335: {  	[tilespmem:s6], [sflag:$0x2] =	stream.indirect.gather [hbm4b:s12+s15], $0x40, s31, s15, $0xb8;
	[tilespmem:$0x19000] =	vst v63  }
0x336: {  	_ =	swait.ge [sflag:s16], $0x2000  }
0x337: {  	[sflag:s16] =	ssyncset.done $0x0  }
0x338: {  	[sflag:s16] =	ssyncadd.s32 $0xFFFFE000  }
0x339: {  	_ =	swait.ge [sflag:s16], $0x2000  }
0x33a: {  	[sflag:s16] =	ssyncset.done $0x0  }
0x33b: {  	[sflag:s16] =	ssyncadd.s32 $0xFFFFE000  }
0x33c: {  	_ =	swait.ge [sflag:s16], $0x2000  }
0x33d: {  	[sflag:s16] =	ssyncset.done $0x0  }
0x33e: {  	[sflag:s16] =	ssyncadd.s32 $0xFFFFE000  }
0x33f: {  	_ =	swait.ge [sflag:s16], $0x2000  }
0x340: {  	[sflag:s16] =	ssyncset.done $0x0  }
0x341: {  	[sflag:s16] =	ssyncadd.s32 $0xFFFFE000  }
0x342: {  	_ =	swait.ge [sflag:s17], $0x2000  }
0x343: {  	[sflag:s17] =	ssyncset.done $0x0  }
0x344: {  	[sflag:s17] =	ssyncadd.s32 $0xFFFFE000  }
0x345: {  	_ =	swait.ge [sflag:s17], $0x2000  }
0x346: {  	[sflag:s17] =	ssyncset.done $0x0  }
0x347: {  	[sflag:s17] =	ssyncadd.s32 $0xFFFFE000  }
0x348: {  	_ =	swait.ge [sflag:s17], $0x2000  }
0x349: {  	[sflag:s17] =	ssyncset.done $0x0  }
0x34a: {  	[sflag:s17] =	ssyncadd.s32 $0xFFFFE000  }
0x34b: {  	_ =	swait.ge [sflag:s17], $0x2000  }
0x34c: {  	s30 =	rddreg [dreg:$0x16];
	[sflag:s17] =	ssyncset.done $0x0  }
0x34d: {  	s31 =	rddreg [dreg:$0x17];
	[sflag:s17] =	ssyncadd.s32 $0xFFFFE000  }
0x34e: {  	[hbm4b:s30+s2] =	stream.linear.scatter [tilespmem:s8], [sflag:$0x4], $0x2000, $0x38;
	[tilespmem:$0x19000] =	vst v63  }
0x34f: {  	s30 =	rddreg [dreg:$0x18]  }
0x350: {  	[hbm4b:s31+s2] =	stream.linear.scatter [tilespmem:s9], [sflag:$0x4], $0x2000, $0x38;
	[tilespmem:$0x19000] =	vst v63  }
0x351: {  	s31 =	rddreg [dreg:$0x19]  }
0x352: {  	[hbm4b:s30+s2] =	stream.linear.scatter [tilespmem:s10], [sflag:$0x4], $0x2000, $0x38;
	[tilespmem:$0x19000] =	vst v63  }
0x353: {  	s30 =	sld [smem:$0x7F8]  }
0x354: {  	[hbm4b:s31+s2] =	stream.linear.scatter [tilespmem:s11], [sflag:$0x4], $0x2000, $0x38;
	[tilespmem:$0x19000] =	vst v63  }
0x355: {  	s31 =	sld [smem:$0x7F9]  }
0x356: {  	[tilespmem:s18], [sflag:$0x3] =	stream.indirect.gather [hbm4b:s12+s15], $0x40, s30, s15, $0xb8;
	[tilespmem:$0x19000] =	vst v63  }
0x357: {  	s30 =	sld [smem:$0x7FA]  }
0x358: {  	[tilespmem:s19], [sflag:$0x3] =	stream.indirect.gather [hbm4b:s12+s15], $0x40, s31, s15, $0xb8;
	[tilespmem:$0x19000] =	vst v63  }
0x359: {  	s31 =	sld [smem:$0x7FB]  }
0x35a: {  	[tilespmem:s20], [sflag:$0x3] =	stream.indirect.gather [hbm4b:s12+s15], $0x40, s30, s15, $0xb8;
	[tilespmem:$0x19000] =	vst v63  }
0x35b: {  	_ = 	snop  }
0x35c: {  	[tilespmem:s21], [sflag:$0x3] =	stream.indirect.gather [hbm4b:s12+s15], $0x40, s31, s15, $0xb8;
	[tilespmem:$0x19000] =	vst v63  }
0x35d: {  	_ =	swait.ge [sflag:s14], $0x2000  }
0x35e: {  	[sflag:s14] =	ssyncset.done $0x0  }
0x35f: {  	[sflag:s14] =	ssyncadd.s32 $0xFFFFE000  }
0x360: {  	_ =	swait.ge [sflag:s14], $0x2000  }
0x361: {  	[sflag:s14] =	ssyncset.done $0x0  }
0x362: {  	[sflag:s14] =	ssyncadd.s32 $0xFFFFE000  }
0x363: {  	_ =	swait.ge [sflag:s14], $0x2000  }
0x364: {  	[sflag:s14] =	ssyncset.done $0x0  }
0x365: {  	[sflag:s14] =	ssyncadd.s32 $0xFFFFE000  }
0x366: {  	_ =	swait.ge [sflag:s14], $0x2000  }
0x367: {  	[sflag:s14] =	ssyncset.done $0x0  }
0x368: {  	[sflag:s14] =	ssyncadd.s32 $0xFFFFE000  }
0x369: {  	_ =	swait.ge [sflag:s13], $0x2000  }
0x36a: {  	[sflag:s13] =	ssyncset.done $0x0  }
0x36b: {  	[sflag:s13] =	ssyncadd.s32 $0xFFFFE000  }
0x36c: {  	_ =	swait.ge [sflag:s13], $0x2000  }
0x36d: {  	[sflag:s13] =	ssyncset.done $0x0  }
0x36e: {  	[sflag:s13] =	ssyncadd.s32 $0xFFFFE000  }
0x36f: {  	_ =	swait.ge [sflag:s13], $0x2000  }
0x370: {  	[sflag:s13] =	ssyncset.done $0x0  }
0x371: {  	[sflag:s13] =	ssyncadd.s32 $0xFFFFE000  }
0x372: {  	_ =	swait.ge [sflag:s13], $0x2000  }
0x373: {  	s30 =	rddreg [dreg:$0x1a];
	[sflag:s13] =	ssyncset.done $0x0  }
0x374: {  	s31 =	rddreg [dreg:$0x1b];
	[sflag:s13] =	ssyncadd.s32 $0xFFFFE000  }
0x375: {  	[hbm4b:s30+s2] =	stream.linear.scatter [tilespmem:s3], [sflag:$0x5], $0x2000, $0x38;
	[tilespmem:$0x19000] =	vst v63  }
0x376: {  	s30 =	rddreg [dreg:$0x1c]  }
0x377: {  	[hbm4b:s31+s2] =	stream.linear.scatter [tilespmem:s4], [sflag:$0x5], $0x2000, $0x38;
	[tilespmem:$0x19000] =	vst v63  }
0x378: {  	s31 =	rddreg [dreg:$0x1d]  }
0x379: {  	[hbm4b:s30+s2] =	stream.linear.scatter [tilespmem:s5], [sflag:$0x5], $0x2000, $0x38;
	[tilespmem:$0x19000] =	vst v63  }
0x37a: {  	s30 =	sld [smem:$0x7FC]  }
0x37b: {  	[hbm4b:s31+s2] =	stream.linear.scatter [tilespmem:s6], [sflag:$0x5], $0x2000, $0x38;
	[tilespmem:$0x19000] =	vst v63  }
0x37c: {  	s31 =	sld [smem:$0x7FD]  }
0x37d: {  	[tilespmem:s8], [sflag:$0x1] =	stream.indirect.gather [hbm4b:s12+s15], $0x40, s30, s15, $0xb8;
	[tilespmem:$0x19000] =	vst v63  }
0x37e: {  	_ = 	snop  }
0x37f: {  	[tilespmem:s9], [sflag:$0x1] =	stream.indirect.gather [hbm4b:s12+s15], $0x40, s31, s15, $0xb8;
	[tilespmem:$0x19000] =	vst v63  }
0x380: {  	_ = 	snop  }
0x381: {  	[tilespmem:s10], [sflag:$0x1] =	stream.indirect.gather [hbm4b:s12+s15], $0x40, s29, s15, $0xb8;
	[tilespmem:$0x19000] =	vst v63  }
0x382: {  	_ = 	snop  }
0x383: {  	[tilespmem:s11], [sflag:$0x1] =	stream.indirect.gather [hbm4b:s12+s15], $0x40, s28, s15, $0xb8;
	[tilespmem:$0x19000] =	vst v63  }
0x384: {  	_ =	swait.ge [sflag:s26], $0x2000  }
0x385: {  	[sflag:s26] =	ssyncset.done $0x0  }
0x386: {  	[sflag:s26] =	ssyncadd.s32 $0xFFFFE000  }
0x387: {  	_ =	swait.ge [sflag:s26], $0x2000  }
0x388: {  	[sflag:s26] =	ssyncset.done $0x0  }
0x389: {  	[sflag:s26] =	ssyncadd.s32 $0xFFFFE000  }
0x38a: {  	_ =	swait.ge [sflag:s26], $0x2000  }
0x38b: {  	[sflag:s26] =	ssyncset.done $0x0  }
0x38c: {  	[sflag:s26] =	ssyncadd.s32 $0xFFFFE000  }
0x38d: {  	_ =	swait.ge [sflag:s26], $0x2000  }
0x38e: {  	[sflag:s26] =	ssyncset.done $0x0  }
0x38f: {  	[sflag:s26] =	ssyncadd.s32 $0xFFFFE000  }
0x390: {  	_ =	swait.ge [sflag:s7], $0x2000  }
0x391: {  	[sflag:s7] =	ssyncset.done $0x0  }
0x392: {  	[sflag:s7] =	ssyncadd.s32 $0xFFFFE000  }
0x393: {  	_ =	swait.ge [sflag:s7], $0x2000  }
0x394: {  	[sflag:s7] =	ssyncset.done $0x0  }
0x395: {  	[sflag:s7] =	ssyncadd.s32 $0xFFFFE000  }
0x396: {  	_ =	swait.ge [sflag:s7], $0x2000  }
0x397: {  	[sflag:s7] =	ssyncset.done $0x0  }
0x398: {  	[sflag:s7] =	ssyncadd.s32 $0xFFFFE000  }
0x399: {  	_ =	swait.ge [sflag:s7], $0x2000  }
0x39a: {  	s30 =	rddreg [dreg:$0x1e];
	[sflag:s7] =	ssyncset.done $0x0  }
0x39b: {  	s31 =	rddreg [dreg:$0x1f];
	[sflag:s7] =	ssyncadd.s32 $0xFFFFE000  }
0x39c: {  	[hbm4b:s30+s2] =	stream.linear.scatter [tilespmem:s18], [sflag:$0x6], $0x2000, $0x38;
	[tilespmem:$0x19000] =	vst v63  }
0x39d: {  	s18 =	sld [smem:$0x7E4]  }
0x39e: {  	[hbm4b:s31+s2] =	stream.linear.scatter [tilespmem:s19], [sflag:$0x6], $0x2000, $0x38;
	[tilespmem:$0x19000] =	vst v63  }
0x39f: {  	s19 =	sld [smem:$0x7E5]  }
0x3a0: {  	[hbm4b:s18+s2] =	stream.linear.scatter [tilespmem:s20], [sflag:$0x6], $0x2000, $0x38;
	[tilespmem:$0x19000] =	vst v63  }
0x3a1: {  	_ = 	snop  }
0x3a2: {  	[hbm4b:s19+s2] =	stream.linear.scatter [tilespmem:s21], [sflag:$0x6], $0x2000, $0x38;
	[tilespmem:$0x19000] =	vst v63  }
0x3a3: {  	_ = 	snop  }
0x3a4: {  	[tilespmem:s3], [sflag:$0x2] =	stream.indirect.gather [hbm4b:s12+s15], $0x40, s23, s15, $0xb8;
	[tilespmem:$0x19000] =	vst v63  }
0x3a5: {  	_ = 	snop  }
0x3a6: {  	[tilespmem:s4], [sflag:$0x2] =	stream.indirect.gather [hbm4b:s12+s15], $0x40, s24, s15, $0xb8;
	[tilespmem:$0x19000] =	vst v63  }
0x3a7: {  	_ = 	snop  }
0x3a8: {  	[tilespmem:s5], [sflag:$0x2] =	stream.indirect.gather [hbm4b:s12+s15], $0x40, s25, s15, $0xb8;
	[tilespmem:$0x19000] =	vst v63  }
0x3a9: {  	s21 =	simm.s32 $0xF80  }
0x3aa: {  	[tilespmem:s6], [sflag:$0x2] =	stream.indirect.gather [hbm4b:s12+s15], $0x40, s21, s15, $0xb8;
	[tilespmem:$0x19000] =	vst v63  }
0x3ab: {  	_ =	swait.ge [sflag:s16], $0x2000  }
0x3ac: {  	[sflag:s16] =	ssyncset.done $0x0  }
0x3ad: {  	[sflag:s16] =	ssyncadd.s32 $0xFFFFE000  }
0x3ae: {  	_ =	swait.ge [sflag:s16], $0x2000  }
0x3af: {  	[sflag:s16] =	ssyncset.done $0x0  }
0x3b0: {  	[sflag:s16] =	ssyncadd.s32 $0xFFFFE000  }
0x3b1: {  	_ =	swait.ge [sflag:s16], $0x2000  }
0x3b2: {  	[sflag:s16] =	ssyncset.done $0x0  }
0x3b3: {  	[sflag:s16] =	ssyncadd.s32 $0xFFFFE000  }
0x3b4: {  	_ =	swait.ge [sflag:s16], $0x2000  }
0x3b5: {  	[sflag:s16] =	ssyncset.done $0x0  }
0x3b6: {  	[sflag:s16] =	ssyncadd.s32 $0xFFFFE000  }
0x3b7: {  	_ =	swait.ge [sflag:s17], $0x2000  }
0x3b8: {  	[sflag:s17] =	ssyncset.done $0x0  }
0x3b9: {  	[sflag:s17] =	ssyncadd.s32 $0xFFFFE000  }
0x3ba: {  	_ =	swait.ge [sflag:s17], $0x2000  }
0x3bb: {  	[sflag:s17] =	ssyncset.done $0x0  }
0x3bc: {  	[sflag:s17] =	ssyncadd.s32 $0xFFFFE000  }
0x3bd: {  	_ =	swait.ge [sflag:s17], $0x2000  }
0x3be: {  	[sflag:s17] =	ssyncset.done $0x0  }
0x3bf: {  	[sflag:s17] =	ssyncadd.s32 $0xFFFFE000  }
0x3c0: {  	_ =	swait.ge [sflag:s17], $0x2000  }
0x3c1: {  	[sflag:s17] =	ssyncset.done $0x0  }
0x3c2: {  	s23 =	rddreg [dreg:$0x6];
	[sflag:s17] =	ssyncadd.s32 $0xFFFFE000  }
0x3c3: {  	[hbm4b:s23+s2] =	stream.linear.scatter [tilespmem:s8], [sflag:$0x4], $0x2000, $0x38;
	[tilespmem:$0x19000] =	vst v63  }
0x3c4: {  	s24 =	rddreg [dreg:$0x7]  }
0x3c5: {  	[hbm4b:s24+s2] =	stream.linear.scatter [tilespmem:s9], [sflag:$0x4], $0x2000, $0x38;
	[tilespmem:$0x19000] =	vst v63  }
0x3c6: {  	s25 =	rddreg [dreg:$0x8]  }
0x3c7: {  	[hbm4b:s25+s2] =	stream.linear.scatter [tilespmem:s10], [sflag:$0x4], $0x2000, $0x38;
	[tilespmem:$0x19000] =	vst v63  }
0x3c8: {  	s26 =	rddreg [dreg:$0x9]  }
0x3c9: {  	[hbm4b:s26+s2] =	stream.linear.scatter [tilespmem:s11], [sflag:$0x4], $0x2000, $0x38;
	[tilespmem:$0x19000] =	vst v63  }
0x3ca: {  	_ =	swait.ge [sflag:s14], $0x2000  }
0x3cb: {  	[sflag:s14] =	ssyncset.done $0x0  }
0x3cc: {  	[sflag:s14] =	ssyncadd.s32 $0xFFFFE000  }
0x3cd: {  	_ =	swait.ge [sflag:s14], $0x2000  }
0x3ce: {  	[sflag:s14] =	ssyncset.done $0x0  }
0x3cf: {  	[sflag:s14] =	ssyncadd.s32 $0xFFFFE000  }
0x3d0: {  	_ =	swait.ge [sflag:s14], $0x2000  }
0x3d1: {  	[sflag:s14] =	ssyncset.done $0x0  }
0x3d2: {  	[sflag:s14] =	ssyncadd.s32 $0xFFFFE000  }
0x3d3: {  	_ =	swait.ge [sflag:s14], $0x2000  }
0x3d4: {  	[sflag:s14] =	ssyncset.done $0x0  }
0x3d5: {  	[sflag:s14] =	ssyncadd.s32 $0xFFFFE000  }
0x3d6: {  	_ =	swait.ge [sflag:s13], $0x2000  }
0x3d7: {  	[sflag:s13] =	ssyncset.done $0x0  }
0x3d8: {  	[sflag:s13] =	ssyncadd.s32 $0xFFFFE000  }
0x3d9: {  	_ =	swait.ge [sflag:s13], $0x2000  }
0x3da: {  	[sflag:s13] =	ssyncset.done $0x0  }
0x3db: {  	[sflag:s13] =	ssyncadd.s32 $0xFFFFE000  }
0x3dc: {  	_ =	swait.ge [sflag:s13], $0x2000  }
0x3dd: {  	[sflag:s13] =	ssyncset.done $0x0  }
0x3de: {  	[sflag:s13] =	ssyncadd.s32 $0xFFFFE000  }
0x3df: {  	_ =	swait.ge [sflag:s13], $0x2000  }
0x3e0: {  	[sflag:s13] =	ssyncset.done $0x0  }
0x3e1: {  	s28 =	rddreg [dreg:$0xa];
	[sflag:s13] =	ssyncadd.s32 $0xFFFFE000  }
0x3e2: {  	[hbm4b:s28+s2] =	stream.linear.scatter [tilespmem:s3], [sflag:$0x5], $0x2000, $0x38;
	[tilespmem:$0x19000] =	vst v63  }
0x3e3: {  	s29 =	rddreg [dreg:$0xb]  }
0x3e4: {  	[hbm4b:s29+s2] =	stream.linear.scatter [tilespmem:s4], [sflag:$0x5], $0x2000, $0x38;
	[tilespmem:$0x19000] =	vst v63  }
0x3e5: {  	s30 =	rddreg [dreg:$0xc]  }
0x3e6: {  	[hbm4b:s30+s2] =	stream.linear.scatter [tilespmem:s5], [sflag:$0x5], $0x2000, $0x38;
	[tilespmem:$0x19000] =	vst v63  }
0x3e7: {  	s31 =	rddreg [dreg:$0xd]  }
0x3e8: {  	[hbm4b:s31+s2] =	stream.linear.scatter [tilespmem:s6], [sflag:$0x5], $0x2000, $0x38;
	[tilespmem:$0x19000] =	vst v63  }
0x3e9: {  	_ =	swait.ge [sflag:s7], $0x2000  }
0x3ea: {  	[sflag:s7] =	ssyncset.done $0x0  }
0x3eb: {  	[sflag:s7] =	ssyncadd.s32 $0xFFFFE000  }
0x3ec: {  	_ =	swait.ge [sflag:s7], $0x2000  }
0x3ed: {  	[sflag:s7] =	ssyncset.done $0x0  }
0x3ee: {  	[sflag:s7] =	ssyncadd.s32 $0xFFFFE000  }
0x3ef: {  	_ =	swait.ge [sflag:s7], $0x2000  }
0x3f0: {  	[sflag:s7] =	ssyncset.done $0x0  }
0x3f1: {  	[sflag:s7] =	ssyncadd.s32 $0xFFFFE000  }
0x3f2: {  	_ =	swait.ge [sflag:s7], $0x2000  }
0x3f3: {  	[sflag:s7] =	ssyncset.done $0x0  }
0x3f4: {  	[sflag:s7] =	ssyncadd.s32 $0xFFFFE000  }
0x3f5: {  	_ =	sfence.sel $0x180000  }
0x3f6: {  	[bflag:$0x0] =	sbarrier.arrive $0xFFFF  }
0x3f7: {  	_ =	strace $0x9000004A  }
0x3f8: {  	[bflag:$0x2] =	sbarrier.arrive $0xFFFF  }
0x3f9: {  	p0 =	sne.s32 s22, $0x0;
	s0 =	rddreg [dreg:$0x1]  }
0x3fa: {  	s0 =	sadd.s32 @!p0 $0x100000, s0  }
0x3fb: {  	[sflag:s0] =	ssyncadd.tile.s32 @!p0 $0x1;
	_ =	shalt  }
.LBB2_1:
.Ltmp3:
0x3fc: {  	(pc) =	sbr.rel .LBB2_6-.Ltmp3, $3  }
0x3fd: {  	_ =	sdelay $0x1  }
0x3fe: {  	s28 =	simm.s32 $0xD80;
	s29 =	simm.s32 $0xD00  }
0x3ff: {  	s25 =	simm.s32 $0xF00;
	s24 =	simm.s32 $0xE80;
	s23 =	simm.s32 $0xE00  }
.LBB2_3:
.Ltmp4:
0x400: {  	(pc) =	sbr.rel .LBB2_6-.Ltmp4, $3  }
0x401: {  	_ =	sdelay $0x1  }
0x402: {  	s28 =	simm.s32 $0xD80;
	s29 =	simm.s32 $0xD00;
	s25 =	simm.s32 $0xF00  }
0x403: {  	s24 =	simm.s32 $0xE80;
	s23 =	simm.s32 $0xE00;
	s22 =	stileid.u32  }
.Lfunc_end2:
_tile_overlayer_lowered:
.L_overlay_start_2:
0x404: {  	(tag) =	ssettag $0x2  }
0x405: {  	s0 =	rddreg [dreg:$0x0];
	s2 =	stileid.u32  }
0x406: {  	s1 =	rddreg [dreg:$0x1];
	p0 =	sne.s32 s2, $0x0  }
0x407: {  	s3 =	rddreg [dreg:$0x2];
	[bflag:$0x3] =	sbarrier.arrive $0xFFFF;
	s2 =	simm.s32 @!p0 $0x1C07  }
0x408: {  	[timem:s3], [sflag:s2] =	dma.local @!p0 [hbm:s0], s1  }
0x409: {  	s0 =	simm.s32 @!p0 $0x7  }
0x40a: {  	_ =	swait.ge @!p0 [sflag:s0], s1  }
0x40b: {  	s1 =	ssub.s32 @!p0 $0x0, s1;
	[sflag:s0] =	ssyncset.done @!p0 $0x0  }
0x40c: {  	[sflag:s0] =	ssyncadd.s32 @!p0 s1  }
0x40d: {  	[bflag:$0x3] =	sbarrier.arrive $0xFFFF  }
0x40e: {  	_ =	shalt  }

// kernel: kernel.7.cloned.1.call-start
scs
__scs_entry_jumppad:
0x0: {  	(pc) =	sbr.rel $0x88, $3  }
0x1: {  	(tag) =	ssettag $0x0;
	lr =	simm.s32 $0x1  }
0x2: {  	[smem:$0x3F9B] =	sst lr;
	_ =	strace $0xD0000000  }
0x3: {  	_ = 	snop  }
0x4: {  	_ = 	snop  }
0x5: {  	_ = 	snop  }
0x6: {  	_ = 	snop  }
0x7: {  	_ = 	snop  }
__scs_overlays_trampoline_lowered:
0x8: {  	[smem:$0x3FAA] =	sst s0  }
0x9: {  	[smem:$0x3FAB] =	sst s1  }
0xa: {  	[smem:$0x3FAC] =	sst s2  }
0xb: {  	[smem:$0x3FAD] =	sst s3  }
0xc: {  	[smem:$0x3FAE] =	sst s4  }
0xd: {  	[smem:$0x3FAF] =	sst s5  }
0xe: {  	[smem:$0x3FB0] =	sst s6  }
0xf: {  	[smem:$0x3FB1] =	sst s7  }
0x10: {  	[smem:$0x3FB2] =	sst s8  }
0x11: {  	[smem:$0x3FB3] =	sst s9;
	s0 =	simm.s32 @!p0 $0x0  }
0x12: {  	s1 =	sld [smem:$0x3F99];
	s0 =	simm.s32 @p0 $0x1  }
0x13: {  	[smem:$0x3FB4] =	sst s0;
	s0 =	simm.s32 @!p1 $0x0  }
0x14: {  	s2 =	sld [smem:$0x3F98];
	s0 =	simm.s32 @p1 $0x1  }
0x15: {  	[smem:$0x3FB5] =	sst s0;
	s0 =	simm.s32 @!p2 $0x0  }
0x16: {  	s3 =	sld [smem:$0x3FDB];
	s0 =	simm.s32 @p2 $0x1  }
0x17: {  	s4 =	simm.s32 $0x1BF5;
	[smem:$0x3FB7] =	sst s0  }
0x18: {  	s0 =	sld [smem:$0x3F9A];
	_ =	swait.ge [sflag:s4], $0x0  }
0x19: {  	s7 =	sld [smem:$0x3F9B]  }
0x1a: {  	s8 =	sadd.s32 $0xFFFFE003, lr  }
0x1b: {  	s9 =	sadd.s32 $0xFFFFFEF7, lr;
	s5 =	simm.s32 $0xFFFFFFFF;
	p2 =	slt.u32 s8, $0xFFFFF086  }
0x1c: {  	p1 =	slt.u32 s9, $0xF7A;
	s5 =	simm.s32 @!p2 $0x0  }
0x1d: {  	s5 =	simm.s32 @p1 $0x1;
	p0 =	seq.s32 s7, s2  }
0x1e: {  	s7 =	smul.u32 @!p0 $0xF7A, s2;
	p2 =	seq.s32 @!p0 s5, $0x0  }
0x1f: {  	s9 =	smul.u32 $0xF7A, s1;
	s8 =	simm.s32 @!p0 $0x1BF5;
	p2 =	por !p2, p0  }
0x20: {  	[sflag:s8] =	ssyncset.s32 @!p0 $0xFFFFF086;
	s6 =	sadd.s32 @!p0 s3, s7;
	s7 =	simm.s32 @!p0 $0x108  }
0x21: {  	s3 =	sadd.s32 s3, s9;
	s6 =	sadd.s32 @!p0 $0x88, s6;
	s7 =	simm.s32 @p2 $0x1082  }
0x22: {  	[simem:s7], [sflag:s8] =	dma.local @!p0 [hbm:s6], $0xF7A  }
0x23: {  	s9 =	sor.u32 $0xD0000000, s2;
	s6 =	simm.s32 $0x108;
	_ =	swait.ge @!p0 [sflag:s8], $0x0  }
0x24: {  	s3 =	sadd.s32 $0x88, s3;
	s6 =	simm.s32 @!p1 $0x1082;
	[sflag:s4] =	ssyncset.s32 $0xFFFFF086  }
0x25: {  	[simem:s6], [sflag:s4] =	dma.local [hbm:s3], $0xF7A  }
0x26: {  	[smem:$0x3F9B] =	sst s1;
	(tag) =	ssettag s2;
	_ =	strace s9  }
0x27: {  	s1 =	sld [smem:$0x3FAB]  }
0x28: {  	s2 =	sld [smem:$0x3FAC]  }
0x29: {  	s4 =	sld [smem:$0x3FAE]  }
0x2a: {  	p0 =	seq.s32 s5, $0x0;
	s5 =	sld [smem:$0x3FAF]  }
0x2b: {  	s6 =	sld [smem:$0x3FB0]  }
0x2c: {  	s7 =	sld [smem:$0x3FB1]  }
0x2d: {  	s3 =	simm.s32 $0x108;
	s8 =	sld [smem:$0x3FB2]  }
0x2e: {  	s3 =	simm.s32 @!p0 $0x1082;
	s9 =	sld [smem:$0x3FB3]  }
0x2f: {  	lr =	sadd.s32 s0, s3;
	s0 =	sld [smem:$0x3FAA]  }
0x30: {  	s3 =	sld [smem:$0x3FAD]  }
0x31: {  	[smem:$0x3FB6] =	sst s10  }
0x32: {  	s10 =	sld [smem:$0x3FB4];
	_ =	sdelay $0x3  }
0x33: {  	p0 =	seq.s32 s10, $0x1;
	s10 =	sld [smem:$0x3FB6];
	_ =	sdelay $0x3  }
0x34: {  	[smem:$0x3FB6] =	sst s10  }
0x35: {  	s10 =	sld [smem:$0x3FB5];
	_ =	sdelay $0x3  }
0x36: {  	p1 =	seq.s32 s10, $0x1;
	s10 =	sld [smem:$0x3FB6];
	_ =	sdelay $0x3  }
0x37: {  	[smem:$0x3FB6] =	sst s10  }
0x38: {  	s10 =	sld [smem:$0x3FB7]  }
0x39: {  	_ = 	snop;
	(pc) =	sbr.ind lr, $3  }
0x3a: {  	_ = 	snop  }
0x3b: {  	_ = 	snop  }
0x3c: {  	p2 =	seq.s32 s10, $0x1;
	s10 =	sld [smem:$0x3FB6]  }
0x3d: {  	_ =	shalt  }
0x3e: {  	_ =	shalt  }
0x3f: {  	_ =	shalt  }
0x40: {  	_ =	shalt  }
0x41: {  	_ =	shalt  }
0x42: {  	_ =	shalt  }
0x43: {  	_ =	shalt  }
0x44: {  	_ =	shalt  }
0x45: {  	_ =	shalt  }
0x46: {  	_ =	shalt  }
0x47: {  	_ =	shalt  }
0x48: {  	_ =	shalt  }
0x49: {  	_ =	shalt  }
0x4a: {  	_ =	shalt  }
0x4b: {  	_ =	shalt  }
0x4c: {  	_ =	shalt  }
0x4d: {  	_ =	shalt  }
0x4e: {  	_ =	shalt  }
0x4f: {  	_ =	shalt  }
0x50: {  	_ =	shalt  }
0x51: {  	_ =	shalt  }
0x52: {  	_ =	shalt  }
0x53: {  	_ =	shalt  }
0x54: {  	_ =	shalt  }
0x55: {  	_ =	shalt  }
0x56: {  	_ =	shalt  }
0x57: {  	_ =	shalt  }
0x58: {  	_ =	shalt  }
0x59: {  	_ =	shalt  }
0x5a: {  	_ =	shalt  }
0x5b: {  	_ =	shalt  }
0x5c: {  	_ =	shalt  }
0x5d: {  	_ =	shalt  }
0x5e: {  	_ =	shalt  }
0x5f: {  	_ =	shalt  }
0x60: {  	_ =	shalt  }
0x61: {  	_ =	shalt  }
0x62: {  	_ =	shalt  }
0x63: {  	_ =	shalt  }
0x64: {  	_ =	shalt  }
0x65: {  	_ =	shalt  }
0x66: {  	_ =	shalt  }
0x67: {  	_ =	shalt  }
0x68: {  	_ =	shalt  }
0x69: {  	_ =	shalt  }
0x6a: {  	_ =	shalt  }
0x6b: {  	_ =	shalt  }
0x6c: {  	_ =	shalt  }
0x6d: {  	_ =	shalt  }
0x6e: {  	_ =	shalt  }
0x6f: {  	_ =	shalt  }
0x70: {  	_ =	shalt  }
0x71: {  	_ =	shalt  }
0x72: {  	_ =	shalt  }
0x73: {  	_ =	shalt  }
0x74: {  	_ =	shalt  }
0x75: {  	_ =	shalt  }
0x76: {  	_ =	shalt  }
0x77: {  	_ =	shalt  }
0x78: {  	_ =	shalt  }
0x79: {  	_ =	shalt  }
0x7a: {  	_ =	shalt  }
0x7b: {  	_ =	shalt  }
0x7c: {  	_ =	shalt  }
0x7d: {  	_ =	shalt  }
0x7e: {  	_ =	shalt  }
0x7f: {  	_ =	shalt  }
0x80: {  	_ =	shalt  }
0x81: {  	_ =	shalt  }
0x82: {  	_ =	shalt  }
0x83: {  	_ =	shalt  }
0x84: {  	_ =	shalt  }
0x85: {  	_ =	shalt  }
0x86: {  	_ =	shalt  }
0x87: {  	_ =	shalt  }
.Lfunc_end0:
.L_simem_size_0:
called_computation_lowered:
.L_overlay_start_0:
0x88: {  	s2 =	sld [smem:$0x3FD9]  }
0x89: {  	s3 =	sld [smem:$0x3FFE];
	_ =	sdelay $0x1  }
0x8a: {  	s1 =	srdreg.scid  }
0x8b: {  	s0 =	sand.u32 $0x1, s1  }
0x8c: {  	s16 =	sshll.u32 s0, $0xA;
	s2 =	sadd.s32 s3, s2  }
0x8d: {  	s2 =	sadd.s32 s2, s16  }
0x8e: {  	[smem:$0x3FC2] =	sst s2  }
0x8f: {  	_ = 	snop  }
0x90: {  	(tm) =	ssettm $0x1  }
0x91: {  	s17 =	sld [smem:$0x3FFB];
	_ =	sdelay $0x3  }
0x92: {  	_ =	strace s17  }
0x93: {  	s2 =	sld [smem:$0x3FFC];
	_ =	sdelay $0x3  }
0x94: {  	_ =	strace s2  }
0x95: {  	s2 =	sld [smem:$0x3FFD];
	_ =	sdelay $0x3  }
0x96: {  	_ =	strace s2  }
0x97: {  	_ =	strace $0x8FFFFFFF  }
0x98: {  	s18 =	sld [smem:$0x3FDB];
	_ =	sdelay $0x1  }
0x99: {  	s19 =	simm.s32 $_scs_section_size  }
0x9a: {  	s4 =	simm.s32 $_size__tile_overlayer_lowered;
	s5 =	simm.s32 $_tile_overlayer_lowered  }
0x9b: {  	s22 =	simm.s32 $0x1BFF;
	s21 =	sshll.u32 s5, $0x1;
	s2 =	sadd.s32 s19, s18  }
0x9c: {  	s6 =	simm.s32 $0x0;
	s20 =	sshll.u32 s4, $0x1;
	s4 =	sadd.s32 s21, s2  }
0x9d: {  	[timem:s6], [sflag:s22] =	dma.local [hbm:s4], s20  }
0x9e: {  	_ =	swait.ge [sflag:s22], s20  }
0x9f: {  	s3 =	ssub.s32 $0x0, s20;
	[sflag:s22] =	ssyncset.done $0x0  }
0xa0: {  	[sflag:s22] =	ssyncadd.s32 s3;
	_ =	sdelay $0x1  }
0xa1: {  	s23 =	simm.s32 $0x1B8B  }
0xa2: {  	_ =	swait.ge [sflag:s23], $0x1  }
0xa3: {  	[sflag:s23] =	ssyncset.done $0x0  }
0xa4: {  	s25 =	simm.s32 $0x1B8E;
	s24 =	sld [smem:$0x3FFE];
	[sflag:s23] =	ssyncadd.s32 $0xFFFFFFFF  }
0xa5: {  	s26 =	simm.s32 $execute0_lowered;
	[smem:$0x3FD2] =	sst s25  }
0xa6: {  	s4 =	sshll.u32 s26, $0x1;
	_ =	strace $0x80000046;
	[dreg:$0x1] =	wrdreg $0xFFFFFFFF  }
0xa7: {  	s28 =	simm.s32 $_size_execute0_lowered;
	s2 =	sadd.s32 s2, s4;
	[dreg:$0x0] =	wrdreg $0x0  }
0xa8: {  	s4 =	sshll.u32 s28, $0x1;
	[dreg:$0x2] =	wrdreg s2  }
0xa9: {  	[dreg:$0x3] =	wrdreg s4  }
0xaa: {  	[dreg:$0x4] =	wrdreg $0xC0  }
0xab: {  	_ =	task [dreg:s6], $0x5FFFF  }
0xac: {  	[dreg:$0x1] =	wrdreg $0xFFFFFFFF  }
0xad: {  	[dreg:$0x0] =	wrdreg $0x60  }
0xae: {  	[dreg:$0x2] =	wrdreg s24  }
0xaf: {  	[dreg:$0x3] =	wrdreg $0x9  }
0xb0: {  	_ =	task.clear_ibuf [dreg:s6], $0x4FFFF;
	_ =	strace $0x90000046  }
0xb1: {  	s29 =	simm.s32 $0x9;
	_ =	strace $0x80000048  }
0xb2: {  	_ =	swait.ge [sflag:s29], $0x1  }
0xb3: {  	[sflag:s29] =	ssyncadd.s32 $0xFFFFFFFF  }
0xb4: {  	_ =	strace $0x90000048  }
0xb5: {  	_ =	sfence  }
0xb6: {  	s30 =	sld [smem:$0x0];
	_ =	sdelay $0x2  }
0xb7: {  	s31 =	sshll.u32 s1, $0xD;
	s1 =	sshrl.u32 s1, $0x2  }
0xb8: {  	s3 =	sand.u32 $0x4000, s31;
	s1 =	sadd.s32 s1, s30  }
0xb9: {  	s0 =	sor.u32 s3, s0;
	s1 =	sshll.u32 s1, $0x11  }
0xba: {  	s0 =	sor.u32 s1, s0  }
0xbb: {  	s0 =	sadd.s32 $0x8F2B, s0  }
0xbc: {  	[sflag:s0] =	ssyncadd.remote.s32 $0x1  }
0xbd: {  	_ =	sfence.sel $0xFFFF  }
0xbe: {  	[dreg:$0x0] =	wrdreg $0xFFFFFFFF;
	(pc) =	sbr.abs _section_cstart, $3  }
0xbf: {  	[dreg:$0x1] =	wrdreg $0xFFFFFFFF  }
0xc0: {  	_ =	task.clear_ibuf [dreg:s6], $0x2FFFF;
	_ =	strace $0x9FFFFFFF  }
0xc1: {  	(tm) =	ssettm $0x7FFFFFFF  }
tec
execute0_lowered:
.L_overlay_start_1:
0x0: {  	(tag) =	ssettag $0x1  }
0x1: {  	s0 =	srdreg.scid  }
0x2: {  	s22 =	stileid.u32;
	s3 =	rddreg [dreg:$0x0]  }
0x3: {  	s2 =	simm.s32 $0x0;
	s1 =	sand.u32 $0x1, s0;
	s9 =	sshll.u32 s22, $0x1  }
0x4: {  	[smem:$0x7FF] =	sst s2;
	s7 =	sadd.s32 $0x7C9C00, s3;
	s0 =	sor.u32 s1, s9  }
0x5: {  	_ =	strace $0x80000047;
	s4 =	sshll.u32 s0, $0x9;
	s8 =	sshll.u32 s0, $0xF  }
0x6: {  	s5 =	sadd.s32 s4, s3;
	s4 =	sadd.s32 $0x7C9000, s3;
	s11 =	sadd.s32 s8, s7  }
0x7: {  	s9 =	sor.u32 $0x1000, s8;
	s6 =	sadd.s32 $0x7C5000, s5;
	[dreg:$0x5] =	wrdreg s11  }
0x8: {  	s20 =	sadd.s32 s4, s9;
	[dreg:$0x2] =	wrdreg s6  }
0x9: {  	s25 =	sor.u32 $0x2000, s8;
	s24 =	sadd.s32 s9, s7;
	[dreg:$0xe] =	wrdreg s20  }
0xa: {  	s5 =	sadd.s32 $0x7C9400, s3;
	s26 =	sadd.s32 s4, s25;
	[dreg:$0x11] =	wrdreg s24  }
0xb: {  	s30 =	sadd.s32 s4, s8;
	s0 =	sadd.s32 s8, s5;
	[dreg:$0x12] =	wrdreg s26  }
0xc: {  	s12 =	sadd.s32 $0x6000, s30;
	[dreg:$0x3] =	wrdreg s0  }
0xd: {  	s13 =	sadd.s32 $0x6400, s30;
	[dreg:$0x6] =	wrdreg s12  }
0xe: {  	s14 =	sadd.s32 $0x6800, s30;
	[dreg:$0x7] =	wrdreg s13  }
0xf: {  	s15 =	sadd.s32 $0x6C00, s30;
	[dreg:$0x8] =	wrdreg s14  }
0x10: {  	s16 =	sadd.s32 $0x7000, s30;
	[dreg:$0x9] =	wrdreg s15  }
0x11: {  	s17 =	sadd.s32 $0x7400, s30;
	[dreg:$0xa] =	wrdreg s16  }
0x12: {  	s18 =	sadd.s32 $0x7800, s30;
	[dreg:$0xb] =	wrdreg s17  }
0x13: {  	s19 =	sadd.s32 $0x7C00, s30;
	[dreg:$0xc] =	wrdreg s18  }
0x14: {  	s21 =	sadd.s32 s9, s5;
	[dreg:$0xd] =	wrdreg s19  }
0x15: {  	s6 =	sadd.s32 $0x7C9800, s3;
	[dreg:$0xf] =	wrdreg s21  }
0x16: {  	s10 =	sadd.s32 s8, s6;
	s0 =	rddreg [dreg:$0x2]  }
0x17: {  	s23 =	sadd.s32 s9, s6;
	[dreg:$0x4] =	wrdreg s10  }
0x18: {  	s11 =	sadd.s32 s25, s6;
	[dreg:$0x10] =	wrdreg s23  }
0x19: {  	s12 =	sadd.s32 s25, s7;
	[dreg:$0x14] =	wrdreg s11  }
0x1a: {  	s9 =	simm.s32 $0x280;
	[dreg:$0x15] =	wrdreg s12  }
0x1b: {  	s13 =	sor.u32 $0x3000, s8;
	s10 =	sadd.s32 s25, s5;
	[smem:$0x7E9] =	sst s9  }
0x1c: {  	s14 =	sadd.s32 s4, s13;
	[dreg:$0x13] =	wrdreg s10  }
0x1d: {  	s15 =	sadd.s32 s13, s5;
	[dreg:$0x16] =	wrdreg s14  }
0x1e: {  	s16 =	sadd.s32 s13, s6;
	[dreg:$0x17] =	wrdreg s15  }
0x1f: {  	s18 =	sor.u32 $0x4000, s8;
	s17 =	sadd.s32 s13, s7;
	[dreg:$0x18] =	wrdreg s16  }
0x20: {  	s19 =	sadd.s32 s4, s18;
	[dreg:$0x19] =	wrdreg s17  }
0x21: {  	s20 =	sadd.s32 s18, s5;
	[dreg:$0x1a] =	wrdreg s19  }
0x22: {  	s21 =	sadd.s32 s18, s6;
	[dreg:$0x1b] =	wrdreg s20  }
0x23: {  	s8 =	sor.u32 $0x5000, s8;
	s23 =	sadd.s32 s18, s7;
	[dreg:$0x1c] =	wrdreg s21  }
0x24: {  	s24 =	sadd.s32 s4, s8;
	[dreg:$0x1d] =	wrdreg s23  }
0x25: {  	s31 =	simm.s32 $0x7;
	s25 =	sadd.s32 s8, s5;
	[dreg:$0x1e] =	wrdreg s24  }
0x26: {  	p0 =	por $0x0, $0x0;
	s26 =	sadd.s32 s8, s6;
	[dreg:$0x1f] =	wrdreg s25  }
0x27: {  	s29 =	simm.s32 $0xD00;
	s4 =	sadd.s32 s8, s7;
	[smem:$0x7E4] =	sst s26  }
0x28: {  	s28 =	simm.s32 $0xF80;
	s5 =	simm.s32 $0x100;
	[smem:$0x7E5] =	sst s4  }
0x29: {  	s1 =	ssub.s32 $0x2, s1;
	s6 =	simm.s32 $0x180;
	[smem:$0x7E6] =	sst s5  }
0x2a: {  	s12 =	sadd.s32 $0x5000, s3;
	s8 =	simm.s32 $0x200;
	[smem:$0x7E7] =	sst s6  }
0x2b: {  	s7 =	sshrl.u32 s1, $0x1;
	s11 =	simm.s32 $0x380;
	[smem:$0x7E8] =	sst s8  }
0x2c: {  	s13 =	simm.s32 $0x400;
	s9 =	simm.s32 $0x3000;
	[smem:$0x7EB] =	sst s11  }
0x2d: {  	s18 =	simm.s32 $0x600;
	s3 =	simm.s32 $0x9000;
	[smem:$0x7EC] =	sst s13  }
0x2e: {  	s1 =	ssub.s32 s1, s7;
	s10 =	simm.s32 $0x300;
	[smem:$0x7F0] =	sst s18  }
0x2f: {  	s15 =	simm.s32 $0x80;
	s14 =	simm.s32 $0x480;
	[smem:$0x7EA] =	sst s10  }
0x30: {  	s8 =	simm.s32 $0x1000;
	s16 =	simm.s32 $0x500;
	[smem:$0x7ED] =	sst s14  }
0x31: {  	s17 =	simm.s32 $0x580;
	s11 =	simm.s32 $0x7000;
	[smem:$0x7EE] =	sst s16  }
0x32: {  	s19 =	simm.s32 $0x680;
	s4 =	simm.s32 $0xB000;
	[smem:$0x7EF] =	sst s17  }
0x33: {  	s20 =	simm.s32 $0x700;
	s5 =	simm.s32 $0xD000;
	[smem:$0x7F1] =	sst s19  }
0x34: {  	s21 =	simm.s32 $0x780;
	s6 =	simm.s32 $0xF000;
	[smem:$0x7F2] =	sst s20  }
0x35: {  	s23 =	simm.s32 $0x800;
	s24 =	simm.s32 $0x880;
	[smem:$0x7F3] =	sst s21  }
0x36: {  	s18 =	simm.s32 $0x11000;
	s25 =	simm.s32 $0x900;
	[smem:$0x7F4] =	sst s23  }
0x37: {  	s26 =	simm.s32 $0x980;
	s7 =	simm.s32 $0xA00;
	[smem:$0x7F5] =	sst s24  }
0x38: {  	s13 =	simm.s32 $0xA80;
	s1 =	smax.u32 s1, $0x1;
	[smem:$0x7F6] =	sst s25  }
0x39: {  	s10 =	simm.s32 $0x5000;
	s16 =	simm.s32 $0x1;
	[smem:$0x7F7] =	sst s26  }
0x3a: {  	s19 =	simm.s32 $0x13000;
	s20 =	simm.s32 $0x15000;
	[smem:$0x7F8] =	sst s7  }
0x3b: {  	s21 =	simm.s32 $0x17000;
	s14 =	simm.s32 $0x2;
	[smem:$0x7F9] =	sst s13  }
0x3c: {  	s17 =	simm.s32 $0xB00;
	s13 =	simm.s32 $0x4;
	p1 =	sne.s32 s1, $0x1  }
.Ltmp0:
0x3d: {  	s23 =	simm.s32 $0xB80;
	[smem:$0x7FA] =	sst s17;
	(pc) =	sbr.rel @!p1 .LBB2_1-.Ltmp0, $4  }
0x3e: {  	s26 =	simm.s32 $0x3;
	s24 =	simm.s32 $0xC00;
	[smem:$0x7FB] =	sst s23  }
0x3f: {  	s7 =	simm.s32 $0x5;
	s25 =	simm.s32 $0xC80;
	[smem:$0x7FC] =	sst s24  }
0x40: {  	[smem:$0x7FD] =	sst s25;
	s17 =	simm.s32 $0x6;
	s1 =	sadd.s32 $0xFFFFFFFF, s1  }
0x41: {  	s23 =	simm.s32 $0xD80;
	s24 =	simm.s32 $0xE80;
	s25 =	simm.s32 $0xF00  }
0x42: {  	[tilespmem:s2], [sflag:$0x7] =	stream.linear.gather [hbm4b:s0+s2], $0x1000, $0x38;
	[tilespmem:$0x19000] =	vst v63  }
0x43: {  	_ =	swait.ge [sflag:s31], $0x1000  }
0x44: {  	[sflag:s31] =	ssyncset.done $0x0  }
0x45: {  	[sflag:s31] =	ssyncadd.s32 $0xFFFFF000  }
0x46: {  	[tilespmem:s8], [sflag:$0x1] =	stream.indirect.gather [hbm4b:s12+s15], $0x40, s2, s15, $0xb8;
	[tilespmem:$0x19000] =	vst v63  }
0x47: {  	s0 =	sld [smem:$0x7E6]  }
0x48: {  	[tilespmem:s9], [sflag:$0x1] =	stream.indirect.gather [hbm4b:s12+s15], $0x40, s15, s15, $0xb8;
	[tilespmem:$0x19000] =	vst v63  }
0x49: {  	s22 =	smov.u32 s1;
	s1 =	sld [smem:$0x7E7]  }
0x4a: {  	[tilespmem:s10], [sflag:$0x1] =	stream.indirect.gather [hbm4b:s12+s15], $0x40, s0, s15, $0xb8;
	[tilespmem:$0x19000] =	vst v63  }
0x4b: {  	s0 =	sld [smem:$0x7E8]  }
0x4c: {  	[tilespmem:s11], [sflag:$0x1] =	stream.indirect.gather [hbm4b:s12+s15], $0x40, s1, s15, $0xb8;
	[tilespmem:$0x19000] =	vst v63  }
0x4d: {  	s1 =	sld [smem:$0x7E9]  }
0x4e: {  	[tilespmem:s3], [sflag:$0x2] =	stream.indirect.gather [hbm4b:s12+s15], $0x40, s0, s15, $0xb8;
	[tilespmem:$0x19000] =	vst v63  }
0x4f: {  	s0 =	sld [smem:$0x7EA]  }
0x50: {  	[tilespmem:s4], [sflag:$0x2] =	stream.indirect.gather [hbm4b:s12+s15], $0x40, s1, s15, $0xb8;
	[tilespmem:$0x19000] =	vst v63  }
0x51: {  	s1 =	sld [smem:$0x7EB]  }
0x52: {  	[tilespmem:s5], [sflag:$0x2] =	stream.indirect.gather [hbm4b:s12+s15], $0x40, s0, s15, $0xb8;
	[tilespmem:$0x19000] =	vst v63  }
0x53: {  	_ = 	snop  }
0x54: {  	[tilespmem:s6], [sflag:$0x2] =	stream.indirect.gather [hbm4b:s12+s15], $0x40, s1, s15, $0xb8;
	[tilespmem:$0x19000] =	vst v63  }
0x55: {  	_ =	swait.ge [sflag:s16], $0x2000  }
0x56: {  	[sflag:s16] =	ssyncset.done $0x0  }
0x57: {  	[sflag:s16] =	ssyncadd.s32 $0xFFFFE000  }
0x58: {  	_ =	swait.ge [sflag:s16], $0x2000  }
0x59: {  	[sflag:s16] =	ssyncset.done $0x0  }
0x5a: {  	[sflag:s16] =	ssyncadd.s32 $0xFFFFE000  }
0x5b: {  	_ =	swait.ge [sflag:s16], $0x2000  }
0x5c: {  	[sflag:s16] =	ssyncset.done $0x0  }
0x5d: {  	[sflag:s16] =	ssyncadd.s32 $0xFFFFE000  }
0x5e: {  	_ =	swait.ge [sflag:s16], $0x2000  }
0x5f: {  	[sflag:s16] =	ssyncset.done $0x0  }
0x60: {  	s0 =	rddreg [dreg:$0x3];
	[sflag:s16] =	ssyncadd.s32 $0xFFFFE000  }
0x61: {  	[hbm4b:s30+s2] =	stream.linear.scatter [tilespmem:s8], [sflag:$0x4], $0x2000, $0x38;
	[tilespmem:$0x19000] =	vst v63  }
0x62: {  	s1 =	rddreg [dreg:$0x4]  }
0x63: {  	[hbm4b:s0+s2] =	stream.linear.scatter [tilespmem:s9], [sflag:$0x4], $0x2000, $0x38;
	[tilespmem:$0x19000] =	vst v63  }
0x64: {  	s0 =	rddreg [dreg:$0x5]  }
0x65: {  	[hbm4b:s1+s2] =	stream.linear.scatter [tilespmem:s10], [sflag:$0x4], $0x2000, $0x38;
	[tilespmem:$0x19000] =	vst v63  }
0x66: {  	s1 =	sld [smem:$0x7EC]  }
0x67: {  	[hbm4b:s0+s2] =	stream.linear.scatter [tilespmem:s11], [sflag:$0x4], $0x2000, $0x38;
	[tilespmem:$0x19000] =	vst v63  }
0x68: {  	s0 =	sld [smem:$0x7ED]  }
0x69: {  	[tilespmem:s18], [sflag:$0x3] =	stream.indirect.gather [hbm4b:s12+s15], $0x40, s1, s15, $0xb8;
	[tilespmem:$0x19000] =	vst v63  }
0x6a: {  	s1 =	sld [smem:$0x7EE]  }
0x6b: {  	[tilespmem:s19], [sflag:$0x3] =	stream.indirect.gather [hbm4b:s12+s15], $0x40, s0, s15, $0xb8;
	[tilespmem:$0x19000] =	vst v63  }
0x6c: {  	s0 =	sld [smem:$0x7EF]  }
0x6d: {  	[tilespmem:s20], [sflag:$0x3] =	stream.indirect.gather [hbm4b:s12+s15], $0x40, s1, s15, $0xb8;
	[tilespmem:$0x19000] =	vst v63  }
0x6e: {  	_ = 	snop  }
0x6f: {  	[tilespmem:s21], [sflag:$0x3] =	stream.indirect.gather [hbm4b:s12+s15], $0x40, s0, s15, $0xb8;
	[tilespmem:$0x19000] =	vst v63  }
0x70: {  	_ =	swait.ge [sflag:s14], $0x2000  }
0x71: {  	[sflag:s14] =	ssyncset.done $0x0  }
0x72: {  	[sflag:s14] =	ssyncadd.s32 $0xFFFFE000  }
0x73: {  	_ =	swait.ge [sflag:s14], $0x2000  }
0x74: {  	[sflag:s14] =	ssyncset.done $0x0  }
0x75: {  	[sflag:s14] =	ssyncadd.s32 $0xFFFFE000  }
0x76: {  	_ =	swait.ge [sflag:s14], $0x2000  }
0x77: {  	[sflag:s14] =	ssyncset.done $0x0  }
0x78: {  	[sflag:s14] =	ssyncadd.s32 $0xFFFFE000  }
0x79: {  	_ =	swait.ge [sflag:s14], $0x2000  }
0x7a: {  	[sflag:s14] =	ssyncset.done $0x0  }
0x7b: {  	[sflag:s14] =	ssyncadd.s32 $0xFFFFE000  }
0x7c: {  	_ =	swait.ge [sflag:s13], $0x2000  }
0x7d: {  	[sflag:s13] =	ssyncset.done $0x0  }
0x7e: {  	[sflag:s13] =	ssyncadd.s32 $0xFFFFE000  }
0x7f: {  	_ =	swait.ge [sflag:s13], $0x2000  }
0x80: {  	[sflag:s13] =	ssyncset.done $0x0  }
0x81: {  	[sflag:s13] =	ssyncadd.s32 $0xFFFFE000  }
0x82: {  	_ =	swait.ge [sflag:s13], $0x2000  }
0x83: {  	[sflag:s13] =	ssyncset.done $0x0  }
0x84: {  	[sflag:s13] =	ssyncadd.s32 $0xFFFFE000  }
0x85: {  	_ =	swait.ge [sflag:s13], $0x2000  }
0x86: {  	s0 =	rddreg [dreg:$0xe];
	[sflag:s13] =	ssyncset.done $0x0  }
0x87: {  	s1 =	rddreg [dreg:$0xf];
	[sflag:s13] =	ssyncadd.s32 $0xFFFFE000  }
0x88: {  	[hbm4b:s0+s2] =	stream.linear.scatter [tilespmem:s3], [sflag:$0x5], $0x2000, $0x38;
	[tilespmem:$0x19000] =	vst v63  }
0x89: {  	s0 =	rddreg [dreg:$0x10]  }
0x8a: {  	[hbm4b:s1+s2] =	stream.linear.scatter [tilespmem:s4], [sflag:$0x5], $0x2000, $0x38;
	[tilespmem:$0x19000] =	vst v63  }
0x8b: {  	s1 =	rddreg [dreg:$0x11]  }
0x8c: {  	[hbm4b:s0+s2] =	stream.linear.scatter [tilespmem:s5], [sflag:$0x5], $0x2000, $0x38;
	[tilespmem:$0x19000] =	vst v63  }
0x8d: {  	s0 =	sld [smem:$0x7F0]  }
0x8e: {  	[hbm4b:s1+s2] =	stream.linear.scatter [tilespmem:s6], [sflag:$0x5], $0x2000, $0x38;
	[tilespmem:$0x19000] =	vst v63  }
0x8f: {  	s1 =	sld [smem:$0x7F1]  }
0x90: {  	[tilespmem:s8], [sflag:$0x1] =	stream.indirect.gather [hbm4b:s12+s15], $0x40, s0, s15, $0xb8;
	[tilespmem:$0x19000] =	vst v63  }
0x91: {  	s0 =	sld [smem:$0x7F2]  }
0x92: {  	[tilespmem:s9], [sflag:$0x1] =	stream.indirect.gather [hbm4b:s12+s15], $0x40, s1, s15, $0xb8;
	[tilespmem:$0x19000] =	vst v63  }
0x93: {  	s1 =	sld [smem:$0x7F3]  }
0x94: {  	[tilespmem:s10], [sflag:$0x1] =	stream.indirect.gather [hbm4b:s12+s15], $0x40, s0, s15, $0xb8;
	[tilespmem:$0x19000] =	vst v63  }
0x95: {  	_ = 	snop  }
0x96: {  	[tilespmem:s11], [sflag:$0x1] =	stream.indirect.gather [hbm4b:s12+s15], $0x40, s1, s15, $0xb8;
	[tilespmem:$0x19000] =	vst v63  }
0x97: {  	_ =	swait.ge [sflag:s26], $0x2000  }
0x98: {  	[sflag:s26] =	ssyncset.done $0x0  }
0x99: {  	[sflag:s26] =	ssyncadd.s32 $0xFFFFE000  }
0x9a: {  	_ =	swait.ge [sflag:s26], $0x2000  }
0x9b: {  	[sflag:s26] =	ssyncset.done $0x0  }
0x9c: {  	[sflag:s26] =	ssyncadd.s32 $0xFFFFE000  }
0x9d: {  	_ =	swait.ge [sflag:s26], $0x2000  }
0x9e: {  	[sflag:s26] =	ssyncset.done $0x0  }
0x9f: {  	[sflag:s26] =	ssyncadd.s32 $0xFFFFE000  }
0xa0: {  	_ =	swait.ge [sflag:s26], $0x2000  }
0xa1: {  	[sflag:s26] =	ssyncset.done $0x0  }
0xa2: {  	[sflag:s26] =	ssyncadd.s32 $0xFFFFE000  }
0xa3: {  	_ =	swait.ge [sflag:s7], $0x2000  }
0xa4: {  	[sflag:s7] =	ssyncset.done $0x0  }
0xa5: {  	[sflag:s7] =	ssyncadd.s32 $0xFFFFE000  }
0xa6: {  	_ =	swait.ge [sflag:s7], $0x2000  }
0xa7: {  	[sflag:s7] =	ssyncset.done $0x0  }
0xa8: {  	[sflag:s7] =	ssyncadd.s32 $0xFFFFE000  }
0xa9: {  	_ =	swait.ge [sflag:s7], $0x2000  }
0xaa: {  	[sflag:s7] =	ssyncset.done $0x0  }
0xab: {  	[sflag:s7] =	ssyncadd.s32 $0xFFFFE000  }
0xac: {  	_ =	swait.ge [sflag:s7], $0x2000  }
0xad: {  	s0 =	rddreg [dreg:$0x12];
	[sflag:s7] =	ssyncset.done $0x0  }
0xae: {  	s1 =	rddreg [dreg:$0x13];
	[sflag:s7] =	ssyncadd.s32 $0xFFFFE000  }
0xaf: {  	[hbm4b:s0+s2] =	stream.linear.scatter [tilespmem:s18], [sflag:$0x6], $0x2000, $0x38;
	[tilespmem:$0x19000] =	vst v63  }
0xb0: {  	s0 =	rddreg [dreg:$0x14]  }
0xb1: {  	[hbm4b:s1+s2] =	stream.linear.scatter [tilespmem:s19], [sflag:$0x6], $0x2000, $0x38;
	[tilespmem:$0x19000] =	vst v63  }
0xb2: {  	s1 =	rddreg [dreg:$0x15]  }
0xb3: {  	[hbm4b:s0+s2] =	stream.linear.scatter [tilespmem:s20], [sflag:$0x6], $0x2000, $0x38;
	[tilespmem:$0x19000] =	vst v63  }
0xb4: {  	s0 =	sld [smem:$0x7F4]  }
0xb5: {  	[hbm4b:s1+s2] =	stream.linear.scatter [tilespmem:s21], [sflag:$0x6], $0x2000, $0x38;
	[tilespmem:$0x19000] =	vst v63  }
0xb6: {  	s1 =	sld [smem:$0x7F5]  }
0xb7: {  	[tilespmem:s3], [sflag:$0x2] =	stream.indirect.gather [hbm4b:s12+s15], $0x40, s0, s15, $0xb8;
	[tilespmem:$0x19000] =	vst v63  }
0xb8: {  	s0 =	sld [smem:$0x7F6]  }
0xb9: {  	[tilespmem:s4], [sflag:$0x2] =	stream.indirect.gather [hbm4b:s12+s15], $0x40, s1, s15, $0xb8;
	[tilespmem:$0x19000] =	vst v63  }
0xba: {  	s1 =	sld [smem:$0x7F7]  }
0xbb: {  	[tilespmem:s5], [sflag:$0x2] =	stream.indirect.gather [hbm4b:s12+s15], $0x40, s0, s15, $0xb8;
	[tilespmem:$0x19000] =	vst v63  }
0xbc: {  	_ = 	snop  }
0xbd: {  	[tilespmem:s6], [sflag:$0x2] =	stream.indirect.gather [hbm4b:s12+s15], $0x40, s1, s15, $0xb8;
	[tilespmem:$0x19000] =	vst v63  }
0xbe: {  	_ =	swait.ge [sflag:s16], $0x2000  }
0xbf: {  	[sflag:s16] =	ssyncset.done $0x0  }
0xc0: {  	[sflag:s16] =	ssyncadd.s32 $0xFFFFE000  }
0xc1: {  	_ =	swait.ge [sflag:s16], $0x2000  }
0xc2: {  	[sflag:s16] =	ssyncset.done $0x0  }
0xc3: {  	[sflag:s16] =	ssyncadd.s32 $0xFFFFE000  }
0xc4: {  	_ =	swait.ge [sflag:s16], $0x2000  }
0xc5: {  	[sflag:s16] =	ssyncset.done $0x0  }
0xc6: {  	[sflag:s16] =	ssyncadd.s32 $0xFFFFE000  }
0xc7: {  	_ =	swait.ge [sflag:s16], $0x2000  }
0xc8: {  	[sflag:s16] =	ssyncset.done $0x0  }
0xc9: {  	[sflag:s16] =	ssyncadd.s32 $0xFFFFE000  }
0xca: {  	_ =	swait.ge [sflag:s17], $0x2000  }
0xcb: {  	[sflag:s17] =	ssyncset.done $0x0  }
0xcc: {  	[sflag:s17] =	ssyncadd.s32 $0xFFFFE000  }
0xcd: {  	_ =	swait.ge [sflag:s17], $0x2000  }
0xce: {  	[sflag:s17] =	ssyncset.done $0x0  }
0xcf: {  	[sflag:s17] =	ssyncadd.s32 $0xFFFFE000  }
0xd0: {  	_ =	swait.ge [sflag:s17], $0x2000  }
0xd1: {  	[sflag:s17] =	ssyncset.done $0x0  }
0xd2: {  	[sflag:s17] =	ssyncadd.s32 $0xFFFFE000  }
0xd3: {  	_ =	swait.ge [sflag:s17], $0x2000  }
0xd4: {  	s0 =	rddreg [dreg:$0x16];
	[sflag:s17] =	ssyncset.done $0x0  }
0xd5: {  	s1 =	rddreg [dreg:$0x17];
	[sflag:s17] =	ssyncadd.s32 $0xFFFFE000  }
0xd6: {  	[hbm4b:s0+s2] =	stream.linear.scatter [tilespmem:s8], [sflag:$0x4], $0x2000, $0x38;
	[tilespmem:$0x19000] =	vst v63  }
0xd7: {  	s0 =	rddreg [dreg:$0x18]  }
0xd8: {  	[hbm4b:s1+s2] =	stream.linear.scatter [tilespmem:s9], [sflag:$0x4], $0x2000, $0x38;
	[tilespmem:$0x19000] =	vst v63  }
0xd9: {  	s1 =	rddreg [dreg:$0x19]  }
0xda: {  	[hbm4b:s0+s2] =	stream.linear.scatter [tilespmem:s10], [sflag:$0x4], $0x2000, $0x38;
	[tilespmem:$0x19000] =	vst v63  }
0xdb: {  	s0 =	sld [smem:$0x7F8]  }
0xdc: {  	[hbm4b:s1+s2] =	stream.linear.scatter [tilespmem:s11], [sflag:$0x4], $0x2000, $0x38;
	[tilespmem:$0x19000] =	vst v63  }
0xdd: {  	s1 =	sld [smem:$0x7F9]  }
0xde: {  	[tilespmem:s18], [sflag:$0x3] =	stream.indirect.gather [hbm4b:s12+s15], $0x40, s0, s15, $0xb8;
	[tilespmem:$0x19000] =	vst v63  }
0xdf: {  	s0 =	sld [smem:$0x7FA]  }
0xe0: {  	[tilespmem:s19], [sflag:$0x3] =	stream.indirect.gather [hbm4b:s12+s15], $0x40, s1, s15, $0xb8;
	[tilespmem:$0x19000] =	vst v63  }
0xe1: {  	s1 =	sld [smem:$0x7FB]  }
0xe2: {  	[tilespmem:s20], [sflag:$0x3] =	stream.indirect.gather [hbm4b:s12+s15], $0x40, s0, s15, $0xb8;
	[tilespmem:$0x19000] =	vst v63  }
0xe3: {  	_ = 	snop  }
0xe4: {  	[tilespmem:s21], [sflag:$0x3] =	stream.indirect.gather [hbm4b:s12+s15], $0x40, s1, s15, $0xb8;
	[tilespmem:$0x19000] =	vst v63  }
0xe5: {  	_ =	swait.ge [sflag:s14], $0x2000  }
0xe6: {  	[sflag:s14] =	ssyncset.done $0x0  }
0xe7: {  	[sflag:s14] =	ssyncadd.s32 $0xFFFFE000  }
0xe8: {  	_ =	swait.ge [sflag:s14], $0x2000  }
0xe9: {  	[sflag:s14] =	ssyncset.done $0x0  }
0xea: {  	[sflag:s14] =	ssyncadd.s32 $0xFFFFE000  }
0xeb: {  	_ =	swait.ge [sflag:s14], $0x2000  }
0xec: {  	[sflag:s14] =	ssyncset.done $0x0  }
0xed: {  	[sflag:s14] =	ssyncadd.s32 $0xFFFFE000  }
0xee: {  	_ =	swait.ge [sflag:s14], $0x2000  }
0xef: {  	[sflag:s14] =	ssyncset.done $0x0  }
0xf0: {  	[sflag:s14] =	ssyncadd.s32 $0xFFFFE000  }
0xf1: {  	_ =	swait.ge [sflag:s13], $0x2000  }
0xf2: {  	[sflag:s13] =	ssyncset.done $0x0  }
0xf3: {  	[sflag:s13] =	ssyncadd.s32 $0xFFFFE000  }
0xf4: {  	_ =	swait.ge [sflag:s13], $0x2000  }
0xf5: {  	[sflag:s13] =	ssyncset.done $0x0  }
0xf6: {  	[sflag:s13] =	ssyncadd.s32 $0xFFFFE000  }
0xf7: {  	_ =	swait.ge [sflag:s13], $0x2000  }
0xf8: {  	[sflag:s13] =	ssyncset.done $0x0  }
0xf9: {  	[sflag:s13] =	ssyncadd.s32 $0xFFFFE000  }
0xfa: {  	_ =	swait.ge [sflag:s13], $0x2000  }
0xfb: {  	s0 =	rddreg [dreg:$0x1a];
	[sflag:s13] =	ssyncset.done $0x0  }
0xfc: {  	s1 =	rddreg [dreg:$0x1b];
	[sflag:s13] =	ssyncadd.s32 $0xFFFFE000  }
0xfd: {  	[hbm4b:s0+s2] =	stream.linear.scatter [tilespmem:s3], [sflag:$0x5], $0x2000, $0x38;
	[tilespmem:$0x19000] =	vst v63  }
0xfe: {  	s0 =	rddreg [dreg:$0x1c]  }
0xff: {  	[hbm4b:s1+s2] =	stream.linear.scatter [tilespmem:s4], [sflag:$0x5], $0x2000, $0x38;
	[tilespmem:$0x19000] =	vst v63  }
0x100: {  	s1 =	rddreg [dreg:$0x1d]  }
0x101: {  	[hbm4b:s0+s2] =	stream.linear.scatter [tilespmem:s5], [sflag:$0x5], $0x2000, $0x38;
	[tilespmem:$0x19000] =	vst v63  }
0x102: {  	s0 =	sld [smem:$0x7FC]  }
0x103: {  	[hbm4b:s1+s2] =	stream.linear.scatter [tilespmem:s6], [sflag:$0x5], $0x2000, $0x38;
	[tilespmem:$0x19000] =	vst v63  }
0x104: {  	s1 =	sld [smem:$0x7FD]  }
0x105: {  	[tilespmem:s8], [sflag:$0x1] =	stream.indirect.gather [hbm4b:s12+s15], $0x40, s0, s15, $0xb8;
	[tilespmem:$0x19000] =	vst v63  }
0x106: {  	_ = 	snop  }
0x107: {  	[tilespmem:s9], [sflag:$0x1] =	stream.indirect.gather [hbm4b:s12+s15], $0x40, s1, s15, $0xb8;
	[tilespmem:$0x19000] =	vst v63  }
0x108: {  	_ = 	snop  }
0x109: {  	[tilespmem:s10], [sflag:$0x1] =	stream.indirect.gather [hbm4b:s12+s15], $0x40, s29, s15, $0xb8;
	[tilespmem:$0x19000] =	vst v63  }
0x10a: {  	_ = 	snop  }
0x10b: {  	[tilespmem:s11], [sflag:$0x1] =	stream.indirect.gather [hbm4b:s12+s15], $0x40, s23, s15, $0xb8;
	[tilespmem:$0x19000] =	vst v63  }
0x10c: {  	_ =	swait.ge [sflag:s26], $0x2000  }
0x10d: {  	[sflag:s26] =	ssyncset.done $0x0  }
0x10e: {  	[sflag:s26] =	ssyncadd.s32 $0xFFFFE000  }
0x10f: {  	_ =	swait.ge [sflag:s26], $0x2000  }
0x110: {  	[sflag:s26] =	ssyncset.done $0x0  }
0x111: {  	[sflag:s26] =	ssyncadd.s32 $0xFFFFE000  }
0x112: {  	_ =	swait.ge [sflag:s26], $0x2000  }
0x113: {  	[sflag:s26] =	ssyncset.done $0x0  }
0x114: {  	[sflag:s26] =	ssyncadd.s32 $0xFFFFE000  }
0x115: {  	_ =	swait.ge [sflag:s26], $0x2000  }
0x116: {  	[sflag:s26] =	ssyncset.done $0x0  }
0x117: {  	[sflag:s26] =	ssyncadd.s32 $0xFFFFE000  }
0x118: {  	_ =	swait.ge [sflag:s7], $0x2000  }
0x119: {  	[sflag:s7] =	ssyncset.done $0x0  }
0x11a: {  	[sflag:s7] =	ssyncadd.s32 $0xFFFFE000  }
0x11b: {  	_ =	swait.ge [sflag:s7], $0x2000  }
0x11c: {  	[sflag:s7] =	ssyncset.done $0x0  }
0x11d: {  	[sflag:s7] =	ssyncadd.s32 $0xFFFFE000  }
0x11e: {  	_ =	swait.ge [sflag:s7], $0x2000  }
0x11f: {  	[sflag:s7] =	ssyncset.done $0x0  }
0x120: {  	[sflag:s7] =	ssyncadd.s32 $0xFFFFE000  }
0x121: {  	_ =	swait.ge [sflag:s7], $0x2000  }
0x122: {  	s0 =	rddreg [dreg:$0x1e];
	[sflag:s7] =	ssyncset.done $0x0  }
0x123: {  	s1 =	rddreg [dreg:$0x1f];
	[sflag:s7] =	ssyncadd.s32 $0xFFFFE000  }
0x124: {  	[hbm4b:s0+s2] =	stream.linear.scatter [tilespmem:s18], [sflag:$0x6], $0x2000, $0x38;
	[tilespmem:$0x19000] =	vst v63  }
0x125: {  	s0 =	sld [smem:$0x7E4]  }
0x126: {  	[hbm4b:s1+s2] =	stream.linear.scatter [tilespmem:s19], [sflag:$0x6], $0x2000, $0x38;
	[tilespmem:$0x19000] =	vst v63  }
0x127: {  	s1 =	sld [smem:$0x7E5]  }
0x128: {  	[hbm4b:s0+s2] =	stream.linear.scatter [tilespmem:s20], [sflag:$0x6], $0x2000, $0x38;
	[tilespmem:$0x19000] =	vst v63  }
0x129: {  	_ = 	snop  }
0x12a: {  	[hbm4b:s1+s2] =	stream.linear.scatter [tilespmem:s21], [sflag:$0x6], $0x2000, $0x38;
	[tilespmem:$0x19000] =	vst v63  }
0x12b: {  	s1 =	simm.s32 $0xE00  }
0x12c: {  	[tilespmem:s3], [sflag:$0x2] =	stream.indirect.gather [hbm4b:s12+s15], $0x40, s1, s15, $0xb8;
	[tilespmem:$0x19000] =	vst v63  }
0x12d: {  	_ = 	snop  }
0x12e: {  	[tilespmem:s4], [sflag:$0x2] =	stream.indirect.gather [hbm4b:s12+s15], $0x40, s24, s15, $0xb8;
	[tilespmem:$0x19000] =	vst v63  }
0x12f: {  	_ = 	snop  }
0x130: {  	[tilespmem:s5], [sflag:$0x2] =	stream.indirect.gather [hbm4b:s12+s15], $0x40, s25, s15, $0xb8;
	[tilespmem:$0x19000] =	vst v63  }
0x131: {  	_ = 	snop  }
0x132: {  	[tilespmem:s6], [sflag:$0x2] =	stream.indirect.gather [hbm4b:s12+s15], $0x40, s28, s15, $0xb8;
	[tilespmem:$0x19000] =	vst v63  }
0x133: {  	_ =	swait.ge [sflag:s16], $0x2000  }
0x134: {  	[sflag:s16] =	ssyncset.done $0x0  }
0x135: {  	[sflag:s16] =	ssyncadd.s32 $0xFFFFE000  }
0x136: {  	_ =	swait.ge [sflag:s16], $0x2000  }
0x137: {  	[sflag:s16] =	ssyncset.done $0x0  }
0x138: {  	[sflag:s16] =	ssyncadd.s32 $0xFFFFE000  }
0x139: {  	_ =	swait.ge [sflag:s16], $0x2000  }
0x13a: {  	[sflag:s16] =	ssyncset.done $0x0  }
0x13b: {  	[sflag:s16] =	ssyncadd.s32 $0xFFFFE000  }
0x13c: {  	_ =	swait.ge [sflag:s16], $0x2000  }
0x13d: {  	[sflag:s16] =	ssyncset.done $0x0  }
0x13e: {  	[sflag:s16] =	ssyncadd.s32 $0xFFFFE000  }
0x13f: {  	_ =	swait.ge [sflag:s17], $0x2000  }
0x140: {  	[sflag:s17] =	ssyncset.done $0x0  }
0x141: {  	[sflag:s17] =	ssyncadd.s32 $0xFFFFE000  }
0x142: {  	_ =	swait.ge [sflag:s17], $0x2000  }
0x143: {  	[sflag:s17] =	ssyncset.done $0x0  }
0x144: {  	[sflag:s17] =	ssyncadd.s32 $0xFFFFE000  }
0x145: {  	_ =	swait.ge [sflag:s17], $0x2000  }
0x146: {  	[sflag:s17] =	ssyncset.done $0x0  }
0x147: {  	[sflag:s17] =	ssyncadd.s32 $0xFFFFE000  }
0x148: {  	_ =	swait.ge [sflag:s17], $0x2000  }
0x149: {  	[sflag:s17] =	ssyncset.done $0x0  }
0x14a: {  	s0 =	rddreg [dreg:$0x6];
	[sflag:s17] =	ssyncadd.s32 $0xFFFFE000  }
0x14b: {  	[hbm4b:s0+s2] =	stream.linear.scatter [tilespmem:s8], [sflag:$0x4], $0x2000, $0x38;
	[tilespmem:$0x19000] =	vst v63  }
0x14c: {  	s1 =	rddreg [dreg:$0x7]  }
0x14d: {  	[hbm4b:s1+s2] =	stream.linear.scatter [tilespmem:s9], [sflag:$0x4], $0x2000, $0x38;
	[tilespmem:$0x19000] =	vst v63  }
0x14e: {  	s0 =	rddreg [dreg:$0x8]  }
0x14f: {  	[hbm4b:s0+s2] =	stream.linear.scatter [tilespmem:s10], [sflag:$0x4], $0x2000, $0x38;
	[tilespmem:$0x19000] =	vst v63  }
0x150: {  	s1 =	rddreg [dreg:$0x9]  }
0x151: {  	[hbm4b:s1+s2] =	stream.linear.scatter [tilespmem:s11], [sflag:$0x4], $0x2000, $0x38;
	[tilespmem:$0x19000] =	vst v63  }
0x152: {  	_ =	swait.ge [sflag:s14], $0x2000  }
0x153: {  	[sflag:s14] =	ssyncset.done $0x0  }
0x154: {  	[sflag:s14] =	ssyncadd.s32 $0xFFFFE000  }
0x155: {  	_ =	swait.ge [sflag:s14], $0x2000  }
0x156: {  	[sflag:s14] =	ssyncset.done $0x0  }
0x157: {  	[sflag:s14] =	ssyncadd.s32 $0xFFFFE000  }
0x158: {  	_ =	swait.ge [sflag:s14], $0x2000  }
0x159: {  	[sflag:s14] =	ssyncset.done $0x0  }
0x15a: {  	[sflag:s14] =	ssyncadd.s32 $0xFFFFE000  }
0x15b: {  	_ =	swait.ge [sflag:s14], $0x2000  }
0x15c: {  	[sflag:s14] =	ssyncset.done $0x0  }
0x15d: {  	[sflag:s14] =	ssyncadd.s32 $0xFFFFE000  }
0x15e: {  	_ =	swait.ge [sflag:s13], $0x2000  }
0x15f: {  	[sflag:s13] =	ssyncset.done $0x0  }
0x160: {  	[sflag:s13] =	ssyncadd.s32 $0xFFFFE000  }
0x161: {  	_ =	swait.ge [sflag:s13], $0x2000  }
0x162: {  	[sflag:s13] =	ssyncset.done $0x0  }
0x163: {  	[sflag:s13] =	ssyncadd.s32 $0xFFFFE000  }
0x164: {  	_ =	swait.ge [sflag:s13], $0x2000  }
0x165: {  	[sflag:s13] =	ssyncset.done $0x0  }
0x166: {  	[sflag:s13] =	ssyncadd.s32 $0xFFFFE000  }
0x167: {  	_ =	swait.ge [sflag:s13], $0x2000  }
0x168: {  	[sflag:s13] =	ssyncset.done $0x0  }
0x169: {  	s0 =	rddreg [dreg:$0xa];
	[sflag:s13] =	ssyncadd.s32 $0xFFFFE000  }
0x16a: {  	[hbm4b:s0+s2] =	stream.linear.scatter [tilespmem:s3], [sflag:$0x5], $0x2000, $0x38;
	[tilespmem:$0x19000] =	vst v63  }
0x16b: {  	s1 =	rddreg [dreg:$0xb]  }
0x16c: {  	[hbm4b:s1+s2] =	stream.linear.scatter [tilespmem:s4], [sflag:$0x5], $0x2000, $0x38;
	[tilespmem:$0x19000] =	vst v63  }
0x16d: {  	s0 =	rddreg [dreg:$0xc]  }
0x16e: {  	[hbm4b:s0+s2] =	stream.linear.scatter [tilespmem:s5], [sflag:$0x5], $0x2000, $0x38;
	[tilespmem:$0x19000] =	vst v63  }
0x16f: {  	s1 =	rddreg [dreg:$0xd]  }
0x170: {  	[hbm4b:s1+s2] =	stream.linear.scatter [tilespmem:s6], [sflag:$0x5], $0x2000, $0x38;
	[tilespmem:$0x19000] =	vst v63  }
0x171: {  	_ =	swait.ge [sflag:s7], $0x2000  }
0x172: {  	[sflag:s7] =	ssyncset.done $0x0  }
0x173: {  	[sflag:s7] =	ssyncadd.s32 $0xFFFFE000  }
0x174: {  	_ =	swait.ge [sflag:s7], $0x2000  }
0x175: {  	[sflag:s7] =	ssyncset.done $0x0  }
0x176: {  	p1 =	sne.s32 s22, $0x1;
	[sflag:s7] =	ssyncadd.s32 $0xFFFFE000  }
.Ltmp1:
0x177: {  	_ =	swait.ge [sflag:s7], $0x2000;
	(pc) =	sbr.rel @!p1 .LBB2_3-.Ltmp1, $4  }
0x178: {  	[sflag:s7] =	ssyncset.done $0x0  }
0x179: {  	[sflag:s7] =	ssyncadd.s32 $0xFFFFE000  }
0x17a: {  	p0 =	por $0x1, $0x1;
	_ =	swait.ge [sflag:s7], $0x2000  }
0x17b: {  	s1 =	sadd.s32 $0xFFFFFFFF, s22;
	s0 =	rddreg [dreg:$0x2];
	[sflag:s7] =	ssyncset.done $0x0  }
.LBB2_4:
0x17c: {  	[sflag:s7] =	ssyncadd.s32 $0xFFFFE000  }
0x17d: {  	[tilespmem:s2], [sflag:$0x7] =	stream.linear.gather [hbm4b:s0+s2], $0x1000, $0x38;
	[tilespmem:$0x19000] =	vst v63  }
0x17e: {  	_ =	swait.ge [sflag:s31], $0x1000  }
0x17f: {  	[sflag:s31] =	ssyncset.done $0x0  }
0x180: {  	[sflag:s31] =	ssyncadd.s32 $0xFFFFF000  }
0x181: {  	[tilespmem:s8], [sflag:$0x1] =	stream.indirect.gather [hbm4b:s12+s15], $0x40, s2, s15, $0xb8;
	[tilespmem:$0x19000] =	vst v63  }
0x182: {  	s0 =	sld [smem:$0x7E6]  }
0x183: {  	[tilespmem:s9], [sflag:$0x1] =	stream.indirect.gather [hbm4b:s12+s15], $0x40, s15, s15, $0xb8;
	[tilespmem:$0x19000] =	vst v63  }
0x184: {  	s22 =	sld [smem:$0x7E7]  }
0x185: {  	[tilespmem:s10], [sflag:$0x1] =	stream.indirect.gather [hbm4b:s12+s15], $0x40, s0, s15, $0xb8;
	[tilespmem:$0x19000] =	vst v63  }
0x186: {  	s0 =	sld [smem:$0x7E8]  }
0x187: {  	[tilespmem:s11], [sflag:$0x1] =	stream.indirect.gather [hbm4b:s12+s15], $0x40, s22, s15, $0xb8;
	[tilespmem:$0x19000] =	vst v63  }
0x188: {  	s22 =	sld [smem:$0x7E9]  }
0x189: {  	[tilespmem:s3], [sflag:$0x2] =	stream.indirect.gather [hbm4b:s12+s15], $0x40, s0, s15, $0xb8;
	[tilespmem:$0x19000] =	vst v63  }
0x18a: {  	s0 =	sld [smem:$0x7EA]  }
0x18b: {  	[tilespmem:s4], [sflag:$0x2] =	stream.indirect.gather [hbm4b:s12+s15], $0x40, s22, s15, $0xb8;
	[tilespmem:$0x19000] =	vst v63  }
0x18c: {  	s22 =	sld [smem:$0x7EB]  }
0x18d: {  	[tilespmem:s5], [sflag:$0x2] =	stream.indirect.gather [hbm4b:s12+s15], $0x40, s0, s15, $0xb8;
	[tilespmem:$0x19000] =	vst v63  }
0x18e: {  	_ = 	snop  }
0x18f: {  	[tilespmem:s6], [sflag:$0x2] =	stream.indirect.gather [hbm4b:s12+s15], $0x40, s22, s15, $0xb8;
	[tilespmem:$0x19000] =	vst v63  }
0x190: {  	_ =	swait.ge [sflag:s16], $0x2000  }
0x191: {  	[sflag:s16] =	ssyncset.done $0x0  }
0x192: {  	[sflag:s16] =	ssyncadd.s32 $0xFFFFE000  }
0x193: {  	_ =	swait.ge [sflag:s16], $0x2000  }
0x194: {  	[sflag:s16] =	ssyncset.done $0x0  }
0x195: {  	[sflag:s16] =	ssyncadd.s32 $0xFFFFE000  }
0x196: {  	_ =	swait.ge [sflag:s16], $0x2000  }
0x197: {  	[sflag:s16] =	ssyncset.done $0x0  }
0x198: {  	[sflag:s16] =	ssyncadd.s32 $0xFFFFE000  }
0x199: {  	_ =	swait.ge [sflag:s16], $0x2000  }
0x19a: {  	[sflag:s16] =	ssyncset.done $0x0  }
0x19b: {  	s0 =	rddreg [dreg:$0x3];
	[sflag:s16] =	ssyncadd.s32 $0xFFFFE000  }
0x19c: {  	[hbm4b:s30+s2] =	stream.linear.scatter [tilespmem:s8], [sflag:$0x4], $0x2000, $0x38;
	[tilespmem:$0x19000] =	vst v63  }
0x19d: {  	s22 =	rddreg [dreg:$0x4]  }
0x19e: {  	[hbm4b:s0+s2] =	stream.linear.scatter [tilespmem:s9], [sflag:$0x4], $0x2000, $0x38;
	[tilespmem:$0x19000] =	vst v63  }
0x19f: {  	s0 =	rddreg [dreg:$0x5]  }
0x1a0: {  	[hbm4b:s22+s2] =	stream.linear.scatter [tilespmem:s10], [sflag:$0x4], $0x2000, $0x38;
	[tilespmem:$0x19000] =	vst v63  }
0x1a1: {  	s22 =	sld [smem:$0x7EC]  }
0x1a2: {  	[hbm4b:s0+s2] =	stream.linear.scatter [tilespmem:s11], [sflag:$0x4], $0x2000, $0x38;
	[tilespmem:$0x19000] =	vst v63  }
0x1a3: {  	s0 =	sld [smem:$0x7ED]  }
0x1a4: {  	[tilespmem:s18], [sflag:$0x3] =	stream.indirect.gather [hbm4b:s12+s15], $0x40, s22, s15, $0xb8;
	[tilespmem:$0x19000] =	vst v63  }
0x1a5: {  	s22 =	sld [smem:$0x7EE]  }
0x1a6: {  	[tilespmem:s19], [sflag:$0x3] =	stream.indirect.gather [hbm4b:s12+s15], $0x40, s0, s15, $0xb8;
	[tilespmem:$0x19000] =	vst v63  }
0x1a7: {  	s0 =	sld [smem:$0x7EF]  }
0x1a8: {  	[tilespmem:s20], [sflag:$0x3] =	stream.indirect.gather [hbm4b:s12+s15], $0x40, s22, s15, $0xb8;
	[tilespmem:$0x19000] =	vst v63  }
0x1a9: {  	_ = 	snop  }
0x1aa: {  	[tilespmem:s21], [sflag:$0x3] =	stream.indirect.gather [hbm4b:s12+s15], $0x40, s0, s15, $0xb8;
	[tilespmem:$0x19000] =	vst v63  }
0x1ab: {  	_ =	swait.ge [sflag:s14], $0x2000  }
0x1ac: {  	[sflag:s14] =	ssyncset.done $0x0  }
0x1ad: {  	[sflag:s14] =	ssyncadd.s32 $0xFFFFE000  }
0x1ae: {  	_ =	swait.ge [sflag:s14], $0x2000  }
0x1af: {  	[sflag:s14] =	ssyncset.done $0x0  }
0x1b0: {  	[sflag:s14] =	ssyncadd.s32 $0xFFFFE000  }
0x1b1: {  	_ =	swait.ge [sflag:s14], $0x2000  }
0x1b2: {  	[sflag:s14] =	ssyncset.done $0x0  }
0x1b3: {  	[sflag:s14] =	ssyncadd.s32 $0xFFFFE000  }
0x1b4: {  	_ =	swait.ge [sflag:s14], $0x2000  }
0x1b5: {  	[sflag:s14] =	ssyncset.done $0x0  }
0x1b6: {  	[sflag:s14] =	ssyncadd.s32 $0xFFFFE000  }
0x1b7: {  	_ =	swait.ge [sflag:s13], $0x2000  }
0x1b8: {  	[sflag:s13] =	ssyncset.done $0x0  }
0x1b9: {  	[sflag:s13] =	ssyncadd.s32 $0xFFFFE000  }
0x1ba: {  	_ =	swait.ge [sflag:s13], $0x2000  }
0x1bb: {  	[sflag:s13] =	ssyncset.done $0x0  }
0x1bc: {  	[sflag:s13] =	ssyncadd.s32 $0xFFFFE000  }
0x1bd: {  	_ =	swait.ge [sflag:s13], $0x2000  }
0x1be: {  	[sflag:s13] =	ssyncset.done $0x0  }
0x1bf: {  	[sflag:s13] =	ssyncadd.s32 $0xFFFFE000  }
0x1c0: {  	_ =	swait.ge [sflag:s13], $0x2000  }
0x1c1: {  	s0 =	rddreg [dreg:$0xe];
	[sflag:s13] =	ssyncset.done $0x0  }
0x1c2: {  	s22 =	rddreg [dreg:$0xf];
	[sflag:s13] =	ssyncadd.s32 $0xFFFFE000  }
0x1c3: {  	[hbm4b:s0+s2] =	stream.linear.scatter [tilespmem:s3], [sflag:$0x5], $0x2000, $0x38;
	[tilespmem:$0x19000] =	vst v63  }
0x1c4: {  	s0 =	rddreg [dreg:$0x10]  }
0x1c5: {  	[hbm4b:s22+s2] =	stream.linear.scatter [tilespmem:s4], [sflag:$0x5], $0x2000, $0x38;
	[tilespmem:$0x19000] =	vst v63  }
0x1c6: {  	s22 =	rddreg [dreg:$0x11]  }
0x1c7: {  	[hbm4b:s0+s2] =	stream.linear.scatter [tilespmem:s5], [sflag:$0x5], $0x2000, $0x38;
	[tilespmem:$0x19000] =	vst v63  }
0x1c8: {  	s0 =	sld [smem:$0x7F0]  }
0x1c9: {  	[hbm4b:s22+s2] =	stream.linear.scatter [tilespmem:s6], [sflag:$0x5], $0x2000, $0x38;
	[tilespmem:$0x19000] =	vst v63  }
0x1ca: {  	s22 =	sld [smem:$0x7F1]  }
0x1cb: {  	[tilespmem:s8], [sflag:$0x1] =	stream.indirect.gather [hbm4b:s12+s15], $0x40, s0, s15, $0xb8;
	[tilespmem:$0x19000] =	vst v63  }
0x1cc: {  	s0 =	sld [smem:$0x7F2]  }
0x1cd: {  	[tilespmem:s9], [sflag:$0x1] =	stream.indirect.gather [hbm4b:s12+s15], $0x40, s22, s15, $0xb8;
	[tilespmem:$0x19000] =	vst v63  }
0x1ce: {  	s22 =	sld [smem:$0x7F3]  }
0x1cf: {  	[tilespmem:s10], [sflag:$0x1] =	stream.indirect.gather [hbm4b:s12+s15], $0x40, s0, s15, $0xb8;
	[tilespmem:$0x19000] =	vst v63  }
0x1d0: {  	_ = 	snop  }
0x1d1: {  	[tilespmem:s11], [sflag:$0x1] =	stream.indirect.gather [hbm4b:s12+s15], $0x40, s22, s15, $0xb8;
	[tilespmem:$0x19000] =	vst v63  }
0x1d2: {  	_ =	swait.ge [sflag:s26], $0x2000  }
0x1d3: {  	[sflag:s26] =	ssyncset.done $0x0  }
0x1d4: {  	[sflag:s26] =	ssyncadd.s32 $0xFFFFE000  }
0x1d5: {  	_ =	swait.ge [sflag:s26], $0x2000  }
0x1d6: {  	[sflag:s26] =	ssyncset.done $0x0  }
0x1d7: {  	[sflag:s26] =	ssyncadd.s32 $0xFFFFE000  }
0x1d8: {  	_ =	swait.ge [sflag:s26], $0x2000  }
0x1d9: {  	[sflag:s26] =	ssyncset.done $0x0  }
0x1da: {  	[sflag:s26] =	ssyncadd.s32 $0xFFFFE000  }
0x1db: {  	_ =	swait.ge [sflag:s26], $0x2000  }
0x1dc: {  	[sflag:s26] =	ssyncset.done $0x0  }
0x1dd: {  	[sflag:s26] =	ssyncadd.s32 $0xFFFFE000  }
0x1de: {  	_ =	swait.ge [sflag:s7], $0x2000  }
0x1df: {  	[sflag:s7] =	ssyncset.done $0x0  }
0x1e0: {  	[sflag:s7] =	ssyncadd.s32 $0xFFFFE000  }
0x1e1: {  	_ =	swait.ge [sflag:s7], $0x2000  }
0x1e2: {  	[sflag:s7] =	ssyncset.done $0x0  }
0x1e3: {  	[sflag:s7] =	ssyncadd.s32 $0xFFFFE000  }
0x1e4: {  	_ =	swait.ge [sflag:s7], $0x2000  }
0x1e5: {  	[sflag:s7] =	ssyncset.done $0x0  }
0x1e6: {  	[sflag:s7] =	ssyncadd.s32 $0xFFFFE000  }
0x1e7: {  	_ =	swait.ge [sflag:s7], $0x2000  }
0x1e8: {  	s0 =	rddreg [dreg:$0x12];
	[sflag:s7] =	ssyncset.done $0x0  }
0x1e9: {  	s22 =	rddreg [dreg:$0x13];
	[sflag:s7] =	ssyncadd.s32 $0xFFFFE000  }
0x1ea: {  	[hbm4b:s0+s2] =	stream.linear.scatter [tilespmem:s18], [sflag:$0x6], $0x2000, $0x38;
	[tilespmem:$0x19000] =	vst v63  }
0x1eb: {  	s0 =	rddreg [dreg:$0x14]  }
0x1ec: {  	[hbm4b:s22+s2] =	stream.linear.scatter [tilespmem:s19], [sflag:$0x6], $0x2000, $0x38;
	[tilespmem:$0x19000] =	vst v63  }
0x1ed: {  	s22 =	rddreg [dreg:$0x15]  }
0x1ee: {  	[hbm4b:s0+s2] =	stream.linear.scatter [tilespmem:s20], [sflag:$0x6], $0x2000, $0x38;
	[tilespmem:$0x19000] =	vst v63  }
0x1ef: {  	s0 =	sld [smem:$0x7F4]  }
0x1f0: {  	[hbm4b:s22+s2] =	stream.linear.scatter [tilespmem:s21], [sflag:$0x6], $0x2000, $0x38;
	[tilespmem:$0x19000] =	vst v63  }
0x1f1: {  	s22 =	sld [smem:$0x7F5]  }
0x1f2: {  	[tilespmem:s3], [sflag:$0x2] =	stream.indirect.gather [hbm4b:s12+s15], $0x40, s0, s15, $0xb8;
	[tilespmem:$0x19000] =	vst v63  }
0x1f3: {  	s0 =	sld [smem:$0x7F6]  }
0x1f4: {  	[tilespmem:s4], [sflag:$0x2] =	stream.indirect.gather [hbm4b:s12+s15], $0x40, s22, s15, $0xb8;
	[tilespmem:$0x19000] =	vst v63  }
0x1f5: {  	s22 =	sld [smem:$0x7F7]  }
0x1f6: {  	[tilespmem:s5], [sflag:$0x2] =	stream.indirect.gather [hbm4b:s12+s15], $0x40, s0, s15, $0xb8;
	[tilespmem:$0x19000] =	vst v63  }
0x1f7: {  	_ = 	snop  }
0x1f8: {  	[tilespmem:s6], [sflag:$0x2] =	stream.indirect.gather [hbm4b:s12+s15], $0x40, s22, s15, $0xb8;
	[tilespmem:$0x19000] =	vst v63  }
0x1f9: {  	_ =	swait.ge [sflag:s16], $0x2000  }
0x1fa: {  	[sflag:s16] =	ssyncset.done $0x0  }
0x1fb: {  	[sflag:s16] =	ssyncadd.s32 $0xFFFFE000  }
0x1fc: {  	_ =	swait.ge [sflag:s16], $0x2000  }
0x1fd: {  	[sflag:s16] =	ssyncset.done $0x0  }
0x1fe: {  	[sflag:s16] =	ssyncadd.s32 $0xFFFFE000  }
0x1ff: {  	_ =	swait.ge [sflag:s16], $0x2000  }
0x200: {  	[sflag:s16] =	ssyncset.done $0x0  }
0x201: {  	[sflag:s16] =	ssyncadd.s32 $0xFFFFE000  }
0x202: {  	_ =	swait.ge [sflag:s16], $0x2000  }
0x203: {  	[sflag:s16] =	ssyncset.done $0x0  }
0x204: {  	[sflag:s16] =	ssyncadd.s32 $0xFFFFE000  }
0x205: {  	_ =	swait.ge [sflag:s17], $0x2000  }
0x206: {  	[sflag:s17] =	ssyncset.done $0x0  }
0x207: {  	[sflag:s17] =	ssyncadd.s32 $0xFFFFE000  }
0x208: {  	_ =	swait.ge [sflag:s17], $0x2000  }
0x209: {  	[sflag:s17] =	ssyncset.done $0x0  }
0x20a: {  	[sflag:s17] =	ssyncadd.s32 $0xFFFFE000  }
0x20b: {  	_ =	swait.ge [sflag:s17], $0x2000  }
0x20c: {  	[sflag:s17] =	ssyncset.done $0x0  }
0x20d: {  	[sflag:s17] =	ssyncadd.s32 $0xFFFFE000  }
0x20e: {  	_ =	swait.ge [sflag:s17], $0x2000  }
0x20f: {  	s0 =	rddreg [dreg:$0x16];
	[sflag:s17] =	ssyncset.done $0x0  }
0x210: {  	s22 =	rddreg [dreg:$0x17];
	[sflag:s17] =	ssyncadd.s32 $0xFFFFE000  }
0x211: {  	[hbm4b:s0+s2] =	stream.linear.scatter [tilespmem:s8], [sflag:$0x4], $0x2000, $0x38;
	[tilespmem:$0x19000] =	vst v63  }
0x212: {  	s0 =	rddreg [dreg:$0x18]  }
0x213: {  	[hbm4b:s22+s2] =	stream.linear.scatter [tilespmem:s9], [sflag:$0x4], $0x2000, $0x38;
	[tilespmem:$0x19000] =	vst v63  }
0x214: {  	s22 =	rddreg [dreg:$0x19]  }
0x215: {  	[hbm4b:s0+s2] =	stream.linear.scatter [tilespmem:s10], [sflag:$0x4], $0x2000, $0x38;
	[tilespmem:$0x19000] =	vst v63  }
0x216: {  	s0 =	sld [smem:$0x7F8]  }
0x217: {  	[hbm4b:s22+s2] =	stream.linear.scatter [tilespmem:s11], [sflag:$0x4], $0x2000, $0x38;
	[tilespmem:$0x19000] =	vst v63  }
0x218: {  	s22 =	sld [smem:$0x7F9]  }
0x219: {  	[tilespmem:s18], [sflag:$0x3] =	stream.indirect.gather [hbm4b:s12+s15], $0x40, s0, s15, $0xb8;
	[tilespmem:$0x19000] =	vst v63  }
0x21a: {  	s0 =	sld [smem:$0x7FA]  }
0x21b: {  	[tilespmem:s19], [sflag:$0x3] =	stream.indirect.gather [hbm4b:s12+s15], $0x40, s22, s15, $0xb8;
	[tilespmem:$0x19000] =	vst v63  }
0x21c: {  	s22 =	sld [smem:$0x7FB]  }
0x21d: {  	[tilespmem:s20], [sflag:$0x3] =	stream.indirect.gather [hbm4b:s12+s15], $0x40, s0, s15, $0xb8;
	[tilespmem:$0x19000] =	vst v63  }
0x21e: {  	_ = 	snop  }
0x21f: {  	[tilespmem:s21], [sflag:$0x3] =	stream.indirect.gather [hbm4b:s12+s15], $0x40, s22, s15, $0xb8;
	[tilespmem:$0x19000] =	vst v63  }
0x220: {  	_ =	swait.ge [sflag:s14], $0x2000  }
0x221: {  	[sflag:s14] =	ssyncset.done $0x0  }
0x222: {  	[sflag:s14] =	ssyncadd.s32 $0xFFFFE000  }
0x223: {  	_ =	swait.ge [sflag:s14], $0x2000  }
0x224: {  	[sflag:s14] =	ssyncset.done $0x0  }
0x225: {  	[sflag:s14] =	ssyncadd.s32 $0xFFFFE000  }
0x226: {  	_ =	swait.ge [sflag:s14], $0x2000  }
0x227: {  	[sflag:s14] =	ssyncset.done $0x0  }
0x228: {  	[sflag:s14] =	ssyncadd.s32 $0xFFFFE000  }
0x229: {  	_ =	swait.ge [sflag:s14], $0x2000  }
0x22a: {  	[sflag:s14] =	ssyncset.done $0x0  }
0x22b: {  	[sflag:s14] =	ssyncadd.s32 $0xFFFFE000  }
0x22c: {  	_ =	swait.ge [sflag:s13], $0x2000  }
0x22d: {  	[sflag:s13] =	ssyncset.done $0x0  }
0x22e: {  	[sflag:s13] =	ssyncadd.s32 $0xFFFFE000  }
0x22f: {  	_ =	swait.ge [sflag:s13], $0x2000  }
0x230: {  	[sflag:s13] =	ssyncset.done $0x0  }
0x231: {  	[sflag:s13] =	ssyncadd.s32 $0xFFFFE000  }
0x232: {  	_ =	swait.ge [sflag:s13], $0x2000  }
0x233: {  	[sflag:s13] =	ssyncset.done $0x0  }
0x234: {  	[sflag:s13] =	ssyncadd.s32 $0xFFFFE000  }
0x235: {  	_ =	swait.ge [sflag:s13], $0x2000  }
0x236: {  	s0 =	rddreg [dreg:$0x1a];
	[sflag:s13] =	ssyncset.done $0x0  }
0x237: {  	s22 =	rddreg [dreg:$0x1b];
	[sflag:s13] =	ssyncadd.s32 $0xFFFFE000  }
0x238: {  	[hbm4b:s0+s2] =	stream.linear.scatter [tilespmem:s3], [sflag:$0x5], $0x2000, $0x38;
	[tilespmem:$0x19000] =	vst v63  }
0x239: {  	s0 =	rddreg [dreg:$0x1c]  }
0x23a: {  	[hbm4b:s22+s2] =	stream.linear.scatter [tilespmem:s4], [sflag:$0x5], $0x2000, $0x38;
	[tilespmem:$0x19000] =	vst v63  }
0x23b: {  	s22 =	rddreg [dreg:$0x1d]  }
0x23c: {  	[hbm4b:s0+s2] =	stream.linear.scatter [tilespmem:s5], [sflag:$0x5], $0x2000, $0x38;
	[tilespmem:$0x19000] =	vst v63  }
0x23d: {  	s0 =	sld [smem:$0x7FC]  }
0x23e: {  	[hbm4b:s22+s2] =	stream.linear.scatter [tilespmem:s6], [sflag:$0x5], $0x2000, $0x38;
	[tilespmem:$0x19000] =	vst v63  }
0x23f: {  	s22 =	sld [smem:$0x7FD]  }
0x240: {  	[tilespmem:s8], [sflag:$0x1] =	stream.indirect.gather [hbm4b:s12+s15], $0x40, s0, s15, $0xb8;
	[tilespmem:$0x19000] =	vst v63  }
0x241: {  	_ = 	snop  }
0x242: {  	[tilespmem:s9], [sflag:$0x1] =	stream.indirect.gather [hbm4b:s12+s15], $0x40, s22, s15, $0xb8;
	[tilespmem:$0x19000] =	vst v63  }
0x243: {  	_ = 	snop  }
0x244: {  	[tilespmem:s10], [sflag:$0x1] =	stream.indirect.gather [hbm4b:s12+s15], $0x40, s29, s15, $0xb8;
	[tilespmem:$0x19000] =	vst v63  }
0x245: {  	_ = 	snop  }
0x246: {  	[tilespmem:s11], [sflag:$0x1] =	stream.indirect.gather [hbm4b:s12+s15], $0x40, s23, s15, $0xb8;
	[tilespmem:$0x19000] =	vst v63  }
0x247: {  	_ =	swait.ge [sflag:s26], $0x2000  }
0x248: {  	[sflag:s26] =	ssyncset.done $0x0  }
0x249: {  	[sflag:s26] =	ssyncadd.s32 $0xFFFFE000  }
0x24a: {  	_ =	swait.ge [sflag:s26], $0x2000  }
0x24b: {  	[sflag:s26] =	ssyncset.done $0x0  }
0x24c: {  	[sflag:s26] =	ssyncadd.s32 $0xFFFFE000  }
0x24d: {  	_ =	swait.ge [sflag:s26], $0x2000  }
0x24e: {  	[sflag:s26] =	ssyncset.done $0x0  }
0x24f: {  	[sflag:s26] =	ssyncadd.s32 $0xFFFFE000  }
0x250: {  	_ =	swait.ge [sflag:s26], $0x2000  }
0x251: {  	[sflag:s26] =	ssyncset.done $0x0  }
0x252: {  	[sflag:s26] =	ssyncadd.s32 $0xFFFFE000  }
0x253: {  	_ =	swait.ge [sflag:s7], $0x2000  }
0x254: {  	[sflag:s7] =	ssyncset.done $0x0  }
0x255: {  	[sflag:s7] =	ssyncadd.s32 $0xFFFFE000  }
0x256: {  	_ =	swait.ge [sflag:s7], $0x2000  }
0x257: {  	[sflag:s7] =	ssyncset.done $0x0  }
0x258: {  	[sflag:s7] =	ssyncadd.s32 $0xFFFFE000  }
0x259: {  	_ =	swait.ge [sflag:s7], $0x2000  }
0x25a: {  	[sflag:s7] =	ssyncset.done $0x0  }
0x25b: {  	[sflag:s7] =	ssyncadd.s32 $0xFFFFE000  }
0x25c: {  	_ =	swait.ge [sflag:s7], $0x2000  }
0x25d: {  	s0 =	rddreg [dreg:$0x1e];
	[sflag:s7] =	ssyncset.done $0x0  }
0x25e: {  	s22 =	rddreg [dreg:$0x1f];
	[sflag:s7] =	ssyncadd.s32 $0xFFFFE000  }
0x25f: {  	[hbm4b:s0+s2] =	stream.linear.scatter [tilespmem:s18], [sflag:$0x6], $0x2000, $0x38;
	[tilespmem:$0x19000] =	vst v63  }
0x260: {  	s0 =	sld [smem:$0x7E4]  }
0x261: {  	[hbm4b:s22+s2] =	stream.linear.scatter [tilespmem:s19], [sflag:$0x6], $0x2000, $0x38;
	[tilespmem:$0x19000] =	vst v63  }
0x262: {  	s22 =	sld [smem:$0x7E5]  }
0x263: {  	[hbm4b:s0+s2] =	stream.linear.scatter [tilespmem:s20], [sflag:$0x6], $0x2000, $0x38;
	[tilespmem:$0x19000] =	vst v63  }
0x264: {  	_ = 	snop  }
0x265: {  	[hbm4b:s22+s2] =	stream.linear.scatter [tilespmem:s21], [sflag:$0x6], $0x2000, $0x38;
	[tilespmem:$0x19000] =	vst v63  }
0x266: {  	s22 =	simm.s32 $0xE00  }
0x267: {  	[tilespmem:s3], [sflag:$0x2] =	stream.indirect.gather [hbm4b:s12+s15], $0x40, s22, s15, $0xb8;
	[tilespmem:$0x19000] =	vst v63  }
0x268: {  	_ = 	snop  }
0x269: {  	[tilespmem:s4], [sflag:$0x2] =	stream.indirect.gather [hbm4b:s12+s15], $0x40, s24, s15, $0xb8;
	[tilespmem:$0x19000] =	vst v63  }
0x26a: {  	_ = 	snop  }
0x26b: {  	[tilespmem:s5], [sflag:$0x2] =	stream.indirect.gather [hbm4b:s12+s15], $0x40, s25, s15, $0xb8;
	[tilespmem:$0x19000] =	vst v63  }
0x26c: {  	_ = 	snop  }
0x26d: {  	[tilespmem:s6], [sflag:$0x2] =	stream.indirect.gather [hbm4b:s12+s15], $0x40, s28, s15, $0xb8;
	[tilespmem:$0x19000] =	vst v63  }
0x26e: {  	_ =	swait.ge [sflag:s16], $0x2000  }
0x26f: {  	[sflag:s16] =	ssyncset.done $0x0  }
0x270: {  	[sflag:s16] =	ssyncadd.s32 $0xFFFFE000  }
0x271: {  	_ =	swait.ge [sflag:s16], $0x2000  }
0x272: {  	[sflag:s16] =	ssyncset.done $0x0  }
0x273: {  	[sflag:s16] =	ssyncadd.s32 $0xFFFFE000  }
0x274: {  	_ =	swait.ge [sflag:s16], $0x2000  }
0x275: {  	[sflag:s16] =	ssyncset.done $0x0  }
0x276: {  	[sflag:s16] =	ssyncadd.s32 $0xFFFFE000  }
0x277: {  	_ =	swait.ge [sflag:s16], $0x2000  }
0x278: {  	[sflag:s16] =	ssyncset.done $0x0  }
0x279: {  	[sflag:s16] =	ssyncadd.s32 $0xFFFFE000  }
0x27a: {  	_ =	swait.ge [sflag:s17], $0x2000  }
0x27b: {  	[sflag:s17] =	ssyncset.done $0x0  }
0x27c: {  	[sflag:s17] =	ssyncadd.s32 $0xFFFFE000  }
0x27d: {  	_ =	swait.ge [sflag:s17], $0x2000  }
0x27e: {  	[sflag:s17] =	ssyncset.done $0x0  }
0x27f: {  	[sflag:s17] =	ssyncadd.s32 $0xFFFFE000  }
0x280: {  	_ =	swait.ge [sflag:s17], $0x2000  }
0x281: {  	[sflag:s17] =	ssyncset.done $0x0  }
0x282: {  	[sflag:s17] =	ssyncadd.s32 $0xFFFFE000  }
0x283: {  	_ =	swait.ge [sflag:s17], $0x2000  }
0x284: {  	[sflag:s17] =	ssyncset.done $0x0  }
0x285: {  	s0 =	rddreg [dreg:$0x6];
	[sflag:s17] =	ssyncadd.s32 $0xFFFFE000  }
0x286: {  	[hbm4b:s0+s2] =	stream.linear.scatter [tilespmem:s8], [sflag:$0x4], $0x2000, $0x38;
	[tilespmem:$0x19000] =	vst v63  }
0x287: {  	s22 =	rddreg [dreg:$0x7]  }
0x288: {  	[hbm4b:s22+s2] =	stream.linear.scatter [tilespmem:s9], [sflag:$0x4], $0x2000, $0x38;
	[tilespmem:$0x19000] =	vst v63  }
0x289: {  	s0 =	rddreg [dreg:$0x8]  }
0x28a: {  	[hbm4b:s0+s2] =	stream.linear.scatter [tilespmem:s10], [sflag:$0x4], $0x2000, $0x38;
	[tilespmem:$0x19000] =	vst v63  }
0x28b: {  	s22 =	rddreg [dreg:$0x9]  }
0x28c: {  	[hbm4b:s22+s2] =	stream.linear.scatter [tilespmem:s11], [sflag:$0x4], $0x2000, $0x38;
	[tilespmem:$0x19000] =	vst v63  }
0x28d: {  	_ =	swait.ge [sflag:s14], $0x2000  }
0x28e: {  	[sflag:s14] =	ssyncset.done $0x0  }
0x28f: {  	[sflag:s14] =	ssyncadd.s32 $0xFFFFE000  }
0x290: {  	_ =	swait.ge [sflag:s14], $0x2000  }
0x291: {  	[sflag:s14] =	ssyncset.done $0x0  }
0x292: {  	[sflag:s14] =	ssyncadd.s32 $0xFFFFE000  }
0x293: {  	_ =	swait.ge [sflag:s14], $0x2000  }
0x294: {  	[sflag:s14] =	ssyncset.done $0x0  }
0x295: {  	[sflag:s14] =	ssyncadd.s32 $0xFFFFE000  }
0x296: {  	_ =	swait.ge [sflag:s14], $0x2000  }
0x297: {  	[sflag:s14] =	ssyncset.done $0x0  }
0x298: {  	[sflag:s14] =	ssyncadd.s32 $0xFFFFE000  }
0x299: {  	_ =	swait.ge [sflag:s13], $0x2000  }
0x29a: {  	[sflag:s13] =	ssyncset.done $0x0  }
0x29b: {  	[sflag:s13] =	ssyncadd.s32 $0xFFFFE000  }
0x29c: {  	_ =	swait.ge [sflag:s13], $0x2000  }
0x29d: {  	[sflag:s13] =	ssyncset.done $0x0  }
0x29e: {  	[sflag:s13] =	ssyncadd.s32 $0xFFFFE000  }
0x29f: {  	_ =	swait.ge [sflag:s13], $0x2000  }
0x2a0: {  	[sflag:s13] =	ssyncset.done $0x0  }
0x2a1: {  	[sflag:s13] =	ssyncadd.s32 $0xFFFFE000  }
0x2a2: {  	_ =	swait.ge [sflag:s13], $0x2000  }
0x2a3: {  	[sflag:s13] =	ssyncset.done $0x0  }
0x2a4: {  	s0 =	rddreg [dreg:$0xa];
	[sflag:s13] =	ssyncadd.s32 $0xFFFFE000  }
0x2a5: {  	[hbm4b:s0+s2] =	stream.linear.scatter [tilespmem:s3], [sflag:$0x5], $0x2000, $0x38;
	[tilespmem:$0x19000] =	vst v63  }
0x2a6: {  	s22 =	rddreg [dreg:$0xb]  }
0x2a7: {  	[hbm4b:s22+s2] =	stream.linear.scatter [tilespmem:s4], [sflag:$0x5], $0x2000, $0x38;
	[tilespmem:$0x19000] =	vst v63  }
0x2a8: {  	s0 =	rddreg [dreg:$0xc]  }
0x2a9: {  	[hbm4b:s0+s2] =	stream.linear.scatter [tilespmem:s5], [sflag:$0x5], $0x2000, $0x38;
	[tilespmem:$0x19000] =	vst v63  }
0x2aa: {  	s22 =	rddreg [dreg:$0xd]  }
0x2ab: {  	[hbm4b:s22+s2] =	stream.linear.scatter [tilespmem:s6], [sflag:$0x5], $0x2000, $0x38;
	[tilespmem:$0x19000] =	vst v63  }
0x2ac: {  	_ =	swait.ge [sflag:s7], $0x2000  }
0x2ad: {  	[sflag:s7] =	ssyncset.done $0x0  }
0x2ae: {  	[sflag:s7] =	ssyncadd.s32 $0xFFFFE000  }
0x2af: {  	_ =	swait.ge [sflag:s7], $0x2000  }
0x2b0: {  	[sflag:s7] =	ssyncset.done $0x0  }
0x2b1: {  	p1 =	sne.s32 s1, $0x1;
	[sflag:s7] =	ssyncadd.s32 $0xFFFFE000  }
.Ltmp2:
0x2b2: {  	_ =	swait.ge [sflag:s7], $0x2000;
	(pc) =	sbr.rel @p1 .LBB2_4-.Ltmp2, $4  }
0x2b3: {  	[sflag:s7] =	ssyncset.done $0x0  }
0x2b4: {  	[sflag:s7] =	ssyncadd.s32 $0xFFFFE000  }
0x2b5: {  	_ =	swait.ge [sflag:s7], $0x2000  }
0x2b6: {  	s1 =	sadd.s32 $0xFFFFFFFF, s1;
	s0 =	rddreg [dreg:$0x2];
	[sflag:s7] =	ssyncset.done $0x0  }
0x2b7: {  	s28 =	simm.s32 $0xD80;
	s29 =	simm.s32 $0xD00;
	s25 =	simm.s32 $0xF00  }
0x2b8: {  	s24 =	simm.s32 $0xE80;
	s23 =	simm.s32 $0xE00;
	s22 =	stileid.u32  }
.LBB2_6:
0x2b9: {  	[sflag:s7] =	ssyncadd.s32 @p0 $0xFFFFE000  }
0x2ba: {  	[tilespmem:s2], [sflag:$0x7] =	stream.linear.gather [hbm4b:s0+s2], $0x1000, $0x38;
	[tilespmem:$0x19000] =	vst v63  }
0x2bb: {  	_ =	swait.ge [sflag:s31], $0x1000  }
0x2bc: {  	[sflag:s31] =	ssyncset.done $0x0  }
0x2bd: {  	[sflag:s31] =	ssyncadd.s32 $0xFFFFF000  }
0x2be: {  	[tilespmem:s8], [sflag:$0x1] =	stream.indirect.gather [hbm4b:s12+s15], $0x40, s2, s15, $0xb8;
	[tilespmem:$0x19000] =	vst v63  }
0x2bf: {  	s31 =	sld [smem:$0x7E6]  }
0x2c0: {  	[tilespmem:s9], [sflag:$0x1] =	stream.indirect.gather [hbm4b:s12+s15], $0x40, s15, s15, $0xb8;
	[tilespmem:$0x19000] =	vst v63  }
0x2c1: {  	s1 =	sld [smem:$0x7E7]  }
0x2c2: {  	[tilespmem:s10], [sflag:$0x1] =	stream.indirect.gather [hbm4b:s12+s15], $0x40, s31, s15, $0xb8;
	[tilespmem:$0x19000] =	vst v63  }
0x2c3: {  	s0 =	sld [smem:$0x7E8]  }
0x2c4: {  	[tilespmem:s11], [sflag:$0x1] =	stream.indirect.gather [hbm4b:s12+s15], $0x40, s1, s15, $0xb8;
	[tilespmem:$0x19000] =	vst v63  }
0x2c5: {  	s31 =	sld [smem:$0x7E9]  }
0x2c6: {  	[tilespmem:s3], [sflag:$0x2] =	stream.indirect.gather [hbm4b:s12+s15], $0x40, s0, s15, $0xb8;
	[tilespmem:$0x19000] =	vst v63  }
0x2c7: {  	s0 =	sld [smem:$0x7EA]  }
0x2c8: {  	[tilespmem:s4], [sflag:$0x2] =	stream.indirect.gather [hbm4b:s12+s15], $0x40, s31, s15, $0xb8;
	[tilespmem:$0x19000] =	vst v63  }
0x2c9: {  	s31 =	sld [smem:$0x7EB]  }
0x2ca: {  	[tilespmem:s5], [sflag:$0x2] =	stream.indirect.gather [hbm4b:s12+s15], $0x40, s0, s15, $0xb8;
	[tilespmem:$0x19000] =	vst v63  }
0x2cb: {  	_ = 	snop  }
0x2cc: {  	[tilespmem:s6], [sflag:$0x2] =	stream.indirect.gather [hbm4b:s12+s15], $0x40, s31, s15, $0xb8;
	[tilespmem:$0x19000] =	vst v63  }
0x2cd: {  	_ =	swait.ge [sflag:s16], $0x2000  }
0x2ce: {  	[sflag:s16] =	ssyncset.done $0x0  }
0x2cf: {  	[sflag:s16] =	ssyncadd.s32 $0xFFFFE000  }
0x2d0: {  	_ =	swait.ge [sflag:s16], $0x2000  }
0x2d1: {  	[sflag:s16] =	ssyncset.done $0x0  }
0x2d2: {  	[sflag:s16] =	ssyncadd.s32 $0xFFFFE000  }
0x2d3: {  	_ =	swait.ge [sflag:s16], $0x2000  }
0x2d4: {  	[sflag:s16] =	ssyncset.done $0x0  }
0x2d5: {  	[sflag:s16] =	ssyncadd.s32 $0xFFFFE000  }
0x2d6: {  	_ =	swait.ge [sflag:s16], $0x2000  }
0x2d7: {  	[sflag:s16] =	ssyncset.done $0x0  }
0x2d8: {  	s1 =	rddreg [dreg:$0x3];
	[sflag:s16] =	ssyncadd.s32 $0xFFFFE000  }
0x2d9: {  	[hbm4b:s30+s2] =	stream.linear.scatter [tilespmem:s8], [sflag:$0x4], $0x2000, $0x38;
	[tilespmem:$0x19000] =	vst v63  }
0x2da: {  	s31 =	rddreg [dreg:$0x5]  }
0x2db: {  	[hbm4b:s1+s2] =	stream.linear.scatter [tilespmem:s9], [sflag:$0x4], $0x2000, $0x38;
	[tilespmem:$0x19000] =	vst v63  }
0x2dc: {  	s30 =	rddreg [dreg:$0x4]  }
0x2dd: {  	[hbm4b:s30+s2] =	stream.linear.scatter [tilespmem:s10], [sflag:$0x4], $0x2000, $0x38;
	[tilespmem:$0x19000] =	vst v63  }
0x2de: {  	s30 =	sld [smem:$0x7EC]  }
0x2df: {  	[hbm4b:s31+s2] =	stream.linear.scatter [tilespmem:s11], [sflag:$0x4], $0x2000, $0x38;
	[tilespmem:$0x19000] =	vst v63  }
0x2e0: {  	s31 =	sld [smem:$0x7ED]  }
0x2e1: {  	[tilespmem:s18], [sflag:$0x3] =	stream.indirect.gather [hbm4b:s12+s15], $0x40, s30, s15, $0xb8;
	[tilespmem:$0x19000] =	vst v63  }
0x2e2: {  	s30 =	sld [smem:$0x7EE]  }
0x2e3: {  	[tilespmem:s19], [sflag:$0x3] =	stream.indirect.gather [hbm4b:s12+s15], $0x40, s31, s15, $0xb8;
	[tilespmem:$0x19000] =	vst v63  }
0x2e4: {  	s31 =	sld [smem:$0x7EF]  }
0x2e5: {  	[tilespmem:s20], [sflag:$0x3] =	stream.indirect.gather [hbm4b:s12+s15], $0x40, s30, s15, $0xb8;
	[tilespmem:$0x19000] =	vst v63  }
0x2e6: {  	_ = 	snop  }
0x2e7: {  	[tilespmem:s21], [sflag:$0x3] =	stream.indirect.gather [hbm4b:s12+s15], $0x40, s31, s15, $0xb8;
	[tilespmem:$0x19000] =	vst v63  }
0x2e8: {  	_ =	swait.ge [sflag:s14], $0x2000  }
0x2e9: {  	[sflag:s14] =	ssyncset.done $0x0  }
0x2ea: {  	[sflag:s14] =	ssyncadd.s32 $0xFFFFE000  }
0x2eb: {  	_ =	swait.ge [sflag:s14], $0x2000  }
0x2ec: {  	[sflag:s14] =	ssyncset.done $0x0  }
0x2ed: {  	[sflag:s14] =	ssyncadd.s32 $0xFFFFE000  }
0x2ee: {  	_ =	swait.ge [sflag:s14], $0x2000  }
0x2ef: {  	[sflag:s14] =	ssyncset.done $0x0  }
0x2f0: {  	[sflag:s14] =	ssyncadd.s32 $0xFFFFE000  }
0x2f1: {  	_ =	swait.ge [sflag:s14], $0x2000  }
0x2f2: {  	[sflag:s14] =	ssyncset.done $0x0  }
0x2f3: {  	[sflag:s14] =	ssyncadd.s32 $0xFFFFE000  }
0x2f4: {  	_ =	swait.ge [sflag:s13], $0x2000  }
0x2f5: {  	[sflag:s13] =	ssyncset.done $0x0  }
0x2f6: {  	[sflag:s13] =	ssyncadd.s32 $0xFFFFE000  }
0x2f7: {  	_ =	swait.ge [sflag:s13], $0x2000  }
0x2f8: {  	[sflag:s13] =	ssyncset.done $0x0  }
0x2f9: {  	[sflag:s13] =	ssyncadd.s32 $0xFFFFE000  }
0x2fa: {  	_ =	swait.ge [sflag:s13], $0x2000  }
0x2fb: {  	[sflag:s13] =	ssyncset.done $0x0  }
0x2fc: {  	[sflag:s13] =	ssyncadd.s32 $0xFFFFE000  }
0x2fd: {  	_ =	swait.ge [sflag:s13], $0x2000  }
0x2fe: {  	s30 =	rddreg [dreg:$0xe];
	[sflag:s13] =	ssyncset.done $0x0  }
0x2ff: {  	s31 =	rddreg [dreg:$0xf];
	[sflag:s13] =	ssyncadd.s32 $0xFFFFE000  }
0x300: {  	[hbm4b:s30+s2] =	stream.linear.scatter [tilespmem:s3], [sflag:$0x5], $0x2000, $0x38;
	[tilespmem:$0x19000] =	vst v63  }
0x301: {  	s30 =	rddreg [dreg:$0x10]  }
0x302: {  	[hbm4b:s31+s2] =	stream.linear.scatter [tilespmem:s4], [sflag:$0x5], $0x2000, $0x38;
	[tilespmem:$0x19000] =	vst v63  }
0x303: {  	s31 =	rddreg [dreg:$0x11]  }
0x304: {  	[hbm4b:s30+s2] =	stream.linear.scatter [tilespmem:s5], [sflag:$0x5], $0x2000, $0x38;
	[tilespmem:$0x19000] =	vst v63  }
0x305: {  	s30 =	sld [smem:$0x7F0]  }
0x306: {  	[hbm4b:s31+s2] =	stream.linear.scatter [tilespmem:s6], [sflag:$0x5], $0x2000, $0x38;
	[tilespmem:$0x19000] =	vst v63  }
0x307: {  	s31 =	sld [smem:$0x7F1]  }
0x308: {  	[tilespmem:s8], [sflag:$0x1] =	stream.indirect.gather [hbm4b:s12+s15], $0x40, s30, s15, $0xb8;
	[tilespmem:$0x19000] =	vst v63  }
0x309: {  	s30 =	sld [smem:$0x7F2]  }
0x30a: {  	[tilespmem:s9], [sflag:$0x1] =	stream.indirect.gather [hbm4b:s12+s15], $0x40, s31, s15, $0xb8;
	[tilespmem:$0x19000] =	vst v63  }
0x30b: {  	s31 =	sld [smem:$0x7F3]  }
0x30c: {  	[tilespmem:s10], [sflag:$0x1] =	stream.indirect.gather [hbm4b:s12+s15], $0x40, s30, s15, $0xb8;
	[tilespmem:$0x19000] =	vst v63  }
0x30d: {  	_ = 	snop  }
0x30e: {  	[tilespmem:s11], [sflag:$0x1] =	stream.indirect.gather [hbm4b:s12+s15], $0x40, s31, s15, $0xb8;
	[tilespmem:$0x19000] =	vst v63  }
0x30f: {  	_ =	swait.ge [sflag:s26], $0x2000  }
0x310: {  	[sflag:s26] =	ssyncset.done $0x0  }
0x311: {  	[sflag:s26] =	ssyncadd.s32 $0xFFFFE000  }
0x312: {  	_ =	swait.ge [sflag:s26], $0x2000  }
0x313: {  	[sflag:s26] =	ssyncset.done $0x0  }
0x314: {  	[sflag:s26] =	ssyncadd.s32 $0xFFFFE000  }
0x315: {  	_ =	swait.ge [sflag:s26], $0x2000  }
0x316: {  	[sflag:s26] =	ssyncset.done $0x0  }
0x317: {  	[sflag:s26] =	ssyncadd.s32 $0xFFFFE000  }
0x318: {  	_ =	swait.ge [sflag:s26], $0x2000  }
0x319: {  	[sflag:s26] =	ssyncset.done $0x0  }
0x31a: {  	[sflag:s26] =	ssyncadd.s32 $0xFFFFE000  }
0x31b: {  	_ =	swait.ge [sflag:s7], $0x2000  }
0x31c: {  	[sflag:s7] =	ssyncset.done $0x0  }
0x31d: {  	[sflag:s7] =	ssyncadd.s32 $0xFFFFE000  }
0x31e: {  	_ =	swait.ge [sflag:s7], $0x2000  }
0x31f: {  	[sflag:s7] =	ssyncset.done $0x0  }
0x320: {  	[sflag:s7] =	ssyncadd.s32 $0xFFFFE000  }
0x321: {  	_ =	swait.ge [sflag:s7], $0x2000  }
0x322: {  	[sflag:s7] =	ssyncset.done $0x0  }
0x323: {  	[sflag:s7] =	ssyncadd.s32 $0xFFFFE000  }
0x324: {  	_ =	swait.ge [sflag:s7], $0x2000  }
0x325: {  	s30 =	rddreg [dreg:$0x12];
	[sflag:s7] =	ssyncset.done $0x0  }
0x326: {  	s31 =	rddreg [dreg:$0x13];
	[sflag:s7] =	ssyncadd.s32 $0xFFFFE000  }
0x327: {  	[hbm4b:s30+s2] =	stream.linear.scatter [tilespmem:s18], [sflag:$0x6], $0x2000, $0x38;
	[tilespmem:$0x19000] =	vst v63  }
0x328: {  	s30 =	rddreg [dreg:$0x14]  }
0x329: {  	[hbm4b:s31+s2] =	stream.linear.scatter [tilespmem:s19], [sflag:$0x6], $0x2000, $0x38;
	[tilespmem:$0x19000] =	vst v63  }
0x32a: {  	s31 =	rddreg [dreg:$0x15]  }
0x32b: {  	[hbm4b:s30+s2] =	stream.linear.scatter [tilespmem:s20], [sflag:$0x6], $0x2000, $0x38;
	[tilespmem:$0x19000] =	vst v63  }
0x32c: {  	s30 =	sld [smem:$0x7F4]  }
0x32d: {  	[hbm4b:s31+s2] =	stream.linear.scatter [tilespmem:s21], [sflag:$0x6], $0x2000, $0x38;
	[tilespmem:$0x19000] =	vst v63  }
0x32e: {  	s31 =	sld [smem:$0x7F5]  }
0x32f: {  	[tilespmem:s3], [sflag:$0x2] =	stream.indirect.gather [hbm4b:s12+s15], $0x40, s30, s15, $0xb8;
	[tilespmem:$0x19000] =	vst v63  }
0x330: {  	s30 =	sld [smem:$0x7F6]  }
0x331: {  	[tilespmem:s4], [sflag:$0x2] =	stream.indirect.gather [hbm4b:s12+s15], $0x40, s31, s15, $0xb8;
	[tilespmem:$0x19000] =	vst v63  }
0x332: {  	s31 =	sld [smem:$0x7F7]  }
0x333: {  	[tilespmem:s5], [sflag:$0x2] =	stream.indirect.gather [hbm4b:s12+s15], $0x40, s30, s15, $0xb8;
	[tilespmem:$0x19000] =	vst v63  }
0x334: {  	_ = 	snop  }
0x335: {  	[tilespmem:s6], [sflag:$0x2] =	stream.indirect.gather [hbm4b:s12+s15], $0x40, s31, s15, $0xb8;
	[tilespmem:$0x19000] =	vst v63  }
0x336: {  	_ =	swait.ge [sflag:s16], $0x2000  }
0x337: {  	[sflag:s16] =	ssyncset.done $0x0  }
0x338: {  	[sflag:s16] =	ssyncadd.s32 $0xFFFFE000  }
0x339: {  	_ =	swait.ge [sflag:s16], $0x2000  }
0x33a: {  	[sflag:s16] =	ssyncset.done $0x0  }
0x33b: {  	[sflag:s16] =	ssyncadd.s32 $0xFFFFE000  }
0x33c: {  	_ =	swait.ge [sflag:s16], $0x2000  }
0x33d: {  	[sflag:s16] =	ssyncset.done $0x0  }
0x33e: {  	[sflag:s16] =	ssyncadd.s32 $0xFFFFE000  }
0x33f: {  	_ =	swait.ge [sflag:s16], $0x2000  }
0x340: {  	[sflag:s16] =	ssyncset.done $0x0  }
0x341: {  	[sflag:s16] =	ssyncadd.s32 $0xFFFFE000  }
0x342: {  	_ =	swait.ge [sflag:s17], $0x2000  }
0x343: {  	[sflag:s17] =	ssyncset.done $0x0  }
0x344: {  	[sflag:s17] =	ssyncadd.s32 $0xFFFFE000  }
0x345: {  	_ =	swait.ge [sflag:s17], $0x2000  }
0x346: {  	[sflag:s17] =	ssyncset.done $0x0  }
0x347: {  	[sflag:s17] =	ssyncadd.s32 $0xFFFFE000  }
0x348: {  	_ =	swait.ge [sflag:s17], $0x2000  }
0x349: {  	[sflag:s17] =	ssyncset.done $0x0  }
0x34a: {  	[sflag:s17] =	ssyncadd.s32 $0xFFFFE000  }
0x34b: {  	_ =	swait.ge [sflag:s17], $0x2000  }
0x34c: {  	s30 =	rddreg [dreg:$0x16];
	[sflag:s17] =	ssyncset.done $0x0  }
0x34d: {  	s31 =	rddreg [dreg:$0x17];
	[sflag:s17] =	ssyncadd.s32 $0xFFFFE000  }
0x34e: {  	[hbm4b:s30+s2] =	stream.linear.scatter [tilespmem:s8], [sflag:$0x4], $0x2000, $0x38;
	[tilespmem:$0x19000] =	vst v63  }
0x34f: {  	s30 =	rddreg [dreg:$0x18]  }
0x350: {  	[hbm4b:s31+s2] =	stream.linear.scatter [tilespmem:s9], [sflag:$0x4], $0x2000, $0x38;
	[tilespmem:$0x19000] =	vst v63  }
0x351: {  	s31 =	rddreg [dreg:$0x19]  }
0x352: {  	[hbm4b:s30+s2] =	stream.linear.scatter [tilespmem:s10], [sflag:$0x4], $0x2000, $0x38;
	[tilespmem:$0x19000] =	vst v63  }
0x353: {  	s30 =	sld [smem:$0x7F8]  }
0x354: {  	[hbm4b:s31+s2] =	stream.linear.scatter [tilespmem:s11], [sflag:$0x4], $0x2000, $0x38;
	[tilespmem:$0x19000] =	vst v63  }
0x355: {  	s31 =	sld [smem:$0x7F9]  }
0x356: {  	[tilespmem:s18], [sflag:$0x3] =	stream.indirect.gather [hbm4b:s12+s15], $0x40, s30, s15, $0xb8;
	[tilespmem:$0x19000] =	vst v63  }
0x357: {  	s30 =	sld [smem:$0x7FA]  }
0x358: {  	[tilespmem:s19], [sflag:$0x3] =	stream.indirect.gather [hbm4b:s12+s15], $0x40, s31, s15, $0xb8;
	[tilespmem:$0x19000] =	vst v63  }
0x359: {  	s31 =	sld [smem:$0x7FB]  }
0x35a: {  	[tilespmem:s20], [sflag:$0x3] =	stream.indirect.gather [hbm4b:s12+s15], $0x40, s30, s15, $0xb8;
	[tilespmem:$0x19000] =	vst v63  }
0x35b: {  	_ = 	snop  }
0x35c: {  	[tilespmem:s21], [sflag:$0x3] =	stream.indirect.gather [hbm4b:s12+s15], $0x40, s31, s15, $0xb8;
	[tilespmem:$0x19000] =	vst v63  }
0x35d: {  	_ =	swait.ge [sflag:s14], $0x2000  }
0x35e: {  	[sflag:s14] =	ssyncset.done $0x0  }
0x35f: {  	[sflag:s14] =	ssyncadd.s32 $0xFFFFE000  }
0x360: {  	_ =	swait.ge [sflag:s14], $0x2000  }
0x361: {  	[sflag:s14] =	ssyncset.done $0x0  }
0x362: {  	[sflag:s14] =	ssyncadd.s32 $0xFFFFE000  }
0x363: {  	_ =	swait.ge [sflag:s14], $0x2000  }
0x364: {  	[sflag:s14] =	ssyncset.done $0x0  }
0x365: {  	[sflag:s14] =	ssyncadd.s32 $0xFFFFE000  }
0x366: {  	_ =	swait.ge [sflag:s14], $0x2000  }
0x367: {  	[sflag:s14] =	ssyncset.done $0x0  }
0x368: {  	[sflag:s14] =	ssyncadd.s32 $0xFFFFE000  }
0x369: {  	_ =	swait.ge [sflag:s13], $0x2000  }
0x36a: {  	[sflag:s13] =	ssyncset.done $0x0  }
0x36b: {  	[sflag:s13] =	ssyncadd.s32 $0xFFFFE000  }
0x36c: {  	_ =	swait.ge [sflag:s13], $0x2000  }
0x36d: {  	[sflag:s13] =	ssyncset.done $0x0  }
0x36e: {  	[sflag:s13] =	ssyncadd.s32 $0xFFFFE000  }
0x36f: {  	_ =	swait.ge [sflag:s13], $0x2000  }
0x370: {  	[sflag:s13] =	ssyncset.done $0x0  }
0x371: {  	[sflag:s13] =	ssyncadd.s32 $0xFFFFE000  }
0x372: {  	_ =	swait.ge [sflag:s13], $0x2000  }
0x373: {  	s30 =	rddreg [dreg:$0x1a];
	[sflag:s13] =	ssyncset.done $0x0  }
0x374: {  	s31 =	rddreg [dreg:$0x1b];
	[sflag:s13] =	ssyncadd.s32 $0xFFFFE000  }
0x375: {  	[hbm4b:s30+s2] =	stream.linear.scatter [tilespmem:s3], [sflag:$0x5], $0x2000, $0x38;
	[tilespmem:$0x19000] =	vst v63  }
0x376: {  	s30 =	rddreg [dreg:$0x1c]  }
0x377: {  	[hbm4b:s31+s2] =	stream.linear.scatter [tilespmem:s4], [sflag:$0x5], $0x2000, $0x38;
	[tilespmem:$0x19000] =	vst v63  }
0x378: {  	s31 =	rddreg [dreg:$0x1d]  }
0x379: {  	[hbm4b:s30+s2] =	stream.linear.scatter [tilespmem:s5], [sflag:$0x5], $0x2000, $0x38;
	[tilespmem:$0x19000] =	vst v63  }
0x37a: {  	s30 =	sld [smem:$0x7FC]  }
0x37b: {  	[hbm4b:s31+s2] =	stream.linear.scatter [tilespmem:s6], [sflag:$0x5], $0x2000, $0x38;
	[tilespmem:$0x19000] =	vst v63  }
0x37c: {  	s31 =	sld [smem:$0x7FD]  }
0x37d: {  	[tilespmem:s8], [sflag:$0x1] =	stream.indirect.gather [hbm4b:s12+s15], $0x40, s30, s15, $0xb8;
	[tilespmem:$0x19000] =	vst v63  }
0x37e: {  	_ = 	snop  }
0x37f: {  	[tilespmem:s9], [sflag:$0x1] =	stream.indirect.gather [hbm4b:s12+s15], $0x40, s31, s15, $0xb8;
	[tilespmem:$0x19000] =	vst v63  }
0x380: {  	_ = 	snop  }
0x381: {  	[tilespmem:s10], [sflag:$0x1] =	stream.indirect.gather [hbm4b:s12+s15], $0x40, s29, s15, $0xb8;
	[tilespmem:$0x19000] =	vst v63  }
0x382: {  	_ = 	snop  }
0x383: {  	[tilespmem:s11], [sflag:$0x1] =	stream.indirect.gather [hbm4b:s12+s15], $0x40, s28, s15, $0xb8;
	[tilespmem:$0x19000] =	vst v63  }
0x384: {  	_ =	swait.ge [sflag:s26], $0x2000  }
0x385: {  	[sflag:s26] =	ssyncset.done $0x0  }
0x386: {  	[sflag:s26] =	ssyncadd.s32 $0xFFFFE000  }
0x387: {  	_ =	swait.ge [sflag:s26], $0x2000  }
0x388: {  	[sflag:s26] =	ssyncset.done $0x0  }
0x389: {  	[sflag:s26] =	ssyncadd.s32 $0xFFFFE000  }
0x38a: {  	_ =	swait.ge [sflag:s26], $0x2000  }
0x38b: {  	[sflag:s26] =	ssyncset.done $0x0  }
0x38c: {  	[sflag:s26] =	ssyncadd.s32 $0xFFFFE000  }
0x38d: {  	_ =	swait.ge [sflag:s26], $0x2000  }
0x38e: {  	[sflag:s26] =	ssyncset.done $0x0  }
0x38f: {  	[sflag:s26] =	ssyncadd.s32 $0xFFFFE000  }
0x390: {  	_ =	swait.ge [sflag:s7], $0x2000  }
0x391: {  	[sflag:s7] =	ssyncset.done $0x0  }
0x392: {  	[sflag:s7] =	ssyncadd.s32 $0xFFFFE000  }
0x393: {  	_ =	swait.ge [sflag:s7], $0x2000  }
0x394: {  	[sflag:s7] =	ssyncset.done $0x0  }
0x395: {  	[sflag:s7] =	ssyncadd.s32 $0xFFFFE000  }
0x396: {  	_ =	swait.ge [sflag:s7], $0x2000  }
0x397: {  	[sflag:s7] =	ssyncset.done $0x0  }
0x398: {  	[sflag:s7] =	ssyncadd.s32 $0xFFFFE000  }
0x399: {  	_ =	swait.ge [sflag:s7], $0x2000  }
0x39a: {  	s30 =	rddreg [dreg:$0x1e];
	[sflag:s7] =	ssyncset.done $0x0  }
0x39b: {  	s31 =	rddreg [dreg:$0x1f];
	[sflag:s7] =	ssyncadd.s32 $0xFFFFE000  }
0x39c: {  	[hbm4b:s30+s2] =	stream.linear.scatter [tilespmem:s18], [sflag:$0x6], $0x2000, $0x38;
	[tilespmem:$0x19000] =	vst v63  }
0x39d: {  	s18 =	sld [smem:$0x7E4]  }
0x39e: {  	[hbm4b:s31+s2] =	stream.linear.scatter [tilespmem:s19], [sflag:$0x6], $0x2000, $0x38;
	[tilespmem:$0x19000] =	vst v63  }
0x39f: {  	s19 =	sld [smem:$0x7E5]  }
0x3a0: {  	[hbm4b:s18+s2] =	stream.linear.scatter [tilespmem:s20], [sflag:$0x6], $0x2000, $0x38;
	[tilespmem:$0x19000] =	vst v63  }
0x3a1: {  	_ = 	snop  }
0x3a2: {  	[hbm4b:s19+s2] =	stream.linear.scatter [tilespmem:s21], [sflag:$0x6], $0x2000, $0x38;
	[tilespmem:$0x19000] =	vst v63  }
0x3a3: {  	_ = 	snop  }
0x3a4: {  	[tilespmem:s3], [sflag:$0x2] =	stream.indirect.gather [hbm4b:s12+s15], $0x40, s23, s15, $0xb8;
	[tilespmem:$0x19000] =	vst v63  }
0x3a5: {  	_ = 	snop  }
0x3a6: {  	[tilespmem:s4], [sflag:$0x2] =	stream.indirect.gather [hbm4b:s12+s15], $0x40, s24, s15, $0xb8;
	[tilespmem:$0x19000] =	vst v63  }
0x3a7: {  	_ = 	snop  }
0x3a8: {  	[tilespmem:s5], [sflag:$0x2] =	stream.indirect.gather [hbm4b:s12+s15], $0x40, s25, s15, $0xb8;
	[tilespmem:$0x19000] =	vst v63  }
0x3a9: {  	s21 =	simm.s32 $0xF80  }
0x3aa: {  	[tilespmem:s6], [sflag:$0x2] =	stream.indirect.gather [hbm4b:s12+s15], $0x40, s21, s15, $0xb8;
	[tilespmem:$0x19000] =	vst v63  }
0x3ab: {  	_ =	swait.ge [sflag:s16], $0x2000  }
0x3ac: {  	[sflag:s16] =	ssyncset.done $0x0  }
0x3ad: {  	[sflag:s16] =	ssyncadd.s32 $0xFFFFE000  }
0x3ae: {  	_ =	swait.ge [sflag:s16], $0x2000  }
0x3af: {  	[sflag:s16] =	ssyncset.done $0x0  }
0x3b0: {  	[sflag:s16] =	ssyncadd.s32 $0xFFFFE000  }
0x3b1: {  	_ =	swait.ge [sflag:s16], $0x2000  }
0x3b2: {  	[sflag:s16] =	ssyncset.done $0x0  }
0x3b3: {  	[sflag:s16] =	ssyncadd.s32 $0xFFFFE000  }
0x3b4: {  	_ =	swait.ge [sflag:s16], $0x2000  }
0x3b5: {  	[sflag:s16] =	ssyncset.done $0x0  }
0x3b6: {  	[sflag:s16] =	ssyncadd.s32 $0xFFFFE000  }
0x3b7: {  	_ =	swait.ge [sflag:s17], $0x2000  }
0x3b8: {  	[sflag:s17] =	ssyncset.done $0x0  }
0x3b9: {  	[sflag:s17] =	ssyncadd.s32 $0xFFFFE000  }
0x3ba: {  	_ =	swait.ge [sflag:s17], $0x2000  }
0x3bb: {  	[sflag:s17] =	ssyncset.done $0x0  }
0x3bc: {  	[sflag:s17] =	ssyncadd.s32 $0xFFFFE000  }
0x3bd: {  	_ =	swait.ge [sflag:s17], $0x2000  }
0x3be: {  	[sflag:s17] =	ssyncset.done $0x0  }
0x3bf: {  	[sflag:s17] =	ssyncadd.s32 $0xFFFFE000  }
0x3c0: {  	_ =	swait.ge [sflag:s17], $0x2000  }
0x3c1: {  	[sflag:s17] =	ssyncset.done $0x0  }
0x3c2: {  	s23 =	rddreg [dreg:$0x6];
	[sflag:s17] =	ssyncadd.s32 $0xFFFFE000  }
0x3c3: {  	[hbm4b:s23+s2] =	stream.linear.scatter [tilespmem:s8], [sflag:$0x4], $0x2000, $0x38;
	[tilespmem:$0x19000] =	vst v63  }
0x3c4: {  	s24 =	rddreg [dreg:$0x7]  }
0x3c5: {  	[hbm4b:s24+s2] =	stream.linear.scatter [tilespmem:s9], [sflag:$0x4], $0x2000, $0x38;
	[tilespmem:$0x19000] =	vst v63  }
0x3c6: {  	s25 =	rddreg [dreg:$0x8]  }
0x3c7: {  	[hbm4b:s25+s2] =	stream.linear.scatter [tilespmem:s10], [sflag:$0x4], $0x2000, $0x38;
	[tilespmem:$0x19000] =	vst v63  }
0x3c8: {  	s26 =	rddreg [dreg:$0x9]  }
0x3c9: {  	[hbm4b:s26+s2] =	stream.linear.scatter [tilespmem:s11], [sflag:$0x4], $0x2000, $0x38;
	[tilespmem:$0x19000] =	vst v63  }
0x3ca: {  	_ =	swait.ge [sflag:s14], $0x2000  }
0x3cb: {  	[sflag:s14] =	ssyncset.done $0x0  }
0x3cc: {  	[sflag:s14] =	ssyncadd.s32 $0xFFFFE000  }
0x3cd: {  	_ =	swait.ge [sflag:s14], $0x2000  }
0x3ce: {  	[sflag:s14] =	ssyncset.done $0x0  }
0x3cf: {  	[sflag:s14] =	ssyncadd.s32 $0xFFFFE000  }
0x3d0: {  	_ =	swait.ge [sflag:s14], $0x2000  }
0x3d1: {  	[sflag:s14] =	ssyncset.done $0x0  }
0x3d2: {  	[sflag:s14] =	ssyncadd.s32 $0xFFFFE000  }
0x3d3: {  	_ =	swait.ge [sflag:s14], $0x2000  }
0x3d4: {  	[sflag:s14] =	ssyncset.done $0x0  }
0x3d5: {  	[sflag:s14] =	ssyncadd.s32 $0xFFFFE000  }
0x3d6: {  	_ =	swait.ge [sflag:s13], $0x2000  }
0x3d7: {  	[sflag:s13] =	ssyncset.done $0x0  }
0x3d8: {  	[sflag:s13] =	ssyncadd.s32 $0xFFFFE000  }
0x3d9: {  	_ =	swait.ge [sflag:s13], $0x2000  }
0x3da: {  	[sflag:s13] =	ssyncset.done $0x0  }
0x3db: {  	[sflag:s13] =	ssyncadd.s32 $0xFFFFE000  }
0x3dc: {  	_ =	swait.ge [sflag:s13], $0x2000  }
0x3dd: {  	[sflag:s13] =	ssyncset.done $0x0  }
0x3de: {  	[sflag:s13] =	ssyncadd.s32 $0xFFFFE000  }
0x3df: {  	_ =	swait.ge [sflag:s13], $0x2000  }
0x3e0: {  	[sflag:s13] =	ssyncset.done $0x0  }
0x3e1: {  	s28 =	rddreg [dreg:$0xa];
	[sflag:s13] =	ssyncadd.s32 $0xFFFFE000  }
0x3e2: {  	[hbm4b:s28+s2] =	stream.linear.scatter [tilespmem:s3], [sflag:$0x5], $0x2000, $0x38;
	[tilespmem:$0x19000] =	vst v63  }
0x3e3: {  	s29 =	rddreg [dreg:$0xb]  }
0x3e4: {  	[hbm4b:s29+s2] =	stream.linear.scatter [tilespmem:s4], [sflag:$0x5], $0x2000, $0x38;
	[tilespmem:$0x19000] =	vst v63  }
0x3e5: {  	s30 =	rddreg [dreg:$0xc]  }
0x3e6: {  	[hbm4b:s30+s2] =	stream.linear.scatter [tilespmem:s5], [sflag:$0x5], $0x2000, $0x38;
	[tilespmem:$0x19000] =	vst v63  }
0x3e7: {  	s31 =	rddreg [dreg:$0xd]  }
0x3e8: {  	[hbm4b:s31+s2] =	stream.linear.scatter [tilespmem:s6], [sflag:$0x5], $0x2000, $0x38;
	[tilespmem:$0x19000] =	vst v63  }
0x3e9: {  	_ =	swait.ge [sflag:s7], $0x2000  }
0x3ea: {  	[sflag:s7] =	ssyncset.done $0x0  }
0x3eb: {  	[sflag:s7] =	ssyncadd.s32 $0xFFFFE000  }
0x3ec: {  	_ =	swait.ge [sflag:s7], $0x2000  }
0x3ed: {  	[sflag:s7] =	ssyncset.done $0x0  }
0x3ee: {  	[sflag:s7] =	ssyncadd.s32 $0xFFFFE000  }
0x3ef: {  	_ =	swait.ge [sflag:s7], $0x2000  }
0x3f0: {  	[sflag:s7] =	ssyncset.done $0x0  }
0x3f1: {  	[sflag:s7] =	ssyncadd.s32 $0xFFFFE000  }
0x3f2: {  	_ =	swait.ge [sflag:s7], $0x2000  }
0x3f3: {  	[sflag:s7] =	ssyncset.done $0x0  }
0x3f4: {  	[sflag:s7] =	ssyncadd.s32 $0xFFFFE000  }
0x3f5: {  	_ =	sfence.sel $0x180000  }
0x3f6: {  	[bflag:$0x0] =	sbarrier.arrive $0xFFFF  }
0x3f7: {  	_ =	strace $0x90000047  }
0x3f8: {  	[bflag:$0x2] =	sbarrier.arrive $0xFFFF  }
0x3f9: {  	p0 =	sne.s32 s22, $0x0;
	s0 =	rddreg [dreg:$0x1]  }
0x3fa: {  	s0 =	sadd.s32 @!p0 $0x100000, s0  }
0x3fb: {  	[sflag:s0] =	ssyncadd.tile.s32 @!p0 $0x1;
	_ =	shalt  }
.LBB2_1:
.Ltmp3:
0x3fc: {  	(pc) =	sbr.rel .LBB2_6-.Ltmp3, $3  }
0x3fd: {  	_ =	sdelay $0x1  }
0x3fe: {  	s28 =	simm.s32 $0xD80;
	s29 =	simm.s32 $0xD00  }
0x3ff: {  	s25 =	simm.s32 $0xF00;
	s24 =	simm.s32 $0xE80;
	s23 =	simm.s32 $0xE00  }
.LBB2_3:
.Ltmp4:
0x400: {  	(pc) =	sbr.rel .LBB2_6-.Ltmp4, $3  }
0x401: {  	_ =	sdelay $0x1  }
0x402: {  	s28 =	simm.s32 $0xD80;
	s29 =	simm.s32 $0xD00;
	s25 =	simm.s32 $0xF00  }
0x403: {  	s24 =	simm.s32 $0xE80;
	s23 =	simm.s32 $0xE00;
	s22 =	stileid.u32  }
.Lfunc_end2:
_tile_overlayer_lowered:
.L_overlay_start_2:
0x404: {  	(tag) =	ssettag $0x2  }
0x405: {  	s0 =	rddreg [dreg:$0x0];
	s2 =	stileid.u32  }
0x406: {  	s1 =	rddreg [dreg:$0x1];
	p0 =	sne.s32 s2, $0x0  }
0x407: {  	s3 =	rddreg [dreg:$0x2];
	[bflag:$0x3] =	sbarrier.arrive $0xFFFF;
	s2 =	simm.s32 @!p0 $0x1C07  }
0x408: {  	[timem:s3], [sflag:s2] =	dma.local @!p0 [hbm:s0], s1  }
0x409: {  	s0 =	simm.s32 @!p0 $0x7  }
0x40a: {  	_ =	swait.ge @!p0 [sflag:s0], s1  }
0x40b: {  	s1 =	ssub.s32 @!p0 $0x0, s1;
	[sflag:s0] =	ssyncset.done @!p0 $0x0  }
0x40c: {  	[sflag:s0] =	ssyncadd.s32 @!p0 s1  }
0x40d: {  	[bflag:$0x3] =	sbarrier.arrive $0xFFFF  }
0x40e: {  	_ =	shalt  }

</sc_bundles>
